<compile_context>
chip_gen: v7x
topology: tpu7x:2x2x1
jax: 0.10.2.dev20260603
libtpu: 0.0.44.dev20260713+nightly
codegen_flags: <defaults>
</compile_context>

<pallas_src>
import functools

import jax
import jax.numpy as jnp
from jax import lax
from jax.experimental import pallas as pl
from jax.experimental.pallas import tpu as pltpu
from jax.experimental.pallas import tpu_sc as plsc

_B, _S, _V, _D = 4096, 77, 49408, 1024
_N = _B * _S
_LANES = 16
_K = 32
_NBUF = 3
_PF = 2


def _make_sc_kernel():
    info = plsc.get_sparse_core_info()
    num_cores, num_subcores = info.num_cores, info.num_subcores
    nw = num_cores * num_subcores
    seq_per_w = _B // nw
    b_per_w = _N // nw
    jblocks = seq_per_w // _K
    n_chunks = _S * jblocks
    n_main = (n_chunks // _NBUF) * _NBUF
    mesh = plsc.VectorSubcoreMesh(core_axis_name="c", subcore_axis_name="s")

    @functools.partial(
        pl.kernel,
        out_type=jax.ShapeDtypeStruct((_N, _D), jnp.float32),
        mesh=mesh,
        scratch_types=[
            pltpu.VMEM((b_per_w,), jnp.int32),
            pltpu.VMEM((_D,), jnp.float32),
            [pltpu.VMEM((_K, _D), jnp.float32) for _ in range(_NBUF)],
            [pltpu.SemaphoreType.DMA for _ in range(_NBUF)],
            [pltpu.SemaphoreType.DMA for _ in range(_NBUF)],
        ],
    )
    def sc_kernel(idx_hbm, table_hbm, pos_hbm, out_hbm,
                  idx_v, pos_v, bufs, gsems, ssems):
        wid = lax.axis_index("s") * num_cores + lax.axis_index("c")
        out_base = wid * b_per_w
        pltpu.sync_copy(idx_hbm.at[wid], idx_v)

        def chunk_s(c):
            return c // jblocks

        def chunk_j0(c):
            return (c % jblocks) * _K

        def out_idx(c, half):
            lane = lax.iota(jnp.int32, _LANES)
            return ((lane + (chunk_j0(c) + half * _LANES)) * _S
                    + (out_base + chunk_s(c)))

        def start_gather(c, b):
            pltpu.async_copy(
                table_hbm.at[idx_v.at[pl.ds(c * _K, _K)]], bufs[b], gsems[b])

        def wait_gather(c, b):
            pltpu.make_async_copy(
                table_hbm.at[idx_v.at[pl.ds(c * _K, _K)]], bufs[b],
                gsems[b]).wait()

        def start_store(c, b):
            for h in range(2):
                pltpu.async_copy(bufs[b].at[pl.ds(h * _LANES, _LANES)],
                                 out_hbm.at[out_idx(c, h)], ssems[b])

        def wait_store(c, b):
            for h in range(2):
                pltpu.make_async_copy(bufs[b].at[pl.ds(h * _LANES, _LANES)],
                                      out_hbm.at[out_idx(c, h)],
                                      ssems[b]).wait()

        def add_pos(b):
            rows_v = bufs[b]

            def body(i, _):
                sl = pl.ds(i * _LANES, _LANES)
                p = pos_v[sl]
                for r in range(_K):
                    rows_v[r, sl] = rows_v[r, sl] + p
                return _

            lax.fori_loop(0, _D // _LANES, body, None)

        pltpu.sync_copy(pos_hbm.at[0], pos_v)
        for c in range(_PF):
            start_gather(c, c)

        def process(c, b):
            @pl.when(c % jblocks == 0)
            def _():
                pltpu.sync_copy(pos_hbm.at[chunk_s(c)], pos_v)

            wait_gather(c, b)
            add_pos(b)
            start_store(c, b)
            bn = (b + _PF) % _NBUF

            @pl.when(c + _PF < n_chunks)
            def _():
                @pl.when(c >= _NBUF - _PF)
                def _():
                    wait_store(c + _PF - _NBUF, bn)

                start_gather(c + _PF, bn)

        def body(g, _):
            for b in range(_NBUF):
                process(g * _NBUF + b, b)
            return _

        lax.fori_loop(0, n_main // _NBUF, body, None)
        for c in range(n_main, n_chunks):
            process(jnp.int32(c), c % _NBUF)
        for c in range(n_chunks - _NBUF, n_chunks):
            wait_store(c, c % _NBUF)

    return sc_kernel


_sc_kernel = _make_sc_kernel()


@jax.jit
def kernel(input_tokens, token_table, pos_table):
    info = plsc.get_sparse_core_info()
    nw = info.num_cores * info.num_subcores
    idx = (input_tokens.astype(jnp.int32)
           .reshape(nw, _B // nw, _S)
           .transpose(0, 2, 1)
           .reshape(nw, -1))
    out = _sc_kernel(idx, token_table, pos_table.astype(jnp.float32))
    return out.reshape(_B, _S, _D)

# --- scband reference (transcript-rebuilt; emitter-appended) ---
"""Pipeline reference for scband-clipembeddings-42391327211577 (READ-ONLY COPY).

The authoritative reference and input builder live on the scoring server;
editing this copy changes nothing except your own understanding.
"""

import jax, jax.numpy as jnp
import numpy as np

BATCH = 4096
SEQ = 77
VOCAB = 49408
EMBED = 1024

def setup_inputs(seed: int = 0) -> dict:
    key = jax.random.key(seed)
    k1, k2, k3 = jax.random.split(key, 3)
    input_tokens = jax.random.randint(k1, (BATCH, SEQ), 0, VOCAB, dtype=jnp.int64 if jax.config.jax_enable_x64 else jnp.int32)
    token_table = jax.random.normal(k2, (VOCAB, EMBED), dtype=jnp.float32) * 0.02
    pos_table = jax.random.normal(k3, (SEQ, EMBED), dtype=jnp.float32) * 0.02
    return {"input_tokens": input_tokens, "token_table": token_table, "pos_table": pos_table}

def reference(input_tokens, token_table, pos_table):
    # token embedding lookup (gather) + broadcast-add of position embedding table
    tok = jnp.take(token_table, input_tokens, axis=0)  # [B, S, D]
    out = tok + pos_table[None, :, :].astype(jnp.float32)
    return out

if __name__ == "__main__":
    import jax
    _d = setup_inputs()
    print(jax.jit(kernel)(*tuple(_d.values())))

</pallas_src>

<mosaic_0001>
#map = affine_map<(d0, d1) -> (0, 0)>
module attributes {stable_mosaic.version = 14 : i64} {
  func.func @sc_kernel(%arg0: i32, %arg1: i32, %arg2: memref<32x9856xi32, #tpu.memory_space<hbm>>, %arg3: memref<49408x1024xf32, #tpu.memory_space<hbm>>, %arg4: memref<77x1024xf32, #tpu.memory_space<hbm>>, %arg5: memref<315392x1024xf32, #tpu.memory_space<hbm>>, %arg6: memref<9856xi32, #tpu.memory_space<vmem>>, %arg7: memref<1024xf32, #tpu.memory_space<vmem>>, %arg8: memref<32x1024xf32, #tpu.memory_space<vmem>>, %arg9: memref<32x1024xf32, #tpu.memory_space<vmem>>, %arg10: memref<32x1024xf32, #tpu.memory_space<vmem>>, %arg11: memref<!tpu.dma_semaphore, #tpu.memory_space<semaphore_mem>>, %arg12: memref<!tpu.dma_semaphore, #tpu.memory_space<semaphore_mem>>, %arg13: memref<!tpu.dma_semaphore, #tpu.memory_space<semaphore_mem>>, %arg14: memref<!tpu.dma_semaphore, #tpu.memory_space<semaphore_mem>>, %arg15: memref<!tpu.dma_semaphore, #tpu.memory_space<semaphore_mem>>, %arg16: memref<!tpu.dma_semaphore, #tpu.memory_space<semaphore_mem>>) attributes {dimension_semantics = [#tpu.dimension_semantics<core_parallel>, #tpu.dimension_semantics<subcore_parallel>], iteration_bounds = array<i64: 2, 16>, scalar_prefetch = 0 : i64, scratch_operands = 11 : i64, tpu.core_type = #tpu.core_type<sc_vector_subcore>, window_params = [{transform_indices = #map}, {transform_indices = #map}, {transform_indices = #map}, {transform_indices = #map}]} {
    %mul3A = arith.constant 2 : i32
    %mul3A_0 = arith.muli %arg1, %mul3A : i32
    %add3A = arith.addi %mul3A_0, %arg0 : i32
    %mul3A_1 = arith.constant 9856 : i32
    %mul3A_2 = arith.muli %add3A, %mul3A_1 : i32
    "tpu.region"() ({
      %run_scoped3A_436 = tpu.sem_alloc : memref<!tpu.dma_semaphore, #tpu.memory_space<semaphore_mem>>
      %dma_start3A_437 = arith.constant 0 : i32
      %dma_start3A_438 = tpu.memref_slice %arg2[%add3A, %dma_start3A_437] : memref<32x9856xi32, #tpu.memory_space<hbm>> -> memref<1x9856xi32, #tpu.memory_space<hbm>>
      %dma_start3A_439 = tpu.memref_squeeze %dma_start3A_438 : memref<1x9856xi32, #tpu.memory_space<hbm>> -> memref<9856xi32, #tpu.memory_space<hbm>>
      %dma_start3A_440 = arith.constant 0 : i32
      %dma_start3A_441 = tpu.memref_slice %arg2[%add3A, %dma_start3A_440] : memref<32x9856xi32, #tpu.memory_space<hbm>> -> memref<1x9856xi32, #tpu.memory_space<hbm>>
      %dma_start3A_442 = tpu.memref_squeeze %dma_start3A_441 : memref<1x9856xi32, #tpu.memory_space<hbm>> -> memref<9856xi32, #tpu.memory_space<hbm>>
      tpu.enqueue_dma source(%dma_start3A_442 : memref<9856xi32, #tpu.memory_space<hbm>>) target(%arg6 : memref<9856xi32, #tpu.memory_space<vmem>>) target_semaphore(%run_scoped3A_436 : memref<!tpu.dma_semaphore, #tpu.memory_space<semaphore_mem>>)
      %dma_wait3A_443 = arith.constant 0 : i32
      %dma_wait3A_444 = tpu.memref_slice %arg2[%add3A, %dma_wait3A_443] : memref<32x9856xi32, #tpu.memory_space<hbm>> -> memref<1x9856xi32, #tpu.memory_space<hbm>>
      %dma_wait3A_445 = tpu.memref_squeeze %dma_wait3A_444 : memref<1x9856xi32, #tpu.memory_space<hbm>> -> memref<9856xi32, #tpu.memory_space<hbm>>
      %dma_wait3A_446 = arith.constant 0 : i32
      %dma_wait3A_447 = tpu.memref_slice %arg2[%add3A, %dma_wait3A_446] : memref<32x9856xi32, #tpu.memory_space<hbm>> -> memref<1x9856xi32, #tpu.memory_space<hbm>>
      %dma_wait3A_448 = tpu.memref_squeeze %dma_wait3A_447 : memref<1x9856xi32, #tpu.memory_space<hbm>> -> memref<9856xi32, #tpu.memory_space<hbm>>
      tpu.wait_dma2 semaphore(%run_scoped3A_436 : memref<!tpu.dma_semaphore, #tpu.memory_space<semaphore_mem>>) src(%dma_wait3A_448 : memref<9856xi32, #tpu.memory_space<hbm>>) dst(%arg6 : memref<9856xi32, #tpu.memory_space<vmem>>)
      tpu.yield
    }) : () -> ()
    %run_scoped3A = arith.constant 0 : i32
    "tpu.region"() ({
      %run_scoped3A_436 = tpu.sem_alloc : memref<!tpu.dma_semaphore, #tpu.memory_space<semaphore_mem>>
      %dma_start3A_437 = arith.constant 0 : i32
      %dma_start3A_438 = tpu.memref_slice %arg4[%run_scoped3A, %dma_start3A_437] : memref<77x1024xf32, #tpu.memory_space<hbm>> -> memref<1x1024xf32, #tpu.memory_space<hbm>>
      %dma_start3A_439 = tpu.memref_squeeze %dma_start3A_438 : memref<1x1024xf32, #tpu.memory_space<hbm>> -> memref<1024xf32, #tpu.memory_space<hbm>>
      %dma_start3A_440 = arith.constant 0 : i32
      %dma_start3A_441 = tpu.memref_slice %arg4[%run_scoped3A, %dma_start3A_440] : memref<77x1024xf32, #tpu.memory_space<hbm>> -> memref<1x1024xf32, #tpu.memory_space<hbm>>
      %dma_start3A_442 = tpu.memref_squeeze %dma_start3A_441 : memref<1x1024xf32, #tpu.memory_space<hbm>> -> memref<1024xf32, #tpu.memory_space<hbm>>
      tpu.enqueue_dma source(%dma_start3A_442 : memref<1024xf32, #tpu.memory_space<hbm>>) target(%arg7 : memref<1024xf32, #tpu.memory_space<vmem>>) target_semaphore(%run_scoped3A_436 : memref<!tpu.dma_semaphore, #tpu.memory_space<semaphore_mem>>)
      %dma_wait3A_443 = arith.constant 0 : i32
      %dma_wait3A_444 = tpu.memref_slice %arg4[%run_scoped3A, %dma_wait3A_443] : memref<77x1024xf32, #tpu.memory_space<hbm>> -> memref<1x1024xf32, #tpu.memory_space<hbm>>
      %dma_wait3A_445 = tpu.memref_squeeze %dma_wait3A_444 : memref<1x1024xf32, #tpu.memory_space<hbm>> -> memref<1024xf32, #tpu.memory_space<hbm>>
      %dma_wait3A_446 = arith.constant 0 : i32
      %dma_wait3A_447 = tpu.memref_slice %arg4[%run_scoped3A, %dma_wait3A_446] : memref<77x1024xf32, #tpu.memory_space<hbm>> -> memref<1x1024xf32, #tpu.memory_space<hbm>>
      %dma_wait3A_448 = tpu.memref_squeeze %dma_wait3A_447 : memref<1x1024xf32, #tpu.memory_space<hbm>> -> memref<1024xf32, #tpu.memory_space<hbm>>
      tpu.wait_dma2 semaphore(%run_scoped3A_436 : memref<!tpu.dma_semaphore, #tpu.memory_space<semaphore_mem>>) src(%dma_wait3A_448 : memref<1024xf32, #tpu.memory_space<hbm>>) dst(%arg7 : memref<1024xf32, #tpu.memory_space<vmem>>)
      tpu.yield
    }) : () -> ()
    %dma_start3A = arith.constant 0 : i32
    %dma_start3A_3 = tpu.memref_slice %arg6[%dma_start3A] : memref<9856xi32, #tpu.memory_space<vmem>> -> memref<32xi32, #tpu.memory_space<vmem>>
    %dma_start3A_4 = arith.constant 0 : i32
    %dma_start3A_5 = arith.constant 0 : i32
    %dma_start3A_6 = tpu.memref_slice %arg3[%dma_start3A_4, %dma_start3A_5] : memref<49408x1024xf32, #tpu.memory_space<hbm>> -> memref<49408x1024xf32, #tpu.memory_space<hbm>>
    tpu.enqueue_indirect_dma source(%dma_start3A_6 : memref<49408x1024xf32, #tpu.memory_space<hbm>>) target(%arg8 : memref<32x1024xf32, #tpu.memory_space<vmem>>) offsets(%dma_start3A_3 : memref<32xi32, #tpu.memory_space<vmem>>) semaphore(%arg11 : memref<!tpu.dma_semaphore, #tpu.memory_space<semaphore_mem>>)
    %dma_start3A_7 = arith.constant 32 : i32
    %dma_start3A_8 = tpu.memref_slice %arg6[%dma_start3A_7] : memref<9856xi32, #tpu.memory_space<vmem>> -> memref<32xi32, #tpu.memory_space<vmem>>
    %dma_start3A_9 = arith.constant 0 : i32
    %dma_start3A_10 = arith.constant 0 : i32
    %dma_start3A_11 = tpu.memref_slice %arg3[%dma_start3A_9, %dma_start3A_10] : memref<49408x1024xf32, #tpu.memory_space<hbm>> -> memref<49408x1024xf32, #tpu.memory_space<hbm>>
    tpu.enqueue_indirect_dma source(%dma_start3A_11 : memref<49408x1024xf32, #tpu.memory_space<hbm>>) target(%arg9 : memref<32x1024xf32, #tpu.memory_space<vmem>>) offsets(%dma_start3A_8 : memref<32xi32, #tpu.memory_space<vmem>>) semaphore(%arg12 : memref<!tpu.dma_semaphore, #tpu.memory_space<semaphore_mem>>)
    %scan3A = arith.constant 0 : i32
    %scan3A_12 = arith.constant 102 : i32
    %scan3A_13 = arith.addi %scan3A, %scan3A_12 : i32
    %scan3A_14 = arith.constant 1 : i32
    scf.for %scan3A_436 = %scan3A to %scan3A_13 step %scan3A_14  : i32 {
      %mul3A_437 = arith.constant 3 : i32
      %mul3A_438 = arith.muli %scan3A_436, %mul3A_437 : i32
      %add3A_439 = arith.constant 0 : i32
      %add3A_440 = arith.addi %mul3A_438, %add3A_439 : i32
      %jit3A_441 = arith.constant 4 : i32
      %eq3A_442 = arith.constant 0 : i32
      %eq3A_443 = arith.cmpi eq, %jit3A_441, %eq3A_442 : i32
      %jit3A_444 = arith.constant 1 : i32
      %select_n3A_445 = arith.select %eq3A_443, %jit3A_444, %jit3A_441 : i32
      %rem3A_446 = arith.remsi %add3A_440, %select_n3A_445 : i32
      %ne3A_447 = arith.constant 0 : i32
      %ne3A_448 = arith.cmpi ne, %rem3A_446, %ne3A_447 : i32
      %lt3A_449 = arith.constant 0 : i32
      %lt3A_450 = arith.cmpi slt, %rem3A_446, %lt3A_449 : i32
      %lt3A_451 = arith.constant 0 : i32
      %lt3A_452 = arith.cmpi slt, %select_n3A_445, %lt3A_451 : i32
      %ne3A_453 = arith.xori %lt3A_450, %lt3A_452 : i1
      %and3A_454 = arith.andi %ne3A_453, %ne3A_448 : i1
      %add3A_455 = arith.addi %rem3A_446, %select_n3A_445 : i32
      %select_n3A_456 = arith.select %and3A_454, %add3A_455, %rem3A_446 : i32
      %eq3A_457 = arith.constant 0 : i32
      %eq3A_458 = arith.cmpi eq, %select_n3A_456, %eq3A_457 : i32
      %convert_element_type3A_459 = arith.extui %eq3A_458 : i1 to i32
      %cond3A_460 = arith.constant 0 : i32
      %cond3A_461 = arith.cmpi ne, %convert_element_type3A_459, %cond3A_460 : i32
      scf.if %cond3A_461 {
        %jit3A_920 = arith.constant 4 : i32
        %div3A_921 = arith.divsi %add3A_440, %jit3A_920 : i32
        %sign3A_922 = arith.constant 0 : i32
        %sign3A_923 = arith.cmpi sgt, %add3A_440, %sign3A_922 : i32
        %sign3A_924 = arith.extui %sign3A_923 : i1 to i32
        %sign3A_925 = arith.constant 0 : i32
        %sign3A_926 = arith.cmpi slt, %add3A_440, %sign3A_925 : i32
        %sign3A_927 = arith.extui %sign3A_926 : i1 to i32
        %sign3A_928 = arith.subi %sign3A_924, %sign3A_927 : i32
        %sign3A_929 = arith.constant 0 : i32
        %sign3A_930 = arith.cmpi sgt, %jit3A_920, %sign3A_929 : i32
        %sign3A_931 = arith.extui %sign3A_930 : i1 to i32
        %sign3A_932 = arith.constant 0 : i32
        %sign3A_933 = arith.cmpi slt, %jit3A_920, %sign3A_932 : i32
        %sign3A_934 = arith.extui %sign3A_933 : i1 to i32
        %sign3A_935 = arith.subi %sign3A_931, %sign3A_934 : i32
        %ne3A_936 = arith.cmpi ne, %sign3A_928, %sign3A_935 : i32
        %rem3A_937 = arith.remsi %add3A_440, %jit3A_920 : i32
        %ne3A_938 = arith.constant 0 : i32
        %ne3A_939 = arith.cmpi ne, %rem3A_937, %ne3A_938 : i32
        %and3A_940 = arith.andi %ne3A_936, %ne3A_939 : i1
        %sub3A_941 = arith.constant 1 : i32
        %sub3A_942 = arith.subi %div3A_921, %sub3A_941 : i32
        %select_n3A_943 = arith.select %and3A_940, %sub3A_942, %div3A_921 : i32
        "tpu.region"() ({
          %run_scoped3A_944 = tpu.sem_alloc : memref<!tpu.dma_semaphore, #tpu.memory_space<semaphore_mem>>
          %dma_start3A_945 = arith.constant 0 : i32
          %dma_start3A_946 = tpu.memref_slice %arg4[%select_n3A_943, %dma_start3A_945] : memref<77x1024xf32, #tpu.memory_space<hbm>> -> memref<1x1024xf32, #tpu.memory_space<hbm>>
          %dma_start3A_947 = tpu.memref_squeeze %dma_start3A_946 : memref<1x1024xf32, #tpu.memory_space<hbm>> -> memref<1024xf32, #tpu.memory_space<hbm>>
          %dma_start3A_948 = arith.constant 0 : i32
          %dma_start3A_949 = tpu.memref_slice %arg4[%select_n3A_943, %dma_start3A_948] : memref<77x1024xf32, #tpu.memory_space<hbm>> -> memref<1x1024xf32, #tpu.memory_space<hbm>>
          %dma_start3A_950 = tpu.memref_squeeze %dma_start3A_949 : memref<1x1024xf32, #tpu.memory_space<hbm>> -> memref<1024xf32, #tpu.memory_space<hbm>>
          tpu.enqueue_dma source(%dma_start3A_950 : memref<1024xf32, #tpu.memory_space<hbm>>) target(%arg7 : memref<1024xf32, #tpu.memory_space<vmem>>) target_semaphore(%run_scoped3A_944 : memref<!tpu.dma_semaphore, #tpu.memory_space<semaphore_mem>>)
          %dma_wait3A_951 = arith.constant 0 : i32
          %dma_wait3A_952 = tpu.memref_slice %arg4[%select_n3A_943, %dma_wait3A_951] : memref<77x1024xf32, #tpu.memory_space<hbm>> -> memref<1x1024xf32, #tpu.memory_space<hbm>>
          %dma_wait3A_953 = tpu.memref_squeeze %dma_wait3A_952 : memref<1x1024xf32, #tpu.memory_space<hbm>> -> memref<1024xf32, #tpu.memory_space<hbm>>
          %dma_wait3A_954 = arith.constant 0 : i32
          %dma_wait3A_955 = tpu.memref_slice %arg4[%select_n3A_943, %dma_wait3A_954] : memref<77x1024xf32, #tpu.memory_space<hbm>> -> memref<1x1024xf32, #tpu.memory_space<hbm>>
          %dma_wait3A_956 = tpu.memref_squeeze %dma_wait3A_955 : memref<1x1024xf32, #tpu.memory_space<hbm>> -> memref<1024xf32, #tpu.memory_space<hbm>>
          tpu.wait_dma2 semaphore(%run_scoped3A_944 : memref<!tpu.dma_semaphore, #tpu.memory_space<semaphore_mem>>) src(%dma_wait3A_956 : memref<1024xf32, #tpu.memory_space<hbm>>) dst(%arg7 : memref<1024xf32, #tpu.memory_space<vmem>>)
          tpu.yield
        }) : () -> ()
      } else {
      }
      %mul3A_462 = arith.constant 32 : i32
      %mul3A_463 = arith.muli %add3A_440, %mul3A_462 : i32
      %dma_wait3A_464 = tpu.memref_slice %arg6[%mul3A_463] : memref<9856xi32, #tpu.memory_space<vmem>> -> memref<32xi32, #tpu.memory_space<vmem>>
      %dma_wait3A_465 = arith.constant 0 : i32
      %dma_wait3A_466 = arith.constant 0 : i32
      %dma_wait3A_467 = tpu.memref_slice %arg3[%dma_wait3A_465, %dma_wait3A_466] : memref<49408x1024xf32, #tpu.memory_space<hbm>> -> memref<49408x1024xf32, #tpu.memory_space<hbm>>
      tpu.wait_indirect_dma semaphore(%arg11 : memref<!tpu.dma_semaphore, #tpu.memory_space<semaphore_mem>>) src(%dma_wait3A_467 : memref<49408x1024xf32, #tpu.memory_space<hbm>>) dst(%arg8 : memref<32x1024xf32, #tpu.memory_space<vmem>>)
      %scan3A_468 = arith.constant 0 : i32
      %scan3A_469 = arith.constant 64 : i32
      %scan3A_470 = arith.addi %scan3A_468, %scan3A_469 : i32
      %scan3A_471 = arith.constant 1 : i32
      scf.for %scan3A_920 = %scan3A_468 to %scan3A_470 step %scan3A_471  : i32 {
        %mul3A_921 = arith.constant 16 : i32
        %mul3A_922 = arith.muli %scan3A_920, %mul3A_921 : i32
        %get3A = arith.index_cast %mul3A_922 : i32 to index
        %get3A_923 = tpu.vector_load %arg7[%get3A] {strides = array<i32>} : memref<1024xf32, #tpu.memory_space<vmem>>, vector<16xf32>,
        %get3A_924 = vector.shape_cast %get3A_923 : vector<16xf32> to vector<16xf32>
        %get3A_925 = arith.constant 0 : i32
        %get3A_926 = arith.index_cast %get3A_925 : i32 to index
        %get3A_927 = arith.index_cast %mul3A_922 : i32 to index
        %get3A_928 = tpu.vector_load %arg8[%get3A_926, %get3A_927] {strides = array<i32>} : memref<32x1024xf32, #tpu.memory_space<vmem>>, vector<1x16xf32>,
        %get3A_929 = vector.shape_cast %get3A_928 : vector<1x16xf32> to vector<16xf32>
        %add3A_930 = arith.addf %get3A_929, %get3A_924 : vector<16xf32>
        %swap3A = arith.constant 0 : i32
        %swap3A_931 = arith.index_cast %swap3A : i32 to index
        %swap3A_932 = arith.index_cast %mul3A_922 : i32 to index
        %swap3A_933 = tpu.vector_load %arg8[%swap3A_931, %swap3A_932] {strides = array<i32>} : memref<32x1024xf32, #tpu.memory_space<vmem>>, vector<1x16xf32>,
        %swap3A_934 = vector.shape_cast %swap3A_933 : vector<1x16xf32> to vector<16xf32>
        %swap3A_935 = vector.shape_cast %add3A_930 : vector<16xf32> to vector<1x16xf32>
        tpu.vector_store %arg8[%swap3A_931, %swap3A_932], %swap3A_935 {strides = array<i32>} : memref<32x1024xf32, #tpu.memory_space<vmem>>, vector<1x16xf32>,
        %get3A_936 = arith.constant 1 : i32
        %get3A_937 = arith.index_cast %get3A_936 : i32 to index
        %get3A_938 = arith.index_cast %mul3A_922 : i32 to index
        %get3A_939 = tpu.vector_load %arg8[%get3A_937, %get3A_938] {strides = array<i32>} : memref<32x1024xf32, #tpu.memory_space<vmem>>, vector<1x16xf32>,
        %get3A_940 = vector.shape_cast %get3A_939 : vector<1x16xf32> to vector<16xf32>
        %add3A_941 = arith.addf %get3A_940, %get3A_924 : vector<16xf32>
        %swap3A_942 = arith.constant 1 : i32
        %swap3A_943 = arith.index_cast %swap3A_942 : i32 to index
        %swap3A_944 = arith.index_cast %mul3A_922 : i32 to index
        %swap3A_945 = tpu.vector_load %arg8[%swap3A_943, %swap3A_944] {strides = array<i32>} : memref<32x1024xf32, #tpu.memory_space<vmem>>, vector<1x16xf32>,
        %swap3A_946 = vector.shape_cast %swap3A_945 : vector<1x16xf32> to vector<16xf32>
        %swap3A_947 = vector.shape_cast %add3A_941 : vector<16xf32> to vector<1x16xf32>
        tpu.vector_store %arg8[%swap3A_943, %swap3A_944], %swap3A_947 {strides = array<i32>} : memref<32x1024xf32, #tpu.memory_space<vmem>>, vector<1x16xf32>,
        %get3A_948 = arith.constant 2 : i32
        %get3A_949 = arith.index_cast %get3A_948 : i32 to index
        %get3A_950 = arith.index_cast %mul3A_922 : i32 to index
        %get3A_951 = tpu.vector_load %arg8[%get3A_949, %get3A_950] {strides = array<i32>} : memref<32x1024xf32, #tpu.memory_space<vmem>>, vector<1x16xf32>,
        %get3A_952 = vector.shape_cast %get3A_951 : vector<1x16xf32> to vector<16xf32>
        %add3A_953 = arith.addf %get3A_952, %get3A_924 : vector<16xf32>
        %swap3A_954 = arith.constant 2 : i32
        %swap3A_955 = arith.index_cast %swap3A_954 : i32 to index
        %swap3A_956 = arith.index_cast %mul3A_922 : i32 to index
        %swap3A_957 = tpu.vector_load %arg8[%swap3A_955, %swap3A_956] {strides = array<i32>} : memref<32x1024xf32, #tpu.memory_space<vmem>>, vector<1x16xf32>,
        %swap3A_958 = vector.shape_cast %swap3A_957 : vector<1x16xf32> to vector<16xf32>
        %swap3A_959 = vector.shape_cast %add3A_953 : vector<16xf32> to vector<1x16xf32>
        tpu.vector_store %arg8[%swap3A_955, %swap3A_956], %swap3A_959 {strides = array<i32>} : memref<32x1024xf32, #tpu.memory_space<vmem>>, vector<1x16xf32>,
        %get3A_960 = arith.constant 3 : i32
        %get3A_961 = arith.index_cast %get3A_960 : i32 to index
        %get3A_962 = arith.index_cast %mul3A_922 : i32 to index
        %get3A_963 = tpu.vector_load %arg8[%get3A_961, %get3A_962] {strides = array<i32>} : memref<32x1024xf32, #tpu.memory_space<vmem>>, vector<1x16xf32>,
        %get3A_964 = vector.shape_cast %get3A_963 : vector<1x16xf32> to vector<16xf32>
        %add3A_965 = arith.addf %get3A_964, %get3A_924 : vector<16xf32>
        %swap3A_966 = arith.constant 3 : i32
        %swap3A_967 = arith.index_cast %swap3A_966 : i32 to index
        %swap3A_968 = arith.index_cast %mul3A_922 : i32 to index
        %swap3A_969 = tpu.vector_load %arg8[%swap3A_967, %swap3A_968] {strides = array<i32>} : memref<32x1024xf32, #tpu.memory_space<vmem>>, vector<1x16xf32>,
        %swap3A_970 = vector.shape_cast %swap3A_969 : vector<1x16xf32> to vector<16xf32>
        %swap3A_971 = vector.shape_cast %add3A_965 : vector<16xf32> to vector<1x16xf32>
        tpu.vector_store %arg8[%swap3A_967, %swap3A_968], %swap3A_971 {strides = array<i32>} : memref<32x1024xf32, #tpu.memory_space<vmem>>, vector<1x16xf32>,
        %get3A_972 = arith.constant 4 : i32
        %get3A_973 = arith.index_cast %get3A_972 : i32 to index
        %get3A_974 = arith.index_cast %mul3A_922 : i32 to index
        %get3A_975 = tpu.vector_load %arg8[%get3A_973, %get3A_974] {strides = array<i32>} : memref<32x1024xf32, #tpu.memory_space<vmem>>, vector<1x16xf32>,
        %get3A_976 = vector.shape_cast %get3A_975 : vector<1x16xf32> to vector<16xf32>
        %add3A_977 = arith.addf %get3A_976, %get3A_924 : vector<16xf32>
        %swap3A_978 = arith.constant 4 : i32
        %swap3A_979 = arith.index_cast %swap3A_978 : i32 to index
        %swap3A_980 = arith.index_cast %mul3A_922 : i32 to index
        %swap3A_981 = tpu.vector_load %arg8[%swap3A_979, %swap3A_980] {strides = array<i32>} : memref<32x1024xf32, #tpu.memory_space<vmem>>, vector<1x16xf32>,
        %swap3A_982 = vector.shape_cast %swap3A_981 : vector<1x16xf32> to vector<16xf32>
        %swap3A_983 = vector.shape_cast %add3A_977 : vector<16xf32> to vector<1x16xf32>
        tpu.vector_store %arg8[%swap3A_979, %swap3A_980], %swap3A_983 {strides = array<i32>} : memref<32x1024xf32, #tpu.memory_space<vmem>>, vector<1x16xf32>,
        %get3A_984 = arith.constant 5 : i32
        %get3A_985 = arith.index_cast %get3A_984 : i32 to index
        %get3A_986 = arith.index_cast %mul3A_922 : i32 to index
        %get3A_987 = tpu.vector_load %arg8[%get3A_985, %get3A_986] {strides = array<i32>} : memref<32x1024xf32, #tpu.memory_space<vmem>>, vector<1x16xf32>,
        %get3A_988 = vector.shape_cast %get3A_987 : vector<1x16xf32> to vector<16xf32>
        %add3A_989 = arith.addf %get3A_988, %get3A_924 : vector<16xf32>
        %swap3A_990 = arith.constant 5 : i32
        %swap3A_991 = arith.index_cast %swap3A_990 : i32 to index
        %swap3A_992 = arith.index_cast %mul3A_922 : i32 to index
        %swap3A_993 = tpu.vector_load %arg8[%swap3A_991, %swap3A_992] {strides = array<i32>} : memref<32x1024xf32, #tpu.memory_space<vmem>>, vector<1x16xf32>,
        %swap3A_994 = vector.shape_cast %swap3A_993 : vector<1x16xf32> to vector<16xf32>
        %swap3A_995 = vector.shape_cast %add3A_989 : vector<16xf32> to vector<1x16xf32>
        tpu.vector_store %arg8[%swap3A_991, %swap3A_992], %swap3A_995 {strides = array<i32>} : memref<32x1024xf32, #tpu.memory_space<vmem>>, vector<1x16xf32>,
        %get3A_996 = arith.constant 6 : i32
        %get3A_997 = arith.index_cast %get3A_996 : i32 to index
        %get3A_998 = arith.index_cast %mul3A_922 : i32 to index
        %get3A_999 = tpu.vector_load %arg8[%get3A_997, %get3A_998] {strides = array<i32>} : memref<32x1024xf32, #tpu.memory_space<vmem>>, vector<1x16xf32>,
        %get3A_1000 = vector.shape_cast %get3A_999 : vector<1x16xf32> to vector<16xf32>
        %add3A_1001 = arith.addf %get3A_1000, %get3A_924 : vector<16xf32>
        %swap3A_1002 = arith.constant 6 : i32
        %swap3A_1003 = arith.index_cast %swap3A_1002 : i32 to index
        %swap3A_1004 = arith.index_cast %mul3A_922 : i32 to index
        %swap3A_1005 = tpu.vector_load %arg8[%swap3A_1003, %swap3A_1004] {strides = array<i32>} : memref<32x1024xf32, #tpu.memory_space<vmem>>, vector<1x16xf32>,
        %swap3A_1006 = vector.shape_cast %swap3A_1005 : vector<1x16xf32> to vector<16xf32>
        %swap3A_1007 = vector.shape_cast %add3A_1001 : vector<16xf32> to vector<1x16xf32>
        tpu.vector_store %arg8[%swap3A_1003, %swap3A_1004], %swap3A_1007 {strides = array<i32>} : memref<32x1024xf32, #tpu.memory_space<vmem>>, vector<1x16xf32>,
        %get3A_1008 = arith.constant 7 : i32
        %get3A_1009 = arith.index_cast %get3A_1008 : i32 to index
        %get3A_1010 = arith.index_cast %mul3A_922 : i32 to index
        %get3A_1011 = tpu.vector_load %arg8[%get3A_1009, %get3A_1010] {strides = array<i32>} : memref<32x1024xf32, #tpu.memory_space<vmem>>, vector<1x16xf32>,
        %get3A_1012 = vector.shape_cast %get3A_1011 : vector<1x16xf32> to vector<16xf32>
        %add3A_1013 = arith.addf %get3A_1012, %get3A_924 : vector<16xf32>
        %swap3A_1014 = arith.constant 7 : i32
        %swap3A_1015 = arith.index_cast %swap3A_1014 : i32 to index
        %swap3A_1016 = arith.index_cast %mul3A_922 : i32 to index
        %swap3A_1017 = tpu.vector_load %arg8[%swap3A_1015, %swap3A_1016] {strides = array<i32>} : memref<32x1024xf32, #tpu.memory_space<vmem>>, vector<1x16xf32>,
        %swap3A_1018 = vector.shape_cast %swap3A_1017 : vector<1x16xf32> to vector<16xf32>
        %swap3A_1019 = vector.shape_cast %add3A_1013 : vector<16xf32> to vector<1x16xf32>
        tpu.vector_store %arg8[%swap3A_1015, %swap3A_1016], %swap3A_1019 {strides = array<i32>} : memref<32x1024xf32, #tpu.memory_space<vmem>>, vector<1x16xf32>,
        %get3A_1020 = arith.constant 8 : i32
        %get3A_1021 = arith.index_cast %get3A_1020 : i32 to index
        %get3A_1022 = arith.index_cast %mul3A_922 : i32 to index
        %get3A_1023 = tpu.vector_load %arg8[%get3A_1021, %get3A_1022] {strides = array<i32>} : memref<32x1024xf32, #tpu.memory_space<vmem>>, vector<1x16xf32>,
        %get3A_1024 = vector.shape_cast %get3A_1023 : vector<1x16xf32> to vector<16xf32>
        %add3A_1025 = arith.addf %get3A_1024, %get3A_924 : vector<16xf32>
        %swap3A_1026 = arith.constant 8 : i32
        %swap3A_1027 = arith.index_cast %swap3A_1026 : i32 to index
        %swap3A_1028 = arith.index_cast %mul3A_922 : i32 to index
        %swap3A_1029 = tpu.vector_load %arg8[%swap3A_1027, %swap3A_1028] {strides = array<i32>} : memref<32x1024xf32, #tpu.memory_space<vmem>>, vector<1x16xf32>,
        %swap3A_1030 = vector.shape_cast %swap3A_1029 : vector<1x16xf32> to vector<16xf32>
        %swap3A_1031 = vector.shape_cast %add3A_1025 : vector<16xf32> to vector<1x16xf32>
        tpu.vector_store %arg8[%swap3A_1027, %swap3A_1028], %swap3A_1031 {strides = array<i32>} : memref<32x1024xf32, #tpu.memory_space<vmem>>, vector<1x16xf32>,
        %get3A_1032 = arith.constant 9 : i32
        %get3A_1033 = arith.index_cast %get3A_1032 : i32 to index
        %get3A_1034 = arith.index_cast %mul3A_922 : i32 to index
        %get3A_1035 = tpu.vector_load %arg8[%get3A_1033, %get3A_1034] {strides = array<i32>} : memref<32x1024xf32, #tpu.memory_space<vmem>>, vector<1x16xf32>,
        %get3A_1036 = vector.shape_cast %get3A_1035 : vector<1x16xf32> to vector<16xf32>
        %add3A_1037 = arith.addf %get3A_1036, %get3A_924 : vector<16xf32>
        %swap3A_1038 = arith.constant 9 : i32
        %swap3A_1039 = arith.index_cast %swap3A_1038 : i32 to index
        %swap3A_1040 = arith.index_cast %mul3A_922 : i32 to index
        %swap3A_1041 = tpu.vector_load %arg8[%swap3A_1039, %swap3A_1040] {strides = array<i32>} : memref<32x1024xf32, #tpu.memory_space<vmem>>, vector<1x16xf32>,
        %swap3A_1042 = vector.shape_cast %swap3A_1041 : vector<1x16xf32> to vector<16xf32>
        %swap3A_1043 = vector.shape_cast %add3A_1037 : vector<16xf32> to vector<1x16xf32>
        tpu.vector_store %arg8[%swap3A_1039, %swap3A_1040], %swap3A_1043 {strides = array<i32>} : memref<32x1024xf32, #tpu.memory_space<vmem>>, vector<1x16xf32>,
        %get3A_1044 = arith.constant 10 : i32
        %get3A_1045 = arith.index_cast %get3A_1044 : i32 to index
        %get3A_1046 = arith.index_cast %mul3A_922 : i32 to index
        %get3A_1047 = tpu.vector_load %arg8[%get3A_1045, %get3A_1046] {strides = array<i32>} : memref<32x1024xf32, #tpu.memory_space<vmem>>, vector<1x16xf32>,
        %get3A_1048 = vector.shape_cast %get3A_1047 : vector<1x16xf32> to vector<16xf32>
        %add3A_1049 = arith.addf %get3A_1048, %get3A_924 : vector<16xf32>
        %swap3A_1050 = arith.constant 10 : i32
        %swap3A_1051 = arith.index_cast %swap3A_1050 : i32 to index
        %swap3A_1052 = arith.index_cast %mul3A_922 : i32 to index
        %swap3A_1053 = tpu.vector_load %arg8[%swap3A_1051, %swap3A_1052] {strides = array<i32>} : memref<32x1024xf32, #tpu.memory_space<vmem>>, vector<1x16xf32>,
        %swap3A_1054 = vector.shape_cast %swap3A_1053 : vector<1x16xf32> to vector<16xf32>
        %swap3A_1055 = vector.shape_cast %add3A_1049 : vector<16xf32> to vector<1x16xf32>
        tpu.vector_store %arg8[%swap3A_1051, %swap3A_1052], %swap3A_1055 {strides = array<i32>} : memref<32x1024xf32, #tpu.memory_space<vmem>>, vector<1x16xf32>,
        %get3A_1056 = arith.constant 11 : i32
        %get3A_1057 = arith.index_cast %get3A_1056 : i32 to index
        %get3A_1058 = arith.index_cast %mul3A_922 : i32 to index
        %get3A_1059 = tpu.vector_load %arg8[%get3A_1057, %get3A_1058] {strides = array<i32>} : memref<32x1024xf32, #tpu.memory_space<vmem>>, vector<1x16xf32>,
        %get3A_1060 = vector.shape_cast %get3A_1059 : vector<1x16xf32> to vector<16xf32>
        %add3A_1061 = arith.addf %get3A_1060, %get3A_924 : vector<16xf32>
        %swap3A_1062 = arith.constant 11 : i32
        %swap3A_1063 = arith.index_cast %swap3A_1062 : i32 to index
        %swap3A_1064 = arith.index_cast %mul3A_922 : i32 to index
        %swap3A_1065 = tpu.vector_load %arg8[%swap3A_1063, %swap3A_1064] {strides = array<i32>} : memref<32x1024xf32, #tpu.memory_space<vmem>>, vector<1x16xf32>,
        %swap3A_1066 = vector.shape_cast %swap3A_1065 : vector<1x16xf32> to vector<16xf32>
        %swap3A_1067 = vector.shape_cast %add3A_1061 : vector<16xf32> to vector<1x16xf32>
        tpu.vector_store %arg8[%swap3A_1063, %swap3A_1064], %swap3A_1067 {strides = array<i32>} : memref<32x1024xf32, #tpu.memory_space<vmem>>, vector<1x16xf32>,
        %get3A_1068 = arith.constant 12 : i32
        %get3A_1069 = arith.index_cast %get3A_1068 : i32 to index
        %get3A_1070 = arith.index_cast %mul3A_922 : i32 to index
        %get3A_1071 = tpu.vector_load %arg8[%get3A_1069, %get3A_1070] {strides = array<i32>} : memref<32x1024xf32, #tpu.memory_space<vmem>>, vector<1x16xf32>,
        %get3A_1072 = vector.shape_cast %get3A_1071 : vector<1x16xf32> to vector<16xf32>
        %add3A_1073 = arith.addf %get3A_1072, %get3A_924 : vector<16xf32>
        %swap3A_1074 = arith.constant 12 : i32
        %swap3A_1075 = arith.index_cast %swap3A_1074 : i32 to index
        %swap3A_1076 = arith.index_cast %mul3A_922 : i32 to index
        %swap3A_1077 = tpu.vector_load %arg8[%swap3A_1075, %swap3A_1076] {strides = array<i32>} : memref<32x1024xf32, #tpu.memory_space<vmem>>, vector<1x16xf32>,
        %swap3A_1078 = vector.shape_cast %swap3A_1077 : vector<1x16xf32> to vector<16xf32>
        %swap3A_1079 = vector.shape_cast %add3A_1073 : vector<16xf32> to vector<1x16xf32>
        tpu.vector_store %arg8[%swap3A_1075, %swap3A_1076], %swap3A_1079 {strides = array<i32>} : memref<32x1024xf32, #tpu.memory_space<vmem>>, vector<1x16xf32>,
        %get3A_1080 = arith.constant 13 : i32
        %get3A_1081 = arith.index_cast %get3A_1080 : i32 to index
        %get3A_1082 = arith.index_cast %mul3A_922 : i32 to index
        %get3A_1083 = tpu.vector_load %arg8[%get3A_1081, %get3A_1082] {strides = array<i32>} : memref<32x1024xf32, #tpu.memory_space<vmem>>, vector<1x16xf32>,
        %get3A_1084 = vector.shape_cast %get3A_1083 : vector<1x16xf32> to vector<16xf32>
        %add3A_1085 = arith.addf %get3A_1084, %get3A_924 : vector<16xf32>
        %swap3A_1086 = arith.constant 13 : i32
        %swap3A_1087 = arith.index_cast %swap3A_1086 : i32 to index
        %swap3A_1088 = arith.index_cast %mul3A_922 : i32 to index
        %swap3A_1089 = tpu.vector_load %arg8[%swap3A_1087, %swap3A_1088] {strides = array<i32>} : memref<32x1024xf32, #tpu.memory_space<vmem>>, vector<1x16xf32>,
        %swap3A_1090 = vector.shape_cast %swap3A_1089 : vector<1x16xf32> to vector<16xf32>
        %swap3A_1091 = vector.shape_cast %add3A_1085 : vector<16xf32> to vector<1x16xf32>
        tpu.vector_store %arg8[%swap3A_1087, %swap3A_1088], %swap3A_1091 {strides = array<i32>} : memref<32x1024xf32, #tpu.memory_space<vmem>>, vector<1x16xf32>,
        %get3A_1092 = arith.constant 14 : i32
        %get3A_1093 = arith.index_cast %get3A_1092 : i32 to index
        %get3A_1094 = arith.index_cast %mul3A_922 : i32 to index
        %get3A_1095 = tpu.vector_load %arg8[%get3A_1093, %get3A_1094] {strides = array<i32>} : memref<32x1024xf32, #tpu.memory_space<vmem>>, vector<1x16xf32>,
        %get3A_1096 = vector.shape_cast %get3A_1095 : vector<1x16xf32> to vector<16xf32>
        %add3A_1097 = arith.addf %get3A_1096, %get3A_924 : vector<16xf32>
        %swap3A_1098 = arith.constant 14 : i32
        %swap3A_1099 = arith.index_cast %swap3A_1098 : i32 to index
        %swap3A_1100 = arith.index_cast %mul3A_922 : i32 to index
        %swap3A_1101 = tpu.vector_load %arg8[%swap3A_1099, %swap3A_1100] {strides = array<i32>} : memref<32x1024xf32, #tpu.memory_space<vmem>>, vector<1x16xf32>,
        %swap3A_1102 = vector.shape_cast %swap3A_1101 : vector<1x16xf32> to vector<16xf32>
        %swap3A_1103 = vector.shape_cast %add3A_1097 : vector<16xf32> to vector<1x16xf32>
        tpu.vector_store %arg8[%swap3A_1099, %swap3A_1100], %swap3A_1103 {strides = array<i32>} : memref<32x1024xf32, #tpu.memory_space<vmem>>, vector<1x16xf32>,
        %get3A_1104 = arith.constant 15 : i32
        %get3A_1105 = arith.index_cast %get3A_1104 : i32 to index
        %get3A_1106 = arith.index_cast %mul3A_922 : i32 to index
        %get3A_1107 = tpu.vector_load %arg8[%get3A_1105, %get3A_1106] {strides = array<i32>} : memref<32x1024xf32, #tpu.memory_space<vmem>>, vector<1x16xf32>,
        %get3A_1108 = vector.shape_cast %get3A_1107 : vector<1x16xf32> to vector<16xf32>
        %add3A_1109 = arith.addf %get3A_1108, %get3A_924 : vector<16xf32>
        %swap3A_1110 = arith.constant 15 : i32
        %swap3A_1111 = arith.index_cast %swap3A_1110 : i32 to index
        %swap3A_1112 = arith.index_cast %mul3A_922 : i32 to index
        %swap3A_1113 = tpu.vector_load %arg8[%swap3A_1111, %swap3A_1112] {strides = array<i32>} : memref<32x1024xf32, #tpu.memory_space<vmem>>, vector<1x16xf32>,
        %swap3A_1114 = vector.shape_cast %swap3A_1113 : vector<1x16xf32> to vector<16xf32>
        %swap3A_1115 = vector.shape_cast %add3A_1109 : vector<16xf32> to vector<1x16xf32>
        tpu.vector_store %arg8[%swap3A_1111, %swap3A_1112], %swap3A_1115 {strides = array<i32>} : memref<32x1024xf32, #tpu.memory_space<vmem>>, vector<1x16xf32>,
        %get3A_1116 = arith.constant 16 : i32
        %get3A_1117 = arith.index_cast %get3A_1116 : i32 to index
        %get3A_1118 = arith.index_cast %mul3A_922 : i32 to index
        %get3A_1119 = tpu.vector_load %arg8[%get3A_1117, %get3A_1118] {strides = array<i32>} : memref<32x1024xf32, #tpu.memory_space<vmem>>, vector<1x16xf32>,
        %get3A_1120 = vector.shape_cast %get3A_1119 : vector<1x16xf32> to vector<16xf32>
        %add3A_1121 = arith.addf %get3A_1120, %get3A_924 : vector<16xf32>
        %swap3A_1122 = arith.constant 16 : i32
        %swap3A_1123 = arith.index_cast %swap3A_1122 : i32 to index
        %swap3A_1124 = arith.index_cast %mul3A_922 : i32 to index
        %swap3A_1125 = tpu.vector_load %arg8[%swap3A_1123, %swap3A_1124] {strides = array<i32>} : memref<32x1024xf32, #tpu.memory_space<vmem>>, vector<1x16xf32>,
        %swap3A_1126 = vector.shape_cast %swap3A_1125 : vector<1x16xf32> to vector<16xf32>
        %swap3A_1127 = vector.shape_cast %add3A_1121 : vector<16xf32> to vector<1x16xf32>
        tpu.vector_store %arg8[%swap3A_1123, %swap3A_1124], %swap3A_1127 {strides = array<i32>} : memref<32x1024xf32, #tpu.memory_space<vmem>>, vector<1x16xf32>,
        %get3A_1128 = arith.constant 17 : i32
        %get3A_1129 = arith.index_cast %get3A_1128 : i32 to index
        %get3A_1130 = arith.index_cast %mul3A_922 : i32 to index
        %get3A_1131 = tpu.vector_load %arg8[%get3A_1129, %get3A_1130] {strides = array<i32>} : memref<32x1024xf32, #tpu.memory_space<vmem>>, vector<1x16xf32>,
        %get3A_1132 = vector.shape_cast %get3A_1131 : vector<1x16xf32> to vector<16xf32>
        %add3A_1133 = arith.addf %get3A_1132, %get3A_924 : vector<16xf32>
        %swap3A_1134 = arith.constant 17 : i32
        %swap3A_1135 = arith.index_cast %swap3A_1134 : i32 to index
        %swap3A_1136 = arith.index_cast %mul3A_922 : i32 to index
        %swap3A_1137 = tpu.vector_load %arg8[%swap3A_1135, %swap3A_1136] {strides = array<i32>} : memref<32x1024xf32, #tpu.memory_space<vmem>>, vector<1x16xf32>,
        %swap3A_1138 = vector.shape_cast %swap3A_1137 : vector<1x16xf32> to vector<16xf32>
        %swap3A_1139 = vector.shape_cast %add3A_1133 : vector<16xf32> to vector<1x16xf32>
        tpu.vector_store %arg8[%swap3A_1135, %swap3A_1136], %swap3A_1139 {strides = array<i32>} : memref<32x1024xf32, #tpu.memory_space<vmem>>, vector<1x16xf32>,
        %get3A_1140 = arith.constant 18 : i32
        %get3A_1141 = arith.index_cast %get3A_1140 : i32 to index
        %get3A_1142 = arith.index_cast %mul3A_922 : i32 to index
        %get3A_1143 = tpu.vector_load %arg8[%get3A_1141, %get3A_1142] {strides = array<i32>} : memref<32x1024xf32, #tpu.memory_space<vmem>>, vector<1x16xf32>,
        %get3A_1144 = vector.shape_cast %get3A_1143 : vector<1x16xf32> to vector<16xf32>
        %add3A_1145 = arith.addf %get3A_1144, %get3A_924 : vector<16xf32>
        %swap3A_1146 = arith.constant 18 : i32
        %swap3A_1147 = arith.index_cast %swap3A_1146 : i32 to index
        %swap3A_1148 = arith.index_cast %mul3A_922 : i32 to index
        %swap3A_1149 = tpu.vector_load %arg8[%swap3A_1147, %swap3A_1148] {strides = array<i32>} : memref<32x1024xf32, #tpu.memory_space<vmem>>, vector<1x16xf32>,
        %swap3A_1150 = vector.shape_cast %swap3A_1149 : vector<1x16xf32> to vector<16xf32>
        %swap3A_1151 = vector.shape_cast %add3A_1145 : vector<16xf32> to vector<1x16xf32>
        tpu.vector_store %arg8[%swap3A_1147, %swap3A_1148], %swap3A_1151 {strides = array<i32>} : memref<32x1024xf32, #tpu.memory_space<vmem>>, vector<1x16xf32>,
        %get3A_1152 = arith.constant 19 : i32
        %get3A_1153 = arith.index_cast %get3A_1152 : i32 to index
        %get3A_1154 = arith.index_cast %mul3A_922 : i32 to index
        %get3A_1155 = tpu.vector_load %arg8[%get3A_1153, %get3A_1154] {strides = array<i32>} : memref<32x1024xf32, #tpu.memory_space<vmem>>, vector<1x16xf32>,
        %get3A_1156 = vector.shape_cast %get3A_1155 : vector<1x16xf32> to vector<16xf32>
        %add3A_1157 = arith.addf %get3A_1156, %get3A_924 : vector<16xf32>
        %swap3A_1158 = arith.constant 19 : i32
        %swap3A_1159 = arith.index_cast %swap3A_1158 : i32 to index
        %swap3A_1160 = arith.index_cast %mul3A_922 : i32 to index
        %swap3A_1161 = tpu.vector_load %arg8[%swap3A_1159, %swap3A_1160] {strides = array<i32>} : memref<32x1024xf32, #tpu.memory_space<vmem>>, vector<1x16xf32>,
        %swap3A_1162 = vector.shape_cast %swap3A_1161 : vector<1x16xf32> to vector<16xf32>
        %swap3A_1163 = vector.shape_cast %add3A_1157 : vector<16xf32> to vector<1x16xf32>
        tpu.vector_store %arg8[%swap3A_1159, %swap3A_1160], %swap3A_1163 {strides = array<i32>} : memref<32x1024xf32, #tpu.memory_space<vmem>>, vector<1x16xf32>,
        %get3A_1164 = arith.constant 20 : i32
        %get3A_1165 = arith.index_cast %get3A_1164 : i32 to index
        %get3A_1166 = arith.index_cast %mul3A_922 : i32 to index
        %get3A_1167 = tpu.vector_load %arg8[%get3A_1165, %get3A_1166] {strides = array<i32>} : memref<32x1024xf32, #tpu.memory_space<vmem>>, vector<1x16xf32>,
        %get3A_1168 = vector.shape_cast %get3A_1167 : vector<1x16xf32> to vector<16xf32>
        %add3A_1169 = arith.addf %get3A_1168, %get3A_924 : vector<16xf32>
        %swap3A_1170 = arith.constant 20 : i32
        %swap3A_1171 = arith.index_cast %swap3A_1170 : i32 to index
        %swap3A_1172 = arith.index_cast %mul3A_922 : i32 to index
        %swap3A_1173 = tpu.vector_load %arg8[%swap3A_1171, %swap3A_1172] {strides = array<i32>} : memref<32x1024xf32, #tpu.memory_space<vmem>>, vector<1x16xf32>,
        %swap3A_1174 = vector.shape_cast %swap3A_1173 : vector<1x16xf32> to vector<16xf32>
        %swap3A_1175 = vector.shape_cast %add3A_1169 : vector<16xf32> to vector<1x16xf32>
        tpu.vector_store %arg8[%swap3A_1171, %swap3A_1172], %swap3A_1175 {strides = array<i32>} : memref<32x1024xf32, #tpu.memory_space<vmem>>, vector<1x16xf32>,
        %get3A_1176 = arith.constant 21 : i32
        %get3A_1177 = arith.index_cast %get3A_1176 : i32 to index
        %get3A_1178 = arith.index_cast %mul3A_922 : i32 to index
        %get3A_1179 = tpu.vector_load %arg8[%get3A_1177, %get3A_1178] {strides = array<i32>} : memref<32x1024xf32, #tpu.memory_space<vmem>>, vector<1x16xf32>,
        %get3A_1180 = vector.shape_cast %get3A_1179 : vector<1x16xf32> to vector<16xf32>
        %add3A_1181 = arith.addf %get3A_1180, %get3A_924 : vector<16xf32>
        %swap3A_1182 = arith.constant 21 : i32
        %swap3A_1183 = arith.index_cast %swap3A_1182 : i32 to index
        %swap3A_1184 = arith.index_cast %mul3A_922 : i32 to index
        %swap3A_1185 = tpu.vector_load %arg8[%swap3A_1183, %swap3A_1184] {strides = array<i32>} : memref<32x1024xf32, #tpu.memory_space<vmem>>, vector<1x16xf32>,
        %swap3A_1186 = vector.shape_cast %swap3A_1185 : vector<1x16xf32> to vector<16xf32>
        %swap3A_1187 = vector.shape_cast %add3A_1181 : vector<16xf32> to vector<1x16xf32>
        tpu.vector_store %arg8[%swap3A_1183, %swap3A_1184], %swap3A_1187 {strides = array<i32>} : memref<32x1024xf32, #tpu.memory_space<vmem>>, vector<1x16xf32>,
        %get3A_1188 = arith.constant 22 : i32
        %get3A_1189 = arith.index_cast %get3A_1188 : i32 to index
        %get3A_1190 = arith.index_cast %mul3A_922 : i32 to index
        %get3A_1191 = tpu.vector_load %arg8[%get3A_1189, %get3A_1190] {strides = array<i32>} : memref<32x1024xf32, #tpu.memory_space<vmem>>, vector<1x16xf32>,
        %get3A_1192 = vector.shape_cast %get3A_1191 : vector<1x16xf32> to vector<16xf32>
        %add3A_1193 = arith.addf %get3A_1192, %get3A_924 : vector<16xf32>
        %swap3A_1194 = arith.constant 22 : i32
        %swap3A_1195 = arith.index_cast %swap3A_1194 : i32 to index
        %swap3A_1196 = arith.index_cast %mul3A_922 : i32 to index
        %swap3A_1197 = tpu.vector_load %arg8[%swap3A_1195, %swap3A_1196] {strides = array<i32>} : memref<32x1024xf32, #tpu.memory_space<vmem>>, vector<1x16xf32>,
        %swap3A_1198 = vector.shape_cast %swap3A_1197 : vector<1x16xf32> to vector<16xf32>
        %swap3A_1199 = vector.shape_cast %add3A_1193 : vector<16xf32> to vector<1x16xf32>
        tpu.vector_store %arg8[%swap3A_1195, %swap3A_1196], %swap3A_1199 {strides = array<i32>} : memref<32x1024xf32, #tpu.memory_space<vmem>>, vector<1x16xf32>,
        %get3A_1200 = arith.constant 23 : i32
        %get3A_1201 = arith.index_cast %get3A_1200 : i32 to index
        %get3A_1202 = arith.index_cast %mul3A_922 : i32 to index
        %get3A_1203 = tpu.vector_load %arg8[%get3A_1201, %get3A_1202] {strides = array<i32>} : memref<32x1024xf32, #tpu.memory_space<vmem>>, vector<1x16xf32>,
        %get3A_1204 = vector.shape_cast %get3A_1203 : vector<1x16xf32> to vector<16xf32>
        %add3A_1205 = arith.addf %get3A_1204, %get3A_924 : vector<16xf32>
        %swap3A_1206 = arith.constant 23 : i32
        %swap3A_1207 = arith.index_cast %swap3A_1206 : i32 to index
        %swap3A_1208 = arith.index_cast %mul3A_922 : i32 to index
        %swap3A_1209 = tpu.vector_load %arg8[%swap3A_1207, %swap3A_1208] {strides = array<i32>} : memref<32x1024xf32, #tpu.memory_space<vmem>>, vector<1x16xf32>,
        %swap3A_1210 = vector.shape_cast %swap3A_1209 : vector<1x16xf32> to vector<16xf32>
        %swap3A_1211 = vector.shape_cast %add3A_1205 : vector<16xf32> to vector<1x16xf32>
        tpu.vector_store %arg8[%swap3A_1207, %swap3A_1208], %swap3A_1211 {strides = array<i32>} : memref<32x1024xf32, #tpu.memory_space<vmem>>, vector<1x16xf32>,
        %get3A_1212 = arith.constant 24 : i32
        %get3A_1213 = arith.index_cast %get3A_1212 : i32 to index
        %get3A_1214 = arith.index_cast %mul3A_922 : i32 to index
        %get3A_1215 = tpu.vector_load %arg8[%get3A_1213, %get3A_1214] {strides = array<i32>} : memref<32x1024xf32, #tpu.memory_space<vmem>>, vector<1x16xf32>,
        %get3A_1216 = vector.shape_cast %get3A_1215 : vector<1x16xf32> to vector<16xf32>
        %add3A_1217 = arith.addf %get3A_1216, %get3A_924 : vector<16xf32>
        %swap3A_1218 = arith.constant 24 : i32
        %swap3A_1219 = arith.index_cast %swap3A_1218 : i32 to index
        %swap3A_1220 = arith.index_cast %mul3A_922 : i32 to index
        %swap3A_1221 = tpu.vector_load %arg8[%swap3A_1219, %swap3A_1220] {strides = array<i32>} : memref<32x1024xf32, #tpu.memory_space<vmem>>, vector<1x16xf32>,
        %swap3A_1222 = vector.shape_cast %swap3A_1221 : vector<1x16xf32> to vector<16xf32>
        %swap3A_1223 = vector.shape_cast %add3A_1217 : vector<16xf32> to vector<1x16xf32>
        tpu.vector_store %arg8[%swap3A_1219, %swap3A_1220], %swap3A_1223 {strides = array<i32>} : memref<32x1024xf32, #tpu.memory_space<vmem>>, vector<1x16xf32>,
        %get3A_1224 = arith.constant 25 : i32
        %get3A_1225 = arith.index_cast %get3A_1224 : i32 to index
        %get3A_1226 = arith.index_cast %mul3A_922 : i32 to index
        %get3A_1227 = tpu.vector_load %arg8[%get3A_1225, %get3A_1226] {strides = array<i32>} : memref<32x1024xf32, #tpu.memory_space<vmem>>, vector<1x16xf32>,
        %get3A_1228 = vector.shape_cast %get3A_1227 : vector<1x16xf32> to vector<16xf32>
        %add3A_1229 = arith.addf %get3A_1228, %get3A_924 : vector<16xf32>
        %swap3A_1230 = arith.constant 25 : i32
        %swap3A_1231 = arith.index_cast %swap3A_1230 : i32 to index
        %swap3A_1232 = arith.index_cast %mul3A_922 : i32 to index
        %swap3A_1233 = tpu.vector_load %arg8[%swap3A_1231, %swap3A_1232] {strides = array<i32>} : memref<32x1024xf32, #tpu.memory_space<vmem>>, vector<1x16xf32>,
        %swap3A_1234 = vector.shape_cast %swap3A_1233 : vector<1x16xf32> to vector<16xf32>
        %swap3A_1235 = vector.shape_cast %add3A_1229 : vector<16xf32> to vector<1x16xf32>
        tpu.vector_store %arg8[%swap3A_1231, %swap3A_1232], %swap3A_1235 {strides = array<i32>} : memref<32x1024xf32, #tpu.memory_space<vmem>>, vector<1x16xf32>,
        %get3A_1236 = arith.constant 26 : i32
        %get3A_1237 = arith.index_cast %get3A_1236 : i32 to index
        %get3A_1238 = arith.index_cast %mul3A_922 : i32 to index
        %get3A_1239 = tpu.vector_load %arg8[%get3A_1237, %get3A_1238] {strides = array<i32>} : memref<32x1024xf32, #tpu.memory_space<vmem>>, vector<1x16xf32>,
        %get3A_1240 = vector.shape_cast %get3A_1239 : vector<1x16xf32> to vector<16xf32>
        %add3A_1241 = arith.addf %get3A_1240, %get3A_924 : vector<16xf32>
        %swap3A_1242 = arith.constant 26 : i32
        %swap3A_1243 = arith.index_cast %swap3A_1242 : i32 to index
        %swap3A_1244 = arith.index_cast %mul3A_922 : i32 to index
        %swap3A_1245 = tpu.vector_load %arg8[%swap3A_1243, %swap3A_1244] {strides = array<i32>} : memref<32x1024xf32, #tpu.memory_space<vmem>>, vector<1x16xf32>,
        %swap3A_1246 = vector.shape_cast %swap3A_1245 : vector<1x16xf32> to vector<16xf32>
        %swap3A_1247 = vector.shape_cast %add3A_1241 : vector<16xf32> to vector<1x16xf32>
        tpu.vector_store %arg8[%swap3A_1243, %swap3A_1244], %swap3A_1247 {strides = array<i32>} : memref<32x1024xf32, #tpu.memory_space<vmem>>, vector<1x16xf32>,
        %get3A_1248 = arith.constant 27 : i32
        %get3A_1249 = arith.index_cast %get3A_1248 : i32 to index
        %get3A_1250 = arith.index_cast %mul3A_922 : i32 to index
        %get3A_1251 = tpu.vector_load %arg8[%get3A_1249, %get3A_1250] {strides = array<i32>} : memref<32x1024xf32, #tpu.memory_space<vmem>>, vector<1x16xf32>,
        %get3A_1252 = vector.shape_cast %get3A_1251 : vector<1x16xf32> to vector<16xf32>
        %add3A_1253 = arith.addf %get3A_1252, %get3A_924 : vector<16xf32>
        %swap3A_1254 = arith.constant 27 : i32
        %swap3A_1255 = arith.index_cast %swap3A_1254 : i32 to index
        %swap3A_1256 = arith.index_cast %mul3A_922 : i32 to index
        %swap3A_1257 = tpu.vector_load %arg8[%swap3A_1255, %swap3A_1256] {strides = array<i32>} : memref<32x1024xf32, #tpu.memory_space<vmem>>, vector<1x16xf32>,
        %swap3A_1258 = vector.shape_cast %swap3A_1257 : vector<1x16xf32> to vector<16xf32>
        %swap3A_1259 = vector.shape_cast %add3A_1253 : vector<16xf32> to vector<1x16xf32>
        tpu.vector_store %arg8[%swap3A_1255, %swap3A_1256], %swap3A_1259 {strides = array<i32>} : memref<32x1024xf32, #tpu.memory_space<vmem>>, vector<1x16xf32>,
        %get3A_1260 = arith.constant 28 : i32
        %get3A_1261 = arith.index_cast %get3A_1260 : i32 to index
        %get3A_1262 = arith.index_cast %mul3A_922 : i32 to index
        %get3A_1263 = tpu.vector_load %arg8[%get3A_1261, %get3A_1262] {strides = array<i32>} : memref<32x1024xf32, #tpu.memory_space<vmem>>, vector<1x16xf32>,
        %get3A_1264 = vector.shape_cast %get3A_1263 : vector<1x16xf32> to vector<16xf32>
        %add3A_1265 = arith.addf %get3A_1264, %get3A_924 : vector<16xf32>
        %swap3A_1266 = arith.constant 28 : i32
        %swap3A_1267 = arith.index_cast %swap3A_1266 : i32 to index
        %swap3A_1268 = arith.index_cast %mul3A_922 : i32 to index
        %swap3A_1269 = tpu.vector_load %arg8[%swap3A_1267, %swap3A_1268] {strides = array<i32>} : memref<32x1024xf32, #tpu.memory_space<vmem>>, vector<1x16xf32>,
        %swap3A_1270 = vector.shape_cast %swap3A_1269 : vector<1x16xf32> to vector<16xf32>
        %swap3A_1271 = vector.shape_cast %add3A_1265 : vector<16xf32> to vector<1x16xf32>
        tpu.vector_store %arg8[%swap3A_1267, %swap3A_1268], %swap3A_1271 {strides = array<i32>} : memref<32x1024xf32, #tpu.memory_space<vmem>>, vector<1x16xf32>,
        %get3A_1272 = arith.constant 29 : i32
        %get3A_1273 = arith.index_cast %get3A_1272 : i32 to index
        %get3A_1274 = arith.index_cast %mul3A_922 : i32 to index
        %get3A_1275 = tpu.vector_load %arg8[%get3A_1273, %get3A_1274] {strides = array<i32>} : memref<32x1024xf32, #tpu.memory_space<vmem>>, vector<1x16xf32>,
        %get3A_1276 = vector.shape_cast %get3A_1275 : vector<1x16xf32> to vector<16xf32>
        %add3A_1277 = arith.addf %get3A_1276, %get3A_924 : vector<16xf32>
        %swap3A_1278 = arith.constant 29 : i32
        %swap3A_1279 = arith.index_cast %swap3A_1278 : i32 to index
        %swap3A_1280 = arith.index_cast %mul3A_922 : i32 to index
        %swap3A_1281 = tpu.vector_load %arg8[%swap3A_1279, %swap3A_1280] {strides = array<i32>} : memref<32x1024xf32, #tpu.memory_space<vmem>>, vector<1x16xf32>,
        %swap3A_1282 = vector.shape_cast %swap3A_1281 : vector<1x16xf32> to vector<16xf32>
        %swap3A_1283 = vector.shape_cast %add3A_1277 : vector<16xf32> to vector<1x16xf32>
        tpu.vector_store %arg8[%swap3A_1279, %swap3A_1280], %swap3A_1283 {strides = array<i32>} : memref<32x1024xf32, #tpu.memory_space<vmem>>, vector<1x16xf32>,
        %get3A_1284 = arith.constant 30 : i32
        %get3A_1285 = arith.index_cast %get3A_1284 : i32 to index
        %get3A_1286 = arith.index_cast %mul3A_922 : i32 to index
        %get3A_1287 = tpu.vector_load %arg8[%get3A_1285, %get3A_1286] {strides = array<i32>} : memref<32x1024xf32, #tpu.memory_space<vmem>>, vector<1x16xf32>,
        %get3A_1288 = vector.shape_cast %get3A_1287 : vector<1x16xf32> to vector<16xf32>
        %add3A_1289 = arith.addf %get3A_1288, %get3A_924 : vector<16xf32>
        %swap3A_1290 = arith.constant 30 : i32
        %swap3A_1291 = arith.index_cast %swap3A_1290 : i32 to index
        %swap3A_1292 = arith.index_cast %mul3A_922 : i32 to index
        %swap3A_1293 = tpu.vector_load %arg8[%swap3A_1291, %swap3A_1292] {strides = array<i32>} : memref<32x1024xf32, #tpu.memory_space<vmem>>, vector<1x16xf32>,
        %swap3A_1294 = vector.shape_cast %swap3A_1293 : vector<1x16xf32> to vector<16xf32>
        %swap3A_1295 = vector.shape_cast %add3A_1289 : vector<16xf32> to vector<1x16xf32>
        tpu.vector_store %arg8[%swap3A_1291, %swap3A_1292], %swap3A_1295 {strides = array<i32>} : memref<32x1024xf32, #tpu.memory_space<vmem>>, vector<1x16xf32>,
        %get3A_1296 = arith.constant 31 : i32
        %get3A_1297 = arith.index_cast %get3A_1296 : i32 to index
        %get3A_1298 = arith.index_cast %mul3A_922 : i32 to index
        %get3A_1299 = tpu.vector_load %arg8[%get3A_1297, %get3A_1298] {strides = array<i32>} : memref<32x1024xf32, #tpu.memory_space<vmem>>, vector<1x16xf32>,
        %get3A_1300 = vector.shape_cast %get3A_1299 : vector<1x16xf32> to vector<16xf32>
        %add3A_1301 = arith.addf %get3A_1300, %get3A_924 : vector<16xf32>
        %swap3A_1302 = arith.constant 31 : i32
        %swap3A_1303 = arith.index_cast %swap3A_1302 : i32 to index
        %swap3A_1304 = arith.index_cast %mul3A_922 : i32 to index
        %swap3A_1305 = tpu.vector_load %arg8[%swap3A_1303, %swap3A_1304] {strides = array<i32>} : memref<32x1024xf32, #tpu.memory_space<vmem>>, vector<1x16xf32>,
        %swap3A_1306 = vector.shape_cast %swap3A_1305 : vector<1x16xf32> to vector<16xf32>
        %swap3A_1307 = vector.shape_cast %add3A_1301 : vector<16xf32> to vector<1x16xf32>
        tpu.vector_store %arg8[%swap3A_1303, %swap3A_1304], %swap3A_1307 {strides = array<i32>} : memref<32x1024xf32, #tpu.memory_space<vmem>>, vector<1x16xf32>,
      }
      %scan3A_472 = arith.constant 64 : i32
      %iota3A_473 = tpu.iota {dimensions = array<i32: 0>} : vector<16xi32>
      %jit3A_474 = arith.constant 4 : i32
      %eq3A_475 = arith.constant 0 : i32
      %eq3A_476 = arith.cmpi eq, %jit3A_474, %eq3A_475 : i32
      %jit3A_477 = arith.constant 1 : i32
      %select_n3A_478 = arith.select %eq3A_476, %jit3A_477, %jit3A_474 : i32
      %rem3A_479 = arith.remsi %add3A_440, %select_n3A_478 : i32
      %ne3A_480 = arith.constant 0 : i32
      %ne3A_481 = arith.cmpi ne, %rem3A_479, %ne3A_480 : i32
      %lt3A_482 = arith.constant 0 : i32
      %lt3A_483 = arith.cmpi slt, %rem3A_479, %lt3A_482 : i32
      %lt3A_484 = arith.constant 0 : i32
      %lt3A_485 = arith.cmpi slt, %select_n3A_478, %lt3A_484 : i32
      %ne3A_486 = arith.xori %lt3A_483, %lt3A_485 : i1
      %and3A_487 = arith.andi %ne3A_486, %ne3A_481 : i1
      %add3A_488 = arith.addi %rem3A_479, %select_n3A_478 : i32
      %select_n3A_489 = arith.select %and3A_487, %add3A_488, %rem3A_479 : i32
      %mul3A_490 = arith.constant 32 : i32
      %mul3A_491 = arith.muli %select_n3A_489, %mul3A_490 : i32
      %add3A_492 = arith.constant 0 : i32
      %add3A_493 = arith.addi %mul3A_491, %add3A_492 : i32
      %add3A_494 = vector.broadcast %add3A_493 : i32 to vector<16xi32>
      %add3A_495 = arith.addi %iota3A_473, %add3A_494 : vector<16xi32>
      %mul3A_496 = arith.constant 77 : i32
      %mul3A_497 = vector.broadcast %mul3A_496 : i32 to vector<16xi32>
      %mul3A_498 = arith.muli %add3A_495, %mul3A_497 : vector<16xi32>
      %jit3A_499 = arith.constant 4 : i32
      %div3A_500 = arith.divsi %add3A_440, %jit3A_499 : i32
      %sign3A_501 = arith.constant 0 : i32
      %sign3A_502 = arith.cmpi sgt, %add3A_440, %sign3A_501 : i32
      %sign3A_503 = arith.extui %sign3A_502 : i1 to i32
      %sign3A_504 = arith.constant 0 : i32
      %sign3A_505 = arith.cmpi slt, %add3A_440, %sign3A_504 : i32
      %sign3A_506 = arith.extui %sign3A_505 : i1 to i32
      %sign3A_507 = arith.subi %sign3A_503, %sign3A_506 : i32
      %sign3A_508 = arith.constant 0 : i32
      %sign3A_509 = arith.cmpi sgt, %jit3A_499, %sign3A_508 : i32
      %sign3A_510 = arith.extui %sign3A_509 : i1 to i32
      %sign3A_511 = arith.constant 0 : i32
      %sign3A_512 = arith.cmpi slt, %jit3A_499, %sign3A_511 : i32
      %sign3A_513 = arith.extui %sign3A_512 : i1 to i32
      %sign3A_514 = arith.subi %sign3A_510, %sign3A_513 : i32
      %ne3A_515 = arith.cmpi ne, %sign3A_507, %sign3A_514 : i32
      %rem3A_516 = arith.remsi %add3A_440, %jit3A_499 : i32
      %ne3A_517 = arith.constant 0 : i32
      %ne3A_518 = arith.cmpi ne, %rem3A_516, %ne3A_517 : i32
      %and3A_519 = arith.andi %ne3A_515, %ne3A_518 : i1
      %sub3A_520 = arith.constant 1 : i32
      %sub3A_521 = arith.subi %div3A_500, %sub3A_520 : i32
      %select_n3A_522 = arith.select %and3A_519, %sub3A_521, %div3A_500 : i32
      %add3A_523 = arith.addi %mul3A_2, %select_n3A_522 : i32
      %add3A_524 = vector.broadcast %add3A_523 : i32 to vector<16xi32>
      %add3A_525 = arith.addi %mul3A_498, %add3A_524 : vector<16xi32>
      %dma_start3A_526 = arith.constant 0 : i32
      %dma_start3A_527 = arith.constant 0 : i32
      %dma_start3A_528 = tpu.memref_slice %arg8[%dma_start3A_526, %dma_start3A_527] : memref<32x1024xf32, #tpu.memory_space<vmem>> -> memref<16x1024xf32, #tpu.memory_space<vmem>>
      %dma_start3A_529 = arith.constant 0 : i32
      %dma_start3A_530 = arith.constant 0 : i32
      %dma_start3A_531 = tpu.memref_slice %arg5[%dma_start3A_529, %dma_start3A_530] : memref<315392x1024xf32, #tpu.memory_space<hbm>> -> memref<315392x1024xf32, #tpu.memory_space<hbm>>
      tpu.enqueue_indirect_dma source(%dma_start3A_528 : memref<16x1024xf32, #tpu.memory_space<vmem>>) target(%dma_start3A_531 : memref<315392x1024xf32, #tpu.memory_space<hbm>>) offsets(%add3A_525 : vector<16xi32>) semaphore(%arg14 : memref<!tpu.dma_semaphore, #tpu.memory_space<semaphore_mem>>)
      %iota3A_532 = tpu.iota {dimensions = array<i32: 0>} : vector<16xi32>
      %jit3A_533 = arith.constant 4 : i32
      %eq3A_534 = arith.constant 0 : i32
      %eq3A_535 = arith.cmpi eq, %jit3A_533, %eq3A_534 : i32
      %jit3A_536 = arith.constant 1 : i32
      %select_n3A_537 = arith.select %eq3A_535, %jit3A_536, %jit3A_533 : i32
      %rem3A_538 = arith.remsi %add3A_440, %select_n3A_537 : i32
      %ne3A_539 = arith.constant 0 : i32
      %ne3A_540 = arith.cmpi ne, %rem3A_538, %ne3A_539 : i32
      %lt3A_541 = arith.constant 0 : i32
      %lt3A_542 = arith.cmpi slt, %rem3A_538, %lt3A_541 : i32
      %lt3A_543 = arith.constant 0 : i32
      %lt3A_544 = arith.cmpi slt, %select_n3A_537, %lt3A_543 : i32
      %ne3A_545 = arith.xori %lt3A_542, %lt3A_544 : i1
      %and3A_546 = arith.andi %ne3A_545, %ne3A_540 : i1
      %add3A_547 = arith.addi %rem3A_538, %select_n3A_537 : i32
      %select_n3A_548 = arith.select %and3A_546, %add3A_547, %rem3A_538 : i32
      %mul3A_549 = arith.constant 32 : i32
      %mul3A_550 = arith.muli %select_n3A_548, %mul3A_549 : i32
      %add3A_551 = arith.constant 16 : i32
      %add3A_552 = arith.addi %mul3A_550, %add3A_551 : i32
      %add3A_553 = vector.broadcast %add3A_552 : i32 to vector<16xi32>
      %add3A_554 = arith.addi %iota3A_532, %add3A_553 : vector<16xi32>
      %mul3A_555 = arith.constant 77 : i32
      %mul3A_556 = vector.broadcast %mul3A_555 : i32 to vector<16xi32>
      %mul3A_557 = arith.muli %add3A_554, %mul3A_556 : vector<16xi32>
      %jit3A_558 = arith.constant 4 : i32
      %div3A_559 = arith.divsi %add3A_440, %jit3A_558 : i32
      %sign3A_560 = arith.constant 0 : i32
      %sign3A_561 = arith.cmpi sgt, %add3A_440, %sign3A_560 : i32
      %sign3A_562 = arith.extui %sign3A_561 : i1 to i32
      %sign3A_563 = arith.constant 0 : i32
      %sign3A_564 = arith.cmpi slt, %add3A_440, %sign3A_563 : i32
      %sign3A_565 = arith.extui %sign3A_564 : i1 to i32
      %sign3A_566 = arith.subi %sign3A_562, %sign3A_565 : i32
      %sign3A_567 = arith.constant 0 : i32
      %sign3A_568 = arith.cmpi sgt, %jit3A_558, %sign3A_567 : i32
      %sign3A_569 = arith.extui %sign3A_568 : i1 to i32
      %sign3A_570 = arith.constant 0 : i32
      %sign3A_571 = arith.cmpi slt, %jit3A_558, %sign3A_570 : i32
      %sign3A_572 = arith.extui %sign3A_571 : i1 to i32
      %sign3A_573 = arith.subi %sign3A_569, %sign3A_572 : i32
      %ne3A_574 = arith.cmpi ne, %sign3A_566, %sign3A_573 : i32
      %rem3A_575 = arith.remsi %add3A_440, %jit3A_558 : i32
      %ne3A_576 = arith.constant 0 : i32
      %ne3A_577 = arith.cmpi ne, %rem3A_575, %ne3A_576 : i32
      %and3A_578 = arith.andi %ne3A_574, %ne3A_577 : i1
      %sub3A_579 = arith.constant 1 : i32
      %sub3A_580 = arith.subi %div3A_559, %sub3A_579 : i32
      %select_n3A_581 = arith.select %and3A_578, %sub3A_580, %div3A_559 : i32
      %add3A_582 = arith.addi %mul3A_2, %select_n3A_581 : i32
      %add3A_583 = vector.broadcast %add3A_582 : i32 to vector<16xi32>
      %add3A_584 = arith.addi %mul3A_557, %add3A_583 : vector<16xi32>
      %dma_start3A_585 = arith.constant 16 : i32
      %dma_start3A_586 = arith.constant 0 : i32
      %dma_start3A_587 = tpu.memref_slice %arg8[%dma_start3A_585, %dma_start3A_586] : memref<32x1024xf32, #tpu.memory_space<vmem>> -> memref<16x1024xf32, #tpu.memory_space<vmem>>
      %dma_start3A_588 = arith.constant 0 : i32
      %dma_start3A_589 = arith.constant 0 : i32
      %dma_start3A_590 = tpu.memref_slice %arg5[%dma_start3A_588, %dma_start3A_589] : memref<315392x1024xf32, #tpu.memory_space<hbm>> -> memref<315392x1024xf32, #tpu.memory_space<hbm>>
      tpu.enqueue_indirect_dma source(%dma_start3A_587 : memref<16x1024xf32, #tpu.memory_space<vmem>>) target(%dma_start3A_590 : memref<315392x1024xf32, #tpu.memory_space<hbm>>) offsets(%add3A_584 : vector<16xi32>) semaphore(%arg14 : memref<!tpu.dma_semaphore, #tpu.memory_space<semaphore_mem>>)
      %add3A_591 = arith.constant 2 : i32
      %add3A_592 = arith.addi %add3A_440, %add3A_591 : i32
      %lt3A_593 = arith.constant 308 : i32
      %lt3A_594 = arith.cmpi slt, %add3A_592, %lt3A_593 : i32
      %convert_element_type3A_595 = arith.extui %lt3A_594 : i1 to i32
      %cond3A_596 = arith.constant 0 : i32
      %cond3A_597 = arith.cmpi ne, %convert_element_type3A_595, %cond3A_596 : i32
      scf.if %cond3A_597 {
        %ge3A = arith.constant 1 : i32
        %ge3A_920 = arith.cmpi sge, %add3A_440, %ge3A : i32
        %convert_element_type3A_921 = arith.extui %ge3A_920 : i1 to i32
        %cond3A_922 = arith.constant 0 : i32
        %cond3A_923 = arith.cmpi ne, %convert_element_type3A_921, %cond3A_922 : i32
        scf.if %cond3A_923 {
          %add3A_932 = arith.constant 2 : i32
          %add3A_933 = arith.addi %add3A_440, %add3A_932 : i32
          %sub3A_934 = arith.constant 3 : i32
          %sub3A_935 = arith.subi %add3A_933, %sub3A_934 : i32
          %iota3A_936 = tpu.iota {dimensions = array<i32: 0>} : vector<16xi32>
          %jit3A_937 = arith.constant 4 : i32
          %eq3A_938 = arith.constant 0 : i32
          %eq3A_939 = arith.cmpi eq, %jit3A_937, %eq3A_938 : i32
          %jit3A_940 = arith.constant 1 : i32
          %select_n3A_941 = arith.select %eq3A_939, %jit3A_940, %jit3A_937 : i32
          %rem3A_942 = arith.remsi %sub3A_935, %select_n3A_941 : i32
          %ne3A_943 = arith.constant 0 : i32
          %ne3A_944 = arith.cmpi ne, %rem3A_942, %ne3A_943 : i32
          %lt3A_945 = arith.constant 0 : i32
          %lt3A_946 = arith.cmpi slt, %rem3A_942, %lt3A_945 : i32
          %lt3A_947 = arith.constant 0 : i32
          %lt3A_948 = arith.cmpi slt, %select_n3A_941, %lt3A_947 : i32
          %ne3A_949 = arith.xori %lt3A_946, %lt3A_948 : i1
          %and3A_950 = arith.andi %ne3A_949, %ne3A_944 : i1
          %add3A_951 = arith.addi %rem3A_942, %select_n3A_941 : i32
          %select_n3A_952 = arith.select %and3A_950, %add3A_951, %rem3A_942 : i32
          %mul3A_953 = arith.constant 32 : i32
          %mul3A_954 = arith.muli %select_n3A_952, %mul3A_953 : i32
          %add3A_955 = arith.constant 0 : i32
          %add3A_956 = arith.addi %mul3A_954, %add3A_955 : i32
          %add3A_957 = vector.broadcast %add3A_956 : i32 to vector<16xi32>
          %add3A_958 = arith.addi %iota3A_936, %add3A_957 : vector<16xi32>
          %mul3A_959 = arith.constant 77 : i32
          %mul3A_960 = vector.broadcast %mul3A_959 : i32 to vector<16xi32>
          %mul3A_961 = arith.muli %add3A_958, %mul3A_960 : vector<16xi32>
          %jit3A_962 = arith.constant 4 : i32
          %div3A_963 = arith.divsi %sub3A_935, %jit3A_962 : i32
          %sign3A_964 = arith.constant 0 : i32
          %sign3A_965 = arith.cmpi sgt, %sub3A_935, %sign3A_964 : i32
          %sign3A_966 = arith.extui %sign3A_965 : i1 to i32
          %sign3A_967 = arith.constant 0 : i32
          %sign3A_968 = arith.cmpi slt, %sub3A_935, %sign3A_967 : i32
          %sign3A_969 = arith.extui %sign3A_968 : i1 to i32
          %sign3A_970 = arith.subi %sign3A_966, %sign3A_969 : i32
          %sign3A_971 = arith.constant 0 : i32
          %sign3A_972 = arith.cmpi sgt, %jit3A_962, %sign3A_971 : i32
          %sign3A_973 = arith.extui %sign3A_972 : i1 to i32
          %sign3A_974 = arith.constant 0 : i32
          %sign3A_975 = arith.cmpi slt, %jit3A_962, %sign3A_974 : i32
          %sign3A_976 = arith.extui %sign3A_975 : i1 to i32
          %sign3A_977 = arith.subi %sign3A_973, %sign3A_976 : i32
          %ne3A_978 = arith.cmpi ne, %sign3A_970, %sign3A_977 : i32
          %rem3A_979 = arith.remsi %sub3A_935, %jit3A_962 : i32
          %ne3A_980 = arith.constant 0 : i32
          %ne3A_981 = arith.cmpi ne, %rem3A_979, %ne3A_980 : i32
          %and3A_982 = arith.andi %ne3A_978, %ne3A_981 : i1
          %sub3A_983 = arith.constant 1 : i32
          %sub3A_984 = arith.subi %div3A_963, %sub3A_983 : i32
          %select_n3A_985 = arith.select %and3A_982, %sub3A_984, %div3A_963 : i32
          %add3A_986 = arith.addi %mul3A_2, %select_n3A_985 : i32
          %add3A_987 = vector.broadcast %add3A_986 : i32 to vector<16xi32>
          %add3A_988 = arith.addi %mul3A_961, %add3A_987 : vector<16xi32>
          %dma_wait3A_989 = arith.constant 0 : i32
          %dma_wait3A_990 = arith.constant 0 : i32
          %dma_wait3A_991 = tpu.memref_slice %arg10[%dma_wait3A_989, %dma_wait3A_990] : memref<32x1024xf32, #tpu.memory_space<vmem>> -> memref<16x1024xf32, #tpu.memory_space<vmem>>
          %dma_wait3A_992 = arith.constant 0 : i32
          %dma_wait3A_993 = arith.constant 0 : i32
          %dma_wait3A_994 = tpu.memref_slice %arg5[%dma_wait3A_992, %dma_wait3A_993] : memref<315392x1024xf32, #tpu.memory_space<hbm>> -> memref<315392x1024xf32, #tpu.memory_space<hbm>>
          tpu.wait_indirect_dma semaphore(%arg16 : memref<!tpu.dma_semaphore, #tpu.memory_space<semaphore_mem>>) src(%dma_wait3A_991 : memref<16x1024xf32, #tpu.memory_space<vmem>>) dst(%dma_wait3A_994 : memref<315392x1024xf32, #tpu.memory_space<hbm>>)
          %iota3A_995 = tpu.iota {dimensions = array<i32: 0>} : vector<16xi32>
          %jit3A_996 = arith.constant 4 : i32
          %eq3A_997 = arith.constant 0 : i32
          %eq3A_998 = arith.cmpi eq, %jit3A_996, %eq3A_997 : i32
          %jit3A_999 = arith.constant 1 : i32
          %select_n3A_1000 = arith.select %eq3A_998, %jit3A_999, %jit3A_996 : i32
          %rem3A_1001 = arith.remsi %sub3A_935, %select_n3A_1000 : i32
          %ne3A_1002 = arith.constant 0 : i32
          %ne3A_1003 = arith.cmpi ne, %rem3A_1001, %ne3A_1002 : i32
          %lt3A_1004 = arith.constant 0 : i32
          %lt3A_1005 = arith.cmpi slt, %rem3A_1001, %lt3A_1004 : i32
          %lt3A_1006 = arith.constant 0 : i32
          %lt3A_1007 = arith.cmpi slt, %select_n3A_1000, %lt3A_1006 : i32
          %ne3A_1008 = arith.xori %lt3A_1005, %lt3A_1007 : i1
          %and3A_1009 = arith.andi %ne3A_1008, %ne3A_1003 : i1
          %add3A_1010 = arith.addi %rem3A_1001, %select_n3A_1000 : i32
          %select_n3A_1011 = arith.select %and3A_1009, %add3A_1010, %rem3A_1001 : i32
          %mul3A_1012 = arith.constant 32 : i32
          %mul3A_1013 = arith.muli %select_n3A_1011, %mul3A_1012 : i32
          %add3A_1014 = arith.constant 16 : i32
          %add3A_1015 = arith.addi %mul3A_1013, %add3A_1014 : i32
          %add3A_1016 = vector.broadcast %add3A_1015 : i32 to vector<16xi32>
          %add3A_1017 = arith.addi %iota3A_995, %add3A_1016 : vector<16xi32>
          %mul3A_1018 = arith.constant 77 : i32
          %mul3A_1019 = vector.broadcast %mul3A_1018 : i32 to vector<16xi32>
          %mul3A_1020 = arith.muli %add3A_1017, %mul3A_1019 : vector<16xi32>
          %jit3A_1021 = arith.constant 4 : i32
          %div3A_1022 = arith.divsi %sub3A_935, %jit3A_1021 : i32
          %sign3A_1023 = arith.constant 0 : i32
          %sign3A_1024 = arith.cmpi sgt, %sub3A_935, %sign3A_1023 : i32
          %sign3A_1025 = arith.extui %sign3A_1024 : i1 to i32
          %sign3A_1026 = arith.constant 0 : i32
          %sign3A_1027 = arith.cmpi slt, %sub3A_935, %sign3A_1026 : i32
          %sign3A_1028 = arith.extui %sign3A_1027 : i1 to i32
          %sign3A_1029 = arith.subi %sign3A_1025, %sign3A_1028 : i32
          %sign3A_1030 = arith.constant 0 : i32
          %sign3A_1031 = arith.cmpi sgt, %jit3A_1021, %sign3A_1030 : i32
          %sign3A_1032 = arith.extui %sign3A_1031 : i1 to i32
          %sign3A_1033 = arith.constant 0 : i32
          %sign3A_1034 = arith.cmpi slt, %jit3A_1021, %sign3A_1033 : i32
          %sign3A_1035 = arith.extui %sign3A_1034 : i1 to i32
          %sign3A_1036 = arith.subi %sign3A_1032, %sign3A_1035 : i32
          %ne3A_1037 = arith.cmpi ne, %sign3A_1029, %sign3A_1036 : i32
          %rem3A_1038 = arith.remsi %sub3A_935, %jit3A_1021 : i32
          %ne3A_1039 = arith.constant 0 : i32
          %ne3A_1040 = arith.cmpi ne, %rem3A_1038, %ne3A_1039 : i32
          %and3A_1041 = arith.andi %ne3A_1037, %ne3A_1040 : i1
          %sub3A_1042 = arith.constant 1 : i32
          %sub3A_1043 = arith.subi %div3A_1022, %sub3A_1042 : i32
          %select_n3A_1044 = arith.select %and3A_1041, %sub3A_1043, %div3A_1022 : i32
          %add3A_1045 = arith.addi %mul3A_2, %select_n3A_1044 : i32
          %add3A_1046 = vector.broadcast %add3A_1045 : i32 to vector<16xi32>
          %add3A_1047 = arith.addi %mul3A_1020, %add3A_1046 : vector<16xi32>
          %dma_wait3A_1048 = arith.constant 16 : i32
          %dma_wait3A_1049 = arith.constant 0 : i32
          %dma_wait3A_1050 = tpu.memref_slice %arg10[%dma_wait3A_1048, %dma_wait3A_1049] : memref<32x1024xf32, #tpu.memory_space<vmem>> -> memref<16x1024xf32, #tpu.memory_space<vmem>>
          %dma_wait3A_1051 = arith.constant 0 : i32
          %dma_wait3A_1052 = arith.constant 0 : i32
          %dma_wait3A_1053 = tpu.memref_slice %arg5[%dma_wait3A_1051, %dma_wait3A_1052] : memref<315392x1024xf32, #tpu.memory_space<hbm>> -> memref<315392x1024xf32, #tpu.memory_space<hbm>>
          tpu.wait_indirect_dma semaphore(%arg16 : memref<!tpu.dma_semaphore, #tpu.memory_space<semaphore_mem>>) src(%dma_wait3A_1050 : memref<16x1024xf32, #tpu.memory_space<vmem>>) dst(%dma_wait3A_1053 : memref<315392x1024xf32, #tpu.memory_space<hbm>>)
        } else {
        }
        %add3A_924 = arith.constant 2 : i32
        %add3A_925 = arith.addi %add3A_440, %add3A_924 : i32
        %mul3A_926 = arith.constant 32 : i32
        %mul3A_927 = arith.muli %add3A_925, %mul3A_926 : i32
        %dma_start3A_928 = tpu.memref_slice %arg6[%mul3A_927] : memref<9856xi32, #tpu.memory_space<vmem>> -> memref<32xi32, #tpu.memory_space<vmem>>
        %dma_start3A_929 = arith.constant 0 : i32
        %dma_start3A_930 = arith.constant 0 : i32
        %dma_start3A_931 = tpu.memref_slice %arg3[%dma_start3A_929, %dma_start3A_930] : memref<49408x1024xf32, #tpu.memory_space<hbm>> -> memref<49408x1024xf32, #tpu.memory_space<hbm>>
        tpu.enqueue_indirect_dma source(%dma_start3A_931 : memref<49408x1024xf32, #tpu.memory_space<hbm>>) target(%arg10 : memref<32x1024xf32, #tpu.memory_space<vmem>>) offsets(%dma_start3A_928 : memref<32xi32, #tpu.memory_space<vmem>>) semaphore(%arg13 : memref<!tpu.dma_semaphore, #tpu.memory_space<semaphore_mem>>)
      } else {
      }
      %mul3A_598 = arith.constant 3 : i32
      %mul3A_599 = arith.muli %scan3A_436, %mul3A_598 : i32
      %add3A_600 = arith.constant 1 : i32
      %add3A_601 = arith.addi %mul3A_599, %add3A_600 : i32
      %jit3A_602 = arith.constant 4 : i32
      %eq3A_603 = arith.constant 0 : i32
      %eq3A_604 = arith.cmpi eq, %jit3A_602, %eq3A_603 : i32
      %jit3A_605 = arith.constant 1 : i32
      %select_n3A_606 = arith.select %eq3A_604, %jit3A_605, %jit3A_602 : i32
      %rem3A_607 = arith.remsi %add3A_601, %select_n3A_606 : i32
      %ne3A_608 = arith.constant 0 : i32
      %ne3A_609 = arith.cmpi ne, %rem3A_607, %ne3A_608 : i32
      %lt3A_610 = arith.constant 0 : i32
      %lt3A_611 = arith.cmpi slt, %rem3A_607, %lt3A_610 : i32
      %lt3A_612 = arith.constant 0 : i32
      %lt3A_613 = arith.cmpi slt, %select_n3A_606, %lt3A_612 : i32
      %ne3A_614 = arith.xori %lt3A_611, %lt3A_613 : i1
      %and3A_615 = arith.andi %ne3A_614, %ne3A_609 : i1
      %add3A_616 = arith.addi %rem3A_607, %select_n3A_606 : i32
      %select_n3A_617 = arith.select %and3A_615, %add3A_616, %rem3A_607 : i32
      %eq3A_618 = arith.constant 0 : i32
      %eq3A_619 = arith.cmpi eq, %select_n3A_617, %eq3A_618 : i32
      %convert_element_type3A_620 = arith.extui %eq3A_619 : i1 to i32
      %cond3A_621 = arith.constant 0 : i32
      %cond3A_622 = arith.cmpi ne, %convert_element_type3A_620, %cond3A_621 : i32
      scf.if %cond3A_622 {
        %jit3A_920 = arith.constant 4 : i32
        %div3A_921 = arith.divsi %add3A_601, %jit3A_920 : i32
        %sign3A_922 = arith.constant 0 : i32
        %sign3A_923 = arith.cmpi sgt, %add3A_601, %sign3A_922 : i32
        %sign3A_924 = arith.extui %sign3A_923 : i1 to i32
        %sign3A_925 = arith.constant 0 : i32
        %sign3A_926 = arith.cmpi slt, %add3A_601, %sign3A_925 : i32
        %sign3A_927 = arith.extui %sign3A_926 : i1 to i32
        %sign3A_928 = arith.subi %sign3A_924, %sign3A_927 : i32
        %sign3A_929 = arith.constant 0 : i32
        %sign3A_930 = arith.cmpi sgt, %jit3A_920, %sign3A_929 : i32
        %sign3A_931 = arith.extui %sign3A_930 : i1 to i32
        %sign3A_932 = arith.constant 0 : i32
        %sign3A_933 = arith.cmpi slt, %jit3A_920, %sign3A_932 : i32
        %sign3A_934 = arith.extui %sign3A_933 : i1 to i32
        %sign3A_935 = arith.subi %sign3A_931, %sign3A_934 : i32
        %ne3A_936 = arith.cmpi ne, %sign3A_928, %sign3A_935 : i32
        %rem3A_937 = arith.remsi %add3A_601, %jit3A_920 : i32
        %ne3A_938 = arith.constant 0 : i32
        %ne3A_939 = arith.cmpi ne, %rem3A_937, %ne3A_938 : i32
        %and3A_940 = arith.andi %ne3A_936, %ne3A_939 : i1
        %sub3A_941 = arith.constant 1 : i32
        %sub3A_942 = arith.subi %div3A_921, %sub3A_941 : i32
        %select_n3A_943 = arith.select %and3A_940, %sub3A_942, %div3A_921 : i32
        "tpu.region"() ({
          %run_scoped3A_944 = tpu.sem_alloc : memref<!tpu.dma_semaphore, #tpu.memory_space<semaphore_mem>>
          %dma_start3A_945 = arith.constant 0 : i32
          %dma_start3A_946 = tpu.memref_slice %arg4[%select_n3A_943, %dma_start3A_945] : memref<77x1024xf32, #tpu.memory_space<hbm>> -> memref<1x1024xf32, #tpu.memory_space<hbm>>
          %dma_start3A_947 = tpu.memref_squeeze %dma_start3A_946 : memref<1x1024xf32, #tpu.memory_space<hbm>> -> memref<1024xf32, #tpu.memory_space<hbm>>
          %dma_start3A_948 = arith.constant 0 : i32
          %dma_start3A_949 = tpu.memref_slice %arg4[%select_n3A_943, %dma_start3A_948] : memref<77x1024xf32, #tpu.memory_space<hbm>> -> memref<1x1024xf32, #tpu.memory_space<hbm>>
          %dma_start3A_950 = tpu.memref_squeeze %dma_start3A_949 : memref<1x1024xf32, #tpu.memory_space<hbm>> -> memref<1024xf32, #tpu.memory_space<hbm>>
          tpu.enqueue_dma source(%dma_start3A_950 : memref<1024xf32, #tpu.memory_space<hbm>>) target(%arg7 : memref<1024xf32, #tpu.memory_space<vmem>>) target_semaphore(%run_scoped3A_944 : memref<!tpu.dma_semaphore, #tpu.memory_space<semaphore_mem>>)
          %dma_wait3A_951 = arith.constant 0 : i32
          %dma_wait3A_952 = tpu.memref_slice %arg4[%select_n3A_943, %dma_wait3A_951] : memref<77x1024xf32, #tpu.memory_space<hbm>> -> memref<1x1024xf32, #tpu.memory_space<hbm>>
          %dma_wait3A_953 = tpu.memref_squeeze %dma_wait3A_952 : memref<1x1024xf32, #tpu.memory_space<hbm>> -> memref<1024xf32, #tpu.memory_space<hbm>>
          %dma_wait3A_954 = arith.constant 0 : i32
          %dma_wait3A_955 = tpu.memref_slice %arg4[%select_n3A_943, %dma_wait3A_954] : memref<77x1024xf32, #tpu.memory_space<hbm>> -> memref<1x1024xf32, #tpu.memory_space<hbm>>
          %dma_wait3A_956 = tpu.memref_squeeze %dma_wait3A_955 : memref<1x1024xf32, #tpu.memory_space<hbm>> -> memref<1024xf32, #tpu.memory_space<hbm>>
          tpu.wait_dma2 semaphore(%run_scoped3A_944 : memref<!tpu.dma_semaphore, #tpu.memory_space<semaphore_mem>>) src(%dma_wait3A_956 : memref<1024xf32, #tpu.memory_space<hbm>>) dst(%arg7 : memref<1024xf32, #tpu.memory_space<vmem>>)
          tpu.yield
        }) : () -> ()
      } else {
      }
      %mul3A_623 = arith.constant 32 : i32
      %mul3A_624 = arith.muli %add3A_601, %mul3A_623 : i32
      %dma_wait3A_625 = tpu.memref_slice %arg6[%mul3A_624] : memref<9856xi32, #tpu.memory_space<vmem>> -> memref<32xi32, #tpu.memory_space<vmem>>
      %dma_wait3A_626 = arith.constant 0 : i32
      %dma_wait3A_627 = arith.constant 0 : i32
      %dma_wait3A_628 = tpu.memref_slice %arg3[%dma_wait3A_626, %dma_wait3A_627] : memref<49408x1024xf32, #tpu.memory_space<hbm>> -> memref<49408x1024xf32, #tpu.memory_space<hbm>>
      tpu.wait_indirect_dma semaphore(%arg12 : memref<!tpu.dma_semaphore, #tpu.memory_space<semaphore_mem>>) src(%dma_wait3A_628 : memref<49408x1024xf32, #tpu.memory_space<hbm>>) dst(%arg9 : memref<32x1024xf32, #tpu.memory_space<vmem>>)
      %scan3A_629 = arith.constant 0 : i32
      %scan3A_630 = arith.constant 64 : i32
      %scan3A_631 = arith.addi %scan3A_629, %scan3A_630 : i32
      %scan3A_632 = arith.constant 1 : i32
      scf.for %scan3A_920 = %scan3A_629 to %scan3A_631 step %scan3A_632  : i32 {
        %mul3A_921 = arith.constant 16 : i32
        %mul3A_922 = arith.muli %scan3A_920, %mul3A_921 : i32
        %get3A = arith.index_cast %mul3A_922 : i32 to index
        %get3A_923 = tpu.vector_load %arg7[%get3A] {strides = array<i32>} : memref<1024xf32, #tpu.memory_space<vmem>>, vector<16xf32>,
        %get3A_924 = vector.shape_cast %get3A_923 : vector<16xf32> to vector<16xf32>
        %get3A_925 = arith.constant 0 : i32
        %get3A_926 = arith.index_cast %get3A_925 : i32 to index
        %get3A_927 = arith.index_cast %mul3A_922 : i32 to index
        %get3A_928 = tpu.vector_load %arg9[%get3A_926, %get3A_927] {strides = array<i32>} : memref<32x1024xf32, #tpu.memory_space<vmem>>, vector<1x16xf32>,
        %get3A_929 = vector.shape_cast %get3A_928 : vector<1x16xf32> to vector<16xf32>
        %add3A_930 = arith.addf %get3A_929, %get3A_924 : vector<16xf32>
        %swap3A = arith.constant 0 : i32
        %swap3A_931 = arith.index_cast %swap3A : i32 to index
        %swap3A_932 = arith.index_cast %mul3A_922 : i32 to index
        %swap3A_933 = tpu.vector_load %arg9[%swap3A_931, %swap3A_932] {strides = array<i32>} : memref<32x1024xf32, #tpu.memory_space<vmem>>, vector<1x16xf32>,
        %swap3A_934 = vector.shape_cast %swap3A_933 : vector<1x16xf32> to vector<16xf32>
        %swap3A_935 = vector.shape_cast %add3A_930 : vector<16xf32> to vector<1x16xf32>
        tpu.vector_store %arg9[%swap3A_931, %swap3A_932], %swap3A_935 {strides = array<i32>} : memref<32x1024xf32, #tpu.memory_space<vmem>>, vector<1x16xf32>,
        %get3A_936 = arith.constant 1 : i32
        %get3A_937 = arith.index_cast %get3A_936 : i32 to index
        %get3A_938 = arith.index_cast %mul3A_922 : i32 to index
        %get3A_939 = tpu.vector_load %arg9[%get3A_937, %get3A_938] {strides = array<i32>} : memref<32x1024xf32, #tpu.memory_space<vmem>>, vector<1x16xf32>,
        %get3A_940 = vector.shape_cast %get3A_939 : vector<1x16xf32> to vector<16xf32>
        %add3A_941 = arith.addf %get3A_940, %get3A_924 : vector<16xf32>
        %swap3A_942 = arith.constant 1 : i32
        %swap3A_943 = arith.index_cast %swap3A_942 : i32 to index
        %swap3A_944 = arith.index_cast %mul3A_922 : i32 to index
        %swap3A_945 = tpu.vector_load %arg9[%swap3A_943, %swap3A_944] {strides = array<i32>} : memref<32x1024xf32, #tpu.memory_space<vmem>>, vector<1x16xf32>,
        %swap3A_946 = vector.shape_cast %swap3A_945 : vector<1x16xf32> to vector<16xf32>
        %swap3A_947 = vector.shape_cast %add3A_941 : vector<16xf32> to vector<1x16xf32>
        tpu.vector_store %arg9[%swap3A_943, %swap3A_944], %swap3A_947 {strides = array<i32>} : memref<32x1024xf32, #tpu.memory_space<vmem>>, vector<1x16xf32>,
        %get3A_948 = arith.constant 2 : i32
        %get3A_949 = arith.index_cast %get3A_948 : i32 to index
        %get3A_950 = arith.index_cast %mul3A_922 : i32 to index
        %get3A_951 = tpu.vector_load %arg9[%get3A_949, %get3A_950] {strides = array<i32>} : memref<32x1024xf32, #tpu.memory_space<vmem>>, vector<1x16xf32>,
        %get3A_952 = vector.shape_cast %get3A_951 : vector<1x16xf32> to vector<16xf32>
        %add3A_953 = arith.addf %get3A_952, %get3A_924 : vector<16xf32>
        %swap3A_954 = arith.constant 2 : i32
        %swap3A_955 = arith.index_cast %swap3A_954 : i32 to index
        %swap3A_956 = arith.index_cast %mul3A_922 : i32 to index
        %swap3A_957 = tpu.vector_load %arg9[%swap3A_955, %swap3A_956] {strides = array<i32>} : memref<32x1024xf32, #tpu.memory_space<vmem>>, vector<1x16xf32>,
        %swap3A_958 = vector.shape_cast %swap3A_957 : vector<1x16xf32> to vector<16xf32>
        %swap3A_959 = vector.shape_cast %add3A_953 : vector<16xf32> to vector<1x16xf32>
        tpu.vector_store %arg9[%swap3A_955, %swap3A_956], %swap3A_959 {strides = array<i32>} : memref<32x1024xf32, #tpu.memory_space<vmem>>, vector<1x16xf32>,
        %get3A_960 = arith.constant 3 : i32
        %get3A_961 = arith.index_cast %get3A_960 : i32 to index
        %get3A_962 = arith.index_cast %mul3A_922 : i32 to index
        %get3A_963 = tpu.vector_load %arg9[%get3A_961, %get3A_962] {strides = array<i32>} : memref<32x1024xf32, #tpu.memory_space<vmem>>, vector<1x16xf32>,
        %get3A_964 = vector.shape_cast %get3A_963 : vector<1x16xf32> to vector<16xf32>
        %add3A_965 = arith.addf %get3A_964, %get3A_924 : vector<16xf32>
        %swap3A_966 = arith.constant 3 : i32
        %swap3A_967 = arith.index_cast %swap3A_966 : i32 to index
        %swap3A_968 = arith.index_cast %mul3A_922 : i32 to index
        %swap3A_969 = tpu.vector_load %arg9[%swap3A_967, %swap3A_968] {strides = array<i32>} : memref<32x1024xf32, #tpu.memory_space<vmem>>, vector<1x16xf32>,
        %swap3A_970 = vector.shape_cast %swap3A_969 : vector<1x16xf32> to vector<16xf32>
        %swap3A_971 = vector.shape_cast %add3A_965 : vector<16xf32> to vector<1x16xf32>
        tpu.vector_store %arg9[%swap3A_967, %swap3A_968], %swap3A_971 {strides = array<i32>} : memref<32x1024xf32, #tpu.memory_space<vmem>>, vector<1x16xf32>,
        %get3A_972 = arith.constant 4 : i32
        %get3A_973 = arith.index_cast %get3A_972 : i32 to index
        %get3A_974 = arith.index_cast %mul3A_922 : i32 to index
        %get3A_975 = tpu.vector_load %arg9[%get3A_973, %get3A_974] {strides = array<i32>} : memref<32x1024xf32, #tpu.memory_space<vmem>>, vector<1x16xf32>,
        %get3A_976 = vector.shape_cast %get3A_975 : vector<1x16xf32> to vector<16xf32>
        %add3A_977 = arith.addf %get3A_976, %get3A_924 : vector<16xf32>
        %swap3A_978 = arith.constant 4 : i32
        %swap3A_979 = arith.index_cast %swap3A_978 : i32 to index
        %swap3A_980 = arith.index_cast %mul3A_922 : i32 to index
        %swap3A_981 = tpu.vector_load %arg9[%swap3A_979, %swap3A_980] {strides = array<i32>} : memref<32x1024xf32, #tpu.memory_space<vmem>>, vector<1x16xf32>,
        %swap3A_982 = vector.shape_cast %swap3A_981 : vector<1x16xf32> to vector<16xf32>
        %swap3A_983 = vector.shape_cast %add3A_977 : vector<16xf32> to vector<1x16xf32>
        tpu.vector_store %arg9[%swap3A_979, %swap3A_980], %swap3A_983 {strides = array<i32>} : memref<32x1024xf32, #tpu.memory_space<vmem>>, vector<1x16xf32>,
        %get3A_984 = arith.constant 5 : i32
        %get3A_985 = arith.index_cast %get3A_984 : i32 to index
        %get3A_986 = arith.index_cast %mul3A_922 : i32 to index
        %get3A_987 = tpu.vector_load %arg9[%get3A_985, %get3A_986] {strides = array<i32>} : memref<32x1024xf32, #tpu.memory_space<vmem>>, vector<1x16xf32>,
        %get3A_988 = vector.shape_cast %get3A_987 : vector<1x16xf32> to vector<16xf32>
        %add3A_989 = arith.addf %get3A_988, %get3A_924 : vector<16xf32>
        %swap3A_990 = arith.constant 5 : i32
        %swap3A_991 = arith.index_cast %swap3A_990 : i32 to index
        %swap3A_992 = arith.index_cast %mul3A_922 : i32 to index
        %swap3A_993 = tpu.vector_load %arg9[%swap3A_991, %swap3A_992] {strides = array<i32>} : memref<32x1024xf32, #tpu.memory_space<vmem>>, vector<1x16xf32>,
        %swap3A_994 = vector.shape_cast %swap3A_993 : vector<1x16xf32> to vector<16xf32>
        %swap3A_995 = vector.shape_cast %add3A_989 : vector<16xf32> to vector<1x16xf32>
        tpu.vector_store %arg9[%swap3A_991, %swap3A_992], %swap3A_995 {strides = array<i32>} : memref<32x1024xf32, #tpu.memory_space<vmem>>, vector<1x16xf32>,
        %get3A_996 = arith.constant 6 : i32
        %get3A_997 = arith.index_cast %get3A_996 : i32 to index
        %get3A_998 = arith.index_cast %mul3A_922 : i32 to index
        %get3A_999 = tpu.vector_load %arg9[%get3A_997, %get3A_998] {strides = array<i32>} : memref<32x1024xf32, #tpu.memory_space<vmem>>, vector<1x16xf32>,
        %get3A_1000 = vector.shape_cast %get3A_999 : vector<1x16xf32> to vector<16xf32>
        %add3A_1001 = arith.addf %get3A_1000, %get3A_924 : vector<16xf32>
        %swap3A_1002 = arith.constant 6 : i32
        %swap3A_1003 = arith.index_cast %swap3A_1002 : i32 to index
        %swap3A_1004 = arith.index_cast %mul3A_922 : i32 to index
        %swap3A_1005 = tpu.vector_load %arg9[%swap3A_1003, %swap3A_1004] {strides = array<i32>} : memref<32x1024xf32, #tpu.memory_space<vmem>>, vector<1x16xf32>,
        %swap3A_1006 = vector.shape_cast %swap3A_1005 : vector<1x16xf32> to vector<16xf32>
        %swap3A_1007 = vector.shape_cast %add3A_1001 : vector<16xf32> to vector<1x16xf32>
        tpu.vector_store %arg9[%swap3A_1003, %swap3A_1004], %swap3A_1007 {strides = array<i32>} : memref<32x1024xf32, #tpu.memory_space<vmem>>, vector<1x16xf32>,
        %get3A_1008 = arith.constant 7 : i32
        %get3A_1009 = arith.index_cast %get3A_1008 : i32 to index
        %get3A_1010 = arith.index_cast %mul3A_922 : i32 to index
        %get3A_1011 = tpu.vector_load %arg9[%get3A_1009, %get3A_1010] {strides = array<i32>} : memref<32x1024xf32, #tpu.memory_space<vmem>>, vector<1x16xf32>,
        %get3A_1012 = vector.shape_cast %get3A_1011 : vector<1x16xf32> to vector<16xf32>
        %add3A_1013 = arith.addf %get3A_1012, %get3A_924 : vector<16xf32>
        %swap3A_1014 = arith.constant 7 : i32
        %swap3A_1015 = arith.index_cast %swap3A_1014 : i32 to index
        %swap3A_1016 = arith.index_cast %mul3A_922 : i32 to index
        %swap3A_1017 = tpu.vector_load %arg9[%swap3A_1015, %swap3A_1016] {strides = array<i32>} : memref<32x1024xf32, #tpu.memory_space<vmem>>, vector<1x16xf32>,
        %swap3A_1018 = vector.shape_cast %swap3A_1017 : vector<1x16xf32> to vector<16xf32>
        %swap3A_1019 = vector.shape_cast %add3A_1013 : vector<16xf32> to vector<1x16xf32>
        tpu.vector_store %arg9[%swap3A_1015, %swap3A_1016], %swap3A_1019 {strides = array<i32>} : memref<32x1024xf32, #tpu.memory_space<vmem>>, vector<1x16xf32>,
        %get3A_1020 = arith.constant 8 : i32
        %get3A_1021 = arith.index_cast %get3A_1020 : i32 to index
        %get3A_1022 = arith.index_cast %mul3A_922 : i32 to index
        %get3A_1023 = tpu.vector_load %arg9[%get3A_1021, %get3A_1022] {strides = array<i32>} : memref<32x1024xf32, #tpu.memory_space<vmem>>, vector<1x16xf32>,
        %get3A_1024 = vector.shape_cast %get3A_1023 : vector<1x16xf32> to vector<16xf32>
        %add3A_1025 = arith.addf %get3A_1024, %get3A_924 : vector<16xf32>
        %swap3A_1026 = arith.constant 8 : i32
        %swap3A_1027 = arith.index_cast %swap3A_1026 : i32 to index
        %swap3A_1028 = arith.index_cast %mul3A_922 : i32 to index
        %swap3A_1029 = tpu.vector_load %arg9[%swap3A_1027, %swap3A_1028] {strides = array<i32>} : memref<32x1024xf32, #tpu.memory_space<vmem>>, vector<1x16xf32>,
        %swap3A_1030 = vector.shape_cast %swap3A_1029 : vector<1x16xf32> to vector<16xf32>
        %swap3A_1031 = vector.shape_cast %add3A_1025 : vector<16xf32> to vector<1x16xf32>
        tpu.vector_store %arg9[%swap3A_1027, %swap3A_1028], %swap3A_1031 {strides = array<i32>} : memref<32x1024xf32, #tpu.memory_space<vmem>>, vector<1x16xf32>,
        %get3A_1032 = arith.constant 9 : i32
        %get3A_1033 = arith.index_cast %get3A_1032 : i32 to index
        %get3A_1034 = arith.index_cast %mul3A_922 : i32 to index
        %get3A_1035 = tpu.vector_load %arg9[%get3A_1033, %get3A_1034] {strides = array<i32>} : memref<32x1024xf32, #tpu.memory_space<vmem>>, vector<1x16xf32>,
        %get3A_1036 = vector.shape_cast %get3A_1035 : vector<1x16xf32> to vector<16xf32>
        %add3A_1037 = arith.addf %get3A_1036, %get3A_924 : vector<16xf32>
        %swap3A_1038 = arith.constant 9 : i32
        %swap3A_1039 = arith.index_cast %swap3A_1038 : i32 to index
        %swap3A_1040 = arith.index_cast %mul3A_922 : i32 to index
        %swap3A_1041 = tpu.vector_load %arg9[%swap3A_1039, %swap3A_1040] {strides = array<i32>} : memref<32x1024xf32, #tpu.memory_space<vmem>>, vector<1x16xf32>,
        %swap3A_1042 = vector.shape_cast %swap3A_1041 : vector<1x16xf32> to vector<16xf32>
        %swap3A_1043 = vector.shape_cast %add3A_1037 : vector<16xf32> to vector<1x16xf32>
        tpu.vector_store %arg9[%swap3A_1039, %swap3A_1040], %swap3A_1043 {strides = array<i32>} : memref<32x1024xf32, #tpu.memory_space<vmem>>, vector<1x16xf32>,
        %get3A_1044 = arith.constant 10 : i32
        %get3A_1045 = arith.index_cast %get3A_1044 : i32 to index
        %get3A_1046 = arith.index_cast %mul3A_922 : i32 to index
        %get3A_1047 = tpu.vector_load %arg9[%get3A_1045, %get3A_1046] {strides = array<i32>} : memref<32x1024xf32, #tpu.memory_space<vmem>>, vector<1x16xf32>,
        %get3A_1048 = vector.shape_cast %get3A_1047 : vector<1x16xf32> to vector<16xf32>
        %add3A_1049 = arith.addf %get3A_1048, %get3A_924 : vector<16xf32>
        %swap3A_1050 = arith.constant 10 : i32
        %swap3A_1051 = arith.index_cast %swap3A_1050 : i32 to index
        %swap3A_1052 = arith.index_cast %mul3A_922 : i32 to index
        %swap3A_1053 = tpu.vector_load %arg9[%swap3A_1051, %swap3A_1052] {strides = array<i32>} : memref<32x1024xf32, #tpu.memory_space<vmem>>, vector<1x16xf32>,
        %swap3A_1054 = vector.shape_cast %swap3A_1053 : vector<1x16xf32> to vector<16xf32>
        %swap3A_1055 = vector.shape_cast %add3A_1049 : vector<16xf32> to vector<1x16xf32>
        tpu.vector_store %arg9[%swap3A_1051, %swap3A_1052], %swap3A_1055 {strides = array<i32>} : memref<32x1024xf32, #tpu.memory_space<vmem>>, vector<1x16xf32>,
        %get3A_1056 = arith.constant 11 : i32
        %get3A_1057 = arith.index_cast %get3A_1056 : i32 to index
        %get3A_1058 = arith.index_cast %mul3A_922 : i32 to index
        %get3A_1059 = tpu.vector_load %arg9[%get3A_1057, %get3A_1058] {strides = array<i32>} : memref<32x1024xf32, #tpu.memory_space<vmem>>, vector<1x16xf32>,
        %get3A_1060 = vector.shape_cast %get3A_1059 : vector<1x16xf32> to vector<16xf32>
        %add3A_1061 = arith.addf %get3A_1060, %get3A_924 : vector<16xf32>
        %swap3A_1062 = arith.constant 11 : i32
        %swap3A_1063 = arith.index_cast %swap3A_1062 : i32 to index
        %swap3A_1064 = arith.index_cast %mul3A_922 : i32 to index
        %swap3A_1065 = tpu.vector_load %arg9[%swap3A_1063, %swap3A_1064] {strides = array<i32>} : memref<32x1024xf32, #tpu.memory_space<vmem>>, vector<1x16xf32>,
        %swap3A_1066 = vector.shape_cast %swap3A_1065 : vector<1x16xf32> to vector<16xf32>
        %swap3A_1067 = vector.shape_cast %add3A_1061 : vector<16xf32> to vector<1x16xf32>
        tpu.vector_store %arg9[%swap3A_1063, %swap3A_1064], %swap3A_1067 {strides = array<i32>} : memref<32x1024xf32, #tpu.memory_space<vmem>>, vector<1x16xf32>,
        %get3A_1068 = arith.constant 12 : i32
        %get3A_1069 = arith.index_cast %get3A_1068 : i32 to index
        %get3A_1070 = arith.index_cast %mul3A_922 : i32 to index
        %get3A_1071 = tpu.vector_load %arg9[%get3A_1069, %get3A_1070] {strides = array<i32>} : memref<32x1024xf32, #tpu.memory_space<vmem>>, vector<1x16xf32>,
        %get3A_1072 = vector.shape_cast %get3A_1071 : vector<1x16xf32> to vector<16xf32>
        %add3A_1073 = arith.addf %get3A_1072, %get3A_924 : vector<16xf32>
        %swap3A_1074 = arith.constant 12 : i32
        %swap3A_1075 = arith.index_cast %swap3A_1074 : i32 to index
        %swap3A_1076 = arith.index_cast %mul3A_922 : i32 to index
        %swap3A_1077 = tpu.vector_load %arg9[%swap3A_1075, %swap3A_1076] {strides = array<i32>} : memref<32x1024xf32, #tpu.memory_space<vmem>>, vector<1x16xf32>,
        %swap3A_1078 = vector.shape_cast %swap3A_1077 : vector<1x16xf32> to vector<16xf32>
        %swap3A_1079 = vector.shape_cast %add3A_1073 : vector<16xf32> to vector<1x16xf32>
        tpu.vector_store %arg9[%swap3A_1075, %swap3A_1076], %swap3A_1079 {strides = array<i32>} : memref<32x1024xf32, #tpu.memory_space<vmem>>, vector<1x16xf32>,
        %get3A_1080 = arith.constant 13 : i32
        %get3A_1081 = arith.index_cast %get3A_1080 : i32 to index
        %get3A_1082 = arith.index_cast %mul3A_922 : i32 to index
        %get3A_1083 = tpu.vector_load %arg9[%get3A_1081, %get3A_1082] {strides = array<i32>} : memref<32x1024xf32, #tpu.memory_space<vmem>>, vector<1x16xf32>,
        %get3A_1084 = vector.shape_cast %get3A_1083 : vector<1x16xf32> to vector<16xf32>
        %add3A_1085 = arith.addf %get3A_1084, %get3A_924 : vector<16xf32>
        %swap3A_1086 = arith.constant 13 : i32
        %swap3A_1087 = arith.index_cast %swap3A_1086 : i32 to index
        %swap3A_1088 = arith.index_cast %mul3A_922 : i32 to index
        %swap3A_1089 = tpu.vector_load %arg9[%swap3A_1087, %swap3A_1088] {strides = array<i32>} : memref<32x1024xf32, #tpu.memory_space<vmem>>, vector<1x16xf32>,
        %swap3A_1090 = vector.shape_cast %swap3A_1089 : vector<1x16xf32> to vector<16xf32>
        %swap3A_1091 = vector.shape_cast %add3A_1085 : vector<16xf32> to vector<1x16xf32>
        tpu.vector_store %arg9[%swap3A_1087, %swap3A_1088], %swap3A_1091 {strides = array<i32>} : memref<32x1024xf32, #tpu.memory_space<vmem>>, vector<1x16xf32>,
        %get3A_1092 = arith.constant 14 : i32
        %get3A_1093 = arith.index_cast %get3A_1092 : i32 to index
        %get3A_1094 = arith.index_cast %mul3A_922 : i32 to index
        %get3A_1095 = tpu.vector_load %arg9[%get3A_1093, %get3A_1094] {strides = array<i32>} : memref<32x1024xf32, #tpu.memory_space<vmem>>, vector<1x16xf32>,
        %get3A_1096 = vector.shape_cast %get3A_1095 : vector<1x16xf32> to vector<16xf32>
        %add3A_1097 = arith.addf %get3A_1096, %get3A_924 : vector<16xf32>
        %swap3A_1098 = arith.constant 14 : i32
        %swap3A_1099 = arith.index_cast %swap3A_1098 : i32 to index
        %swap3A_1100 = arith.index_cast %mul3A_922 : i32 to index
        %swap3A_1101 = tpu.vector_load %arg9[%swap3A_1099, %swap3A_1100] {strides = array<i32>} : memref<32x1024xf32, #tpu.memory_space<vmem>>, vector<1x16xf32>,
        %swap3A_1102 = vector.shape_cast %swap3A_1101 : vector<1x16xf32> to vector<16xf32>
        %swap3A_1103 = vector.shape_cast %add3A_1097 : vector<16xf32> to vector<1x16xf32>
        tpu.vector_store %arg9[%swap3A_1099, %swap3A_1100], %swap3A_1103 {strides = array<i32>} : memref<32x1024xf32, #tpu.memory_space<vmem>>, vector<1x16xf32>,
        %get3A_1104 = arith.constant 15 : i32
        %get3A_1105 = arith.index_cast %get3A_1104 : i32 to index
        %get3A_1106 = arith.index_cast %mul3A_922 : i32 to index
        %get3A_1107 = tpu.vector_load %arg9[%get3A_1105, %get3A_1106] {strides = array<i32>} : memref<32x1024xf32, #tpu.memory_space<vmem>>, vector<1x16xf32>,
        %get3A_1108 = vector.shape_cast %get3A_1107 : vector<1x16xf32> to vector<16xf32>
        %add3A_1109 = arith.addf %get3A_1108, %get3A_924 : vector<16xf32>
        %swap3A_1110 = arith.constant 15 : i32
        %swap3A_1111 = arith.index_cast %swap3A_1110 : i32 to index
        %swap3A_1112 = arith.index_cast %mul3A_922 : i32 to index
        %swap3A_1113 = tpu.vector_load %arg9[%swap3A_1111, %swap3A_1112] {strides = array<i32>} : memref<32x1024xf32, #tpu.memory_space<vmem>>, vector<1x16xf32>,
        %swap3A_1114 = vector.shape_cast %swap3A_1113 : vector<1x16xf32> to vector<16xf32>
        %swap3A_1115 = vector.shape_cast %add3A_1109 : vector<16xf32> to vector<1x16xf32>
        tpu.vector_store %arg9[%swap3A_1111, %swap3A_1112], %swap3A_1115 {strides = array<i32>} : memref<32x1024xf32, #tpu.memory_space<vmem>>, vector<1x16xf32>,
        %get3A_1116 = arith.constant 16 : i32
        %get3A_1117 = arith.index_cast %get3A_1116 : i32 to index
        %get3A_1118 = arith.index_cast %mul3A_922 : i32 to index
        %get3A_1119 = tpu.vector_load %arg9[%get3A_1117, %get3A_1118] {strides = array<i32>} : memref<32x1024xf32, #tpu.memory_space<vmem>>, vector<1x16xf32>,
        %get3A_1120 = vector.shape_cast %get3A_1119 : vector<1x16xf32> to vector<16xf32>
        %add3A_1121 = arith.addf %get3A_1120, %get3A_924 : vector<16xf32>
        %swap3A_1122 = arith.constant 16 : i32
        %swap3A_1123 = arith.index_cast %swap3A_1122 : i32 to index
        %swap3A_1124 = arith.index_cast %mul3A_922 : i32 to index
        %swap3A_1125 = tpu.vector_load %arg9[%swap3A_1123, %swap3A_1124] {strides = array<i32>} : memref<32x1024xf32, #tpu.memory_space<vmem>>, vector<1x16xf32>,
        %swap3A_1126 = vector.shape_cast %swap3A_1125 : vector<1x16xf32> to vector<16xf32>
        %swap3A_1127 = vector.shape_cast %add3A_1121 : vector<16xf32> to vector<1x16xf32>
        tpu.vector_store %arg9[%swap3A_1123, %swap3A_1124], %swap3A_1127 {strides = array<i32>} : memref<32x1024xf32, #tpu.memory_space<vmem>>, vector<1x16xf32>,
        %get3A_1128 = arith.constant 17 : i32
        %get3A_1129 = arith.index_cast %get3A_1128 : i32 to index
        %get3A_1130 = arith.index_cast %mul3A_922 : i32 to index
        %get3A_1131 = tpu.vector_load %arg9[%get3A_1129, %get3A_1130] {strides = array<i32>} : memref<32x1024xf32, #tpu.memory_space<vmem>>, vector<1x16xf32>,
        %get3A_1132 = vector.shape_cast %get3A_1131 : vector<1x16xf32> to vector<16xf32>
        %add3A_1133 = arith.addf %get3A_1132, %get3A_924 : vector<16xf32>
        %swap3A_1134 = arith.constant 17 : i32
        %swap3A_1135 = arith.index_cast %swap3A_1134 : i32 to index
        %swap3A_1136 = arith.index_cast %mul3A_922 : i32 to index
        %swap3A_1137 = tpu.vector_load %arg9[%swap3A_1135, %swap3A_1136] {strides = array<i32>} : memref<32x1024xf32, #tpu.memory_space<vmem>>, vector<1x16xf32>,
        %swap3A_1138 = vector.shape_cast %swap3A_1137 : vector<1x16xf32> to vector<16xf32>
        %swap3A_1139 = vector.shape_cast %add3A_1133 : vector<16xf32> to vector<1x16xf32>
        tpu.vector_store %arg9[%swap3A_1135, %swap3A_1136], %swap3A_1139 {strides = array<i32>} : memref<32x1024xf32, #tpu.memory_space<vmem>>, vector<1x16xf32>,
        %get3A_1140 = arith.constant 18 : i32
        %get3A_1141 = arith.index_cast %get3A_1140 : i32 to index
        %get3A_1142 = arith.index_cast %mul3A_922 : i32 to index
        %get3A_1143 = tpu.vector_load %arg9[%get3A_1141, %get3A_1142] {strides = array<i32>} : memref<32x1024xf32, #tpu.memory_space<vmem>>, vector<1x16xf32>,
        %get3A_1144 = vector.shape_cast %get3A_1143 : vector<1x16xf32> to vector<16xf32>
        %add3A_1145 = arith.addf %get3A_1144, %get3A_924 : vector<16xf32>
        %swap3A_1146 = arith.constant 18 : i32
        %swap3A_1147 = arith.index_cast %swap3A_1146 : i32 to index
        %swap3A_1148 = arith.index_cast %mul3A_922 : i32 to index
        %swap3A_1149 = tpu.vector_load %arg9[%swap3A_1147, %swap3A_1148] {strides = array<i32>} : memref<32x1024xf32, #tpu.memory_space<vmem>>, vector<1x16xf32>,
        %swap3A_1150 = vector.shape_cast %swap3A_1149 : vector<1x16xf32> to vector<16xf32>
        %swap3A_1151 = vector.shape_cast %add3A_1145 : vector<16xf32> to vector<1x16xf32>
        tpu.vector_store %arg9[%swap3A_1147, %swap3A_1148], %swap3A_1151 {strides = array<i32>} : memref<32x1024xf32, #tpu.memory_space<vmem>>, vector<1x16xf32>,
        %get3A_1152 = arith.constant 19 : i32
        %get3A_1153 = arith.index_cast %get3A_1152 : i32 to index
        %get3A_1154 = arith.index_cast %mul3A_922 : i32 to index
        %get3A_1155 = tpu.vector_load %arg9[%get3A_1153, %get3A_1154] {strides = array<i32>} : memref<32x1024xf32, #tpu.memory_space<vmem>>, vector<1x16xf32>,
        %get3A_1156 = vector.shape_cast %get3A_1155 : vector<1x16xf32> to vector<16xf32>
        %add3A_1157 = arith.addf %get3A_1156, %get3A_924 : vector<16xf32>
        %swap3A_1158 = arith.constant 19 : i32
        %swap3A_1159 = arith.index_cast %swap3A_1158 : i32 to index
        %swap3A_1160 = arith.index_cast %mul3A_922 : i32 to index
        %swap3A_1161 = tpu.vector_load %arg9[%swap3A_1159, %swap3A_1160] {strides = array<i32>} : memref<32x1024xf32, #tpu.memory_space<vmem>>, vector<1x16xf32>,
        %swap3A_1162 = vector.shape_cast %swap3A_1161 : vector<1x16xf32> to vector<16xf32>
        %swap3A_1163 = vector.shape_cast %add3A_1157 : vector<16xf32> to vector<1x16xf32>
        tpu.vector_store %arg9[%swap3A_1159, %swap3A_1160], %swap3A_1163 {strides = array<i32>} : memref<32x1024xf32, #tpu.memory_space<vmem>>, vector<1x16xf32>,
        %get3A_1164 = arith.constant 20 : i32
        %get3A_1165 = arith.index_cast %get3A_1164 : i32 to index
        %get3A_1166 = arith.index_cast %mul3A_922 : i32 to index
        %get3A_1167 = tpu.vector_load %arg9[%get3A_1165, %get3A_1166] {strides = array<i32>} : memref<32x1024xf32, #tpu.memory_space<vmem>>, vector<1x16xf32>,
        %get3A_1168 = vector.shape_cast %get3A_1167 : vector<1x16xf32> to vector<16xf32>
        %add3A_1169 = arith.addf %get3A_1168, %get3A_924 : vector<16xf32>
        %swap3A_1170 = arith.constant 20 : i32
        %swap3A_1171 = arith.index_cast %swap3A_1170 : i32 to index
        %swap3A_1172 = arith.index_cast %mul3A_922 : i32 to index
        %swap3A_1173 = tpu.vector_load %arg9[%swap3A_1171, %swap3A_1172] {strides = array<i32>} : memref<32x1024xf32, #tpu.memory_space<vmem>>, vector<1x16xf32>,
        %swap3A_1174 = vector.shape_cast %swap3A_1173 : vector<1x16xf32> to vector<16xf32>
        %swap3A_1175 = vector.shape_cast %add3A_1169 : vector<16xf32> to vector<1x16xf32>
        tpu.vector_store %arg9[%swap3A_1171, %swap3A_1172], %swap3A_1175 {strides = array<i32>} : memref<32x1024xf32, #tpu.memory_space<vmem>>, vector<1x16xf32>,
        %get3A_1176 = arith.constant 21 : i32
        %get3A_1177 = arith.index_cast %get3A_1176 : i32 to index
        %get3A_1178 = arith.index_cast %mul3A_922 : i32 to index
        %get3A_1179 = tpu.vector_load %arg9[%get3A_1177, %get3A_1178] {strides = array<i32>} : memref<32x1024xf32, #tpu.memory_space<vmem>>, vector<1x16xf32>,
        %get3A_1180 = vector.shape_cast %get3A_1179 : vector<1x16xf32> to vector<16xf32>
        %add3A_1181 = arith.addf %get3A_1180, %get3A_924 : vector<16xf32>
        %swap3A_1182 = arith.constant 21 : i32
        %swap3A_1183 = arith.index_cast %swap3A_1182 : i32 to index
        %swap3A_1184 = arith.index_cast %mul3A_922 : i32 to index
        %swap3A_1185 = tpu.vector_load %arg9[%swap3A_1183, %swap3A_1184] {strides = array<i32>} : memref<32x1024xf32, #tpu.memory_space<vmem>>, vector<1x16xf32>,
        %swap3A_1186 = vector.shape_cast %swap3A_1185 : vector<1x16xf32> to vector<16xf32>
        %swap3A_1187 = vector.shape_cast %add3A_1181 : vector<16xf32> to vector<1x16xf32>
        tpu.vector_store %arg9[%swap3A_1183, %swap3A_1184], %swap3A_1187 {strides = array<i32>} : memref<32x1024xf32, #tpu.memory_space<vmem>>, vector<1x16xf32>,
        %get3A_1188 = arith.constant 22 : i32
        %get3A_1189 = arith.index_cast %get3A_1188 : i32 to index
        %get3A_1190 = arith.index_cast %mul3A_922 : i32 to index
        %get3A_1191 = tpu.vector_load %arg9[%get3A_1189, %get3A_1190] {strides = array<i32>} : memref<32x1024xf32, #tpu.memory_space<vmem>>, vector<1x16xf32>,
        %get3A_1192 = vector.shape_cast %get3A_1191 : vector<1x16xf32> to vector<16xf32>
        %add3A_1193 = arith.addf %get3A_1192, %get3A_924 : vector<16xf32>
        %swap3A_1194 = arith.constant 22 : i32
        %swap3A_1195 = arith.index_cast %swap3A_1194 : i32 to index
        %swap3A_1196 = arith.index_cast %mul3A_922 : i32 to index
        %swap3A_1197 = tpu.vector_load %arg9[%swap3A_1195, %swap3A_1196] {strides = array<i32>} : memref<32x1024xf32, #tpu.memory_space<vmem>>, vector<1x16xf32>,
        %swap3A_1198 = vector.shape_cast %swap3A_1197 : vector<1x16xf32> to vector<16xf32>
        %swap3A_1199 = vector.shape_cast %add3A_1193 : vector<16xf32> to vector<1x16xf32>
        tpu.vector_store %arg9[%swap3A_1195, %swap3A_1196], %swap3A_1199 {strides = array<i32>} : memref<32x1024xf32, #tpu.memory_space<vmem>>, vector<1x16xf32>,
        %get3A_1200 = arith.constant 23 : i32
        %get3A_1201 = arith.index_cast %get3A_1200 : i32 to index
        %get3A_1202 = arith.index_cast %mul3A_922 : i32 to index
        %get3A_1203 = tpu.vector_load %arg9[%get3A_1201, %get3A_1202] {strides = array<i32>} : memref<32x1024xf32, #tpu.memory_space<vmem>>, vector<1x16xf32>,
        %get3A_1204 = vector.shape_cast %get3A_1203 : vector<1x16xf32> to vector<16xf32>
        %add3A_1205 = arith.addf %get3A_1204, %get3A_924 : vector<16xf32>
        %swap3A_1206 = arith.constant 23 : i32
        %swap3A_1207 = arith.index_cast %swap3A_1206 : i32 to index
        %swap3A_1208 = arith.index_cast %mul3A_922 : i32 to index
        %swap3A_1209 = tpu.vector_load %arg9[%swap3A_1207, %swap3A_1208] {strides = array<i32>} : memref<32x1024xf32, #tpu.memory_space<vmem>>, vector<1x16xf32>,
        %swap3A_1210 = vector.shape_cast %swap3A_1209 : vector<1x16xf32> to vector<16xf32>
        %swap3A_1211 = vector.shape_cast %add3A_1205 : vector<16xf32> to vector<1x16xf32>
        tpu.vector_store %arg9[%swap3A_1207, %swap3A_1208], %swap3A_1211 {strides = array<i32>} : memref<32x1024xf32, #tpu.memory_space<vmem>>, vector<1x16xf32>,
        %get3A_1212 = arith.constant 24 : i32
        %get3A_1213 = arith.index_cast %get3A_1212 : i32 to index
        %get3A_1214 = arith.index_cast %mul3A_922 : i32 to index
        %get3A_1215 = tpu.vector_load %arg9[%get3A_1213, %get3A_1214] {strides = array<i32>} : memref<32x1024xf32, #tpu.memory_space<vmem>>, vector<1x16xf32>,
        %get3A_1216 = vector.shape_cast %get3A_1215 : vector<1x16xf32> to vector<16xf32>
        %add3A_1217 = arith.addf %get3A_1216, %get3A_924 : vector<16xf32>
        %swap3A_1218 = arith.constant 24 : i32
        %swap3A_1219 = arith.index_cast %swap3A_1218 : i32 to index
        %swap3A_1220 = arith.index_cast %mul3A_922 : i32 to index
        %swap3A_1221 = tpu.vector_load %arg9[%swap3A_1219, %swap3A_1220] {strides = array<i32>} : memref<32x1024xf32, #tpu.memory_space<vmem>>, vector<1x16xf32>,
        %swap3A_1222 = vector.shape_cast %swap3A_1221 : vector<1x16xf32> to vector<16xf32>
        %swap3A_1223 = vector.shape_cast %add3A_1217 : vector<16xf32> to vector<1x16xf32>
        tpu.vector_store %arg9[%swap3A_1219, %swap3A_1220], %swap3A_1223 {strides = array<i32>} : memref<32x1024xf32, #tpu.memory_space<vmem>>, vector<1x16xf32>,
        %get3A_1224 = arith.constant 25 : i32
        %get3A_1225 = arith.index_cast %get3A_1224 : i32 to index
        %get3A_1226 = arith.index_cast %mul3A_922 : i32 to index
        %get3A_1227 = tpu.vector_load %arg9[%get3A_1225, %get3A_1226] {strides = array<i32>} : memref<32x1024xf32, #tpu.memory_space<vmem>>, vector<1x16xf32>,
        %get3A_1228 = vector.shape_cast %get3A_1227 : vector<1x16xf32> to vector<16xf32>
        %add3A_1229 = arith.addf %get3A_1228, %get3A_924 : vector<16xf32>
        %swap3A_1230 = arith.constant 25 : i32
        %swap3A_1231 = arith.index_cast %swap3A_1230 : i32 to index
        %swap3A_1232 = arith.index_cast %mul3A_922 : i32 to index
        %swap3A_1233 = tpu.vector_load %arg9[%swap3A_1231, %swap3A_1232] {strides = array<i32>} : memref<32x1024xf32, #tpu.memory_space<vmem>>, vector<1x16xf32>,
        %swap3A_1234 = vector.shape_cast %swap3A_1233 : vector<1x16xf32> to vector<16xf32>
        %swap3A_1235 = vector.shape_cast %add3A_1229 : vector<16xf32> to vector<1x16xf32>
        tpu.vector_store %arg9[%swap3A_1231, %swap3A_1232], %swap3A_1235 {strides = array<i32>} : memref<32x1024xf32, #tpu.memory_space<vmem>>, vector<1x16xf32>,
        %get3A_1236 = arith.constant 26 : i32
        %get3A_1237 = arith.index_cast %get3A_1236 : i32 to index
        %get3A_1238 = arith.index_cast %mul3A_922 : i32 to index
        %get3A_1239 = tpu.vector_load %arg9[%get3A_1237, %get3A_1238] {strides = array<i32>} : memref<32x1024xf32, #tpu.memory_space<vmem>>, vector<1x16xf32>,
        %get3A_1240 = vector.shape_cast %get3A_1239 : vector<1x16xf32> to vector<16xf32>
        %add3A_1241 = arith.addf %get3A_1240, %get3A_924 : vector<16xf32>
        %swap3A_1242 = arith.constant 26 : i32
        %swap3A_1243 = arith.index_cast %swap3A_1242 : i32 to index
        %swap3A_1244 = arith.index_cast %mul3A_922 : i32 to index
        %swap3A_1245 = tpu.vector_load %arg9[%swap3A_1243, %swap3A_1244] {strides = array<i32>} : memref<32x1024xf32, #tpu.memory_space<vmem>>, vector<1x16xf32>,
        %swap3A_1246 = vector.shape_cast %swap3A_1245 : vector<1x16xf32> to vector<16xf32>
        %swap3A_1247 = vector.shape_cast %add3A_1241 : vector<16xf32> to vector<1x16xf32>
        tpu.vector_store %arg9[%swap3A_1243, %swap3A_1244], %swap3A_1247 {strides = array<i32>} : memref<32x1024xf32, #tpu.memory_space<vmem>>, vector<1x16xf32>,
        %get3A_1248 = arith.constant 27 : i32
        %get3A_1249 = arith.index_cast %get3A_1248 : i32 to index
        %get3A_1250 = arith.index_cast %mul3A_922 : i32 to index
        %get3A_1251 = tpu.vector_load %arg9[%get3A_1249, %get3A_1250] {strides = array<i32>} : memref<32x1024xf32, #tpu.memory_space<vmem>>, vector<1x16xf32>,
        %get3A_1252 = vector.shape_cast %get3A_1251 : vector<1x16xf32> to vector<16xf32>
        %add3A_1253 = arith.addf %get3A_1252, %get3A_924 : vector<16xf32>
        %swap3A_1254 = arith.constant 27 : i32
        %swap3A_1255 = arith.index_cast %swap3A_1254 : i32 to index
        %swap3A_1256 = arith.index_cast %mul3A_922 : i32 to index
        %swap3A_1257 = tpu.vector_load %arg9[%swap3A_1255, %swap3A_1256] {strides = array<i32>} : memref<32x1024xf32, #tpu.memory_space<vmem>>, vector<1x16xf32>,
        %swap3A_1258 = vector.shape_cast %swap3A_1257 : vector<1x16xf32> to vector<16xf32>
        %swap3A_1259 = vector.shape_cast %add3A_1253 : vector<16xf32> to vector<1x16xf32>
        tpu.vector_store %arg9[%swap3A_1255, %swap3A_1256], %swap3A_1259 {strides = array<i32>} : memref<32x1024xf32, #tpu.memory_space<vmem>>, vector<1x16xf32>,
        %get3A_1260 = arith.constant 28 : i32
        %get3A_1261 = arith.index_cast %get3A_1260 : i32 to index
        %get3A_1262 = arith.index_cast %mul3A_922 : i32 to index
        %get3A_1263 = tpu.vector_load %arg9[%get3A_1261, %get3A_1262] {strides = array<i32>} : memref<32x1024xf32, #tpu.memory_space<vmem>>, vector<1x16xf32>,
        %get3A_1264 = vector.shape_cast %get3A_1263 : vector<1x16xf32> to vector<16xf32>
        %add3A_1265 = arith.addf %get3A_1264, %get3A_924 : vector<16xf32>
        %swap3A_1266 = arith.constant 28 : i32
        %swap3A_1267 = arith.index_cast %swap3A_1266 : i32 to index
        %swap3A_1268 = arith.index_cast %mul3A_922 : i32 to index
        %swap3A_1269 = tpu.vector_load %arg9[%swap3A_1267, %swap3A_1268] {strides = array<i32>} : memref<32x1024xf32, #tpu.memory_space<vmem>>, vector<1x16xf32>,
        %swap3A_1270 = vector.shape_cast %swap3A_1269 : vector<1x16xf32> to vector<16xf32>
        %swap3A_1271 = vector.shape_cast %add3A_1265 : vector<16xf32> to vector<1x16xf32>
        tpu.vector_store %arg9[%swap3A_1267, %swap3A_1268], %swap3A_1271 {strides = array<i32>} : memref<32x1024xf32, #tpu.memory_space<vmem>>, vector<1x16xf32>,
        %get3A_1272 = arith.constant 29 : i32
        %get3A_1273 = arith.index_cast %get3A_1272 : i32 to index
        %get3A_1274 = arith.index_cast %mul3A_922 : i32 to index
        %get3A_1275 = tpu.vector_load %arg9[%get3A_1273, %get3A_1274] {strides = array<i32>} : memref<32x1024xf32, #tpu.memory_space<vmem>>, vector<1x16xf32>,
        %get3A_1276 = vector.shape_cast %get3A_1275 : vector<1x16xf32> to vector<16xf32>
        %add3A_1277 = arith.addf %get3A_1276, %get3A_924 : vector<16xf32>
        %swap3A_1278 = arith.constant 29 : i32
        %swap3A_1279 = arith.index_cast %swap3A_1278 : i32 to index
        %swap3A_1280 = arith.index_cast %mul3A_922 : i32 to index
        %swap3A_1281 = tpu.vector_load %arg9[%swap3A_1279, %swap3A_1280] {strides = array<i32>} : memref<32x1024xf32, #tpu.memory_space<vmem>>, vector<1x16xf32>,
        %swap3A_1282 = vector.shape_cast %swap3A_1281 : vector<1x16xf32> to vector<16xf32>
        %swap3A_1283 = vector.shape_cast %add3A_1277 : vector<16xf32> to vector<1x16xf32>
        tpu.vector_store %arg9[%swap3A_1279, %swap3A_1280], %swap3A_1283 {strides = array<i32>} : memref<32x1024xf32, #tpu.memory_space<vmem>>, vector<1x16xf32>,
        %get3A_1284 = arith.constant 30 : i32
        %get3A_1285 = arith.index_cast %get3A_1284 : i32 to index
        %get3A_1286 = arith.index_cast %mul3A_922 : i32 to index
        %get3A_1287 = tpu.vector_load %arg9[%get3A_1285, %get3A_1286] {strides = array<i32>} : memref<32x1024xf32, #tpu.memory_space<vmem>>, vector<1x16xf32>,
        %get3A_1288 = vector.shape_cast %get3A_1287 : vector<1x16xf32> to vector<16xf32>
        %add3A_1289 = arith.addf %get3A_1288, %get3A_924 : vector<16xf32>
        %swap3A_1290 = arith.constant 30 : i32
        %swap3A_1291 = arith.index_cast %swap3A_1290 : i32 to index
        %swap3A_1292 = arith.index_cast %mul3A_922 : i32 to index
        %swap3A_1293 = tpu.vector_load %arg9[%swap3A_1291, %swap3A_1292] {strides = array<i32>} : memref<32x1024xf32, #tpu.memory_space<vmem>>, vector<1x16xf32>,
        %swap3A_1294 = vector.shape_cast %swap3A_1293 : vector<1x16xf32> to vector<16xf32>
        %swap3A_1295 = vector.shape_cast %add3A_1289 : vector<16xf32> to vector<1x16xf32>
        tpu.vector_store %arg9[%swap3A_1291, %swap3A_1292], %swap3A_1295 {strides = array<i32>} : memref<32x1024xf32, #tpu.memory_space<vmem>>, vector<1x16xf32>,
        %get3A_1296 = arith.constant 31 : i32
        %get3A_1297 = arith.index_cast %get3A_1296 : i32 to index
        %get3A_1298 = arith.index_cast %mul3A_922 : i32 to index
        %get3A_1299 = tpu.vector_load %arg9[%get3A_1297, %get3A_1298] {strides = array<i32>} : memref<32x1024xf32, #tpu.memory_space<vmem>>, vector<1x16xf32>,
        %get3A_1300 = vector.shape_cast %get3A_1299 : vector<1x16xf32> to vector<16xf32>
        %add3A_1301 = arith.addf %get3A_1300, %get3A_924 : vector<16xf32>
        %swap3A_1302 = arith.constant 31 : i32
        %swap3A_1303 = arith.index_cast %swap3A_1302 : i32 to index
        %swap3A_1304 = arith.index_cast %mul3A_922 : i32 to index
        %swap3A_1305 = tpu.vector_load %arg9[%swap3A_1303, %swap3A_1304] {strides = array<i32>} : memref<32x1024xf32, #tpu.memory_space<vmem>>, vector<1x16xf32>,
        %swap3A_1306 = vector.shape_cast %swap3A_1305 : vector<1x16xf32> to vector<16xf32>
        %swap3A_1307 = vector.shape_cast %add3A_1301 : vector<16xf32> to vector<1x16xf32>
        tpu.vector_store %arg9[%swap3A_1303, %swap3A_1304], %swap3A_1307 {strides = array<i32>} : memref<32x1024xf32, #tpu.memory_space<vmem>>, vector<1x16xf32>,
      }
      %scan3A_633 = arith.constant 64 : i32
      %iota3A_634 = tpu.iota {dimensions = array<i32: 0>} : vector<16xi32>
      %jit3A_635 = arith.constant 4 : i32
      %eq3A_636 = arith.constant 0 : i32
      %eq3A_637 = arith.cmpi eq, %jit3A_635, %eq3A_636 : i32
      %jit3A_638 = arith.constant 1 : i32
      %select_n3A_639 = arith.select %eq3A_637, %jit3A_638, %jit3A_635 : i32
      %rem3A_640 = arith.remsi %add3A_601, %select_n3A_639 : i32
      %ne3A_641 = arith.constant 0 : i32
      %ne3A_642 = arith.cmpi ne, %rem3A_640, %ne3A_641 : i32
      %lt3A_643 = arith.constant 0 : i32
      %lt3A_644 = arith.cmpi slt, %rem3A_640, %lt3A_643 : i32
      %lt3A_645 = arith.constant 0 : i32
      %lt3A_646 = arith.cmpi slt, %select_n3A_639, %lt3A_645 : i32
      %ne3A_647 = arith.xori %lt3A_644, %lt3A_646 : i1
      %and3A_648 = arith.andi %ne3A_647, %ne3A_642 : i1
      %add3A_649 = arith.addi %rem3A_640, %select_n3A_639 : i32
      %select_n3A_650 = arith.select %and3A_648, %add3A_649, %rem3A_640 : i32
      %mul3A_651 = arith.constant 32 : i32
      %mul3A_652 = arith.muli %select_n3A_650, %mul3A_651 : i32
      %add3A_653 = arith.constant 0 : i32
      %add3A_654 = arith.addi %mul3A_652, %add3A_653 : i32
      %add3A_655 = vector.broadcast %add3A_654 : i32 to vector<16xi32>
      %add3A_656 = arith.addi %iota3A_634, %add3A_655 : vector<16xi32>
      %mul3A_657 = arith.constant 77 : i32
      %mul3A_658 = vector.broadcast %mul3A_657 : i32 to vector<16xi32>
      %mul3A_659 = arith.muli %add3A_656, %mul3A_658 : vector<16xi32>
      %jit3A_660 = arith.constant 4 : i32
      %div3A_661 = arith.divsi %add3A_601, %jit3A_660 : i32
      %sign3A_662 = arith.constant 0 : i32
      %sign3A_663 = arith.cmpi sgt, %add3A_601, %sign3A_662 : i32
      %sign3A_664 = arith.extui %sign3A_663 : i1 to i32
      %sign3A_665 = arith.constant 0 : i32
      %sign3A_666 = arith.cmpi slt, %add3A_601, %sign3A_665 : i32
      %sign3A_667 = arith.extui %sign3A_666 : i1 to i32
      %sign3A_668 = arith.subi %sign3A_664, %sign3A_667 : i32
      %sign3A_669 = arith.constant 0 : i32
      %sign3A_670 = arith.cmpi sgt, %jit3A_660, %sign3A_669 : i32
      %sign3A_671 = arith.extui %sign3A_670 : i1 to i32
      %sign3A_672 = arith.constant 0 : i32
      %sign3A_673 = arith.cmpi slt, %jit3A_660, %sign3A_672 : i32
      %sign3A_674 = arith.extui %sign3A_673 : i1 to i32
      %sign3A_675 = arith.subi %sign3A_671, %sign3A_674 : i32
      %ne3A_676 = arith.cmpi ne, %sign3A_668, %sign3A_675 : i32
      %rem3A_677 = arith.remsi %add3A_601, %jit3A_660 : i32
      %ne3A_678 = arith.constant 0 : i32
      %ne3A_679 = arith.cmpi ne, %rem3A_677, %ne3A_678 : i32
      %and3A_680 = arith.andi %ne3A_676, %ne3A_679 : i1
      %sub3A_681 = arith.constant 1 : i32
      %sub3A_682 = arith.subi %div3A_661, %sub3A_681 : i32
      %select_n3A_683 = arith.select %and3A_680, %sub3A_682, %div3A_661 : i32
      %add3A_684 = arith.addi %mul3A_2, %select_n3A_683 : i32
      %add3A_685 = vector.broadcast %add3A_684 : i32 to vector<16xi32>
      %add3A_686 = arith.addi %mul3A_659, %add3A_685 : vector<16xi32>
      %dma_start3A_687 = arith.constant 0 : i32
      %dma_start3A_688 = arith.constant 0 : i32
      %dma_start3A_689 = tpu.memref_slice %arg9[%dma_start3A_687, %dma_start3A_688] : memref<32x1024xf32, #tpu.memory_space<vmem>> -> memref<16x1024xf32, #tpu.memory_space<vmem>>
      %dma_start3A_690 = arith.constant 0 : i32
      %dma_start3A_691 = arith.constant 0 : i32
      %dma_start3A_692 = tpu.memref_slice %arg5[%dma_start3A_690, %dma_start3A_691] : memref<315392x1024xf32, #tpu.memory_space<hbm>> -> memref<315392x1024xf32, #tpu.memory_space<hbm>>
      tpu.enqueue_indirect_dma source(%dma_start3A_689 : memref<16x1024xf32, #tpu.memory_space<vmem>>) target(%dma_start3A_692 : memref<315392x1024xf32, #tpu.memory_space<hbm>>) offsets(%add3A_686 : vector<16xi32>) semaphore(%arg15 : memref<!tpu.dma_semaphore, #tpu.memory_space<semaphore_mem>>)
      %iota3A_693 = tpu.iota {dimensions = array<i32: 0>} : vector<16xi32>
      %jit3A_694 = arith.constant 4 : i32
      %eq3A_695 = arith.constant 0 : i32
      %eq3A_696 = arith.cmpi eq, %jit3A_694, %eq3A_695 : i32
      %jit3A_697 = arith.constant 1 : i32
      %select_n3A_698 = arith.select %eq3A_696, %jit3A_697, %jit3A_694 : i32
      %rem3A_699 = arith.remsi %add3A_601, %select_n3A_698 : i32
      %ne3A_700 = arith.constant 0 : i32
      %ne3A_701 = arith.cmpi ne, %rem3A_699, %ne3A_700 : i32
      %lt3A_702 = arith.constant 0 : i32
      %lt3A_703 = arith.cmpi slt, %rem3A_699, %lt3A_702 : i32
      %lt3A_704 = arith.constant 0 : i32
      %lt3A_705 = arith.cmpi slt, %select_n3A_698, %lt3A_704 : i32
      %ne3A_706 = arith.xori %lt3A_703, %lt3A_705 : i1
      %and3A_707 = arith.andi %ne3A_706, %ne3A_701 : i1
      %add3A_708 = arith.addi %rem3A_699, %select_n3A_698 : i32
      %select_n3A_709 = arith.select %and3A_707, %add3A_708, %rem3A_699 : i32
      %mul3A_710 = arith.constant 32 : i32
      %mul3A_711 = arith.muli %select_n3A_709, %mul3A_710 : i32
      %add3A_712 = arith.constant 16 : i32
      %add3A_713 = arith.addi %mul3A_711, %add3A_712 : i32
      %add3A_714 = vector.broadcast %add3A_713 : i32 to vector<16xi32>
      %add3A_715 = arith.addi %iota3A_693, %add3A_714 : vector<16xi32>
      %mul3A_716 = arith.constant 77 : i32
      %mul3A_717 = vector.broadcast %mul3A_716 : i32 to vector<16xi32>
      %mul3A_718 = arith.muli %add3A_715, %mul3A_717 : vector<16xi32>
      %jit3A_719 = arith.constant 4 : i32
      %div3A_720 = arith.divsi %add3A_601, %jit3A_719 : i32
      %sign3A_721 = arith.constant 0 : i32
      %sign3A_722 = arith.cmpi sgt, %add3A_601, %sign3A_721 : i32
      %sign3A_723 = arith.extui %sign3A_722 : i1 to i32
      %sign3A_724 = arith.constant 0 : i32
      %sign3A_725 = arith.cmpi slt, %add3A_601, %sign3A_724 : i32
      %sign3A_726 = arith.extui %sign3A_725 : i1 to i32
      %sign3A_727 = arith.subi %sign3A_723, %sign3A_726 : i32
      %sign3A_728 = arith.constant 0 : i32
      %sign3A_729 = arith.cmpi sgt, %jit3A_719, %sign3A_728 : i32
      %sign3A_730 = arith.extui %sign3A_729 : i1 to i32
      %sign3A_731 = arith.constant 0 : i32
      %sign3A_732 = arith.cmpi slt, %jit3A_719, %sign3A_731 : i32
      %sign3A_733 = arith.extui %sign3A_732 : i1 to i32
      %sign3A_734 = arith.subi %sign3A_730, %sign3A_733 : i32
      %ne3A_735 = arith.cmpi ne, %sign3A_727, %sign3A_734 : i32
      %rem3A_736 = arith.remsi %add3A_601, %jit3A_719 : i32
      %ne3A_737 = arith.constant 0 : i32
      %ne3A_738 = arith.cmpi ne, %rem3A_736, %ne3A_737 : i32
      %and3A_739 = arith.andi %ne3A_735, %ne3A_738 : i1
      %sub3A_740 = arith.constant 1 : i32
      %sub3A_741 = arith.subi %div3A_720, %sub3A_740 : i32
      %select_n3A_742 = arith.select %and3A_739, %sub3A_741, %div3A_720 : i32
      %add3A_743 = arith.addi %mul3A_2, %select_n3A_742 : i32
      %add3A_744 = vector.broadcast %add3A_743 : i32 to vector<16xi32>
      %add3A_745 = arith.addi %mul3A_718, %add3A_744 : vector<16xi32>
      %dma_start3A_746 = arith.constant 16 : i32
      %dma_start3A_747 = arith.constant 0 : i32
      %dma_start3A_748 = tpu.memref_slice %arg9[%dma_start3A_746, %dma_start3A_747] : memref<32x1024xf32, #tpu.memory_space<vmem>> -> memref<16x1024xf32, #tpu.memory_space<vmem>>
      %dma_start3A_749 = arith.constant 0 : i32
      %dma_start3A_750 = arith.constant 0 : i32
      %dma_start3A_751 = tpu.memref_slice %arg5[%dma_start3A_749, %dma_start3A_750] : memref<315392x1024xf32, #tpu.memory_space<hbm>> -> memref<315392x1024xf32, #tpu.memory_space<hbm>>
      tpu.enqueue_indirect_dma source(%dma_start3A_748 : memref<16x1024xf32, #tpu.memory_space<vmem>>) target(%dma_start3A_751 : memref<315392x1024xf32, #tpu.memory_space<hbm>>) offsets(%add3A_745 : vector<16xi32>) semaphore(%arg15 : memref<!tpu.dma_semaphore, #tpu.memory_space<semaphore_mem>>)
      %add3A_752 = arith.constant 2 : i32
      %add3A_753 = arith.addi %add3A_601, %add3A_752 : i32
      %lt3A_754 = arith.constant 308 : i32
      %lt3A_755 = arith.cmpi slt, %add3A_753, %lt3A_754 : i32
      %convert_element_type3A_756 = arith.extui %lt3A_755 : i1 to i32
      %cond3A_757 = arith.constant 0 : i32
      %cond3A_758 = arith.cmpi ne, %convert_element_type3A_756, %cond3A_757 : i32
      scf.if %cond3A_758 {
        %ge3A = arith.constant 1 : i32
        %ge3A_920 = arith.cmpi sge, %add3A_601, %ge3A : i32
        %convert_element_type3A_921 = arith.extui %ge3A_920 : i1 to i32
        %cond3A_922 = arith.constant 0 : i32
        %cond3A_923 = arith.cmpi ne, %convert_element_type3A_921, %cond3A_922 : i32
        scf.if %cond3A_923 {
          %add3A_932 = arith.constant 2 : i32
          %add3A_933 = arith.addi %add3A_601, %add3A_932 : i32
          %sub3A_934 = arith.constant 3 : i32
          %sub3A_935 = arith.subi %add3A_933, %sub3A_934 : i32
          %iota3A_936 = tpu.iota {dimensions = array<i32: 0>} : vector<16xi32>
          %jit3A_937 = arith.constant 4 : i32
          %eq3A_938 = arith.constant 0 : i32
          %eq3A_939 = arith.cmpi eq, %jit3A_937, %eq3A_938 : i32
          %jit3A_940 = arith.constant 1 : i32
          %select_n3A_941 = arith.select %eq3A_939, %jit3A_940, %jit3A_937 : i32
          %rem3A_942 = arith.remsi %sub3A_935, %select_n3A_941 : i32
          %ne3A_943 = arith.constant 0 : i32
          %ne3A_944 = arith.cmpi ne, %rem3A_942, %ne3A_943 : i32
          %lt3A_945 = arith.constant 0 : i32
          %lt3A_946 = arith.cmpi slt, %rem3A_942, %lt3A_945 : i32
          %lt3A_947 = arith.constant 0 : i32
          %lt3A_948 = arith.cmpi slt, %select_n3A_941, %lt3A_947 : i32
          %ne3A_949 = arith.xori %lt3A_946, %lt3A_948 : i1
          %and3A_950 = arith.andi %ne3A_949, %ne3A_944 : i1
          %add3A_951 = arith.addi %rem3A_942, %select_n3A_941 : i32
          %select_n3A_952 = arith.select %and3A_950, %add3A_951, %rem3A_942 : i32
          %mul3A_953 = arith.constant 32 : i32
          %mul3A_954 = arith.muli %select_n3A_952, %mul3A_953 : i32
          %add3A_955 = arith.constant 0 : i32
          %add3A_956 = arith.addi %mul3A_954, %add3A_955 : i32
          %add3A_957 = vector.broadcast %add3A_956 : i32 to vector<16xi32>
          %add3A_958 = arith.addi %iota3A_936, %add3A_957 : vector<16xi32>
          %mul3A_959 = arith.constant 77 : i32
          %mul3A_960 = vector.broadcast %mul3A_959 : i32 to vector<16xi32>
          %mul3A_961 = arith.muli %add3A_958, %mul3A_960 : vector<16xi32>
          %jit3A_962 = arith.constant 4 : i32
          %div3A_963 = arith.divsi %sub3A_935, %jit3A_962 : i32
          %sign3A_964 = arith.constant 0 : i32
          %sign3A_965 = arith.cmpi sgt, %sub3A_935, %sign3A_964 : i32
          %sign3A_966 = arith.extui %sign3A_965 : i1 to i32
          %sign3A_967 = arith.constant 0 : i32
          %sign3A_968 = arith.cmpi slt, %sub3A_935, %sign3A_967 : i32
          %sign3A_969 = arith.extui %sign3A_968 : i1 to i32
          %sign3A_970 = arith.subi %sign3A_966, %sign3A_969 : i32
          %sign3A_971 = arith.constant 0 : i32
          %sign3A_972 = arith.cmpi sgt, %jit3A_962, %sign3A_971 : i32
          %sign3A_973 = arith.extui %sign3A_972 : i1 to i32
          %sign3A_974 = arith.constant 0 : i32
          %sign3A_975 = arith.cmpi slt, %jit3A_962, %sign3A_974 : i32
          %sign3A_976 = arith.extui %sign3A_975 : i1 to i32
          %sign3A_977 = arith.subi %sign3A_973, %sign3A_976 : i32
          %ne3A_978 = arith.cmpi ne, %sign3A_970, %sign3A_977 : i32
          %rem3A_979 = arith.remsi %sub3A_935, %jit3A_962 : i32
          %ne3A_980 = arith.constant 0 : i32
          %ne3A_981 = arith.cmpi ne, %rem3A_979, %ne3A_980 : i32
          %and3A_982 = arith.andi %ne3A_978, %ne3A_981 : i1
          %sub3A_983 = arith.constant 1 : i32
          %sub3A_984 = arith.subi %div3A_963, %sub3A_983 : i32
          %select_n3A_985 = arith.select %and3A_982, %sub3A_984, %div3A_963 : i32
          %add3A_986 = arith.addi %mul3A_2, %select_n3A_985 : i32
          %add3A_987 = vector.broadcast %add3A_986 : i32 to vector<16xi32>
          %add3A_988 = arith.addi %mul3A_961, %add3A_987 : vector<16xi32>
          %dma_wait3A_989 = arith.constant 0 : i32
          %dma_wait3A_990 = arith.constant 0 : i32
          %dma_wait3A_991 = tpu.memref_slice %arg8[%dma_wait3A_989, %dma_wait3A_990] : memref<32x1024xf32, #tpu.memory_space<vmem>> -> memref<16x1024xf32, #tpu.memory_space<vmem>>
          %dma_wait3A_992 = arith.constant 0 : i32
          %dma_wait3A_993 = arith.constant 0 : i32
          %dma_wait3A_994 = tpu.memref_slice %arg5[%dma_wait3A_992, %dma_wait3A_993] : memref<315392x1024xf32, #tpu.memory_space<hbm>> -> memref<315392x1024xf32, #tpu.memory_space<hbm>>
          tpu.wait_indirect_dma semaphore(%arg14 : memref<!tpu.dma_semaphore, #tpu.memory_space<semaphore_mem>>) src(%dma_wait3A_991 : memref<16x1024xf32, #tpu.memory_space<vmem>>) dst(%dma_wait3A_994 : memref<315392x1024xf32, #tpu.memory_space<hbm>>)
          %iota3A_995 = tpu.iota {dimensions = array<i32: 0>} : vector<16xi32>
          %jit3A_996 = arith.constant 4 : i32
          %eq3A_997 = arith.constant 0 : i32
          %eq3A_998 = arith.cmpi eq, %jit3A_996, %eq3A_997 : i32
          %jit3A_999 = arith.constant 1 : i32
          %select_n3A_1000 = arith.select %eq3A_998, %jit3A_999, %jit3A_996 : i32
          %rem3A_1001 = arith.remsi %sub3A_935, %select_n3A_1000 : i32
          %ne3A_1002 = arith.constant 0 : i32
          %ne3A_1003 = arith.cmpi ne, %rem3A_1001, %ne3A_1002 : i32
          %lt3A_1004 = arith.constant 0 : i32
          %lt3A_1005 = arith.cmpi slt, %rem3A_1001, %lt3A_1004 : i32
          %lt3A_1006 = arith.constant 0 : i32
          %lt3A_1007 = arith.cmpi slt, %select_n3A_1000, %lt3A_1006 : i32
          %ne3A_1008 = arith.xori %lt3A_1005, %lt3A_1007 : i1
          %and3A_1009 = arith.andi %ne3A_1008, %ne3A_1003 : i1
          %add3A_1010 = arith.addi %rem3A_1001, %select_n3A_1000 : i32
          %select_n3A_1011 = arith.select %and3A_1009, %add3A_1010, %rem3A_1001 : i32
          %mul3A_1012 = arith.constant 32 : i32
          %mul3A_1013 = arith.muli %select_n3A_1011, %mul3A_1012 : i32
          %add3A_1014 = arith.constant 16 : i32
          %add3A_1015 = arith.addi %mul3A_1013, %add3A_1014 : i32
          %add3A_1016 = vector.broadcast %add3A_1015 : i32 to vector<16xi32>
          %add3A_1017 = arith.addi %iota3A_995, %add3A_1016 : vector<16xi32>
          %mul3A_1018 = arith.constant 77 : i32
          %mul3A_1019 = vector.broadcast %mul3A_1018 : i32 to vector<16xi32>
          %mul3A_1020 = arith.muli %add3A_1017, %mul3A_1019 : vector<16xi32>
          %jit3A_1021 = arith.constant 4 : i32
          %div3A_1022 = arith.divsi %sub3A_935, %jit3A_1021 : i32
          %sign3A_1023 = arith.constant 0 : i32
          %sign3A_1024 = arith.cmpi sgt, %sub3A_935, %sign3A_1023 : i32
          %sign3A_1025 = arith.extui %sign3A_1024 : i1 to i32
          %sign3A_1026 = arith.constant 0 : i32
          %sign3A_1027 = arith.cmpi slt, %sub3A_935, %sign3A_1026 : i32
          %sign3A_1028 = arith.extui %sign3A_1027 : i1 to i32
          %sign3A_1029 = arith.subi %sign3A_1025, %sign3A_1028 : i32
          %sign3A_1030 = arith.constant 0 : i32
          %sign3A_1031 = arith.cmpi sgt, %jit3A_1021, %sign3A_1030 : i32
          %sign3A_1032 = arith.extui %sign3A_1031 : i1 to i32
          %sign3A_1033 = arith.constant 0 : i32
          %sign3A_1034 = arith.cmpi slt, %jit3A_1021, %sign3A_1033 : i32
          %sign3A_1035 = arith.extui %sign3A_1034 : i1 to i32
          %sign3A_1036 = arith.subi %sign3A_1032, %sign3A_1035 : i32
          %ne3A_1037 = arith.cmpi ne, %sign3A_1029, %sign3A_1036 : i32
          %rem3A_1038 = arith.remsi %sub3A_935, %jit3A_1021 : i32
          %ne3A_1039 = arith.constant 0 : i32
          %ne3A_1040 = arith.cmpi ne, %rem3A_1038, %ne3A_1039 : i32
          %and3A_1041 = arith.andi %ne3A_1037, %ne3A_1040 : i1
          %sub3A_1042 = arith.constant 1 : i32
          %sub3A_1043 = arith.subi %div3A_1022, %sub3A_1042 : i32
          %select_n3A_1044 = arith.select %and3A_1041, %sub3A_1043, %div3A_1022 : i32
          %add3A_1045 = arith.addi %mul3A_2, %select_n3A_1044 : i32
          %add3A_1046 = vector.broadcast %add3A_1045 : i32 to vector<16xi32>
          %add3A_1047 = arith.addi %mul3A_1020, %add3A_1046 : vector<16xi32>
          %dma_wait3A_1048 = arith.constant 16 : i32
          %dma_wait3A_1049 = arith.constant 0 : i32
          %dma_wait3A_1050 = tpu.memref_slice %arg8[%dma_wait3A_1048, %dma_wait3A_1049] : memref<32x1024xf32, #tpu.memory_space<vmem>> -> memref<16x1024xf32, #tpu.memory_space<vmem>>
          %dma_wait3A_1051 = arith.constant 0 : i32
          %dma_wait3A_1052 = arith.constant 0 : i32
          %dma_wait3A_1053 = tpu.memref_slice %arg5[%dma_wait3A_1051, %dma_wait3A_1052] : memref<315392x1024xf32, #tpu.memory_space<hbm>> -> memref<315392x1024xf32, #tpu.memory_space<hbm>>
          tpu.wait_indirect_dma semaphore(%arg14 : memref<!tpu.dma_semaphore, #tpu.memory_space<semaphore_mem>>) src(%dma_wait3A_1050 : memref<16x1024xf32, #tpu.memory_space<vmem>>) dst(%dma_wait3A_1053 : memref<315392x1024xf32, #tpu.memory_space<hbm>>)
        } else {
        }
        %add3A_924 = arith.constant 2 : i32
        %add3A_925 = arith.addi %add3A_601, %add3A_924 : i32
        %mul3A_926 = arith.constant 32 : i32
        %mul3A_927 = arith.muli %add3A_925, %mul3A_926 : i32
        %dma_start3A_928 = tpu.memref_slice %arg6[%mul3A_927] : memref<9856xi32, #tpu.memory_space<vmem>> -> memref<32xi32, #tpu.memory_space<vmem>>
        %dma_start3A_929 = arith.constant 0 : i32
        %dma_start3A_930 = arith.constant 0 : i32
        %dma_start3A_931 = tpu.memref_slice %arg3[%dma_start3A_929, %dma_start3A_930] : memref<49408x1024xf32, #tpu.memory_space<hbm>> -> memref<49408x1024xf32, #tpu.memory_space<hbm>>
        tpu.enqueue_indirect_dma source(%dma_start3A_931 : memref<49408x1024xf32, #tpu.memory_space<hbm>>) target(%arg8 : memref<32x1024xf32, #tpu.memory_space<vmem>>) offsets(%dma_start3A_928 : memref<32xi32, #tpu.memory_space<vmem>>) semaphore(%arg11 : memref<!tpu.dma_semaphore, #tpu.memory_space<semaphore_mem>>)
      } else {
      }
      %mul3A_759 = arith.constant 3 : i32
      %mul3A_760 = arith.muli %scan3A_436, %mul3A_759 : i32
      %add3A_761 = arith.constant 2 : i32
      %add3A_762 = arith.addi %mul3A_760, %add3A_761 : i32
      %jit3A_763 = arith.constant 4 : i32
      %eq3A_764 = arith.constant 0 : i32
      %eq3A_765 = arith.cmpi eq, %jit3A_763, %eq3A_764 : i32
      %jit3A_766 = arith.constant 1 : i32
      %select_n3A_767 = arith.select %eq3A_765, %jit3A_766, %jit3A_763 : i32
      %rem3A_768 = arith.remsi %add3A_762, %select_n3A_767 : i32
      %ne3A_769 = arith.constant 0 : i32
      %ne3A_770 = arith.cmpi ne, %rem3A_768, %ne3A_769 : i32
      %lt3A_771 = arith.constant 0 : i32
      %lt3A_772 = arith.cmpi slt, %rem3A_768, %lt3A_771 : i32
      %lt3A_773 = arith.constant 0 : i32
      %lt3A_774 = arith.cmpi slt, %select_n3A_767, %lt3A_773 : i32
      %ne3A_775 = arith.xori %lt3A_772, %lt3A_774 : i1
      %and3A_776 = arith.andi %ne3A_775, %ne3A_770 : i1
      %add3A_777 = arith.addi %rem3A_768, %select_n3A_767 : i32
      %select_n3A_778 = arith.select %and3A_776, %add3A_777, %rem3A_768 : i32
      %eq3A_779 = arith.constant 0 : i32
      %eq3A_780 = arith.cmpi eq, %select_n3A_778, %eq3A_779 : i32
      %convert_element_type3A_781 = arith.extui %eq3A_780 : i1 to i32
      %cond3A_782 = arith.constant 0 : i32
      %cond3A_783 = arith.cmpi ne, %convert_element_type3A_781, %cond3A_782 : i32
      scf.if %cond3A_783 {
        %jit3A_920 = arith.constant 4 : i32
        %div3A_921 = arith.divsi %add3A_762, %jit3A_920 : i32
        %sign3A_922 = arith.constant 0 : i32
        %sign3A_923 = arith.cmpi sgt, %add3A_762, %sign3A_922 : i32
        %sign3A_924 = arith.extui %sign3A_923 : i1 to i32
        %sign3A_925 = arith.constant 0 : i32
        %sign3A_926 = arith.cmpi slt, %add3A_762, %sign3A_925 : i32
        %sign3A_927 = arith.extui %sign3A_926 : i1 to i32
        %sign3A_928 = arith.subi %sign3A_924, %sign3A_927 : i32
        %sign3A_929 = arith.constant 0 : i32
        %sign3A_930 = arith.cmpi sgt, %jit3A_920, %sign3A_929 : i32
        %sign3A_931 = arith.extui %sign3A_930 : i1 to i32
        %sign3A_932 = arith.constant 0 : i32
        %sign3A_933 = arith.cmpi slt, %jit3A_920, %sign3A_932 : i32
        %sign3A_934 = arith.extui %sign3A_933 : i1 to i32
        %sign3A_935 = arith.subi %sign3A_931, %sign3A_934 : i32
        %ne3A_936 = arith.cmpi ne, %sign3A_928, %sign3A_935 : i32
        %rem3A_937 = arith.remsi %add3A_762, %jit3A_920 : i32
        %ne3A_938 = arith.constant 0 : i32
        %ne3A_939 = arith.cmpi ne, %rem3A_937, %ne3A_938 : i32
        %and3A_940 = arith.andi %ne3A_936, %ne3A_939 : i1
        %sub3A_941 = arith.constant 1 : i32
        %sub3A_942 = arith.subi %div3A_921, %sub3A_941 : i32
        %select_n3A_943 = arith.select %and3A_940, %sub3A_942, %div3A_921 : i32
        "tpu.region"() ({
          %run_scoped3A_944 = tpu.sem_alloc : memref<!tpu.dma_semaphore, #tpu.memory_space<semaphore_mem>>
          %dma_start3A_945 = arith.constant 0 : i32
          %dma_start3A_946 = tpu.memref_slice %arg4[%select_n3A_943, %dma_start3A_945] : memref<77x1024xf32, #tpu.memory_space<hbm>> -> memref<1x1024xf32, #tpu.memory_space<hbm>>
          %dma_start3A_947 = tpu.memref_squeeze %dma_start3A_946 : memref<1x1024xf32, #tpu.memory_space<hbm>> -> memref<1024xf32, #tpu.memory_space<hbm>>
          %dma_start3A_948 = arith.constant 0 : i32
          %dma_start3A_949 = tpu.memref_slice %arg4[%select_n3A_943, %dma_start3A_948] : memref<77x1024xf32, #tpu.memory_space<hbm>> -> memref<1x1024xf32, #tpu.memory_space<hbm>>
          %dma_start3A_950 = tpu.memref_squeeze %dma_start3A_949 : memref<1x1024xf32, #tpu.memory_space<hbm>> -> memref<1024xf32, #tpu.memory_space<hbm>>
          tpu.enqueue_dma source(%dma_start3A_950 : memref<1024xf32, #tpu.memory_space<hbm>>) target(%arg7 : memref<1024xf32, #tpu.memory_space<vmem>>) target_semaphore(%run_scoped3A_944 : memref<!tpu.dma_semaphore, #tpu.memory_space<semaphore_mem>>)
          %dma_wait3A_951 = arith.constant 0 : i32
          %dma_wait3A_952 = tpu.memref_slice %arg4[%select_n3A_943, %dma_wait3A_951] : memref<77x1024xf32, #tpu.memory_space<hbm>> -> memref<1x1024xf32, #tpu.memory_space<hbm>>
          %dma_wait3A_953 = tpu.memref_squeeze %dma_wait3A_952 : memref<1x1024xf32, #tpu.memory_space<hbm>> -> memref<1024xf32, #tpu.memory_space<hbm>>
          %dma_wait3A_954 = arith.constant 0 : i32
          %dma_wait3A_955 = tpu.memref_slice %arg4[%select_n3A_943, %dma_wait3A_954] : memref<77x1024xf32, #tpu.memory_space<hbm>> -> memref<1x1024xf32, #tpu.memory_space<hbm>>
          %dma_wait3A_956 = tpu.memref_squeeze %dma_wait3A_955 : memref<1x1024xf32, #tpu.memory_space<hbm>> -> memref<1024xf32, #tpu.memory_space<hbm>>
          tpu.wait_dma2 semaphore(%run_scoped3A_944 : memref<!tpu.dma_semaphore, #tpu.memory_space<semaphore_mem>>) src(%dma_wait3A_956 : memref<1024xf32, #tpu.memory_space<hbm>>) dst(%arg7 : memref<1024xf32, #tpu.memory_space<vmem>>)
          tpu.yield
        }) : () -> ()
      } else {
      }
      %mul3A_784 = arith.constant 32 : i32
      %mul3A_785 = arith.muli %add3A_762, %mul3A_784 : i32
      %dma_wait3A_786 = tpu.memref_slice %arg6[%mul3A_785] : memref<9856xi32, #tpu.memory_space<vmem>> -> memref<32xi32, #tpu.memory_space<vmem>>
      %dma_wait3A_787 = arith.constant 0 : i32
      %dma_wait3A_788 = arith.constant 0 : i32
      %dma_wait3A_789 = tpu.memref_slice %arg3[%dma_wait3A_787, %dma_wait3A_788] : memref<49408x1024xf32, #tpu.memory_space<hbm>> -> memref<49408x1024xf32, #tpu.memory_space<hbm>>
      tpu.wait_indirect_dma semaphore(%arg13 : memref<!tpu.dma_semaphore, #tpu.memory_space<semaphore_mem>>) src(%dma_wait3A_789 : memref<49408x1024xf32, #tpu.memory_space<hbm>>) dst(%arg10 : memref<32x1024xf32, #tpu.memory_space<vmem>>)
      %scan3A_790 = arith.constant 0 : i32
      %scan3A_791 = arith.constant 64 : i32
      %scan3A_792 = arith.addi %scan3A_790, %scan3A_791 : i32
      %scan3A_793 = arith.constant 1 : i32
      scf.for %scan3A_920 = %scan3A_790 to %scan3A_792 step %scan3A_793  : i32 {
        %mul3A_921 = arith.constant 16 : i32
        %mul3A_922 = arith.muli %scan3A_920, %mul3A_921 : i32
        %get3A = arith.index_cast %mul3A_922 : i32 to index
        %get3A_923 = tpu.vector_load %arg7[%get3A] {strides = array<i32>} : memref<1024xf32, #tpu.memory_space<vmem>>, vector<16xf32>,
        %get3A_924 = vector.shape_cast %get3A_923 : vector<16xf32> to vector<16xf32>
        %get3A_925 = arith.constant 0 : i32
        %get3A_926 = arith.index_cast %get3A_925 : i32 to index
        %get3A_927 = arith.index_cast %mul3A_922 : i32 to index
        %get3A_928 = tpu.vector_load %arg10[%get3A_926, %get3A_927] {strides = array<i32>} : memref<32x1024xf32, #tpu.memory_space<vmem>>, vector<1x16xf32>,
        %get3A_929 = vector.shape_cast %get3A_928 : vector<1x16xf32> to vector<16xf32>
        %add3A_930 = arith.addf %get3A_929, %get3A_924 : vector<16xf32>
        %swap3A = arith.constant 0 : i32
        %swap3A_931 = arith.index_cast %swap3A : i32 to index
        %swap3A_932 = arith.index_cast %mul3A_922 : i32 to index
        %swap3A_933 = tpu.vector_load %arg10[%swap3A_931, %swap3A_932] {strides = array<i32>} : memref<32x1024xf32, #tpu.memory_space<vmem>>, vector<1x16xf32>,
        %swap3A_934 = vector.shape_cast %swap3A_933 : vector<1x16xf32> to vector<16xf32>
        %swap3A_935 = vector.shape_cast %add3A_930 : vector<16xf32> to vector<1x16xf32>
        tpu.vector_store %arg10[%swap3A_931, %swap3A_932], %swap3A_935 {strides = array<i32>} : memref<32x1024xf32, #tpu.memory_space<vmem>>, vector<1x16xf32>,
        %get3A_936 = arith.constant 1 : i32
        %get3A_937 = arith.index_cast %get3A_936 : i32 to index
        %get3A_938 = arith.index_cast %mul3A_922 : i32 to index
        %get3A_939 = tpu.vector_load %arg10[%get3A_937, %get3A_938] {strides = array<i32>} : memref<32x1024xf32, #tpu.memory_space<vmem>>, vector<1x16xf32>,
        %get3A_940 = vector.shape_cast %get3A_939 : vector<1x16xf32> to vector<16xf32>
        %add3A_941 = arith.addf %get3A_940, %get3A_924 : vector<16xf32>
        %swap3A_942 = arith.constant 1 : i32
        %swap3A_943 = arith.index_cast %swap3A_942 : i32 to index
        %swap3A_944 = arith.index_cast %mul3A_922 : i32 to index
        %swap3A_945 = tpu.vector_load %arg10[%swap3A_943, %swap3A_944] {strides = array<i32>} : memref<32x1024xf32, #tpu.memory_space<vmem>>, vector<1x16xf32>,
        %swap3A_946 = vector.shape_cast %swap3A_945 : vector<1x16xf32> to vector<16xf32>
        %swap3A_947 = vector.shape_cast %add3A_941 : vector<16xf32> to vector<1x16xf32>
        tpu.vector_store %arg10[%swap3A_943, %swap3A_944], %swap3A_947 {strides = array<i32>} : memref<32x1024xf32, #tpu.memory_space<vmem>>, vector<1x16xf32>,
        %get3A_948 = arith.constant 2 : i32
        %get3A_949 = arith.index_cast %get3A_948 : i32 to index
        %get3A_950 = arith.index_cast %mul3A_922 : i32 to index
        %get3A_951 = tpu.vector_load %arg10[%get3A_949, %get3A_950] {strides = array<i32>} : memref<32x1024xf32, #tpu.memory_space<vmem>>, vector<1x16xf32>,
        %get3A_952 = vector.shape_cast %get3A_951 : vector<1x16xf32> to vector<16xf32>
        %add3A_953 = arith.addf %get3A_952, %get3A_924 : vector<16xf32>
        %swap3A_954 = arith.constant 2 : i32
        %swap3A_955 = arith.index_cast %swap3A_954 : i32 to index
        %swap3A_956 = arith.index_cast %mul3A_922 : i32 to index
        %swap3A_957 = tpu.vector_load %arg10[%swap3A_955, %swap3A_956] {strides = array<i32>} : memref<32x1024xf32, #tpu.memory_space<vmem>>, vector<1x16xf32>,
        %swap3A_958 = vector.shape_cast %swap3A_957 : vector<1x16xf32> to vector<16xf32>
        %swap3A_959 = vector.shape_cast %add3A_953 : vector<16xf32> to vector<1x16xf32>
        tpu.vector_store %arg10[%swap3A_955, %swap3A_956], %swap3A_959 {strides = array<i32>} : memref<32x1024xf32, #tpu.memory_space<vmem>>, vector<1x16xf32>,
        %get3A_960 = arith.constant 3 : i32
        %get3A_961 = arith.index_cast %get3A_960 : i32 to index
        %get3A_962 = arith.index_cast %mul3A_922 : i32 to index
        %get3A_963 = tpu.vector_load %arg10[%get3A_961, %get3A_962] {strides = array<i32>} : memref<32x1024xf32, #tpu.memory_space<vmem>>, vector<1x16xf32>,
        %get3A_964 = vector.shape_cast %get3A_963 : vector<1x16xf32> to vector<16xf32>
        %add3A_965 = arith.addf %get3A_964, %get3A_924 : vector<16xf32>
        %swap3A_966 = arith.constant 3 : i32
        %swap3A_967 = arith.index_cast %swap3A_966 : i32 to index
        %swap3A_968 = arith.index_cast %mul3A_922 : i32 to index
        %swap3A_969 = tpu.vector_load %arg10[%swap3A_967, %swap3A_968] {strides = array<i32>} : memref<32x1024xf32, #tpu.memory_space<vmem>>, vector<1x16xf32>,
        %swap3A_970 = vector.shape_cast %swap3A_969 : vector<1x16xf32> to vector<16xf32>
        %swap3A_971 = vector.shape_cast %add3A_965 : vector<16xf32> to vector<1x16xf32>
        tpu.vector_store %arg10[%swap3A_967, %swap3A_968], %swap3A_971 {strides = array<i32>} : memref<32x1024xf32, #tpu.memory_space<vmem>>, vector<1x16xf32>,
        %get3A_972 = arith.constant 4 : i32
        %get3A_973 = arith.index_cast %get3A_972 : i32 to index
        %get3A_974 = arith.index_cast %mul3A_922 : i32 to index
        %get3A_975 = tpu.vector_load %arg10[%get3A_973, %get3A_974] {strides = array<i32>} : memref<32x1024xf32, #tpu.memory_space<vmem>>, vector<1x16xf32>,
        %get3A_976 = vector.shape_cast %get3A_975 : vector<1x16xf32> to vector<16xf32>
        %add3A_977 = arith.addf %get3A_976, %get3A_924 : vector<16xf32>
        %swap3A_978 = arith.constant 4 : i32
        %swap3A_979 = arith.index_cast %swap3A_978 : i32 to index
        %swap3A_980 = arith.index_cast %mul3A_922 : i32 to index
        %swap3A_981 = tpu.vector_load %arg10[%swap3A_979, %swap3A_980] {strides = array<i32>} : memref<32x1024xf32, #tpu.memory_space<vmem>>, vector<1x16xf32>,
        %swap3A_982 = vector.shape_cast %swap3A_981 : vector<1x16xf32> to vector<16xf32>
        %swap3A_983 = vector.shape_cast %add3A_977 : vector<16xf32> to vector<1x16xf32>
        tpu.vector_store %arg10[%swap3A_979, %swap3A_980], %swap3A_983 {strides = array<i32>} : memref<32x1024xf32, #tpu.memory_space<vmem>>, vector<1x16xf32>,
        %get3A_984 = arith.constant 5 : i32
        %get3A_985 = arith.index_cast %get3A_984 : i32 to index
        %get3A_986 = arith.index_cast %mul3A_922 : i32 to index
        %get3A_987 = tpu.vector_load %arg10[%get3A_985, %get3A_986] {strides = array<i32>} : memref<32x1024xf32, #tpu.memory_space<vmem>>, vector<1x16xf32>,
        %get3A_988 = vector.shape_cast %get3A_987 : vector<1x16xf32> to vector<16xf32>
        %add3A_989 = arith.addf %get3A_988, %get3A_924 : vector<16xf32>
        %swap3A_990 = arith.constant 5 : i32
        %swap3A_991 = arith.index_cast %swap3A_990 : i32 to index
        %swap3A_992 = arith.index_cast %mul3A_922 : i32 to index
        %swap3A_993 = tpu.vector_load %arg10[%swap3A_991, %swap3A_992] {strides = array<i32>} : memref<32x1024xf32, #tpu.memory_space<vmem>>, vector<1x16xf32>,
        %swap3A_994 = vector.shape_cast %swap3A_993 : vector<1x16xf32> to vector<16xf32>
        %swap3A_995 = vector.shape_cast %add3A_989 : vector<16xf32> to vector<1x16xf32>
        tpu.vector_store %arg10[%swap3A_991, %swap3A_992], %swap3A_995 {strides = array<i32>} : memref<32x1024xf32, #tpu.memory_space<vmem>>, vector<1x16xf32>,
        %get3A_996 = arith.constant 6 : i32
        %get3A_997 = arith.index_cast %get3A_996 : i32 to index
        %get3A_998 = arith.index_cast %mul3A_922 : i32 to index
        %get3A_999 = tpu.vector_load %arg10[%get3A_997, %get3A_998] {strides = array<i32>} : memref<32x1024xf32, #tpu.memory_space<vmem>>, vector<1x16xf32>,
        %get3A_1000 = vector.shape_cast %get3A_999 : vector<1x16xf32> to vector<16xf32>
        %add3A_1001 = arith.addf %get3A_1000, %get3A_924 : vector<16xf32>
        %swap3A_1002 = arith.constant 6 : i32
        %swap3A_1003 = arith.index_cast %swap3A_1002 : i32 to index
        %swap3A_1004 = arith.index_cast %mul3A_922 : i32 to index
        %swap3A_1005 = tpu.vector_load %arg10[%swap3A_1003, %swap3A_1004] {strides = array<i32>} : memref<32x1024xf32, #tpu.memory_space<vmem>>, vector<1x16xf32>,
        %swap3A_1006 = vector.shape_cast %swap3A_1005 : vector<1x16xf32> to vector<16xf32>
        %swap3A_1007 = vector.shape_cast %add3A_1001 : vector<16xf32> to vector<1x16xf32>
        tpu.vector_store %arg10[%swap3A_1003, %swap3A_1004], %swap3A_1007 {strides = array<i32>} : memref<32x1024xf32, #tpu.memory_space<vmem>>, vector<1x16xf32>,
        %get3A_1008 = arith.constant 7 : i32
        %get3A_1009 = arith.index_cast %get3A_1008 : i32 to index
        %get3A_1010 = arith.index_cast %mul3A_922 : i32 to index
        %get3A_1011 = tpu.vector_load %arg10[%get3A_1009, %get3A_1010] {strides = array<i32>} : memref<32x1024xf32, #tpu.memory_space<vmem>>, vector<1x16xf32>,
        %get3A_1012 = vector.shape_cast %get3A_1011 : vector<1x16xf32> to vector<16xf32>
        %add3A_1013 = arith.addf %get3A_1012, %get3A_924 : vector<16xf32>
        %swap3A_1014 = arith.constant 7 : i32
        %swap3A_1015 = arith.index_cast %swap3A_1014 : i32 to index
        %swap3A_1016 = arith.index_cast %mul3A_922 : i32 to index
        %swap3A_1017 = tpu.vector_load %arg10[%swap3A_1015, %swap3A_1016] {strides = array<i32>} : memref<32x1024xf32, #tpu.memory_space<vmem>>, vector<1x16xf32>,
        %swap3A_1018 = vector.shape_cast %swap3A_1017 : vector<1x16xf32> to vector<16xf32>
        %swap3A_1019 = vector.shape_cast %add3A_1013 : vector<16xf32> to vector<1x16xf32>
        tpu.vector_store %arg10[%swap3A_1015, %swap3A_1016], %swap3A_1019 {strides = array<i32>} : memref<32x1024xf32, #tpu.memory_space<vmem>>, vector<1x16xf32>,
        %get3A_1020 = arith.constant 8 : i32
        %get3A_1021 = arith.index_cast %get3A_1020 : i32 to index
        %get3A_1022 = arith.index_cast %mul3A_922 : i32 to index
        %get3A_1023 = tpu.vector_load %arg10[%get3A_1021, %get3A_1022] {strides = array<i32>} : memref<32x1024xf32, #tpu.memory_space<vmem>>, vector<1x16xf32>,
        %get3A_1024 = vector.shape_cast %get3A_1023 : vector<1x16xf32> to vector<16xf32>
        %add3A_1025 = arith.addf %get3A_1024, %get3A_924 : vector<16xf32>
        %swap3A_1026 = arith.constant 8 : i32
        %swap3A_1027 = arith.index_cast %swap3A_1026 : i32 to index
        %swap3A_1028 = arith.index_cast %mul3A_922 : i32 to index
        %swap3A_1029 = tpu.vector_load %arg10[%swap3A_1027, %swap3A_1028] {strides = array<i32>} : memref<32x1024xf32, #tpu.memory_space<vmem>>, vector<1x16xf32>,
        %swap3A_1030 = vector.shape_cast %swap3A_1029 : vector<1x16xf32> to vector<16xf32>
        %swap3A_1031 = vector.shape_cast %add3A_1025 : vector<16xf32> to vector<1x16xf32>
        tpu.vector_store %arg10[%swap3A_1027, %swap3A_1028], %swap3A_1031 {strides = array<i32>} : memref<32x1024xf32, #tpu.memory_space<vmem>>, vector<1x16xf32>,
        %get3A_1032 = arith.constant 9 : i32
        %get3A_1033 = arith.index_cast %get3A_1032 : i32 to index
        %get3A_1034 = arith.index_cast %mul3A_922 : i32 to index
        %get3A_1035 = tpu.vector_load %arg10[%get3A_1033, %get3A_1034] {strides = array<i32>} : memref<32x1024xf32, #tpu.memory_space<vmem>>, vector<1x16xf32>,
        %get3A_1036 = vector.shape_cast %get3A_1035 : vector<1x16xf32> to vector<16xf32>
        %add3A_1037 = arith.addf %get3A_1036, %get3A_924 : vector<16xf32>
        %swap3A_1038 = arith.constant 9 : i32
        %swap3A_1039 = arith.index_cast %swap3A_1038 : i32 to index
        %swap3A_1040 = arith.index_cast %mul3A_922 : i32 to index
        %swap3A_1041 = tpu.vector_load %arg10[%swap3A_1039, %swap3A_1040] {strides = array<i32>} : memref<32x1024xf32, #tpu.memory_space<vmem>>, vector<1x16xf32>,
        %swap3A_1042 = vector.shape_cast %swap3A_1041 : vector<1x16xf32> to vector<16xf32>
        %swap3A_1043 = vector.shape_cast %add3A_1037 : vector<16xf32> to vector<1x16xf32>
        tpu.vector_store %arg10[%swap3A_1039, %swap3A_1040], %swap3A_1043 {strides = array<i32>} : memref<32x1024xf32, #tpu.memory_space<vmem>>, vector<1x16xf32>,
        %get3A_1044 = arith.constant 10 : i32
        %get3A_1045 = arith.index_cast %get3A_1044 : i32 to index
        %get3A_1046 = arith.index_cast %mul3A_922 : i32 to index
        %get3A_1047 = tpu.vector_load %arg10[%get3A_1045, %get3A_1046] {strides = array<i32>} : memref<32x1024xf32, #tpu.memory_space<vmem>>, vector<1x16xf32>,
        %get3A_1048 = vector.shape_cast %get3A_1047 : vector<1x16xf32> to vector<16xf32>
        %add3A_1049 = arith.addf %get3A_1048, %get3A_924 : vector<16xf32>
        %swap3A_1050 = arith.constant 10 : i32
        %swap3A_1051 = arith.index_cast %swap3A_1050 : i32 to index
        %swap3A_1052 = arith.index_cast %mul3A_922 : i32 to index
        %swap3A_1053 = tpu.vector_load %arg10[%swap3A_1051, %swap3A_1052] {strides = array<i32>} : memref<32x1024xf32, #tpu.memory_space<vmem>>, vector<1x16xf32>,
        %swap3A_1054 = vector.shape_cast %swap3A_1053 : vector<1x16xf32> to vector<16xf32>
        %swap3A_1055 = vector.shape_cast %add3A_1049 : vector<16xf32> to vector<1x16xf32>
        tpu.vector_store %arg10[%swap3A_1051, %swap3A_1052], %swap3A_1055 {strides = array<i32>} : memref<32x1024xf32, #tpu.memory_space<vmem>>, vector<1x16xf32>,
        %get3A_1056 = arith.constant 11 : i32
        %get3A_1057 = arith.index_cast %get3A_1056 : i32 to index
        %get3A_1058 = arith.index_cast %mul3A_922 : i32 to index
        %get3A_1059 = tpu.vector_load %arg10[%get3A_1057, %get3A_1058] {strides = array<i32>} : memref<32x1024xf32, #tpu.memory_space<vmem>>, vector<1x16xf32>,
        %get3A_1060 = vector.shape_cast %get3A_1059 : vector<1x16xf32> to vector<16xf32>
        %add3A_1061 = arith.addf %get3A_1060, %get3A_924 : vector<16xf32>
        %swap3A_1062 = arith.constant 11 : i32
        %swap3A_1063 = arith.index_cast %swap3A_1062 : i32 to index
        %swap3A_1064 = arith.index_cast %mul3A_922 : i32 to index
        %swap3A_1065 = tpu.vector_load %arg10[%swap3A_1063, %swap3A_1064] {strides = array<i32>} : memref<32x1024xf32, #tpu.memory_space<vmem>>, vector<1x16xf32>,
        %swap3A_1066 = vector.shape_cast %swap3A_1065 : vector<1x16xf32> to vector<16xf32>
        %swap3A_1067 = vector.shape_cast %add3A_1061 : vector<16xf32> to vector<1x16xf32>
        tpu.vector_store %arg10[%swap3A_1063, %swap3A_1064], %swap3A_1067 {strides = array<i32>} : memref<32x1024xf32, #tpu.memory_space<vmem>>, vector<1x16xf32>,
        %get3A_1068 = arith.constant 12 : i32
        %get3A_1069 = arith.index_cast %get3A_1068 : i32 to index
        %get3A_1070 = arith.index_cast %mul3A_922 : i32 to index
        %get3A_1071 = tpu.vector_load %arg10[%get3A_1069, %get3A_1070] {strides = array<i32>} : memref<32x1024xf32, #tpu.memory_space<vmem>>, vector<1x16xf32>,
        %get3A_1072 = vector.shape_cast %get3A_1071 : vector<1x16xf32> to vector<16xf32>
        %add3A_1073 = arith.addf %get3A_1072, %get3A_924 : vector<16xf32>
        %swap3A_1074 = arith.constant 12 : i32
        %swap3A_1075 = arith.index_cast %swap3A_1074 : i32 to index
        %swap3A_1076 = arith.index_cast %mul3A_922 : i32 to index
        %swap3A_1077 = tpu.vector_load %arg10[%swap3A_1075, %swap3A_1076] {strides = array<i32>} : memref<32x1024xf32, #tpu.memory_space<vmem>>, vector<1x16xf32>,
        %swap3A_1078 = vector.shape_cast %swap3A_1077 : vector<1x16xf32> to vector<16xf32>
        %swap3A_1079 = vector.shape_cast %add3A_1073 : vector<16xf32> to vector<1x16xf32>
        tpu.vector_store %arg10[%swap3A_1075, %swap3A_1076], %swap3A_1079 {strides = array<i32>} : memref<32x1024xf32, #tpu.memory_space<vmem>>, vector<1x16xf32>,
        %get3A_1080 = arith.constant 13 : i32
        %get3A_1081 = arith.index_cast %get3A_1080 : i32 to index
        %get3A_1082 = arith.index_cast %mul3A_922 : i32 to index
        %get3A_1083 = tpu.vector_load %arg10[%get3A_1081, %get3A_1082] {strides = array<i32>} : memref<32x1024xf32, #tpu.memory_space<vmem>>, vector<1x16xf32>,
        %get3A_1084 = vector.shape_cast %get3A_1083 : vector<1x16xf32> to vector<16xf32>
        %add3A_1085 = arith.addf %get3A_1084, %get3A_924 : vector<16xf32>
        %swap3A_1086 = arith.constant 13 : i32
        %swap3A_1087 = arith.index_cast %swap3A_1086 : i32 to index
        %swap3A_1088 = arith.index_cast %mul3A_922 : i32 to index
        %swap3A_1089 = tpu.vector_load %arg10[%swap3A_1087, %swap3A_1088] {strides = array<i32>} : memref<32x1024xf32, #tpu.memory_space<vmem>>, vector<1x16xf32>,
        %swap3A_1090 = vector.shape_cast %swap3A_1089 : vector<1x16xf32> to vector<16xf32>
        %swap3A_1091 = vector.shape_cast %add3A_1085 : vector<16xf32> to vector<1x16xf32>
        tpu.vector_store %arg10[%swap3A_1087, %swap3A_1088], %swap3A_1091 {strides = array<i32>} : memref<32x1024xf32, #tpu.memory_space<vmem>>, vector<1x16xf32>,
        %get3A_1092 = arith.constant 14 : i32
        %get3A_1093 = arith.index_cast %get3A_1092 : i32 to index
        %get3A_1094 = arith.index_cast %mul3A_922 : i32 to index
        %get3A_1095 = tpu.vector_load %arg10[%get3A_1093, %get3A_1094] {strides = array<i32>} : memref<32x1024xf32, #tpu.memory_space<vmem>>, vector<1x16xf32>,
        %get3A_1096 = vector.shape_cast %get3A_1095 : vector<1x16xf32> to vector<16xf32>
        %add3A_1097 = arith.addf %get3A_1096, %get3A_924 : vector<16xf32>
        %swap3A_1098 = arith.constant 14 : i32
        %swap3A_1099 = arith.index_cast %swap3A_1098 : i32 to index
        %swap3A_1100 = arith.index_cast %mul3A_922 : i32 to index
        %swap3A_1101 = tpu.vector_load %arg10[%swap3A_1099, %swap3A_1100] {strides = array<i32>} : memref<32x1024xf32, #tpu.memory_space<vmem>>, vector<1x16xf32>,
        %swap3A_1102 = vector.shape_cast %swap3A_1101 : vector<1x16xf32> to vector<16xf32>
        %swap3A_1103 = vector.shape_cast %add3A_1097 : vector<16xf32> to vector<1x16xf32>
        tpu.vector_store %arg10[%swap3A_1099, %swap3A_1100], %swap3A_1103 {strides = array<i32>} : memref<32x1024xf32, #tpu.memory_space<vmem>>, vector<1x16xf32>,
        %get3A_1104 = arith.constant 15 : i32
        %get3A_1105 = arith.index_cast %get3A_1104 : i32 to index
        %get3A_1106 = arith.index_cast %mul3A_922 : i32 to index
        %get3A_1107 = tpu.vector_load %arg10[%get3A_1105, %get3A_1106] {strides = array<i32>} : memref<32x1024xf32, #tpu.memory_space<vmem>>, vector<1x16xf32>,
        %get3A_1108 = vector.shape_cast %get3A_1107 : vector<1x16xf32> to vector<16xf32>
        %add3A_1109 = arith.addf %get3A_1108, %get3A_924 : vector<16xf32>
        %swap3A_1110 = arith.constant 15 : i32
        %swap3A_1111 = arith.index_cast %swap3A_1110 : i32 to index
        %swap3A_1112 = arith.index_cast %mul3A_922 : i32 to index
        %swap3A_1113 = tpu.vector_load %arg10[%swap3A_1111, %swap3A_1112] {strides = array<i32>} : memref<32x1024xf32, #tpu.memory_space<vmem>>, vector<1x16xf32>,
        %swap3A_1114 = vector.shape_cast %swap3A_1113 : vector<1x16xf32> to vector<16xf32>
        %swap3A_1115 = vector.shape_cast %add3A_1109 : vector<16xf32> to vector<1x16xf32>
        tpu.vector_store %arg10[%swap3A_1111, %swap3A_1112], %swap3A_1115 {strides = array<i32>} : memref<32x1024xf32, #tpu.memory_space<vmem>>, vector<1x16xf32>,
        %get3A_1116 = arith.constant 16 : i32
        %get3A_1117 = arith.index_cast %get3A_1116 : i32 to index
        %get3A_1118 = arith.index_cast %mul3A_922 : i32 to index
        %get3A_1119 = tpu.vector_load %arg10[%get3A_1117, %get3A_1118] {strides = array<i32>} : memref<32x1024xf32, #tpu.memory_space<vmem>>, vector<1x16xf32>,
        %get3A_1120 = vector.shape_cast %get3A_1119 : vector<1x16xf32> to vector<16xf32>
        %add3A_1121 = arith.addf %get3A_1120, %get3A_924 : vector<16xf32>
        %swap3A_1122 = arith.constant 16 : i32
        %swap3A_1123 = arith.index_cast %swap3A_1122 : i32 to index
        %swap3A_1124 = arith.index_cast %mul3A_922 : i32 to index
        %swap3A_1125 = tpu.vector_load %arg10[%swap3A_1123, %swap3A_1124] {strides = array<i32>} : memref<32x1024xf32, #tpu.memory_space<vmem>>, vector<1x16xf32>,
        %swap3A_1126 = vector.shape_cast %swap3A_1125 : vector<1x16xf32> to vector<16xf32>
        %swap3A_1127 = vector.shape_cast %add3A_1121 : vector<16xf32> to vector<1x16xf32>
        tpu.vector_store %arg10[%swap3A_1123, %swap3A_1124], %swap3A_1127 {strides = array<i32>} : memref<32x1024xf32, #tpu.memory_space<vmem>>, vector<1x16xf32>,
        %get3A_1128 = arith.constant 17 : i32
        %get3A_1129 = arith.index_cast %get3A_1128 : i32 to index
        %get3A_1130 = arith.index_cast %mul3A_922 : i32 to index
        %get3A_1131 = tpu.vector_load %arg10[%get3A_1129, %get3A_1130] {strides = array<i32>} : memref<32x1024xf32, #tpu.memory_space<vmem>>, vector<1x16xf32>,
        %get3A_1132 = vector.shape_cast %get3A_1131 : vector<1x16xf32> to vector<16xf32>
        %add3A_1133 = arith.addf %get3A_1132, %get3A_924 : vector<16xf32>
        %swap3A_1134 = arith.constant 17 : i32
        %swap3A_1135 = arith.index_cast %swap3A_1134 : i32 to index
        %swap3A_1136 = arith.index_cast %mul3A_922 : i32 to index
        %swap3A_1137 = tpu.vector_load %arg10[%swap3A_1135, %swap3A_1136] {strides = array<i32>} : memref<32x1024xf32, #tpu.memory_space<vmem>>, vector<1x16xf32>,
        %swap3A_1138 = vector.shape_cast %swap3A_1137 : vector<1x16xf32> to vector<16xf32>
        %swap3A_1139 = vector.shape_cast %add3A_1133 : vector<16xf32> to vector<1x16xf32>
        tpu.vector_store %arg10[%swap3A_1135, %swap3A_1136], %swap3A_1139 {strides = array<i32>} : memref<32x1024xf32, #tpu.memory_space<vmem>>, vector<1x16xf32>,
        %get3A_1140 = arith.constant 18 : i32
        %get3A_1141 = arith.index_cast %get3A_1140 : i32 to index
        %get3A_1142 = arith.index_cast %mul3A_922 : i32 to index
        %get3A_1143 = tpu.vector_load %arg10[%get3A_1141, %get3A_1142] {strides = array<i32>} : memref<32x1024xf32, #tpu.memory_space<vmem>>, vector<1x16xf32>,
        %get3A_1144 = vector.shape_cast %get3A_1143 : vector<1x16xf32> to vector<16xf32>
        %add3A_1145 = arith.addf %get3A_1144, %get3A_924 : vector<16xf32>
        %swap3A_1146 = arith.constant 18 : i32
        %swap3A_1147 = arith.index_cast %swap3A_1146 : i32 to index
        %swap3A_1148 = arith.index_cast %mul3A_922 : i32 to index
        %swap3A_1149 = tpu.vector_load %arg10[%swap3A_1147, %swap3A_1148] {strides = array<i32>} : memref<32x1024xf32, #tpu.memory_space<vmem>>, vector<1x16xf32>,
        %swap3A_1150 = vector.shape_cast %swap3A_1149 : vector<1x16xf32> to vector<16xf32>
        %swap3A_1151 = vector.shape_cast %add3A_1145 : vector<16xf32> to vector<1x16xf32>
        tpu.vector_store %arg10[%swap3A_1147, %swap3A_1148], %swap3A_1151 {strides = array<i32>} : memref<32x1024xf32, #tpu.memory_space<vmem>>, vector<1x16xf32>,
        %get3A_1152 = arith.constant 19 : i32
        %get3A_1153 = arith.index_cast %get3A_1152 : i32 to index
        %get3A_1154 = arith.index_cast %mul3A_922 : i32 to index
        %get3A_1155 = tpu.vector_load %arg10[%get3A_1153, %get3A_1154] {strides = array<i32>} : memref<32x1024xf32, #tpu.memory_space<vmem>>, vector<1x16xf32>,
        %get3A_1156 = vector.shape_cast %get3A_1155 : vector<1x16xf32> to vector<16xf32>
        %add3A_1157 = arith.addf %get3A_1156, %get3A_924 : vector<16xf32>
        %swap3A_1158 = arith.constant 19 : i32
        %swap3A_1159 = arith.index_cast %swap3A_1158 : i32 to index
        %swap3A_1160 = arith.index_cast %mul3A_922 : i32 to index
        %swap3A_1161 = tpu.vector_load %arg10[%swap3A_1159, %swap3A_1160] {strides = array<i32>} : memref<32x1024xf32, #tpu.memory_space<vmem>>, vector<1x16xf32>,
        %swap3A_1162 = vector.shape_cast %swap3A_1161 : vector<1x16xf32> to vector<16xf32>
        %swap3A_1163 = vector.shape_cast %add3A_1157 : vector<16xf32> to vector<1x16xf32>
        tpu.vector_store %arg10[%swap3A_1159, %swap3A_1160], %swap3A_1163 {strides = array<i32>} : memref<32x1024xf32, #tpu.memory_space<vmem>>, vector<1x16xf32>,
        %get3A_1164 = arith.constant 20 : i32
        %get3A_1165 = arith.index_cast %get3A_1164 : i32 to index
        %get3A_1166 = arith.index_cast %mul3A_922 : i32 to index
        %get3A_1167 = tpu.vector_load %arg10[%get3A_1165, %get3A_1166] {strides = array<i32>} : memref<32x1024xf32, #tpu.memory_space<vmem>>, vector<1x16xf32>,
        %get3A_1168 = vector.shape_cast %get3A_1167 : vector<1x16xf32> to vector<16xf32>
        %add3A_1169 = arith.addf %get3A_1168, %get3A_924 : vector<16xf32>
        %swap3A_1170 = arith.constant 20 : i32
        %swap3A_1171 = arith.index_cast %swap3A_1170 : i32 to index
        %swap3A_1172 = arith.index_cast %mul3A_922 : i32 to index
        %swap3A_1173 = tpu.vector_load %arg10[%swap3A_1171, %swap3A_1172] {strides = array<i32>} : memref<32x1024xf32, #tpu.memory_space<vmem>>, vector<1x16xf32>,
        %swap3A_1174 = vector.shape_cast %swap3A_1173 : vector<1x16xf32> to vector<16xf32>
        %swap3A_1175 = vector.shape_cast %add3A_1169 : vector<16xf32> to vector<1x16xf32>
        tpu.vector_store %arg10[%swap3A_1171, %swap3A_1172], %swap3A_1175 {strides = array<i32>} : memref<32x1024xf32, #tpu.memory_space<vmem>>, vector<1x16xf32>,
        %get3A_1176 = arith.constant 21 : i32
        %get3A_1177 = arith.index_cast %get3A_1176 : i32 to index
        %get3A_1178 = arith.index_cast %mul3A_922 : i32 to index
        %get3A_1179 = tpu.vector_load %arg10[%get3A_1177, %get3A_1178] {strides = array<i32>} : memref<32x1024xf32, #tpu.memory_space<vmem>>, vector<1x16xf32>,
        %get3A_1180 = vector.shape_cast %get3A_1179 : vector<1x16xf32> to vector<16xf32>
        %add3A_1181 = arith.addf %get3A_1180, %get3A_924 : vector<16xf32>
        %swap3A_1182 = arith.constant 21 : i32
        %swap3A_1183 = arith.index_cast %swap3A_1182 : i32 to index
        %swap3A_1184 = arith.index_cast %mul3A_922 : i32 to index
        %swap3A_1185 = tpu.vector_load %arg10[%swap3A_1183, %swap3A_1184] {strides = array<i32>} : memref<32x1024xf32, #tpu.memory_space<vmem>>, vector<1x16xf32>,
        %swap3A_1186 = vector.shape_cast %swap3A_1185 : vector<1x16xf32> to vector<16xf32>
        %swap3A_1187 = vector.shape_cast %add3A_1181 : vector<16xf32> to vector<1x16xf32>
        tpu.vector_store %arg10[%swap3A_1183, %swap3A_1184], %swap3A_1187 {strides = array<i32>} : memref<32x1024xf32, #tpu.memory_space<vmem>>, vector<1x16xf32>,
        %get3A_1188 = arith.constant 22 : i32
        %get3A_1189 = arith.index_cast %get3A_1188 : i32 to index
        %get3A_1190 = arith.index_cast %mul3A_922 : i32 to index
        %get3A_1191 = tpu.vector_load %arg10[%get3A_1189, %get3A_1190] {strides = array<i32>} : memref<32x1024xf32, #tpu.memory_space<vmem>>, vector<1x16xf32>,
        %get3A_1192 = vector.shape_cast %get3A_1191 : vector<1x16xf32> to vector<16xf32>
        %add3A_1193 = arith.addf %get3A_1192, %get3A_924 : vector<16xf32>
        %swap3A_1194 = arith.constant 22 : i32
        %swap3A_1195 = arith.index_cast %swap3A_1194 : i32 to index
        %swap3A_1196 = arith.index_cast %mul3A_922 : i32 to index
        %swap3A_1197 = tpu.vector_load %arg10[%swap3A_1195, %swap3A_1196] {strides = array<i32>} : memref<32x1024xf32, #tpu.memory_space<vmem>>, vector<1x16xf32>,
        %swap3A_1198 = vector.shape_cast %swap3A_1197 : vector<1x16xf32> to vector<16xf32>
        %swap3A_1199 = vector.shape_cast %add3A_1193 : vector<16xf32> to vector<1x16xf32>
        tpu.vector_store %arg10[%swap3A_1195, %swap3A_1196], %swap3A_1199 {strides = array<i32>} : memref<32x1024xf32, #tpu.memory_space<vmem>>, vector<1x16xf32>,
        %get3A_1200 = arith.constant 23 : i32
        %get3A_1201 = arith.index_cast %get3A_1200 : i32 to index
        %get3A_1202 = arith.index_cast %mul3A_922 : i32 to index
        %get3A_1203 = tpu.vector_load %arg10[%get3A_1201, %get3A_1202] {strides = array<i32>} : memref<32x1024xf32, #tpu.memory_space<vmem>>, vector<1x16xf32>,
        %get3A_1204 = vector.shape_cast %get3A_1203 : vector<1x16xf32> to vector<16xf32>
        %add3A_1205 = arith.addf %get3A_1204, %get3A_924 : vector<16xf32>
        %swap3A_1206 = arith.constant 23 : i32
        %swap3A_1207 = arith.index_cast %swap3A_1206 : i32 to index
        %swap3A_1208 = arith.index_cast %mul3A_922 : i32 to index
        %swap3A_1209 = tpu.vector_load %arg10[%swap3A_1207, %swap3A_1208] {strides = array<i32>} : memref<32x1024xf32, #tpu.memory_space<vmem>>, vector<1x16xf32>,
        %swap3A_1210 = vector.shape_cast %swap3A_1209 : vector<1x16xf32> to vector<16xf32>
        %swap3A_1211 = vector.shape_cast %add3A_1205 : vector<16xf32> to vector<1x16xf32>
        tpu.vector_store %arg10[%swap3A_1207, %swap3A_1208], %swap3A_1211 {strides = array<i32>} : memref<32x1024xf32, #tpu.memory_space<vmem>>, vector<1x16xf32>,
        %get3A_1212 = arith.constant 24 : i32
        %get3A_1213 = arith.index_cast %get3A_1212 : i32 to index
        %get3A_1214 = arith.index_cast %mul3A_922 : i32 to index
        %get3A_1215 = tpu.vector_load %arg10[%get3A_1213, %get3A_1214] {strides = array<i32>} : memref<32x1024xf32, #tpu.memory_space<vmem>>, vector<1x16xf32>,
        %get3A_1216 = vector.shape_cast %get3A_1215 : vector<1x16xf32> to vector<16xf32>
        %add3A_1217 = arith.addf %get3A_1216, %get3A_924 : vector<16xf32>
        %swap3A_1218 = arith.constant 24 : i32
        %swap3A_1219 = arith.index_cast %swap3A_1218 : i32 to index
        %swap3A_1220 = arith.index_cast %mul3A_922 : i32 to index
        %swap3A_1221 = tpu.vector_load %arg10[%swap3A_1219, %swap3A_1220] {strides = array<i32>} : memref<32x1024xf32, #tpu.memory_space<vmem>>, vector<1x16xf32>,
        %swap3A_1222 = vector.shape_cast %swap3A_1221 : vector<1x16xf32> to vector<16xf32>
        %swap3A_1223 = vector.shape_cast %add3A_1217 : vector<16xf32> to vector<1x16xf32>
        tpu.vector_store %arg10[%swap3A_1219, %swap3A_1220], %swap3A_1223 {strides = array<i32>} : memref<32x1024xf32, #tpu.memory_space<vmem>>, vector<1x16xf32>,
        %get3A_1224 = arith.constant 25 : i32
        %get3A_1225 = arith.index_cast %get3A_1224 : i32 to index
        %get3A_1226 = arith.index_cast %mul3A_922 : i32 to index
        %get3A_1227 = tpu.vector_load %arg10[%get3A_1225, %get3A_1226] {strides = array<i32>} : memref<32x1024xf32, #tpu.memory_space<vmem>>, vector<1x16xf32>,
        %get3A_1228 = vector.shape_cast %get3A_1227 : vector<1x16xf32> to vector<16xf32>
        %add3A_1229 = arith.addf %get3A_1228, %get3A_924 : vector<16xf32>
        %swap3A_1230 = arith.constant 25 : i32
        %swap3A_1231 = arith.index_cast %swap3A_1230 : i32 to index
        %swap3A_1232 = arith.index_cast %mul3A_922 : i32 to index
        %swap3A_1233 = tpu.vector_load %arg10[%swap3A_1231, %swap3A_1232] {strides = array<i32>} : memref<32x1024xf32, #tpu.memory_space<vmem>>, vector<1x16xf32>,
        %swap3A_1234 = vector.shape_cast %swap3A_1233 : vector<1x16xf32> to vector<16xf32>
        %swap3A_1235 = vector.shape_cast %add3A_1229 : vector<16xf32> to vector<1x16xf32>
        tpu.vector_store %arg10[%swap3A_1231, %swap3A_1232], %swap3A_1235 {strides = array<i32>} : memref<32x1024xf32, #tpu.memory_space<vmem>>, vector<1x16xf32>,
        %get3A_1236 = arith.constant 26 : i32
        %get3A_1237 = arith.index_cast %get3A_1236 : i32 to index
        %get3A_1238 = arith.index_cast %mul3A_922 : i32 to index
        %get3A_1239 = tpu.vector_load %arg10[%get3A_1237, %get3A_1238] {strides = array<i32>} : memref<32x1024xf32, #tpu.memory_space<vmem>>, vector<1x16xf32>,
        %get3A_1240 = vector.shape_cast %get3A_1239 : vector<1x16xf32> to vector<16xf32>
        %add3A_1241 = arith.addf %get3A_1240, %get3A_924 : vector<16xf32>
        %swap3A_1242 = arith.constant 26 : i32
        %swap3A_1243 = arith.index_cast %swap3A_1242 : i32 to index
        %swap3A_1244 = arith.index_cast %mul3A_922 : i32 to index
        %swap3A_1245 = tpu.vector_load %arg10[%swap3A_1243, %swap3A_1244] {strides = array<i32>} : memref<32x1024xf32, #tpu.memory_space<vmem>>, vector<1x16xf32>,
        %swap3A_1246 = vector.shape_cast %swap3A_1245 : vector<1x16xf32> to vector<16xf32>
        %swap3A_1247 = vector.shape_cast %add3A_1241 : vector<16xf32> to vector<1x16xf32>
        tpu.vector_store %arg10[%swap3A_1243, %swap3A_1244], %swap3A_1247 {strides = array<i32>} : memref<32x1024xf32, #tpu.memory_space<vmem>>, vector<1x16xf32>,
        %get3A_1248 = arith.constant 27 : i32
        %get3A_1249 = arith.index_cast %get3A_1248 : i32 to index
        %get3A_1250 = arith.index_cast %mul3A_922 : i32 to index
        %get3A_1251 = tpu.vector_load %arg10[%get3A_1249, %get3A_1250] {strides = array<i32>} : memref<32x1024xf32, #tpu.memory_space<vmem>>, vector<1x16xf32>,
        %get3A_1252 = vector.shape_cast %get3A_1251 : vector<1x16xf32> to vector<16xf32>
        %add3A_1253 = arith.addf %get3A_1252, %get3A_924 : vector<16xf32>
        %swap3A_1254 = arith.constant 27 : i32
        %swap3A_1255 = arith.index_cast %swap3A_1254 : i32 to index
        %swap3A_1256 = arith.index_cast %mul3A_922 : i32 to index
        %swap3A_1257 = tpu.vector_load %arg10[%swap3A_1255, %swap3A_1256] {strides = array<i32>} : memref<32x1024xf32, #tpu.memory_space<vmem>>, vector<1x16xf32>,
        %swap3A_1258 = vector.shape_cast %swap3A_1257 : vector<1x16xf32> to vector<16xf32>
        %swap3A_1259 = vector.shape_cast %add3A_1253 : vector<16xf32> to vector<1x16xf32>
        tpu.vector_store %arg10[%swap3A_1255, %swap3A_1256], %swap3A_1259 {strides = array<i32>} : memref<32x1024xf32, #tpu.memory_space<vmem>>, vector<1x16xf32>,
        %get3A_1260 = arith.constant 28 : i32
        %get3A_1261 = arith.index_cast %get3A_1260 : i32 to index
        %get3A_1262 = arith.index_cast %mul3A_922 : i32 to index
        %get3A_1263 = tpu.vector_load %arg10[%get3A_1261, %get3A_1262] {strides = array<i32>} : memref<32x1024xf32, #tpu.memory_space<vmem>>, vector<1x16xf32>,
        %get3A_1264 = vector.shape_cast %get3A_1263 : vector<1x16xf32> to vector<16xf32>
        %add3A_1265 = arith.addf %get3A_1264, %get3A_924 : vector<16xf32>
        %swap3A_1266 = arith.constant 28 : i32
        %swap3A_1267 = arith.index_cast %swap3A_1266 : i32 to index
        %swap3A_1268 = arith.index_cast %mul3A_922 : i32 to index
        %swap3A_1269 = tpu.vector_load %arg10[%swap3A_1267, %swap3A_1268] {strides = array<i32>} : memref<32x1024xf32, #tpu.memory_space<vmem>>, vector<1x16xf32>,
        %swap3A_1270 = vector.shape_cast %swap3A_1269 : vector<1x16xf32> to vector<16xf32>
        %swap3A_1271 = vector.shape_cast %add3A_1265 : vector<16xf32> to vector<1x16xf32>
        tpu.vector_store %arg10[%swap3A_1267, %swap3A_1268], %swap3A_1271 {strides = array<i32>} : memref<32x1024xf32, #tpu.memory_space<vmem>>, vector<1x16xf32>,
        %get3A_1272 = arith.constant 29 : i32
        %get3A_1273 = arith.index_cast %get3A_1272 : i32 to index
        %get3A_1274 = arith.index_cast %mul3A_922 : i32 to index
        %get3A_1275 = tpu.vector_load %arg10[%get3A_1273, %get3A_1274] {strides = array<i32>} : memref<32x1024xf32, #tpu.memory_space<vmem>>, vector<1x16xf32>,
        %get3A_1276 = vector.shape_cast %get3A_1275 : vector<1x16xf32> to vector<16xf32>
        %add3A_1277 = arith.addf %get3A_1276, %get3A_924 : vector<16xf32>
        %swap3A_1278 = arith.constant 29 : i32
        %swap3A_1279 = arith.index_cast %swap3A_1278 : i32 to index
        %swap3A_1280 = arith.index_cast %mul3A_922 : i32 to index
        %swap3A_1281 = tpu.vector_load %arg10[%swap3A_1279, %swap3A_1280] {strides = array<i32>} : memref<32x1024xf32, #tpu.memory_space<vmem>>, vector<1x16xf32>,
        %swap3A_1282 = vector.shape_cast %swap3A_1281 : vector<1x16xf32> to vector<16xf32>
        %swap3A_1283 = vector.shape_cast %add3A_1277 : vector<16xf32> to vector<1x16xf32>
        tpu.vector_store %arg10[%swap3A_1279, %swap3A_1280], %swap3A_1283 {strides = array<i32>} : memref<32x1024xf32, #tpu.memory_space<vmem>>, vector<1x16xf32>,
        %get3A_1284 = arith.constant 30 : i32
        %get3A_1285 = arith.index_cast %get3A_1284 : i32 to index
        %get3A_1286 = arith.index_cast %mul3A_922 : i32 to index
        %get3A_1287 = tpu.vector_load %arg10[%get3A_1285, %get3A_1286] {strides = array<i32>} : memref<32x1024xf32, #tpu.memory_space<vmem>>, vector<1x16xf32>,
        %get3A_1288 = vector.shape_cast %get3A_1287 : vector<1x16xf32> to vector<16xf32>
        %add3A_1289 = arith.addf %get3A_1288, %get3A_924 : vector<16xf32>
        %swap3A_1290 = arith.constant 30 : i32
        %swap3A_1291 = arith.index_cast %swap3A_1290 : i32 to index
        %swap3A_1292 = arith.index_cast %mul3A_922 : i32 to index
        %swap3A_1293 = tpu.vector_load %arg10[%swap3A_1291, %swap3A_1292] {strides = array<i32>} : memref<32x1024xf32, #tpu.memory_space<vmem>>, vector<1x16xf32>,
        %swap3A_1294 = vector.shape_cast %swap3A_1293 : vector<1x16xf32> to vector<16xf32>
        %swap3A_1295 = vector.shape_cast %add3A_1289 : vector<16xf32> to vector<1x16xf32>
        tpu.vector_store %arg10[%swap3A_1291, %swap3A_1292], %swap3A_1295 {strides = array<i32>} : memref<32x1024xf32, #tpu.memory_space<vmem>>, vector<1x16xf32>,
        %get3A_1296 = arith.constant 31 : i32
        %get3A_1297 = arith.index_cast %get3A_1296 : i32 to index
        %get3A_1298 = arith.index_cast %mul3A_922 : i32 to index
        %get3A_1299 = tpu.vector_load %arg10[%get3A_1297, %get3A_1298] {strides = array<i32>} : memref<32x1024xf32, #tpu.memory_space<vmem>>, vector<1x16xf32>,
        %get3A_1300 = vector.shape_cast %get3A_1299 : vector<1x16xf32> to vector<16xf32>
        %add3A_1301 = arith.addf %get3A_1300, %get3A_924 : vector<16xf32>
        %swap3A_1302 = arith.constant 31 : i32
        %swap3A_1303 = arith.index_cast %swap3A_1302 : i32 to index
        %swap3A_1304 = arith.index_cast %mul3A_922 : i32 to index
        %swap3A_1305 = tpu.vector_load %arg10[%swap3A_1303, %swap3A_1304] {strides = array<i32>} : memref<32x1024xf32, #tpu.memory_space<vmem>>, vector<1x16xf32>,
        %swap3A_1306 = vector.shape_cast %swap3A_1305 : vector<1x16xf32> to vector<16xf32>
        %swap3A_1307 = vector.shape_cast %add3A_1301 : vector<16xf32> to vector<1x16xf32>
        tpu.vector_store %arg10[%swap3A_1303, %swap3A_1304], %swap3A_1307 {strides = array<i32>} : memref<32x1024xf32, #tpu.memory_space<vmem>>, vector<1x16xf32>,
      }
      %scan3A_794 = arith.constant 64 : i32
      %iota3A_795 = tpu.iota {dimensions = array<i32: 0>} : vector<16xi32>
      %jit3A_796 = arith.constant 4 : i32
      %eq3A_797 = arith.constant 0 : i32
      %eq3A_798 = arith.cmpi eq, %jit3A_796, %eq3A_797 : i32
      %jit3A_799 = arith.constant 1 : i32
      %select_n3A_800 = arith.select %eq3A_798, %jit3A_799, %jit3A_796 : i32
      %rem3A_801 = arith.remsi %add3A_762, %select_n3A_800 : i32
      %ne3A_802 = arith.constant 0 : i32
      %ne3A_803 = arith.cmpi ne, %rem3A_801, %ne3A_802 : i32
      %lt3A_804 = arith.constant 0 : i32
      %lt3A_805 = arith.cmpi slt, %rem3A_801, %lt3A_804 : i32
      %lt3A_806 = arith.constant 0 : i32
      %lt3A_807 = arith.cmpi slt, %select_n3A_800, %lt3A_806 : i32
      %ne3A_808 = arith.xori %lt3A_805, %lt3A_807 : i1
      %and3A_809 = arith.andi %ne3A_808, %ne3A_803 : i1
      %add3A_810 = arith.addi %rem3A_801, %select_n3A_800 : i32
      %select_n3A_811 = arith.select %and3A_809, %add3A_810, %rem3A_801 : i32
      %mul3A_812 = arith.constant 32 : i32
      %mul3A_813 = arith.muli %select_n3A_811, %mul3A_812 : i32
      %add3A_814 = arith.constant 0 : i32
      %add3A_815 = arith.addi %mul3A_813, %add3A_814 : i32
      %add3A_816 = vector.broadcast %add3A_815 : i32 to vector<16xi32>
      %add3A_817 = arith.addi %iota3A_795, %add3A_816 : vector<16xi32>
      %mul3A_818 = arith.constant 77 : i32
      %mul3A_819 = vector.broadcast %mul3A_818 : i32 to vector<16xi32>
      %mul3A_820 = arith.muli %add3A_817, %mul3A_819 : vector<16xi32>
      %jit3A_821 = arith.constant 4 : i32
      %div3A_822 = arith.divsi %add3A_762, %jit3A_821 : i32
      %sign3A_823 = arith.constant 0 : i32
      %sign3A_824 = arith.cmpi sgt, %add3A_762, %sign3A_823 : i32
      %sign3A_825 = arith.extui %sign3A_824 : i1 to i32
      %sign3A_826 = arith.constant 0 : i32
      %sign3A_827 = arith.cmpi slt, %add3A_762, %sign3A_826 : i32
      %sign3A_828 = arith.extui %sign3A_827 : i1 to i32
      %sign3A_829 = arith.subi %sign3A_825, %sign3A_828 : i32
      %sign3A_830 = arith.constant 0 : i32
      %sign3A_831 = arith.cmpi sgt, %jit3A_821, %sign3A_830 : i32
      %sign3A_832 = arith.extui %sign3A_831 : i1 to i32
      %sign3A_833 = arith.constant 0 : i32
      %sign3A_834 = arith.cmpi slt, %jit3A_821, %sign3A_833 : i32
      %sign3A_835 = arith.extui %sign3A_834 : i1 to i32
      %sign3A_836 = arith.subi %sign3A_832, %sign3A_835 : i32
      %ne3A_837 = arith.cmpi ne, %sign3A_829, %sign3A_836 : i32
      %rem3A_838 = arith.remsi %add3A_762, %jit3A_821 : i32
      %ne3A_839 = arith.constant 0 : i32
      %ne3A_840 = arith.cmpi ne, %rem3A_838, %ne3A_839 : i32
      %and3A_841 = arith.andi %ne3A_837, %ne3A_840 : i1
      %sub3A_842 = arith.constant 1 : i32
      %sub3A_843 = arith.subi %div3A_822, %sub3A_842 : i32
      %select_n3A_844 = arith.select %and3A_841, %sub3A_843, %div3A_822 : i32
      %add3A_845 = arith.addi %mul3A_2, %select_n3A_844 : i32
      %add3A_846 = vector.broadcast %add3A_845 : i32 to vector<16xi32>
      %add3A_847 = arith.addi %mul3A_820, %add3A_846 : vector<16xi32>
      %dma_start3A_848 = arith.constant 0 : i32
      %dma_start3A_849 = arith.constant 0 : i32
      %dma_start3A_850 = tpu.memref_slice %arg10[%dma_start3A_848, %dma_start3A_849] : memref<32x1024xf32, #tpu.memory_space<vmem>> -> memref<16x1024xf32, #tpu.memory_space<vmem>>
      %dma_start3A_851 = arith.constant 0 : i32
      %dma_start3A_852 = arith.constant 0 : i32
      %dma_start3A_853 = tpu.memref_slice %arg5[%dma_start3A_851, %dma_start3A_852] : memref<315392x1024xf32, #tpu.memory_space<hbm>> -> memref<315392x1024xf32, #tpu.memory_space<hbm>>
      tpu.enqueue_indirect_dma source(%dma_start3A_850 : memref<16x1024xf32, #tpu.memory_space<vmem>>) target(%dma_start3A_853 : memref<315392x1024xf32, #tpu.memory_space<hbm>>) offsets(%add3A_847 : vector<16xi32>) semaphore(%arg16 : memref<!tpu.dma_semaphore, #tpu.memory_space<semaphore_mem>>)
      %iota3A_854 = tpu.iota {dimensions = array<i32: 0>} : vector<16xi32>
      %jit3A_855 = arith.constant 4 : i32
      %eq3A_856 = arith.constant 0 : i32
      %eq3A_857 = arith.cmpi eq, %jit3A_855, %eq3A_856 : i32
      %jit3A_858 = arith.constant 1 : i32
      %select_n3A_859 = arith.select %eq3A_857, %jit3A_858, %jit3A_855 : i32
      %rem3A_860 = arith.remsi %add3A_762, %select_n3A_859 : i32
      %ne3A_861 = arith.constant 0 : i32
      %ne3A_862 = arith.cmpi ne, %rem3A_860, %ne3A_861 : i32
      %lt3A_863 = arith.constant 0 : i32
      %lt3A_864 = arith.cmpi slt, %rem3A_860, %lt3A_863 : i32
      %lt3A_865 = arith.constant 0 : i32
      %lt3A_866 = arith.cmpi slt, %select_n3A_859, %lt3A_865 : i32
      %ne3A_867 = arith.xori %lt3A_864, %lt3A_866 : i1
      %and3A_868 = arith.andi %ne3A_867, %ne3A_862 : i1
      %add3A_869 = arith.addi %rem3A_860, %select_n3A_859 : i32
      %select_n3A_870 = arith.select %and3A_868, %add3A_869, %rem3A_860 : i32
      %mul3A_871 = arith.constant 32 : i32
      %mul3A_872 = arith.muli %select_n3A_870, %mul3A_871 : i32
      %add3A_873 = arith.constant 16 : i32
      %add3A_874 = arith.addi %mul3A_872, %add3A_873 : i32
      %add3A_875 = vector.broadcast %add3A_874 : i32 to vector<16xi32>
      %add3A_876 = arith.addi %iota3A_854, %add3A_875 : vector<16xi32>
      %mul3A_877 = arith.constant 77 : i32
      %mul3A_878 = vector.broadcast %mul3A_877 : i32 to vector<16xi32>
      %mul3A_879 = arith.muli %add3A_876, %mul3A_878 : vector<16xi32>
      %jit3A_880 = arith.constant 4 : i32
      %div3A_881 = arith.divsi %add3A_762, %jit3A_880 : i32
      %sign3A_882 = arith.constant 0 : i32
      %sign3A_883 = arith.cmpi sgt, %add3A_762, %sign3A_882 : i32
      %sign3A_884 = arith.extui %sign3A_883 : i1 to i32
      %sign3A_885 = arith.constant 0 : i32
      %sign3A_886 = arith.cmpi slt, %add3A_762, %sign3A_885 : i32
      %sign3A_887 = arith.extui %sign3A_886 : i1 to i32
      %sign3A_888 = arith.subi %sign3A_884, %sign3A_887 : i32
      %sign3A_889 = arith.constant 0 : i32
      %sign3A_890 = arith.cmpi sgt, %jit3A_880, %sign3A_889 : i32
      %sign3A_891 = arith.extui %sign3A_890 : i1 to i32
      %sign3A_892 = arith.constant 0 : i32
      %sign3A_893 = arith.cmpi slt, %jit3A_880, %sign3A_892 : i32
      %sign3A_894 = arith.extui %sign3A_893 : i1 to i32
      %sign3A_895 = arith.subi %sign3A_891, %sign3A_894 : i32
      %ne3A_896 = arith.cmpi ne, %sign3A_888, %sign3A_895 : i32
      %rem3A_897 = arith.remsi %add3A_762, %jit3A_880 : i32
      %ne3A_898 = arith.constant 0 : i32
      %ne3A_899 = arith.cmpi ne, %rem3A_897, %ne3A_898 : i32
      %and3A_900 = arith.andi %ne3A_896, %ne3A_899 : i1
      %sub3A_901 = arith.constant 1 : i32
      %sub3A_902 = arith.subi %div3A_881, %sub3A_901 : i32
      %select_n3A_903 = arith.select %and3A_900, %sub3A_902, %div3A_881 : i32
      %add3A_904 = arith.addi %mul3A_2, %select_n3A_903 : i32
      %add3A_905 = vector.broadcast %add3A_904 : i32 to vector<16xi32>
      %add3A_906 = arith.addi %mul3A_879, %add3A_905 : vector<16xi32>
      %dma_start3A_907 = arith.constant 16 : i32
      %dma_start3A_908 = arith.constant 0 : i32
      %dma_start3A_909 = tpu.memref_slice %arg10[%dma_start3A_907, %dma_start3A_908] : memref<32x1024xf32, #tpu.memory_space<vmem>> -> memref<16x1024xf32, #tpu.memory_space<vmem>>
      %dma_start3A_910 = arith.constant 0 : i32
      %dma_start3A_911 = arith.constant 0 : i32
      %dma_start3A_912 = tpu.memref_slice %arg5[%dma_start3A_910, %dma_start3A_911] : memref<315392x1024xf32, #tpu.memory_space<hbm>> -> memref<315392x1024xf32, #tpu.memory_space<hbm>>
      tpu.enqueue_indirect_dma source(%dma_start3A_909 : memref<16x1024xf32, #tpu.memory_space<vmem>>) target(%dma_start3A_912 : memref<315392x1024xf32, #tpu.memory_space<hbm>>) offsets(%add3A_906 : vector<16xi32>) semaphore(%arg16 : memref<!tpu.dma_semaphore, #tpu.memory_space<semaphore_mem>>)
      %add3A_913 = arith.constant 2 : i32
      %add3A_914 = arith.addi %add3A_762, %add3A_913 : i32
      %lt3A_915 = arith.constant 308 : i32
      %lt3A_916 = arith.cmpi slt, %add3A_914, %lt3A_915 : i32
      %convert_element_type3A_917 = arith.extui %lt3A_916 : i1 to i32
      %cond3A_918 = arith.constant 0 : i32
      %cond3A_919 = arith.cmpi ne, %convert_element_type3A_917, %cond3A_918 : i32
      scf.if %cond3A_919 {
        %ge3A = arith.constant 1 : i32
        %ge3A_920 = arith.cmpi sge, %add3A_762, %ge3A : i32
        %convert_element_type3A_921 = arith.extui %ge3A_920 : i1 to i32
        %cond3A_922 = arith.constant 0 : i32
        %cond3A_923 = arith.cmpi ne, %convert_element_type3A_921, %cond3A_922 : i32
        scf.if %cond3A_923 {
          %add3A_932 = arith.constant 2 : i32
          %add3A_933 = arith.addi %add3A_762, %add3A_932 : i32
          %sub3A_934 = arith.constant 3 : i32
          %sub3A_935 = arith.subi %add3A_933, %sub3A_934 : i32
          %iota3A_936 = tpu.iota {dimensions = array<i32: 0>} : vector<16xi32>
          %jit3A_937 = arith.constant 4 : i32
          %eq3A_938 = arith.constant 0 : i32
          %eq3A_939 = arith.cmpi eq, %jit3A_937, %eq3A_938 : i32
          %jit3A_940 = arith.constant 1 : i32
          %select_n3A_941 = arith.select %eq3A_939, %jit3A_940, %jit3A_937 : i32
          %rem3A_942 = arith.remsi %sub3A_935, %select_n3A_941 : i32
          %ne3A_943 = arith.constant 0 : i32
          %ne3A_944 = arith.cmpi ne, %rem3A_942, %ne3A_943 : i32
          %lt3A_945 = arith.constant 0 : i32
          %lt3A_946 = arith.cmpi slt, %rem3A_942, %lt3A_945 : i32
          %lt3A_947 = arith.constant 0 : i32
          %lt3A_948 = arith.cmpi slt, %select_n3A_941, %lt3A_947 : i32
          %ne3A_949 = arith.xori %lt3A_946, %lt3A_948 : i1
          %and3A_950 = arith.andi %ne3A_949, %ne3A_944 : i1
          %add3A_951 = arith.addi %rem3A_942, %select_n3A_941 : i32
          %select_n3A_952 = arith.select %and3A_950, %add3A_951, %rem3A_942 : i32
          %mul3A_953 = arith.constant 32 : i32
          %mul3A_954 = arith.muli %select_n3A_952, %mul3A_953 : i32
          %add3A_955 = arith.constant 0 : i32
          %add3A_956 = arith.addi %mul3A_954, %add3A_955 : i32
          %add3A_957 = vector.broadcast %add3A_956 : i32 to vector<16xi32>
          %add3A_958 = arith.addi %iota3A_936, %add3A_957 : vector<16xi32>
          %mul3A_959 = arith.constant 77 : i32
          %mul3A_960 = vector.broadcast %mul3A_959 : i32 to vector<16xi32>
          %mul3A_961 = arith.muli %add3A_958, %mul3A_960 : vector<16xi32>
          %jit3A_962 = arith.constant 4 : i32
          %div3A_963 = arith.divsi %sub3A_935, %jit3A_962 : i32
          %sign3A_964 = arith.constant 0 : i32
          %sign3A_965 = arith.cmpi sgt, %sub3A_935, %sign3A_964 : i32
          %sign3A_966 = arith.extui %sign3A_965 : i1 to i32
          %sign3A_967 = arith.constant 0 : i32
          %sign3A_968 = arith.cmpi slt, %sub3A_935, %sign3A_967 : i32
          %sign3A_969 = arith.extui %sign3A_968 : i1 to i32
          %sign3A_970 = arith.subi %sign3A_966, %sign3A_969 : i32
          %sign3A_971 = arith.constant 0 : i32
          %sign3A_972 = arith.cmpi sgt, %jit3A_962, %sign3A_971 : i32
          %sign3A_973 = arith.extui %sign3A_972 : i1 to i32
          %sign3A_974 = arith.constant 0 : i32
          %sign3A_975 = arith.cmpi slt, %jit3A_962, %sign3A_974 : i32
          %sign3A_976 = arith.extui %sign3A_975 : i1 to i32
          %sign3A_977 = arith.subi %sign3A_973, %sign3A_976 : i32
          %ne3A_978 = arith.cmpi ne, %sign3A_970, %sign3A_977 : i32
          %rem3A_979 = arith.remsi %sub3A_935, %jit3A_962 : i32
          %ne3A_980 = arith.constant 0 : i32
          %ne3A_981 = arith.cmpi ne, %rem3A_979, %ne3A_980 : i32
          %and3A_982 = arith.andi %ne3A_978, %ne3A_981 : i1
          %sub3A_983 = arith.constant 1 : i32
          %sub3A_984 = arith.subi %div3A_963, %sub3A_983 : i32
          %select_n3A_985 = arith.select %and3A_982, %sub3A_984, %div3A_963 : i32
          %add3A_986 = arith.addi %mul3A_2, %select_n3A_985 : i32
          %add3A_987 = vector.broadcast %add3A_986 : i32 to vector<16xi32>
          %add3A_988 = arith.addi %mul3A_961, %add3A_987 : vector<16xi32>
          %dma_wait3A_989 = arith.constant 0 : i32
          %dma_wait3A_990 = arith.constant 0 : i32
          %dma_wait3A_991 = tpu.memref_slice %arg9[%dma_wait3A_989, %dma_wait3A_990] : memref<32x1024xf32, #tpu.memory_space<vmem>> -> memref<16x1024xf32, #tpu.memory_space<vmem>>
          %dma_wait3A_992 = arith.constant 0 : i32
          %dma_wait3A_993 = arith.constant 0 : i32
          %dma_wait3A_994 = tpu.memref_slice %arg5[%dma_wait3A_992, %dma_wait3A_993] : memref<315392x1024xf32, #tpu.memory_space<hbm>> -> memref<315392x1024xf32, #tpu.memory_space<hbm>>
          tpu.wait_indirect_dma semaphore(%arg15 : memref<!tpu.dma_semaphore, #tpu.memory_space<semaphore_mem>>) src(%dma_wait3A_991 : memref<16x1024xf32, #tpu.memory_space<vmem>>) dst(%dma_wait3A_994 : memref<315392x1024xf32, #tpu.memory_space<hbm>>)
          %iota3A_995 = tpu.iota {dimensions = array<i32: 0>} : vector<16xi32>
          %jit3A_996 = arith.constant 4 : i32
          %eq3A_997 = arith.constant 0 : i32
          %eq3A_998 = arith.cmpi eq, %jit3A_996, %eq3A_997 : i32
          %jit3A_999 = arith.constant 1 : i32
          %select_n3A_1000 = arith.select %eq3A_998, %jit3A_999, %jit3A_996 : i32
          %rem3A_1001 = arith.remsi %sub3A_935, %select_n3A_1000 : i32
          %ne3A_1002 = arith.constant 0 : i32
          %ne3A_1003 = arith.cmpi ne, %rem3A_1001, %ne3A_1002 : i32
          %lt3A_1004 = arith.constant 0 : i32
          %lt3A_1005 = arith.cmpi slt, %rem3A_1001, %lt3A_1004 : i32
          %lt3A_1006 = arith.constant 0 : i32
          %lt3A_1007 = arith.cmpi slt, %select_n3A_1000, %lt3A_1006 : i32
          %ne3A_1008 = arith.xori %lt3A_1005, %lt3A_1007 : i1
          %and3A_1009 = arith.andi %ne3A_1008, %ne3A_1003 : i1
          %add3A_1010 = arith.addi %rem3A_1001, %select_n3A_1000 : i32
          %select_n3A_1011 = arith.select %and3A_1009, %add3A_1010, %rem3A_1001 : i32
          %mul3A_1012 = arith.constant 32 : i32
          %mul3A_1013 = arith.muli %select_n3A_1011, %mul3A_1012 : i32
          %add3A_1014 = arith.constant 16 : i32
          %add3A_1015 = arith.addi %mul3A_1013, %add3A_1014 : i32
          %add3A_1016 = vector.broadcast %add3A_1015 : i32 to vector<16xi32>
          %add3A_1017 = arith.addi %iota3A_995, %add3A_1016 : vector<16xi32>
          %mul3A_1018 = arith.constant 77 : i32
          %mul3A_1019 = vector.broadcast %mul3A_1018 : i32 to vector<16xi32>
          %mul3A_1020 = arith.muli %add3A_1017, %mul3A_1019 : vector<16xi32>
          %jit3A_1021 = arith.constant 4 : i32
          %div3A_1022 = arith.divsi %sub3A_935, %jit3A_1021 : i32
          %sign3A_1023 = arith.constant 0 : i32
          %sign3A_1024 = arith.cmpi sgt, %sub3A_935, %sign3A_1023 : i32
          %sign3A_1025 = arith.extui %sign3A_1024 : i1 to i32
          %sign3A_1026 = arith.constant 0 : i32
          %sign3A_1027 = arith.cmpi slt, %sub3A_935, %sign3A_1026 : i32
          %sign3A_1028 = arith.extui %sign3A_1027 : i1 to i32
          %sign3A_1029 = arith.subi %sign3A_1025, %sign3A_1028 : i32
          %sign3A_1030 = arith.constant 0 : i32
          %sign3A_1031 = arith.cmpi sgt, %jit3A_1021, %sign3A_1030 : i32
          %sign3A_1032 = arith.extui %sign3A_1031 : i1 to i32
          %sign3A_1033 = arith.constant 0 : i32
          %sign3A_1034 = arith.cmpi slt, %jit3A_1021, %sign3A_1033 : i32
          %sign3A_1035 = arith.extui %sign3A_1034 : i1 to i32
          %sign3A_1036 = arith.subi %sign3A_1032, %sign3A_1035 : i32
          %ne3A_1037 = arith.cmpi ne, %sign3A_1029, %sign3A_1036 : i32
          %rem3A_1038 = arith.remsi %sub3A_935, %jit3A_1021 : i32
          %ne3A_1039 = arith.constant 0 : i32
          %ne3A_1040 = arith.cmpi ne, %rem3A_1038, %ne3A_1039 : i32
          %and3A_1041 = arith.andi %ne3A_1037, %ne3A_1040 : i1
          %sub3A_1042 = arith.constant 1 : i32
          %sub3A_1043 = arith.subi %div3A_1022, %sub3A_1042 : i32
          %select_n3A_1044 = arith.select %and3A_1041, %sub3A_1043, %div3A_1022 : i32
          %add3A_1045 = arith.addi %mul3A_2, %select_n3A_1044 : i32
          %add3A_1046 = vector.broadcast %add3A_1045 : i32 to vector<16xi32>
          %add3A_1047 = arith.addi %mul3A_1020, %add3A_1046 : vector<16xi32>
          %dma_wait3A_1048 = arith.constant 16 : i32
          %dma_wait3A_1049 = arith.constant 0 : i32
          %dma_wait3A_1050 = tpu.memref_slice %arg9[%dma_wait3A_1048, %dma_wait3A_1049] : memref<32x1024xf32, #tpu.memory_space<vmem>> -> memref<16x1024xf32, #tpu.memory_space<vmem>>
          %dma_wait3A_1051 = arith.constant 0 : i32
          %dma_wait3A_1052 = arith.constant 0 : i32
          %dma_wait3A_1053 = tpu.memref_slice %arg5[%dma_wait3A_1051, %dma_wait3A_1052] : memref<315392x1024xf32, #tpu.memory_space<hbm>> -> memref<315392x1024xf32, #tpu.memory_space<hbm>>
          tpu.wait_indirect_dma semaphore(%arg15 : memref<!tpu.dma_semaphore, #tpu.memory_space<semaphore_mem>>) src(%dma_wait3A_1050 : memref<16x1024xf32, #tpu.memory_space<vmem>>) dst(%dma_wait3A_1053 : memref<315392x1024xf32, #tpu.memory_space<hbm>>)
        } else {
        }
        %add3A_924 = arith.constant 2 : i32
        %add3A_925 = arith.addi %add3A_762, %add3A_924 : i32
        %mul3A_926 = arith.constant 32 : i32
        %mul3A_927 = arith.muli %add3A_925, %mul3A_926 : i32
        %dma_start3A_928 = tpu.memref_slice %arg6[%mul3A_927] : memref<9856xi32, #tpu.memory_space<vmem>> -> memref<32xi32, #tpu.memory_space<vmem>>
        %dma_start3A_929 = arith.constant 0 : i32
        %dma_start3A_930 = arith.constant 0 : i32
        %dma_start3A_931 = tpu.memref_slice %arg3[%dma_start3A_929, %dma_start3A_930] : memref<49408x1024xf32, #tpu.memory_space<hbm>> -> memref<49408x1024xf32, #tpu.memory_space<hbm>>
        tpu.enqueue_indirect_dma source(%dma_start3A_931 : memref<49408x1024xf32, #tpu.memory_space<hbm>>) target(%arg9 : memref<32x1024xf32, #tpu.memory_space<vmem>>) offsets(%dma_start3A_928 : memref<32xi32, #tpu.memory_space<vmem>>) semaphore(%arg12 : memref<!tpu.dma_semaphore, #tpu.memory_space<semaphore_mem>>)
      } else {
      }
    }
    %scan3A_15 = arith.constant 102 : i32
    %jit3A = arith.constant 306 : i32
    %jit3A_16 = arith.constant 4 : i32
    %eq3A = arith.constant 0 : i32
    %eq3A_17 = arith.cmpi eq, %jit3A_16, %eq3A : i32
    %jit3A_18 = arith.constant 1 : i32
    %select_n3A = arith.select %eq3A_17, %jit3A_18, %jit3A_16 : i32
    %rem3A = arith.remsi %jit3A, %select_n3A : i32
    %ne3A = arith.constant 0 : i32
    %ne3A_19 = arith.cmpi ne, %rem3A, %ne3A : i32
    %lt3A = arith.constant 0 : i32
    %lt3A_20 = arith.cmpi slt, %rem3A, %lt3A : i32
    %lt3A_21 = arith.constant 0 : i32
    %lt3A_22 = arith.cmpi slt, %select_n3A, %lt3A_21 : i32
    %ne3A_23 = arith.xori %lt3A_20, %lt3A_22 : i1
    %and3A = arith.andi %ne3A_23, %ne3A_19 : i1
    %add3A_24 = arith.addi %rem3A, %select_n3A : i32
    %select_n3A_25 = arith.select %and3A, %add3A_24, %rem3A : i32
    %eq3A_26 = arith.constant 0 : i32
    %eq3A_27 = arith.cmpi eq, %select_n3A_25, %eq3A_26 : i32
    %convert_element_type3A = arith.extui %eq3A_27 : i1 to i32
    %cond3A = arith.constant 306 : i32
    %cond3A_28 = arith.constant 0 : i32
    %cond3A_29 = arith.cmpi ne, %convert_element_type3A, %cond3A_28 : i32
    scf.if %cond3A_29 {
      %jit3A_436 = arith.constant 4 : i32
      %div3A_437 = arith.divsi %cond3A, %jit3A_436 : i32
      %sign3A_438 = arith.constant 0 : i32
      %sign3A_439 = arith.cmpi sgt, %cond3A, %sign3A_438 : i32
      %sign3A_440 = arith.extui %sign3A_439 : i1 to i32
      %sign3A_441 = arith.constant 0 : i32
      %sign3A_442 = arith.cmpi slt, %cond3A, %sign3A_441 : i32
      %sign3A_443 = arith.extui %sign3A_442 : i1 to i32
      %sign3A_444 = arith.subi %sign3A_440, %sign3A_443 : i32
      %sign3A_445 = arith.constant 0 : i32
      %sign3A_446 = arith.cmpi sgt, %jit3A_436, %sign3A_445 : i32
      %sign3A_447 = arith.extui %sign3A_446 : i1 to i32
      %sign3A_448 = arith.constant 0 : i32
      %sign3A_449 = arith.cmpi slt, %jit3A_436, %sign3A_448 : i32
      %sign3A_450 = arith.extui %sign3A_449 : i1 to i32
      %sign3A_451 = arith.subi %sign3A_447, %sign3A_450 : i32
      %ne3A_452 = arith.cmpi ne, %sign3A_444, %sign3A_451 : i32
      %rem3A_453 = arith.remsi %cond3A, %jit3A_436 : i32
      %ne3A_454 = arith.constant 0 : i32
      %ne3A_455 = arith.cmpi ne, %rem3A_453, %ne3A_454 : i32
      %and3A_456 = arith.andi %ne3A_452, %ne3A_455 : i1
      %sub3A_457 = arith.constant 1 : i32
      %sub3A_458 = arith.subi %div3A_437, %sub3A_457 : i32
      %select_n3A_459 = arith.select %and3A_456, %sub3A_458, %div3A_437 : i32
      "tpu.region"() ({
        %run_scoped3A_460 = tpu.sem_alloc : memref<!tpu.dma_semaphore, #tpu.memory_space<semaphore_mem>>
        %dma_start3A_461 = arith.constant 0 : i32
        %dma_start3A_462 = tpu.memref_slice %arg4[%select_n3A_459, %dma_start3A_461] : memref<77x1024xf32, #tpu.memory_space<hbm>> -> memref<1x1024xf32, #tpu.memory_space<hbm>>
        %dma_start3A_463 = tpu.memref_squeeze %dma_start3A_462 : memref<1x1024xf32, #tpu.memory_space<hbm>> -> memref<1024xf32, #tpu.memory_space<hbm>>
        %dma_start3A_464 = arith.constant 0 : i32
        %dma_start3A_465 = tpu.memref_slice %arg4[%select_n3A_459, %dma_start3A_464] : memref<77x1024xf32, #tpu.memory_space<hbm>> -> memref<1x1024xf32, #tpu.memory_space<hbm>>
        %dma_start3A_466 = tpu.memref_squeeze %dma_start3A_465 : memref<1x1024xf32, #tpu.memory_space<hbm>> -> memref<1024xf32, #tpu.memory_space<hbm>>
        tpu.enqueue_dma source(%dma_start3A_466 : memref<1024xf32, #tpu.memory_space<hbm>>) target(%arg7 : memref<1024xf32, #tpu.memory_space<vmem>>) target_semaphore(%run_scoped3A_460 : memref<!tpu.dma_semaphore, #tpu.memory_space<semaphore_mem>>)
        %dma_wait3A_467 = arith.constant 0 : i32
        %dma_wait3A_468 = tpu.memref_slice %arg4[%select_n3A_459, %dma_wait3A_467] : memref<77x1024xf32, #tpu.memory_space<hbm>> -> memref<1x1024xf32, #tpu.memory_space<hbm>>
        %dma_wait3A_469 = tpu.memref_squeeze %dma_wait3A_468 : memref<1x1024xf32, #tpu.memory_space<hbm>> -> memref<1024xf32, #tpu.memory_space<hbm>>
        %dma_wait3A_470 = arith.constant 0 : i32
        %dma_wait3A_471 = tpu.memref_slice %arg4[%select_n3A_459, %dma_wait3A_470] : memref<77x1024xf32, #tpu.memory_space<hbm>> -> memref<1x1024xf32, #tpu.memory_space<hbm>>
        %dma_wait3A_472 = tpu.memref_squeeze %dma_wait3A_471 : memref<1x1024xf32, #tpu.memory_space<hbm>> -> memref<1024xf32, #tpu.memory_space<hbm>>
        tpu.wait_dma2 semaphore(%run_scoped3A_460 : memref<!tpu.dma_semaphore, #tpu.memory_space<semaphore_mem>>) src(%dma_wait3A_472 : memref<1024xf32, #tpu.memory_space<hbm>>) dst(%arg7 : memref<1024xf32, #tpu.memory_space<vmem>>)
        tpu.yield
      }) : () -> ()
    } else {
    }
    %mul3A_30 = arith.constant 306 : i32
    %mul3A_31 = arith.constant 32 : i32
    %mul3A_32 = arith.muli %mul3A_30, %mul3A_31 : i32
    %dma_wait3A = tpu.memref_slice %arg6[%mul3A_32] : memref<9856xi32, #tpu.memory_space<vmem>> -> memref<32xi32, #tpu.memory_space<vmem>>
    %dma_wait3A_33 = arith.constant 0 : i32
    %dma_wait3A_34 = arith.constant 0 : i32
    %dma_wait3A_35 = tpu.memref_slice %arg3[%dma_wait3A_33, %dma_wait3A_34] : memref<49408x1024xf32, #tpu.memory_space<hbm>> -> memref<49408x1024xf32, #tpu.memory_space<hbm>>
    tpu.wait_indirect_dma semaphore(%arg11 : memref<!tpu.dma_semaphore, #tpu.memory_space<semaphore_mem>>) src(%dma_wait3A_35 : memref<49408x1024xf32, #tpu.memory_space<hbm>>) dst(%arg8 : memref<32x1024xf32, #tpu.memory_space<vmem>>)
    %scan3A_36 = arith.constant 0 : i32
    %scan3A_37 = arith.constant 64 : i32
    %scan3A_38 = arith.addi %scan3A_36, %scan3A_37 : i32
    %scan3A_39 = arith.constant 1 : i32
    scf.for %scan3A_436 = %scan3A_36 to %scan3A_38 step %scan3A_39  : i32 {
      %mul3A_437 = arith.constant 16 : i32
      %mul3A_438 = arith.muli %scan3A_436, %mul3A_437 : i32
      %get3A = arith.index_cast %mul3A_438 : i32 to index
      %get3A_439 = tpu.vector_load %arg7[%get3A] {strides = array<i32>} : memref<1024xf32, #tpu.memory_space<vmem>>, vector<16xf32>,
      %get3A_440 = vector.shape_cast %get3A_439 : vector<16xf32> to vector<16xf32>
      %get3A_441 = arith.constant 0 : i32
      %get3A_442 = arith.index_cast %get3A_441 : i32 to index
      %get3A_443 = arith.index_cast %mul3A_438 : i32 to index
      %get3A_444 = tpu.vector_load %arg8[%get3A_442, %get3A_443] {strides = array<i32>} : memref<32x1024xf32, #tpu.memory_space<vmem>>, vector<1x16xf32>,
      %get3A_445 = vector.shape_cast %get3A_444 : vector<1x16xf32> to vector<16xf32>
      %add3A_446 = arith.addf %get3A_445, %get3A_440 : vector<16xf32>
      %swap3A = arith.constant 0 : i32
      %swap3A_447 = arith.index_cast %swap3A : i32 to index
      %swap3A_448 = arith.index_cast %mul3A_438 : i32 to index
      %swap3A_449 = tpu.vector_load %arg8[%swap3A_447, %swap3A_448] {strides = array<i32>} : memref<32x1024xf32, #tpu.memory_space<vmem>>, vector<1x16xf32>,
      %swap3A_450 = vector.shape_cast %swap3A_449 : vector<1x16xf32> to vector<16xf32>
      %swap3A_451 = vector.shape_cast %add3A_446 : vector<16xf32> to vector<1x16xf32>
      tpu.vector_store %arg8[%swap3A_447, %swap3A_448], %swap3A_451 {strides = array<i32>} : memref<32x1024xf32, #tpu.memory_space<vmem>>, vector<1x16xf32>,
      %get3A_452 = arith.constant 1 : i32
      %get3A_453 = arith.index_cast %get3A_452 : i32 to index
      %get3A_454 = arith.index_cast %mul3A_438 : i32 to index
      %get3A_455 = tpu.vector_load %arg8[%get3A_453, %get3A_454] {strides = array<i32>} : memref<32x1024xf32, #tpu.memory_space<vmem>>, vector<1x16xf32>,
      %get3A_456 = vector.shape_cast %get3A_455 : vector<1x16xf32> to vector<16xf32>
      %add3A_457 = arith.addf %get3A_456, %get3A_440 : vector<16xf32>
      %swap3A_458 = arith.constant 1 : i32
      %swap3A_459 = arith.index_cast %swap3A_458 : i32 to index
      %swap3A_460 = arith.index_cast %mul3A_438 : i32 to index
      %swap3A_461 = tpu.vector_load %arg8[%swap3A_459, %swap3A_460] {strides = array<i32>} : memref<32x1024xf32, #tpu.memory_space<vmem>>, vector<1x16xf32>,
      %swap3A_462 = vector.shape_cast %swap3A_461 : vector<1x16xf32> to vector<16xf32>
      %swap3A_463 = vector.shape_cast %add3A_457 : vector<16xf32> to vector<1x16xf32>
      tpu.vector_store %arg8[%swap3A_459, %swap3A_460], %swap3A_463 {strides = array<i32>} : memref<32x1024xf32, #tpu.memory_space<vmem>>, vector<1x16xf32>,
      %get3A_464 = arith.constant 2 : i32
      %get3A_465 = arith.index_cast %get3A_464 : i32 to index
      %get3A_466 = arith.index_cast %mul3A_438 : i32 to index
      %get3A_467 = tpu.vector_load %arg8[%get3A_465, %get3A_466] {strides = array<i32>} : memref<32x1024xf32, #tpu.memory_space<vmem>>, vector<1x16xf32>,
      %get3A_468 = vector.shape_cast %get3A_467 : vector<1x16xf32> to vector<16xf32>
      %add3A_469 = arith.addf %get3A_468, %get3A_440 : vector<16xf32>
      %swap3A_470 = arith.constant 2 : i32
      %swap3A_471 = arith.index_cast %swap3A_470 : i32 to index
      %swap3A_472 = arith.index_cast %mul3A_438 : i32 to index
      %swap3A_473 = tpu.vector_load %arg8[%swap3A_471, %swap3A_472] {strides = array<i32>} : memref<32x1024xf32, #tpu.memory_space<vmem>>, vector<1x16xf32>,
      %swap3A_474 = vector.shape_cast %swap3A_473 : vector<1x16xf32> to vector<16xf32>
      %swap3A_475 = vector.shape_cast %add3A_469 : vector<16xf32> to vector<1x16xf32>
      tpu.vector_store %arg8[%swap3A_471, %swap3A_472], %swap3A_475 {strides = array<i32>} : memref<32x1024xf32, #tpu.memory_space<vmem>>, vector<1x16xf32>,
      %get3A_476 = arith.constant 3 : i32
      %get3A_477 = arith.index_cast %get3A_476 : i32 to index
      %get3A_478 = arith.index_cast %mul3A_438 : i32 to index
      %get3A_479 = tpu.vector_load %arg8[%get3A_477, %get3A_478] {strides = array<i32>} : memref<32x1024xf32, #tpu.memory_space<vmem>>, vector<1x16xf32>,
      %get3A_480 = vector.shape_cast %get3A_479 : vector<1x16xf32> to vector<16xf32>
      %add3A_481 = arith.addf %get3A_480, %get3A_440 : vector<16xf32>
      %swap3A_482 = arith.constant 3 : i32
      %swap3A_483 = arith.index_cast %swap3A_482 : i32 to index
      %swap3A_484 = arith.index_cast %mul3A_438 : i32 to index
      %swap3A_485 = tpu.vector_load %arg8[%swap3A_483, %swap3A_484] {strides = array<i32>} : memref<32x1024xf32, #tpu.memory_space<vmem>>, vector<1x16xf32>,
      %swap3A_486 = vector.shape_cast %swap3A_485 : vector<1x16xf32> to vector<16xf32>
      %swap3A_487 = vector.shape_cast %add3A_481 : vector<16xf32> to vector<1x16xf32>
      tpu.vector_store %arg8[%swap3A_483, %swap3A_484], %swap3A_487 {strides = array<i32>} : memref<32x1024xf32, #tpu.memory_space<vmem>>, vector<1x16xf32>,
      %get3A_488 = arith.constant 4 : i32
      %get3A_489 = arith.index_cast %get3A_488 : i32 to index
      %get3A_490 = arith.index_cast %mul3A_438 : i32 to index
      %get3A_491 = tpu.vector_load %arg8[%get3A_489, %get3A_490] {strides = array<i32>} : memref<32x1024xf32, #tpu.memory_space<vmem>>, vector<1x16xf32>,
      %get3A_492 = vector.shape_cast %get3A_491 : vector<1x16xf32> to vector<16xf32>
      %add3A_493 = arith.addf %get3A_492, %get3A_440 : vector<16xf32>
      %swap3A_494 = arith.constant 4 : i32
      %swap3A_495 = arith.index_cast %swap3A_494 : i32 to index
      %swap3A_496 = arith.index_cast %mul3A_438 : i32 to index
      %swap3A_497 = tpu.vector_load %arg8[%swap3A_495, %swap3A_496] {strides = array<i32>} : memref<32x1024xf32, #tpu.memory_space<vmem>>, vector<1x16xf32>,
      %swap3A_498 = vector.shape_cast %swap3A_497 : vector<1x16xf32> to vector<16xf32>
      %swap3A_499 = vector.shape_cast %add3A_493 : vector<16xf32> to vector<1x16xf32>
      tpu.vector_store %arg8[%swap3A_495, %swap3A_496], %swap3A_499 {strides = array<i32>} : memref<32x1024xf32, #tpu.memory_space<vmem>>, vector<1x16xf32>,
      %get3A_500 = arith.constant 5 : i32
      %get3A_501 = arith.index_cast %get3A_500 : i32 to index
      %get3A_502 = arith.index_cast %mul3A_438 : i32 to index
      %get3A_503 = tpu.vector_load %arg8[%get3A_501, %get3A_502] {strides = array<i32>} : memref<32x1024xf32, #tpu.memory_space<vmem>>, vector<1x16xf32>,
      %get3A_504 = vector.shape_cast %get3A_503 : vector<1x16xf32> to vector<16xf32>
      %add3A_505 = arith.addf %get3A_504, %get3A_440 : vector<16xf32>
      %swap3A_506 = arith.constant 5 : i32
      %swap3A_507 = arith.index_cast %swap3A_506 : i32 to index
      %swap3A_508 = arith.index_cast %mul3A_438 : i32 to index
      %swap3A_509 = tpu.vector_load %arg8[%swap3A_507, %swap3A_508] {strides = array<i32>} : memref<32x1024xf32, #tpu.memory_space<vmem>>, vector<1x16xf32>,
      %swap3A_510 = vector.shape_cast %swap3A_509 : vector<1x16xf32> to vector<16xf32>
      %swap3A_511 = vector.shape_cast %add3A_505 : vector<16xf32> to vector<1x16xf32>
      tpu.vector_store %arg8[%swap3A_507, %swap3A_508], %swap3A_511 {strides = array<i32>} : memref<32x1024xf32, #tpu.memory_space<vmem>>, vector<1x16xf32>,
      %get3A_512 = arith.constant 6 : i32
      %get3A_513 = arith.index_cast %get3A_512 : i32 to index
      %get3A_514 = arith.index_cast %mul3A_438 : i32 to index
      %get3A_515 = tpu.vector_load %arg8[%get3A_513, %get3A_514] {strides = array<i32>} : memref<32x1024xf32, #tpu.memory_space<vmem>>, vector<1x16xf32>,
      %get3A_516 = vector.shape_cast %get3A_515 : vector<1x16xf32> to vector<16xf32>
      %add3A_517 = arith.addf %get3A_516, %get3A_440 : vector<16xf32>
      %swap3A_518 = arith.constant 6 : i32
      %swap3A_519 = arith.index_cast %swap3A_518 : i32 to index
      %swap3A_520 = arith.index_cast %mul3A_438 : i32 to index
      %swap3A_521 = tpu.vector_load %arg8[%swap3A_519, %swap3A_520] {strides = array<i32>} : memref<32x1024xf32, #tpu.memory_space<vmem>>, vector<1x16xf32>,
      %swap3A_522 = vector.shape_cast %swap3A_521 : vector<1x16xf32> to vector<16xf32>
      %swap3A_523 = vector.shape_cast %add3A_517 : vector<16xf32> to vector<1x16xf32>
      tpu.vector_store %arg8[%swap3A_519, %swap3A_520], %swap3A_523 {strides = array<i32>} : memref<32x1024xf32, #tpu.memory_space<vmem>>, vector<1x16xf32>,
      %get3A_524 = arith.constant 7 : i32
      %get3A_525 = arith.index_cast %get3A_524 : i32 to index
      %get3A_526 = arith.index_cast %mul3A_438 : i32 to index
      %get3A_527 = tpu.vector_load %arg8[%get3A_525, %get3A_526] {strides = array<i32>} : memref<32x1024xf32, #tpu.memory_space<vmem>>, vector<1x16xf32>,
      %get3A_528 = vector.shape_cast %get3A_527 : vector<1x16xf32> to vector<16xf32>
      %add3A_529 = arith.addf %get3A_528, %get3A_440 : vector<16xf32>
      %swap3A_530 = arith.constant 7 : i32
      %swap3A_531 = arith.index_cast %swap3A_530 : i32 to index
      %swap3A_532 = arith.index_cast %mul3A_438 : i32 to index
      %swap3A_533 = tpu.vector_load %arg8[%swap3A_531, %swap3A_532] {strides = array<i32>} : memref<32x1024xf32, #tpu.memory_space<vmem>>, vector<1x16xf32>,
      %swap3A_534 = vector.shape_cast %swap3A_533 : vector<1x16xf32> to vector<16xf32>
      %swap3A_535 = vector.shape_cast %add3A_529 : vector<16xf32> to vector<1x16xf32>
      tpu.vector_store %arg8[%swap3A_531, %swap3A_532], %swap3A_535 {strides = array<i32>} : memref<32x1024xf32, #tpu.memory_space<vmem>>, vector<1x16xf32>,
      %get3A_536 = arith.constant 8 : i32
      %get3A_537 = arith.index_cast %get3A_536 : i32 to index
      %get3A_538 = arith.index_cast %mul3A_438 : i32 to index
      %get3A_539 = tpu.vector_load %arg8[%get3A_537, %get3A_538] {strides = array<i32>} : memref<32x1024xf32, #tpu.memory_space<vmem>>, vector<1x16xf32>,
      %get3A_540 = vector.shape_cast %get3A_539 : vector<1x16xf32> to vector<16xf32>
      %add3A_541 = arith.addf %get3A_540, %get3A_440 : vector<16xf32>
      %swap3A_542 = arith.constant 8 : i32
      %swap3A_543 = arith.index_cast %swap3A_542 : i32 to index
      %swap3A_544 = arith.index_cast %mul3A_438 : i32 to index
      %swap3A_545 = tpu.vector_load %arg8[%swap3A_543, %swap3A_544] {strides = array<i32>} : memref<32x1024xf32, #tpu.memory_space<vmem>>, vector<1x16xf32>,
      %swap3A_546 = vector.shape_cast %swap3A_545 : vector<1x16xf32> to vector<16xf32>
      %swap3A_547 = vector.shape_cast %add3A_541 : vector<16xf32> to vector<1x16xf32>
      tpu.vector_store %arg8[%swap3A_543, %swap3A_544], %swap3A_547 {strides = array<i32>} : memref<32x1024xf32, #tpu.memory_space<vmem>>, vector<1x16xf32>,
      %get3A_548 = arith.constant 9 : i32
      %get3A_549 = arith.index_cast %get3A_548 : i32 to index
      %get3A_550 = arith.index_cast %mul3A_438 : i32 to index
      %get3A_551 = tpu.vector_load %arg8[%get3A_549, %get3A_550] {strides = array<i32>} : memref<32x1024xf32, #tpu.memory_space<vmem>>, vector<1x16xf32>,
      %get3A_552 = vector.shape_cast %get3A_551 : vector<1x16xf32> to vector<16xf32>
      %add3A_553 = arith.addf %get3A_552, %get3A_440 : vector<16xf32>
      %swap3A_554 = arith.constant 9 : i32
      %swap3A_555 = arith.index_cast %swap3A_554 : i32 to index
      %swap3A_556 = arith.index_cast %mul3A_438 : i32 to index
      %swap3A_557 = tpu.vector_load %arg8[%swap3A_555, %swap3A_556] {strides = array<i32>} : memref<32x1024xf32, #tpu.memory_space<vmem>>, vector<1x16xf32>,
      %swap3A_558 = vector.shape_cast %swap3A_557 : vector<1x16xf32> to vector<16xf32>
      %swap3A_559 = vector.shape_cast %add3A_553 : vector<16xf32> to vector<1x16xf32>
      tpu.vector_store %arg8[%swap3A_555, %swap3A_556], %swap3A_559 {strides = array<i32>} : memref<32x1024xf32, #tpu.memory_space<vmem>>, vector<1x16xf32>,
      %get3A_560 = arith.constant 10 : i32
      %get3A_561 = arith.index_cast %get3A_560 : i32 to index
      %get3A_562 = arith.index_cast %mul3A_438 : i32 to index
      %get3A_563 = tpu.vector_load %arg8[%get3A_561, %get3A_562] {strides = array<i32>} : memref<32x1024xf32, #tpu.memory_space<vmem>>, vector<1x16xf32>,
      %get3A_564 = vector.shape_cast %get3A_563 : vector<1x16xf32> to vector<16xf32>
      %add3A_565 = arith.addf %get3A_564, %get3A_440 : vector<16xf32>
      %swap3A_566 = arith.constant 10 : i32
      %swap3A_567 = arith.index_cast %swap3A_566 : i32 to index
      %swap3A_568 = arith.index_cast %mul3A_438 : i32 to index
      %swap3A_569 = tpu.vector_load %arg8[%swap3A_567, %swap3A_568] {strides = array<i32>} : memref<32x1024xf32, #tpu.memory_space<vmem>>, vector<1x16xf32>,
      %swap3A_570 = vector.shape_cast %swap3A_569 : vector<1x16xf32> to vector<16xf32>
      %swap3A_571 = vector.shape_cast %add3A_565 : vector<16xf32> to vector<1x16xf32>
      tpu.vector_store %arg8[%swap3A_567, %swap3A_568], %swap3A_571 {strides = array<i32>} : memref<32x1024xf32, #tpu.memory_space<vmem>>, vector<1x16xf32>,
      %get3A_572 = arith.constant 11 : i32
      %get3A_573 = arith.index_cast %get3A_572 : i32 to index
      %get3A_574 = arith.index_cast %mul3A_438 : i32 to index
      %get3A_575 = tpu.vector_load %arg8[%get3A_573, %get3A_574] {strides = array<i32>} : memref<32x1024xf32, #tpu.memory_space<vmem>>, vector<1x16xf32>,
      %get3A_576 = vector.shape_cast %get3A_575 : vector<1x16xf32> to vector<16xf32>
      %add3A_577 = arith.addf %get3A_576, %get3A_440 : vector<16xf32>
      %swap3A_578 = arith.constant 11 : i32
      %swap3A_579 = arith.index_cast %swap3A_578 : i32 to index
      %swap3A_580 = arith.index_cast %mul3A_438 : i32 to index
      %swap3A_581 = tpu.vector_load %arg8[%swap3A_579, %swap3A_580] {strides = array<i32>} : memref<32x1024xf32, #tpu.memory_space<vmem>>, vector<1x16xf32>,
      %swap3A_582 = vector.shape_cast %swap3A_581 : vector<1x16xf32> to vector<16xf32>
      %swap3A_583 = vector.shape_cast %add3A_577 : vector<16xf32> to vector<1x16xf32>
      tpu.vector_store %arg8[%swap3A_579, %swap3A_580], %swap3A_583 {strides = array<i32>} : memref<32x1024xf32, #tpu.memory_space<vmem>>, vector<1x16xf32>,
      %get3A_584 = arith.constant 12 : i32
      %get3A_585 = arith.index_cast %get3A_584 : i32 to index
      %get3A_586 = arith.index_cast %mul3A_438 : i32 to index
      %get3A_587 = tpu.vector_load %arg8[%get3A_585, %get3A_586] {strides = array<i32>} : memref<32x1024xf32, #tpu.memory_space<vmem>>, vector<1x16xf32>,
      %get3A_588 = vector.shape_cast %get3A_587 : vector<1x16xf32> to vector<16xf32>
      %add3A_589 = arith.addf %get3A_588, %get3A_440 : vector<16xf32>
      %swap3A_590 = arith.constant 12 : i32
      %swap3A_591 = arith.index_cast %swap3A_590 : i32 to index
      %swap3A_592 = arith.index_cast %mul3A_438 : i32 to index
      %swap3A_593 = tpu.vector_load %arg8[%swap3A_591, %swap3A_592] {strides = array<i32>} : memref<32x1024xf32, #tpu.memory_space<vmem>>, vector<1x16xf32>,
      %swap3A_594 = vector.shape_cast %swap3A_593 : vector<1x16xf32> to vector<16xf32>
      %swap3A_595 = vector.shape_cast %add3A_589 : vector<16xf32> to vector<1x16xf32>
      tpu.vector_store %arg8[%swap3A_591, %swap3A_592], %swap3A_595 {strides = array<i32>} : memref<32x1024xf32, #tpu.memory_space<vmem>>, vector<1x16xf32>,
      %get3A_596 = arith.constant 13 : i32
      %get3A_597 = arith.index_cast %get3A_596 : i32 to index
      %get3A_598 = arith.index_cast %mul3A_438 : i32 to index
      %get3A_599 = tpu.vector_load %arg8[%get3A_597, %get3A_598] {strides = array<i32>} : memref<32x1024xf32, #tpu.memory_space<vmem>>, vector<1x16xf32>,
      %get3A_600 = vector.shape_cast %get3A_599 : vector<1x16xf32> to vector<16xf32>
      %add3A_601 = arith.addf %get3A_600, %get3A_440 : vector<16xf32>
      %swap3A_602 = arith.constant 13 : i32
      %swap3A_603 = arith.index_cast %swap3A_602 : i32 to index
      %swap3A_604 = arith.index_cast %mul3A_438 : i32 to index
      %swap3A_605 = tpu.vector_load %arg8[%swap3A_603, %swap3A_604] {strides = array<i32>} : memref<32x1024xf32, #tpu.memory_space<vmem>>, vector<1x16xf32>,
      %swap3A_606 = vector.shape_cast %swap3A_605 : vector<1x16xf32> to vector<16xf32>
      %swap3A_607 = vector.shape_cast %add3A_601 : vector<16xf32> to vector<1x16xf32>
      tpu.vector_store %arg8[%swap3A_603, %swap3A_604], %swap3A_607 {strides = array<i32>} : memref<32x1024xf32, #tpu.memory_space<vmem>>, vector<1x16xf32>,
      %get3A_608 = arith.constant 14 : i32
      %get3A_609 = arith.index_cast %get3A_608 : i32 to index
      %get3A_610 = arith.index_cast %mul3A_438 : i32 to index
      %get3A_611 = tpu.vector_load %arg8[%get3A_609, %get3A_610] {strides = array<i32>} : memref<32x1024xf32, #tpu.memory_space<vmem>>, vector<1x16xf32>,
      %get3A_612 = vector.shape_cast %get3A_611 : vector<1x16xf32> to vector<16xf32>
      %add3A_613 = arith.addf %get3A_612, %get3A_440 : vector<16xf32>
      %swap3A_614 = arith.constant 14 : i32
      %swap3A_615 = arith.index_cast %swap3A_614 : i32 to index
      %swap3A_616 = arith.index_cast %mul3A_438 : i32 to index
      %swap3A_617 = tpu.vector_load %arg8[%swap3A_615, %swap3A_616] {strides = array<i32>} : memref<32x1024xf32, #tpu.memory_space<vmem>>, vector<1x16xf32>,
      %swap3A_618 = vector.shape_cast %swap3A_617 : vector<1x16xf32> to vector<16xf32>
      %swap3A_619 = vector.shape_cast %add3A_613 : vector<16xf32> to vector<1x16xf32>
      tpu.vector_store %arg8[%swap3A_615, %swap3A_616], %swap3A_619 {strides = array<i32>} : memref<32x1024xf32, #tpu.memory_space<vmem>>, vector<1x16xf32>,
      %get3A_620 = arith.constant 15 : i32
      %get3A_621 = arith.index_cast %get3A_620 : i32 to index
      %get3A_622 = arith.index_cast %mul3A_438 : i32 to index
      %get3A_623 = tpu.vector_load %arg8[%get3A_621, %get3A_622] {strides = array<i32>} : memref<32x1024xf32, #tpu.memory_space<vmem>>, vector<1x16xf32>,
      %get3A_624 = vector.shape_cast %get3A_623 : vector<1x16xf32> to vector<16xf32>
      %add3A_625 = arith.addf %get3A_624, %get3A_440 : vector<16xf32>
      %swap3A_626 = arith.constant 15 : i32
      %swap3A_627 = arith.index_cast %swap3A_626 : i32 to index
      %swap3A_628 = arith.index_cast %mul3A_438 : i32 to index
      %swap3A_629 = tpu.vector_load %arg8[%swap3A_627, %swap3A_628] {strides = array<i32>} : memref<32x1024xf32, #tpu.memory_space<vmem>>, vector<1x16xf32>,
      %swap3A_630 = vector.shape_cast %swap3A_629 : vector<1x16xf32> to vector<16xf32>
      %swap3A_631 = vector.shape_cast %add3A_625 : vector<16xf32> to vector<1x16xf32>
      tpu.vector_store %arg8[%swap3A_627, %swap3A_628], %swap3A_631 {strides = array<i32>} : memref<32x1024xf32, #tpu.memory_space<vmem>>, vector<1x16xf32>,
      %get3A_632 = arith.constant 16 : i32
      %get3A_633 = arith.index_cast %get3A_632 : i32 to index
      %get3A_634 = arith.index_cast %mul3A_438 : i32 to index
      %get3A_635 = tpu.vector_load %arg8[%get3A_633, %get3A_634] {strides = array<i32>} : memref<32x1024xf32, #tpu.memory_space<vmem>>, vector<1x16xf32>,
      %get3A_636 = vector.shape_cast %get3A_635 : vector<1x16xf32> to vector<16xf32>
      %add3A_637 = arith.addf %get3A_636, %get3A_440 : vector<16xf32>
      %swap3A_638 = arith.constant 16 : i32
      %swap3A_639 = arith.index_cast %swap3A_638 : i32 to index
      %swap3A_640 = arith.index_cast %mul3A_438 : i32 to index
      %swap3A_641 = tpu.vector_load %arg8[%swap3A_639, %swap3A_640] {strides = array<i32>} : memref<32x1024xf32, #tpu.memory_space<vmem>>, vector<1x16xf32>,
      %swap3A_642 = vector.shape_cast %swap3A_641 : vector<1x16xf32> to vector<16xf32>
      %swap3A_643 = vector.shape_cast %add3A_637 : vector<16xf32> to vector<1x16xf32>
      tpu.vector_store %arg8[%swap3A_639, %swap3A_640], %swap3A_643 {strides = array<i32>} : memref<32x1024xf32, #tpu.memory_space<vmem>>, vector<1x16xf32>,
      %get3A_644 = arith.constant 17 : i32
      %get3A_645 = arith.index_cast %get3A_644 : i32 to index
      %get3A_646 = arith.index_cast %mul3A_438 : i32 to index
      %get3A_647 = tpu.vector_load %arg8[%get3A_645, %get3A_646] {strides = array<i32>} : memref<32x1024xf32, #tpu.memory_space<vmem>>, vector<1x16xf32>,
      %get3A_648 = vector.shape_cast %get3A_647 : vector<1x16xf32> to vector<16xf32>
      %add3A_649 = arith.addf %get3A_648, %get3A_440 : vector<16xf32>
      %swap3A_650 = arith.constant 17 : i32
      %swap3A_651 = arith.index_cast %swap3A_650 : i32 to index
      %swap3A_652 = arith.index_cast %mul3A_438 : i32 to index
      %swap3A_653 = tpu.vector_load %arg8[%swap3A_651, %swap3A_652] {strides = array<i32>} : memref<32x1024xf32, #tpu.memory_space<vmem>>, vector<1x16xf32>,
      %swap3A_654 = vector.shape_cast %swap3A_653 : vector<1x16xf32> to vector<16xf32>
      %swap3A_655 = vector.shape_cast %add3A_649 : vector<16xf32> to vector<1x16xf32>
      tpu.vector_store %arg8[%swap3A_651, %swap3A_652], %swap3A_655 {strides = array<i32>} : memref<32x1024xf32, #tpu.memory_space<vmem>>, vector<1x16xf32>,
      %get3A_656 = arith.constant 18 : i32
      %get3A_657 = arith.index_cast %get3A_656 : i32 to index
      %get3A_658 = arith.index_cast %mul3A_438 : i32 to index
      %get3A_659 = tpu.vector_load %arg8[%get3A_657, %get3A_658] {strides = array<i32>} : memref<32x1024xf32, #tpu.memory_space<vmem>>, vector<1x16xf32>,
      %get3A_660 = vector.shape_cast %get3A_659 : vector<1x16xf32> to vector<16xf32>
      %add3A_661 = arith.addf %get3A_660, %get3A_440 : vector<16xf32>
      %swap3A_662 = arith.constant 18 : i32
      %swap3A_663 = arith.index_cast %swap3A_662 : i32 to index
      %swap3A_664 = arith.index_cast %mul3A_438 : i32 to index
      %swap3A_665 = tpu.vector_load %arg8[%swap3A_663, %swap3A_664] {strides = array<i32>} : memref<32x1024xf32, #tpu.memory_space<vmem>>, vector<1x16xf32>,
      %swap3A_666 = vector.shape_cast %swap3A_665 : vector<1x16xf32> to vector<16xf32>
      %swap3A_667 = vector.shape_cast %add3A_661 : vector<16xf32> to vector<1x16xf32>
      tpu.vector_store %arg8[%swap3A_663, %swap3A_664], %swap3A_667 {strides = array<i32>} : memref<32x1024xf32, #tpu.memory_space<vmem>>, vector<1x16xf32>,
      %get3A_668 = arith.constant 19 : i32
      %get3A_669 = arith.index_cast %get3A_668 : i32 to index
      %get3A_670 = arith.index_cast %mul3A_438 : i32 to index
      %get3A_671 = tpu.vector_load %arg8[%get3A_669, %get3A_670] {strides = array<i32>} : memref<32x1024xf32, #tpu.memory_space<vmem>>, vector<1x16xf32>,
      %get3A_672 = vector.shape_cast %get3A_671 : vector<1x16xf32> to vector<16xf32>
      %add3A_673 = arith.addf %get3A_672, %get3A_440 : vector<16xf32>
      %swap3A_674 = arith.constant 19 : i32
      %swap3A_675 = arith.index_cast %swap3A_674 : i32 to index
      %swap3A_676 = arith.index_cast %mul3A_438 : i32 to index
      %swap3A_677 = tpu.vector_load %arg8[%swap3A_675, %swap3A_676] {strides = array<i32>} : memref<32x1024xf32, #tpu.memory_space<vmem>>, vector<1x16xf32>,
      %swap3A_678 = vector.shape_cast %swap3A_677 : vector<1x16xf32> to vector<16xf32>
      %swap3A_679 = vector.shape_cast %add3A_673 : vector<16xf32> to vector<1x16xf32>
      tpu.vector_store %arg8[%swap3A_675, %swap3A_676], %swap3A_679 {strides = array<i32>} : memref<32x1024xf32, #tpu.memory_space<vmem>>, vector<1x16xf32>,
      %get3A_680 = arith.constant 20 : i32
      %get3A_681 = arith.index_cast %get3A_680 : i32 to index
      %get3A_682 = arith.index_cast %mul3A_438 : i32 to index
      %get3A_683 = tpu.vector_load %arg8[%get3A_681, %get3A_682] {strides = array<i32>} : memref<32x1024xf32, #tpu.memory_space<vmem>>, vector<1x16xf32>,
      %get3A_684 = vector.shape_cast %get3A_683 : vector<1x16xf32> to vector<16xf32>
      %add3A_685 = arith.addf %get3A_684, %get3A_440 : vector<16xf32>
      %swap3A_686 = arith.constant 20 : i32
      %swap3A_687 = arith.index_cast %swap3A_686 : i32 to index
      %swap3A_688 = arith.index_cast %mul3A_438 : i32 to index
      %swap3A_689 = tpu.vector_load %arg8[%swap3A_687, %swap3A_688] {strides = array<i32>} : memref<32x1024xf32, #tpu.memory_space<vmem>>, vector<1x16xf32>,
      %swap3A_690 = vector.shape_cast %swap3A_689 : vector<1x16xf32> to vector<16xf32>
      %swap3A_691 = vector.shape_cast %add3A_685 : vector<16xf32> to vector<1x16xf32>
      tpu.vector_store %arg8[%swap3A_687, %swap3A_688], %swap3A_691 {strides = array<i32>} : memref<32x1024xf32, #tpu.memory_space<vmem>>, vector<1x16xf32>,
      %get3A_692 = arith.constant 21 : i32
      %get3A_693 = arith.index_cast %get3A_692 : i32 to index
      %get3A_694 = arith.index_cast %mul3A_438 : i32 to index
      %get3A_695 = tpu.vector_load %arg8[%get3A_693, %get3A_694] {strides = array<i32>} : memref<32x1024xf32, #tpu.memory_space<vmem>>, vector<1x16xf32>,
      %get3A_696 = vector.shape_cast %get3A_695 : vector<1x16xf32> to vector<16xf32>
      %add3A_697 = arith.addf %get3A_696, %get3A_440 : vector<16xf32>
      %swap3A_698 = arith.constant 21 : i32
      %swap3A_699 = arith.index_cast %swap3A_698 : i32 to index
      %swap3A_700 = arith.index_cast %mul3A_438 : i32 to index
      %swap3A_701 = tpu.vector_load %arg8[%swap3A_699, %swap3A_700] {strides = array<i32>} : memref<32x1024xf32, #tpu.memory_space<vmem>>, vector<1x16xf32>,
      %swap3A_702 = vector.shape_cast %swap3A_701 : vector<1x16xf32> to vector<16xf32>
      %swap3A_703 = vector.shape_cast %add3A_697 : vector<16xf32> to vector<1x16xf32>
      tpu.vector_store %arg8[%swap3A_699, %swap3A_700], %swap3A_703 {strides = array<i32>} : memref<32x1024xf32, #tpu.memory_space<vmem>>, vector<1x16xf32>,
      %get3A_704 = arith.constant 22 : i32
      %get3A_705 = arith.index_cast %get3A_704 : i32 to index
      %get3A_706 = arith.index_cast %mul3A_438 : i32 to index
      %get3A_707 = tpu.vector_load %arg8[%get3A_705, %get3A_706] {strides = array<i32>} : memref<32x1024xf32, #tpu.memory_space<vmem>>, vector<1x16xf32>,
      %get3A_708 = vector.shape_cast %get3A_707 : vector<1x16xf32> to vector<16xf32>
      %add3A_709 = arith.addf %get3A_708, %get3A_440 : vector<16xf32>
      %swap3A_710 = arith.constant 22 : i32
      %swap3A_711 = arith.index_cast %swap3A_710 : i32 to index
      %swap3A_712 = arith.index_cast %mul3A_438 : i32 to index
      %swap3A_713 = tpu.vector_load %arg8[%swap3A_711, %swap3A_712] {strides = array<i32>} : memref<32x1024xf32, #tpu.memory_space<vmem>>, vector<1x16xf32>,
      %swap3A_714 = vector.shape_cast %swap3A_713 : vector<1x16xf32> to vector<16xf32>
      %swap3A_715 = vector.shape_cast %add3A_709 : vector<16xf32> to vector<1x16xf32>
      tpu.vector_store %arg8[%swap3A_711, %swap3A_712], %swap3A_715 {strides = array<i32>} : memref<32x1024xf32, #tpu.memory_space<vmem>>, vector<1x16xf32>,
      %get3A_716 = arith.constant 23 : i32
      %get3A_717 = arith.index_cast %get3A_716 : i32 to index
      %get3A_718 = arith.index_cast %mul3A_438 : i32 to index
      %get3A_719 = tpu.vector_load %arg8[%get3A_717, %get3A_718] {strides = array<i32>} : memref<32x1024xf32, #tpu.memory_space<vmem>>, vector<1x16xf32>,
      %get3A_720 = vector.shape_cast %get3A_719 : vector<1x16xf32> to vector<16xf32>
      %add3A_721 = arith.addf %get3A_720, %get3A_440 : vector<16xf32>
      %swap3A_722 = arith.constant 23 : i32
      %swap3A_723 = arith.index_cast %swap3A_722 : i32 to index
      %swap3A_724 = arith.index_cast %mul3A_438 : i32 to index
      %swap3A_725 = tpu.vector_load %arg8[%swap3A_723, %swap3A_724] {strides = array<i32>} : memref<32x1024xf32, #tpu.memory_space<vmem>>, vector<1x16xf32>,
      %swap3A_726 = vector.shape_cast %swap3A_725 : vector<1x16xf32> to vector<16xf32>
      %swap3A_727 = vector.shape_cast %add3A_721 : vector<16xf32> to vector<1x16xf32>
      tpu.vector_store %arg8[%swap3A_723, %swap3A_724], %swap3A_727 {strides = array<i32>} : memref<32x1024xf32, #tpu.memory_space<vmem>>, vector<1x16xf32>,
      %get3A_728 = arith.constant 24 : i32
      %get3A_729 = arith.index_cast %get3A_728 : i32 to index
      %get3A_730 = arith.index_cast %mul3A_438 : i32 to index
      %get3A_731 = tpu.vector_load %arg8[%get3A_729, %get3A_730] {strides = array<i32>} : memref<32x1024xf32, #tpu.memory_space<vmem>>, vector<1x16xf32>,
      %get3A_732 = vector.shape_cast %get3A_731 : vector<1x16xf32> to vector<16xf32>
      %add3A_733 = arith.addf %get3A_732, %get3A_440 : vector<16xf32>
      %swap3A_734 = arith.constant 24 : i32
      %swap3A_735 = arith.index_cast %swap3A_734 : i32 to index
      %swap3A_736 = arith.index_cast %mul3A_438 : i32 to index
      %swap3A_737 = tpu.vector_load %arg8[%swap3A_735, %swap3A_736] {strides = array<i32>} : memref<32x1024xf32, #tpu.memory_space<vmem>>, vector<1x16xf32>,
      %swap3A_738 = vector.shape_cast %swap3A_737 : vector<1x16xf32> to vector<16xf32>
      %swap3A_739 = vector.shape_cast %add3A_733 : vector<16xf32> to vector<1x16xf32>
      tpu.vector_store %arg8[%swap3A_735, %swap3A_736], %swap3A_739 {strides = array<i32>} : memref<32x1024xf32, #tpu.memory_space<vmem>>, vector<1x16xf32>,
      %get3A_740 = arith.constant 25 : i32
      %get3A_741 = arith.index_cast %get3A_740 : i32 to index
      %get3A_742 = arith.index_cast %mul3A_438 : i32 to index
      %get3A_743 = tpu.vector_load %arg8[%get3A_741, %get3A_742] {strides = array<i32>} : memref<32x1024xf32, #tpu.memory_space<vmem>>, vector<1x16xf32>,
      %get3A_744 = vector.shape_cast %get3A_743 : vector<1x16xf32> to vector<16xf32>
      %add3A_745 = arith.addf %get3A_744, %get3A_440 : vector<16xf32>
      %swap3A_746 = arith.constant 25 : i32
      %swap3A_747 = arith.index_cast %swap3A_746 : i32 to index
      %swap3A_748 = arith.index_cast %mul3A_438 : i32 to index
      %swap3A_749 = tpu.vector_load %arg8[%swap3A_747, %swap3A_748] {strides = array<i32>} : memref<32x1024xf32, #tpu.memory_space<vmem>>, vector<1x16xf32>,
      %swap3A_750 = vector.shape_cast %swap3A_749 : vector<1x16xf32> to vector<16xf32>
      %swap3A_751 = vector.shape_cast %add3A_745 : vector<16xf32> to vector<1x16xf32>
      tpu.vector_store %arg8[%swap3A_747, %swap3A_748], %swap3A_751 {strides = array<i32>} : memref<32x1024xf32, #tpu.memory_space<vmem>>, vector<1x16xf32>,
      %get3A_752 = arith.constant 26 : i32
      %get3A_753 = arith.index_cast %get3A_752 : i32 to index
      %get3A_754 = arith.index_cast %mul3A_438 : i32 to index
      %get3A_755 = tpu.vector_load %arg8[%get3A_753, %get3A_754] {strides = array<i32>} : memref<32x1024xf32, #tpu.memory_space<vmem>>, vector<1x16xf32>,
      %get3A_756 = vector.shape_cast %get3A_755 : vector<1x16xf32> to vector<16xf32>
      %add3A_757 = arith.addf %get3A_756, %get3A_440 : vector<16xf32>
      %swap3A_758 = arith.constant 26 : i32
      %swap3A_759 = arith.index_cast %swap3A_758 : i32 to index
      %swap3A_760 = arith.index_cast %mul3A_438 : i32 to index
      %swap3A_761 = tpu.vector_load %arg8[%swap3A_759, %swap3A_760] {strides = array<i32>} : memref<32x1024xf32, #tpu.memory_space<vmem>>, vector<1x16xf32>,
      %swap3A_762 = vector.shape_cast %swap3A_761 : vector<1x16xf32> to vector<16xf32>
      %swap3A_763 = vector.shape_cast %add3A_757 : vector<16xf32> to vector<1x16xf32>
      tpu.vector_store %arg8[%swap3A_759, %swap3A_760], %swap3A_763 {strides = array<i32>} : memref<32x1024xf32, #tpu.memory_space<vmem>>, vector<1x16xf32>,
      %get3A_764 = arith.constant 27 : i32
      %get3A_765 = arith.index_cast %get3A_764 : i32 to index
      %get3A_766 = arith.index_cast %mul3A_438 : i32 to index
      %get3A_767 = tpu.vector_load %arg8[%get3A_765, %get3A_766] {strides = array<i32>} : memref<32x1024xf32, #tpu.memory_space<vmem>>, vector<1x16xf32>,
      %get3A_768 = vector.shape_cast %get3A_767 : vector<1x16xf32> to vector<16xf32>
      %add3A_769 = arith.addf %get3A_768, %get3A_440 : vector<16xf32>
      %swap3A_770 = arith.constant 27 : i32
      %swap3A_771 = arith.index_cast %swap3A_770 : i32 to index
      %swap3A_772 = arith.index_cast %mul3A_438 : i32 to index
      %swap3A_773 = tpu.vector_load %arg8[%swap3A_771, %swap3A_772] {strides = array<i32>} : memref<32x1024xf32, #tpu.memory_space<vmem>>, vector<1x16xf32>,
      %swap3A_774 = vector.shape_cast %swap3A_773 : vector<1x16xf32> to vector<16xf32>
      %swap3A_775 = vector.shape_cast %add3A_769 : vector<16xf32> to vector<1x16xf32>
      tpu.vector_store %arg8[%swap3A_771, %swap3A_772], %swap3A_775 {strides = array<i32>} : memref<32x1024xf32, #tpu.memory_space<vmem>>, vector<1x16xf32>,
      %get3A_776 = arith.constant 28 : i32
      %get3A_777 = arith.index_cast %get3A_776 : i32 to index
      %get3A_778 = arith.index_cast %mul3A_438 : i32 to index
      %get3A_779 = tpu.vector_load %arg8[%get3A_777, %get3A_778] {strides = array<i32>} : memref<32x1024xf32, #tpu.memory_space<vmem>>, vector<1x16xf32>,
      %get3A_780 = vector.shape_cast %get3A_779 : vector<1x16xf32> to vector<16xf32>
      %add3A_781 = arith.addf %get3A_780, %get3A_440 : vector<16xf32>
      %swap3A_782 = arith.constant 28 : i32
      %swap3A_783 = arith.index_cast %swap3A_782 : i32 to index
      %swap3A_784 = arith.index_cast %mul3A_438 : i32 to index
      %swap3A_785 = tpu.vector_load %arg8[%swap3A_783, %swap3A_784] {strides = array<i32>} : memref<32x1024xf32, #tpu.memory_space<vmem>>, vector<1x16xf32>,
      %swap3A_786 = vector.shape_cast %swap3A_785 : vector<1x16xf32> to vector<16xf32>
      %swap3A_787 = vector.shape_cast %add3A_781 : vector<16xf32> to vector<1x16xf32>
      tpu.vector_store %arg8[%swap3A_783, %swap3A_784], %swap3A_787 {strides = array<i32>} : memref<32x1024xf32, #tpu.memory_space<vmem>>, vector<1x16xf32>,
      %get3A_788 = arith.constant 29 : i32
      %get3A_789 = arith.index_cast %get3A_788 : i32 to index
      %get3A_790 = arith.index_cast %mul3A_438 : i32 to index
      %get3A_791 = tpu.vector_load %arg8[%get3A_789, %get3A_790] {strides = array<i32>} : memref<32x1024xf32, #tpu.memory_space<vmem>>, vector<1x16xf32>,
      %get3A_792 = vector.shape_cast %get3A_791 : vector<1x16xf32> to vector<16xf32>
      %add3A_793 = arith.addf %get3A_792, %get3A_440 : vector<16xf32>
      %swap3A_794 = arith.constant 29 : i32
      %swap3A_795 = arith.index_cast %swap3A_794 : i32 to index
      %swap3A_796 = arith.index_cast %mul3A_438 : i32 to index
      %swap3A_797 = tpu.vector_load %arg8[%swap3A_795, %swap3A_796] {strides = array<i32>} : memref<32x1024xf32, #tpu.memory_space<vmem>>, vector<1x16xf32>,
      %swap3A_798 = vector.shape_cast %swap3A_797 : vector<1x16xf32> to vector<16xf32>
      %swap3A_799 = vector.shape_cast %add3A_793 : vector<16xf32> to vector<1x16xf32>
      tpu.vector_store %arg8[%swap3A_795, %swap3A_796], %swap3A_799 {strides = array<i32>} : memref<32x1024xf32, #tpu.memory_space<vmem>>, vector<1x16xf32>,
      %get3A_800 = arith.constant 30 : i32
      %get3A_801 = arith.index_cast %get3A_800 : i32 to index
      %get3A_802 = arith.index_cast %mul3A_438 : i32 to index
      %get3A_803 = tpu.vector_load %arg8[%get3A_801, %get3A_802] {strides = array<i32>} : memref<32x1024xf32, #tpu.memory_space<vmem>>, vector<1x16xf32>,
      %get3A_804 = vector.shape_cast %get3A_803 : vector<1x16xf32> to vector<16xf32>
      %add3A_805 = arith.addf %get3A_804, %get3A_440 : vector<16xf32>
      %swap3A_806 = arith.constant 30 : i32
      %swap3A_807 = arith.index_cast %swap3A_806 : i32 to index
      %swap3A_808 = arith.index_cast %mul3A_438 : i32 to index
      %swap3A_809 = tpu.vector_load %arg8[%swap3A_807, %swap3A_808] {strides = array<i32>} : memref<32x1024xf32, #tpu.memory_space<vmem>>, vector<1x16xf32>,
      %swap3A_810 = vector.shape_cast %swap3A_809 : vector<1x16xf32> to vector<16xf32>
      %swap3A_811 = vector.shape_cast %add3A_805 : vector<16xf32> to vector<1x16xf32>
      tpu.vector_store %arg8[%swap3A_807, %swap3A_808], %swap3A_811 {strides = array<i32>} : memref<32x1024xf32, #tpu.memory_space<vmem>>, vector<1x16xf32>,
      %get3A_812 = arith.constant 31 : i32
      %get3A_813 = arith.index_cast %get3A_812 : i32 to index
      %get3A_814 = arith.index_cast %mul3A_438 : i32 to index
      %get3A_815 = tpu.vector_load %arg8[%get3A_813, %get3A_814] {strides = array<i32>} : memref<32x1024xf32, #tpu.memory_space<vmem>>, vector<1x16xf32>,
      %get3A_816 = vector.shape_cast %get3A_815 : vector<1x16xf32> to vector<16xf32>
      %add3A_817 = arith.addf %get3A_816, %get3A_440 : vector<16xf32>
      %swap3A_818 = arith.constant 31 : i32
      %swap3A_819 = arith.index_cast %swap3A_818 : i32 to index
      %swap3A_820 = arith.index_cast %mul3A_438 : i32 to index
      %swap3A_821 = tpu.vector_load %arg8[%swap3A_819, %swap3A_820] {strides = array<i32>} : memref<32x1024xf32, #tpu.memory_space<vmem>>, vector<1x16xf32>,
      %swap3A_822 = vector.shape_cast %swap3A_821 : vector<1x16xf32> to vector<16xf32>
      %swap3A_823 = vector.shape_cast %add3A_817 : vector<16xf32> to vector<1x16xf32>
      tpu.vector_store %arg8[%swap3A_819, %swap3A_820], %swap3A_823 {strides = array<i32>} : memref<32x1024xf32, #tpu.memory_space<vmem>>, vector<1x16xf32>,
    }
    %scan3A_40 = arith.constant 64 : i32
    %iota3A = tpu.iota {dimensions = array<i32: 0>} : vector<16xi32>
    %jit3A_41 = arith.constant 306 : i32
    %jit3A_42 = arith.constant 4 : i32
    %eq3A_43 = arith.constant 0 : i32
    %eq3A_44 = arith.cmpi eq, %jit3A_42, %eq3A_43 : i32
    %jit3A_45 = arith.constant 1 : i32
    %select_n3A_46 = arith.select %eq3A_44, %jit3A_45, %jit3A_42 : i32
    %rem3A_47 = arith.remsi %jit3A_41, %select_n3A_46 : i32
    %ne3A_48 = arith.constant 0 : i32
    %ne3A_49 = arith.cmpi ne, %rem3A_47, %ne3A_48 : i32
    %lt3A_50 = arith.constant 0 : i32
    %lt3A_51 = arith.cmpi slt, %rem3A_47, %lt3A_50 : i32
    %lt3A_52 = arith.constant 0 : i32
    %lt3A_53 = arith.cmpi slt, %select_n3A_46, %lt3A_52 : i32
    %ne3A_54 = arith.xori %lt3A_51, %lt3A_53 : i1
    %and3A_55 = arith.andi %ne3A_54, %ne3A_49 : i1
    %add3A_56 = arith.addi %rem3A_47, %select_n3A_46 : i32
    %select_n3A_57 = arith.select %and3A_55, %add3A_56, %rem3A_47 : i32
    %mul3A_58 = arith.constant 32 : i32
    %mul3A_59 = arith.muli %select_n3A_57, %mul3A_58 : i32
    %add3A_60 = arith.constant 0 : i32
    %add3A_61 = arith.addi %mul3A_59, %add3A_60 : i32
    %add3A_62 = vector.broadcast %add3A_61 : i32 to vector<16xi32>
    %add3A_63 = arith.addi %iota3A, %add3A_62 : vector<16xi32>
    %mul3A_64 = arith.constant 77 : i32
    %mul3A_65 = vector.broadcast %mul3A_64 : i32 to vector<16xi32>
    %mul3A_66 = arith.muli %add3A_63, %mul3A_65 : vector<16xi32>
    %jit3A_67 = arith.constant 306 : i32
    %jit3A_68 = arith.constant 4 : i32
    %div3A = arith.divsi %jit3A_67, %jit3A_68 : i32
    %sign3A = arith.constant 0 : i32
    %sign3A_69 = arith.cmpi sgt, %jit3A_67, %sign3A : i32
    %sign3A_70 = arith.extui %sign3A_69 : i1 to i32
    %sign3A_71 = arith.constant 0 : i32
    %sign3A_72 = arith.cmpi slt, %jit3A_67, %sign3A_71 : i32
    %sign3A_73 = arith.extui %sign3A_72 : i1 to i32
    %sign3A_74 = arith.subi %sign3A_70, %sign3A_73 : i32
    %sign3A_75 = arith.constant 0 : i32
    %sign3A_76 = arith.cmpi sgt, %jit3A_68, %sign3A_75 : i32
    %sign3A_77 = arith.extui %sign3A_76 : i1 to i32
    %sign3A_78 = arith.constant 0 : i32
    %sign3A_79 = arith.cmpi slt, %jit3A_68, %sign3A_78 : i32
    %sign3A_80 = arith.extui %sign3A_79 : i1 to i32
    %sign3A_81 = arith.subi %sign3A_77, %sign3A_80 : i32
    %ne3A_82 = arith.cmpi ne, %sign3A_74, %sign3A_81 : i32
    %rem3A_83 = arith.remsi %jit3A_67, %jit3A_68 : i32
    %ne3A_84 = arith.constant 0 : i32
    %ne3A_85 = arith.cmpi ne, %rem3A_83, %ne3A_84 : i32
    %and3A_86 = arith.andi %ne3A_82, %ne3A_85 : i1
    %sub3A = arith.constant 1 : i32
    %sub3A_87 = arith.subi %div3A, %sub3A : i32
    %select_n3A_88 = arith.select %and3A_86, %sub3A_87, %div3A : i32
    %add3A_89 = arith.addi %mul3A_2, %select_n3A_88 : i32
    %add3A_90 = vector.broadcast %add3A_89 : i32 to vector<16xi32>
    %add3A_91 = arith.addi %mul3A_66, %add3A_90 : vector<16xi32>
    %dma_start3A_92 = arith.constant 0 : i32
    %dma_start3A_93 = arith.constant 0 : i32
    %dma_start3A_94 = tpu.memref_slice %arg8[%dma_start3A_92, %dma_start3A_93] : memref<32x1024xf32, #tpu.memory_space<vmem>> -> memref<16x1024xf32, #tpu.memory_space<vmem>>
    %dma_start3A_95 = arith.constant 0 : i32
    %dma_start3A_96 = arith.constant 0 : i32
    %dma_start3A_97 = tpu.memref_slice %arg5[%dma_start3A_95, %dma_start3A_96] : memref<315392x1024xf32, #tpu.memory_space<hbm>> -> memref<315392x1024xf32, #tpu.memory_space<hbm>>
    tpu.enqueue_indirect_dma source(%dma_start3A_94 : memref<16x1024xf32, #tpu.memory_space<vmem>>) target(%dma_start3A_97 : memref<315392x1024xf32, #tpu.memory_space<hbm>>) offsets(%add3A_91 : vector<16xi32>) semaphore(%arg14 : memref<!tpu.dma_semaphore, #tpu.memory_space<semaphore_mem>>)
    %iota3A_98 = tpu.iota {dimensions = array<i32: 0>} : vector<16xi32>
    %jit3A_99 = arith.constant 306 : i32
    %jit3A_100 = arith.constant 4 : i32
    %eq3A_101 = arith.constant 0 : i32
    %eq3A_102 = arith.cmpi eq, %jit3A_100, %eq3A_101 : i32
    %jit3A_103 = arith.constant 1 : i32
    %select_n3A_104 = arith.select %eq3A_102, %jit3A_103, %jit3A_100 : i32
    %rem3A_105 = arith.remsi %jit3A_99, %select_n3A_104 : i32
    %ne3A_106 = arith.constant 0 : i32
    %ne3A_107 = arith.cmpi ne, %rem3A_105, %ne3A_106 : i32
    %lt3A_108 = arith.constant 0 : i32
    %lt3A_109 = arith.cmpi slt, %rem3A_105, %lt3A_108 : i32
    %lt3A_110 = arith.constant 0 : i32
    %lt3A_111 = arith.cmpi slt, %select_n3A_104, %lt3A_110 : i32
    %ne3A_112 = arith.xori %lt3A_109, %lt3A_111 : i1
    %and3A_113 = arith.andi %ne3A_112, %ne3A_107 : i1
    %add3A_114 = arith.addi %rem3A_105, %select_n3A_104 : i32
    %select_n3A_115 = arith.select %and3A_113, %add3A_114, %rem3A_105 : i32
    %mul3A_116 = arith.constant 32 : i32
    %mul3A_117 = arith.muli %select_n3A_115, %mul3A_116 : i32
    %add3A_118 = arith.constant 16 : i32
    %add3A_119 = arith.addi %mul3A_117, %add3A_118 : i32
    %add3A_120 = vector.broadcast %add3A_119 : i32 to vector<16xi32>
    %add3A_121 = arith.addi %iota3A_98, %add3A_120 : vector<16xi32>
    %mul3A_122 = arith.constant 77 : i32
    %mul3A_123 = vector.broadcast %mul3A_122 : i32 to vector<16xi32>
    %mul3A_124 = arith.muli %add3A_121, %mul3A_123 : vector<16xi32>
    %jit3A_125 = arith.constant 306 : i32
    %jit3A_126 = arith.constant 4 : i32
    %div3A_127 = arith.divsi %jit3A_125, %jit3A_126 : i32
    %sign3A_128 = arith.constant 0 : i32
    %sign3A_129 = arith.cmpi sgt, %jit3A_125, %sign3A_128 : i32
    %sign3A_130 = arith.extui %sign3A_129 : i1 to i32
    %sign3A_131 = arith.constant 0 : i32
    %sign3A_132 = arith.cmpi slt, %jit3A_125, %sign3A_131 : i32
    %sign3A_133 = arith.extui %sign3A_132 : i1 to i32
    %sign3A_134 = arith.subi %sign3A_130, %sign3A_133 : i32
    %sign3A_135 = arith.constant 0 : i32
    %sign3A_136 = arith.cmpi sgt, %jit3A_126, %sign3A_135 : i32
    %sign3A_137 = arith.extui %sign3A_136 : i1 to i32
    %sign3A_138 = arith.constant 0 : i32
    %sign3A_139 = arith.cmpi slt, %jit3A_126, %sign3A_138 : i32
    %sign3A_140 = arith.extui %sign3A_139 : i1 to i32
    %sign3A_141 = arith.subi %sign3A_137, %sign3A_140 : i32
    %ne3A_142 = arith.cmpi ne, %sign3A_134, %sign3A_141 : i32
    %rem3A_143 = arith.remsi %jit3A_125, %jit3A_126 : i32
    %ne3A_144 = arith.constant 0 : i32
    %ne3A_145 = arith.cmpi ne, %rem3A_143, %ne3A_144 : i32
    %and3A_146 = arith.andi %ne3A_142, %ne3A_145 : i1
    %sub3A_147 = arith.constant 1 : i32
    %sub3A_148 = arith.subi %div3A_127, %sub3A_147 : i32
    %select_n3A_149 = arith.select %and3A_146, %sub3A_148, %div3A_127 : i32
    %add3A_150 = arith.addi %mul3A_2, %select_n3A_149 : i32
    %add3A_151 = vector.broadcast %add3A_150 : i32 to vector<16xi32>
    %add3A_152 = arith.addi %mul3A_124, %add3A_151 : vector<16xi32>
    %dma_start3A_153 = arith.constant 16 : i32
    %dma_start3A_154 = arith.constant 0 : i32
    %dma_start3A_155 = tpu.memref_slice %arg8[%dma_start3A_153, %dma_start3A_154] : memref<32x1024xf32, #tpu.memory_space<vmem>> -> memref<16x1024xf32, #tpu.memory_space<vmem>>
    %dma_start3A_156 = arith.constant 0 : i32
    %dma_start3A_157 = arith.constant 0 : i32
    %dma_start3A_158 = tpu.memref_slice %arg5[%dma_start3A_156, %dma_start3A_157] : memref<315392x1024xf32, #tpu.memory_space<hbm>> -> memref<315392x1024xf32, #tpu.memory_space<hbm>>
    tpu.enqueue_indirect_dma source(%dma_start3A_155 : memref<16x1024xf32, #tpu.memory_space<vmem>>) target(%dma_start3A_158 : memref<315392x1024xf32, #tpu.memory_space<hbm>>) offsets(%add3A_152 : vector<16xi32>) semaphore(%arg14 : memref<!tpu.dma_semaphore, #tpu.memory_space<semaphore_mem>>)
    %add3A_159 = arith.constant 306 : i32
    %add3A_160 = arith.constant 2 : i32
    %add3A_161 = arith.addi %add3A_159, %add3A_160 : i32
    %lt3A_162 = arith.constant 308 : i32
    %lt3A_163 = arith.cmpi slt, %add3A_161, %lt3A_162 : i32
    %convert_element_type3A_164 = arith.extui %lt3A_163 : i1 to i32
    %cond3A_165 = arith.constant 306 : i32
    %cond3A_166 = arith.constant 0 : i32
    %cond3A_167 = arith.cmpi ne, %convert_element_type3A_164, %cond3A_166 : i32
    scf.if %cond3A_167 {
      %ge3A = arith.constant 1 : i32
      %ge3A_436 = arith.cmpi sge, %cond3A_165, %ge3A : i32
      %convert_element_type3A_437 = arith.extui %ge3A_436 : i1 to i32
      %cond3A_438 = arith.constant 0 : i32
      %cond3A_439 = arith.cmpi ne, %convert_element_type3A_437, %cond3A_438 : i32
      scf.if %cond3A_439 {
        %add3A_448 = arith.constant 2 : i32
        %add3A_449 = arith.addi %cond3A_165, %add3A_448 : i32
        %sub3A_450 = arith.constant 3 : i32
        %sub3A_451 = arith.subi %add3A_449, %sub3A_450 : i32
        %iota3A_452 = tpu.iota {dimensions = array<i32: 0>} : vector<16xi32>
        %jit3A_453 = arith.constant 4 : i32
        %eq3A_454 = arith.constant 0 : i32
        %eq3A_455 = arith.cmpi eq, %jit3A_453, %eq3A_454 : i32
        %jit3A_456 = arith.constant 1 : i32
        %select_n3A_457 = arith.select %eq3A_455, %jit3A_456, %jit3A_453 : i32
        %rem3A_458 = arith.remsi %sub3A_451, %select_n3A_457 : i32
        %ne3A_459 = arith.constant 0 : i32
        %ne3A_460 = arith.cmpi ne, %rem3A_458, %ne3A_459 : i32
        %lt3A_461 = arith.constant 0 : i32
        %lt3A_462 = arith.cmpi slt, %rem3A_458, %lt3A_461 : i32
        %lt3A_463 = arith.constant 0 : i32
        %lt3A_464 = arith.cmpi slt, %select_n3A_457, %lt3A_463 : i32
        %ne3A_465 = arith.xori %lt3A_462, %lt3A_464 : i1
        %and3A_466 = arith.andi %ne3A_465, %ne3A_460 : i1
        %add3A_467 = arith.addi %rem3A_458, %select_n3A_457 : i32
        %select_n3A_468 = arith.select %and3A_466, %add3A_467, %rem3A_458 : i32
        %mul3A_469 = arith.constant 32 : i32
        %mul3A_470 = arith.muli %select_n3A_468, %mul3A_469 : i32
        %add3A_471 = arith.constant 0 : i32
        %add3A_472 = arith.addi %mul3A_470, %add3A_471 : i32
        %add3A_473 = vector.broadcast %add3A_472 : i32 to vector<16xi32>
        %add3A_474 = arith.addi %iota3A_452, %add3A_473 : vector<16xi32>
        %mul3A_475 = arith.constant 77 : i32
        %mul3A_476 = vector.broadcast %mul3A_475 : i32 to vector<16xi32>
        %mul3A_477 = arith.muli %add3A_474, %mul3A_476 : vector<16xi32>
        %jit3A_478 = arith.constant 4 : i32
        %div3A_479 = arith.divsi %sub3A_451, %jit3A_478 : i32
        %sign3A_480 = arith.constant 0 : i32
        %sign3A_481 = arith.cmpi sgt, %sub3A_451, %sign3A_480 : i32
        %sign3A_482 = arith.extui %sign3A_481 : i1 to i32
        %sign3A_483 = arith.constant 0 : i32
        %sign3A_484 = arith.cmpi slt, %sub3A_451, %sign3A_483 : i32
        %sign3A_485 = arith.extui %sign3A_484 : i1 to i32
        %sign3A_486 = arith.subi %sign3A_482, %sign3A_485 : i32
        %sign3A_487 = arith.constant 0 : i32
        %sign3A_488 = arith.cmpi sgt, %jit3A_478, %sign3A_487 : i32
        %sign3A_489 = arith.extui %sign3A_488 : i1 to i32
        %sign3A_490 = arith.constant 0 : i32
        %sign3A_491 = arith.cmpi slt, %jit3A_478, %sign3A_490 : i32
        %sign3A_492 = arith.extui %sign3A_491 : i1 to i32
        %sign3A_493 = arith.subi %sign3A_489, %sign3A_492 : i32
        %ne3A_494 = arith.cmpi ne, %sign3A_486, %sign3A_493 : i32
        %rem3A_495 = arith.remsi %sub3A_451, %jit3A_478 : i32
        %ne3A_496 = arith.constant 0 : i32
        %ne3A_497 = arith.cmpi ne, %rem3A_495, %ne3A_496 : i32
        %and3A_498 = arith.andi %ne3A_494, %ne3A_497 : i1
        %sub3A_499 = arith.constant 1 : i32
        %sub3A_500 = arith.subi %div3A_479, %sub3A_499 : i32
        %select_n3A_501 = arith.select %and3A_498, %sub3A_500, %div3A_479 : i32
        %add3A_502 = arith.addi %mul3A_2, %select_n3A_501 : i32
        %add3A_503 = vector.broadcast %add3A_502 : i32 to vector<16xi32>
        %add3A_504 = arith.addi %mul3A_477, %add3A_503 : vector<16xi32>
        %dma_wait3A_505 = arith.constant 0 : i32
        %dma_wait3A_506 = arith.constant 0 : i32
        %dma_wait3A_507 = tpu.memref_slice %arg10[%dma_wait3A_505, %dma_wait3A_506] : memref<32x1024xf32, #tpu.memory_space<vmem>> -> memref<16x1024xf32, #tpu.memory_space<vmem>>
        %dma_wait3A_508 = arith.constant 0 : i32
        %dma_wait3A_509 = arith.constant 0 : i32
        %dma_wait3A_510 = tpu.memref_slice %arg5[%dma_wait3A_508, %dma_wait3A_509] : memref<315392x1024xf32, #tpu.memory_space<hbm>> -> memref<315392x1024xf32, #tpu.memory_space<hbm>>
        tpu.wait_indirect_dma semaphore(%arg16 : memref<!tpu.dma_semaphore, #tpu.memory_space<semaphore_mem>>) src(%dma_wait3A_507 : memref<16x1024xf32, #tpu.memory_space<vmem>>) dst(%dma_wait3A_510 : memref<315392x1024xf32, #tpu.memory_space<hbm>>)
        %iota3A_511 = tpu.iota {dimensions = array<i32: 0>} : vector<16xi32>
        %jit3A_512 = arith.constant 4 : i32
        %eq3A_513 = arith.constant 0 : i32
        %eq3A_514 = arith.cmpi eq, %jit3A_512, %eq3A_513 : i32
        %jit3A_515 = arith.constant 1 : i32
        %select_n3A_516 = arith.select %eq3A_514, %jit3A_515, %jit3A_512 : i32
        %rem3A_517 = arith.remsi %sub3A_451, %select_n3A_516 : i32
        %ne3A_518 = arith.constant 0 : i32
        %ne3A_519 = arith.cmpi ne, %rem3A_517, %ne3A_518 : i32
        %lt3A_520 = arith.constant 0 : i32
        %lt3A_521 = arith.cmpi slt, %rem3A_517, %lt3A_520 : i32
        %lt3A_522 = arith.constant 0 : i32
        %lt3A_523 = arith.cmpi slt, %select_n3A_516, %lt3A_522 : i32
        %ne3A_524 = arith.xori %lt3A_521, %lt3A_523 : i1
        %and3A_525 = arith.andi %ne3A_524, %ne3A_519 : i1
        %add3A_526 = arith.addi %rem3A_517, %select_n3A_516 : i32
        %select_n3A_527 = arith.select %and3A_525, %add3A_526, %rem3A_517 : i32
        %mul3A_528 = arith.constant 32 : i32
        %mul3A_529 = arith.muli %select_n3A_527, %mul3A_528 : i32
        %add3A_530 = arith.constant 16 : i32
        %add3A_531 = arith.addi %mul3A_529, %add3A_530 : i32
        %add3A_532 = vector.broadcast %add3A_531 : i32 to vector<16xi32>
        %add3A_533 = arith.addi %iota3A_511, %add3A_532 : vector<16xi32>
        %mul3A_534 = arith.constant 77 : i32
        %mul3A_535 = vector.broadcast %mul3A_534 : i32 to vector<16xi32>
        %mul3A_536 = arith.muli %add3A_533, %mul3A_535 : vector<16xi32>
        %jit3A_537 = arith.constant 4 : i32
        %div3A_538 = arith.divsi %sub3A_451, %jit3A_537 : i32
        %sign3A_539 = arith.constant 0 : i32
        %sign3A_540 = arith.cmpi sgt, %sub3A_451, %sign3A_539 : i32
        %sign3A_541 = arith.extui %sign3A_540 : i1 to i32
        %sign3A_542 = arith.constant 0 : i32
        %sign3A_543 = arith.cmpi slt, %sub3A_451, %sign3A_542 : i32
        %sign3A_544 = arith.extui %sign3A_543 : i1 to i32
        %sign3A_545 = arith.subi %sign3A_541, %sign3A_544 : i32
        %sign3A_546 = arith.constant 0 : i32
        %sign3A_547 = arith.cmpi sgt, %jit3A_537, %sign3A_546 : i32
        %sign3A_548 = arith.extui %sign3A_547 : i1 to i32
        %sign3A_549 = arith.constant 0 : i32
        %sign3A_550 = arith.cmpi slt, %jit3A_537, %sign3A_549 : i32
        %sign3A_551 = arith.extui %sign3A_550 : i1 to i32
        %sign3A_552 = arith.subi %sign3A_548, %sign3A_551 : i32
        %ne3A_553 = arith.cmpi ne, %sign3A_545, %sign3A_552 : i32
        %rem3A_554 = arith.remsi %sub3A_451, %jit3A_537 : i32
        %ne3A_555 = arith.constant 0 : i32
        %ne3A_556 = arith.cmpi ne, %rem3A_554, %ne3A_555 : i32
        %and3A_557 = arith.andi %ne3A_553, %ne3A_556 : i1
        %sub3A_558 = arith.constant 1 : i32
        %sub3A_559 = arith.subi %div3A_538, %sub3A_558 : i32
        %select_n3A_560 = arith.select %and3A_557, %sub3A_559, %div3A_538 : i32
        %add3A_561 = arith.addi %mul3A_2, %select_n3A_560 : i32
        %add3A_562 = vector.broadcast %add3A_561 : i32 to vector<16xi32>
        %add3A_563 = arith.addi %mul3A_536, %add3A_562 : vector<16xi32>
        %dma_wait3A_564 = arith.constant 16 : i32
        %dma_wait3A_565 = arith.constant 0 : i32
        %dma_wait3A_566 = tpu.memref_slice %arg10[%dma_wait3A_564, %dma_wait3A_565] : memref<32x1024xf32, #tpu.memory_space<vmem>> -> memref<16x1024xf32, #tpu.memory_space<vmem>>
        %dma_wait3A_567 = arith.constant 0 : i32
        %dma_wait3A_568 = arith.constant 0 : i32
        %dma_wait3A_569 = tpu.memref_slice %arg5[%dma_wait3A_567, %dma_wait3A_568] : memref<315392x1024xf32, #tpu.memory_space<hbm>> -> memref<315392x1024xf32, #tpu.memory_space<hbm>>
        tpu.wait_indirect_dma semaphore(%arg16 : memref<!tpu.dma_semaphore, #tpu.memory_space<semaphore_mem>>) src(%dma_wait3A_566 : memref<16x1024xf32, #tpu.memory_space<vmem>>) dst(%dma_wait3A_569 : memref<315392x1024xf32, #tpu.memory_space<hbm>>)
      } else {
      }
      %add3A_440 = arith.constant 2 : i32
      %add3A_441 = arith.addi %cond3A_165, %add3A_440 : i32
      %mul3A_442 = arith.constant 32 : i32
      %mul3A_443 = arith.muli %add3A_441, %mul3A_442 : i32
      %dma_start3A_444 = tpu.memref_slice %arg6[%mul3A_443] : memref<9856xi32, #tpu.memory_space<vmem>> -> memref<32xi32, #tpu.memory_space<vmem>>
      %dma_start3A_445 = arith.constant 0 : i32
      %dma_start3A_446 = arith.constant 0 : i32
      %dma_start3A_447 = tpu.memref_slice %arg3[%dma_start3A_445, %dma_start3A_446] : memref<49408x1024xf32, #tpu.memory_space<hbm>> -> memref<49408x1024xf32, #tpu.memory_space<hbm>>
      tpu.enqueue_indirect_dma source(%dma_start3A_447 : memref<49408x1024xf32, #tpu.memory_space<hbm>>) target(%arg10 : memref<32x1024xf32, #tpu.memory_space<vmem>>) offsets(%dma_start3A_444 : memref<32xi32, #tpu.memory_space<vmem>>) semaphore(%arg13 : memref<!tpu.dma_semaphore, #tpu.memory_space<semaphore_mem>>)
    } else {
    }
    %jit3A_168 = arith.constant 307 : i32
    %jit3A_169 = arith.constant 4 : i32
    %eq3A_170 = arith.constant 0 : i32
    %eq3A_171 = arith.cmpi eq, %jit3A_169, %eq3A_170 : i32
    %jit3A_172 = arith.constant 1 : i32
    %select_n3A_173 = arith.select %eq3A_171, %jit3A_172, %jit3A_169 : i32
    %rem3A_174 = arith.remsi %jit3A_168, %select_n3A_173 : i32
    %ne3A_175 = arith.constant 0 : i32
    %ne3A_176 = arith.cmpi ne, %rem3A_174, %ne3A_175 : i32
    %lt3A_177 = arith.constant 0 : i32
    %lt3A_178 = arith.cmpi slt, %rem3A_174, %lt3A_177 : i32
    %lt3A_179 = arith.constant 0 : i32
    %lt3A_180 = arith.cmpi slt, %select_n3A_173, %lt3A_179 : i32
    %ne3A_181 = arith.xori %lt3A_178, %lt3A_180 : i1
    %and3A_182 = arith.andi %ne3A_181, %ne3A_176 : i1
    %add3A_183 = arith.addi %rem3A_174, %select_n3A_173 : i32
    %select_n3A_184 = arith.select %and3A_182, %add3A_183, %rem3A_174 : i32
    %eq3A_185 = arith.constant 0 : i32
    %eq3A_186 = arith.cmpi eq, %select_n3A_184, %eq3A_185 : i32
    %convert_element_type3A_187 = arith.extui %eq3A_186 : i1 to i32
    %cond3A_188 = arith.constant 307 : i32
    %cond3A_189 = arith.constant 0 : i32
    %cond3A_190 = arith.cmpi ne, %convert_element_type3A_187, %cond3A_189 : i32
    scf.if %cond3A_190 {
      %jit3A_436 = arith.constant 4 : i32
      %div3A_437 = arith.divsi %cond3A_188, %jit3A_436 : i32
      %sign3A_438 = arith.constant 0 : i32
      %sign3A_439 = arith.cmpi sgt, %cond3A_188, %sign3A_438 : i32
      %sign3A_440 = arith.extui %sign3A_439 : i1 to i32
      %sign3A_441 = arith.constant 0 : i32
      %sign3A_442 = arith.cmpi slt, %cond3A_188, %sign3A_441 : i32
      %sign3A_443 = arith.extui %sign3A_442 : i1 to i32
      %sign3A_444 = arith.subi %sign3A_440, %sign3A_443 : i32
      %sign3A_445 = arith.constant 0 : i32
      %sign3A_446 = arith.cmpi sgt, %jit3A_436, %sign3A_445 : i32
      %sign3A_447 = arith.extui %sign3A_446 : i1 to i32
      %sign3A_448 = arith.constant 0 : i32
      %sign3A_449 = arith.cmpi slt, %jit3A_436, %sign3A_448 : i32
      %sign3A_450 = arith.extui %sign3A_449 : i1 to i32
      %sign3A_451 = arith.subi %sign3A_447, %sign3A_450 : i32
      %ne3A_452 = arith.cmpi ne, %sign3A_444, %sign3A_451 : i32
      %rem3A_453 = arith.remsi %cond3A_188, %jit3A_436 : i32
      %ne3A_454 = arith.constant 0 : i32
      %ne3A_455 = arith.cmpi ne, %rem3A_453, %ne3A_454 : i32
      %and3A_456 = arith.andi %ne3A_452, %ne3A_455 : i1
      %sub3A_457 = arith.constant 1 : i32
      %sub3A_458 = arith.subi %div3A_437, %sub3A_457 : i32
      %select_n3A_459 = arith.select %and3A_456, %sub3A_458, %div3A_437 : i32
      "tpu.region"() ({
        %run_scoped3A_460 = tpu.sem_alloc : memref<!tpu.dma_semaphore, #tpu.memory_space<semaphore_mem>>
        %dma_start3A_461 = arith.constant 0 : i32
        %dma_start3A_462 = tpu.memref_slice %arg4[%select_n3A_459, %dma_start3A_461] : memref<77x1024xf32, #tpu.memory_space<hbm>> -> memref<1x1024xf32, #tpu.memory_space<hbm>>
        %dma_start3A_463 = tpu.memref_squeeze %dma_start3A_462 : memref<1x1024xf32, #tpu.memory_space<hbm>> -> memref<1024xf32, #tpu.memory_space<hbm>>
        %dma_start3A_464 = arith.constant 0 : i32
        %dma_start3A_465 = tpu.memref_slice %arg4[%select_n3A_459, %dma_start3A_464] : memref<77x1024xf32, #tpu.memory_space<hbm>> -> memref<1x1024xf32, #tpu.memory_space<hbm>>
        %dma_start3A_466 = tpu.memref_squeeze %dma_start3A_465 : memref<1x1024xf32, #tpu.memory_space<hbm>> -> memref<1024xf32, #tpu.memory_space<hbm>>
        tpu.enqueue_dma source(%dma_start3A_466 : memref<1024xf32, #tpu.memory_space<hbm>>) target(%arg7 : memref<1024xf32, #tpu.memory_space<vmem>>) target_semaphore(%run_scoped3A_460 : memref<!tpu.dma_semaphore, #tpu.memory_space<semaphore_mem>>)
        %dma_wait3A_467 = arith.constant 0 : i32
        %dma_wait3A_468 = tpu.memref_slice %arg4[%select_n3A_459, %dma_wait3A_467] : memref<77x1024xf32, #tpu.memory_space<hbm>> -> memref<1x1024xf32, #tpu.memory_space<hbm>>
        %dma_wait3A_469 = tpu.memref_squeeze %dma_wait3A_468 : memref<1x1024xf32, #tpu.memory_space<hbm>> -> memref<1024xf32, #tpu.memory_space<hbm>>
        %dma_wait3A_470 = arith.constant 0 : i32
        %dma_wait3A_471 = tpu.memref_slice %arg4[%select_n3A_459, %dma_wait3A_470] : memref<77x1024xf32, #tpu.memory_space<hbm>> -> memref<1x1024xf32, #tpu.memory_space<hbm>>
        %dma_wait3A_472 = tpu.memref_squeeze %dma_wait3A_471 : memref<1x1024xf32, #tpu.memory_space<hbm>> -> memref<1024xf32, #tpu.memory_space<hbm>>
        tpu.wait_dma2 semaphore(%run_scoped3A_460 : memref<!tpu.dma_semaphore, #tpu.memory_space<semaphore_mem>>) src(%dma_wait3A_472 : memref<1024xf32, #tpu.memory_space<hbm>>) dst(%arg7 : memref<1024xf32, #tpu.memory_space<vmem>>)
        tpu.yield
      }) : () -> ()
    } else {
    }
    %mul3A_191 = arith.constant 307 : i32
    %mul3A_192 = arith.constant 32 : i32
    %mul3A_193 = arith.muli %mul3A_191, %mul3A_192 : i32
    %dma_wait3A_194 = tpu.memref_slice %arg6[%mul3A_193] : memref<9856xi32, #tpu.memory_space<vmem>> -> memref<32xi32, #tpu.memory_space<vmem>>
    %dma_wait3A_195 = arith.constant 0 : i32
    %dma_wait3A_196 = arith.constant 0 : i32
    %dma_wait3A_197 = tpu.memref_slice %arg3[%dma_wait3A_195, %dma_wait3A_196] : memref<49408x1024xf32, #tpu.memory_space<hbm>> -> memref<49408x1024xf32, #tpu.memory_space<hbm>>
    tpu.wait_indirect_dma semaphore(%arg12 : memref<!tpu.dma_semaphore, #tpu.memory_space<semaphore_mem>>) src(%dma_wait3A_197 : memref<49408x1024xf32, #tpu.memory_space<hbm>>) dst(%arg9 : memref<32x1024xf32, #tpu.memory_space<vmem>>)
    %scan3A_198 = arith.constant 0 : i32
    %scan3A_199 = arith.constant 64 : i32
    %scan3A_200 = arith.addi %scan3A_198, %scan3A_199 : i32
    %scan3A_201 = arith.constant 1 : i32
    scf.for %scan3A_436 = %scan3A_198 to %scan3A_200 step %scan3A_201  : i32 {
      %mul3A_437 = arith.constant 16 : i32
      %mul3A_438 = arith.muli %scan3A_436, %mul3A_437 : i32
      %get3A = arith.index_cast %mul3A_438 : i32 to index
      %get3A_439 = tpu.vector_load %arg7[%get3A] {strides = array<i32>} : memref<1024xf32, #tpu.memory_space<vmem>>, vector<16xf32>,
      %get3A_440 = vector.shape_cast %get3A_439 : vector<16xf32> to vector<16xf32>
      %get3A_441 = arith.constant 0 : i32
      %get3A_442 = arith.index_cast %get3A_441 : i32 to index
      %get3A_443 = arith.index_cast %mul3A_438 : i32 to index
      %get3A_444 = tpu.vector_load %arg9[%get3A_442, %get3A_443] {strides = array<i32>} : memref<32x1024xf32, #tpu.memory_space<vmem>>, vector<1x16xf32>,
      %get3A_445 = vector.shape_cast %get3A_444 : vector<1x16xf32> to vector<16xf32>
      %add3A_446 = arith.addf %get3A_445, %get3A_440 : vector<16xf32>
      %swap3A = arith.constant 0 : i32
      %swap3A_447 = arith.index_cast %swap3A : i32 to index
      %swap3A_448 = arith.index_cast %mul3A_438 : i32 to index
      %swap3A_449 = tpu.vector_load %arg9[%swap3A_447, %swap3A_448] {strides = array<i32>} : memref<32x1024xf32, #tpu.memory_space<vmem>>, vector<1x16xf32>,
      %swap3A_450 = vector.shape_cast %swap3A_449 : vector<1x16xf32> to vector<16xf32>
      %swap3A_451 = vector.shape_cast %add3A_446 : vector<16xf32> to vector<1x16xf32>
      tpu.vector_store %arg9[%swap3A_447, %swap3A_448], %swap3A_451 {strides = array<i32>} : memref<32x1024xf32, #tpu.memory_space<vmem>>, vector<1x16xf32>,
      %get3A_452 = arith.constant 1 : i32
      %get3A_453 = arith.index_cast %get3A_452 : i32 to index
      %get3A_454 = arith.index_cast %mul3A_438 : i32 to index
      %get3A_455 = tpu.vector_load %arg9[%get3A_453, %get3A_454] {strides = array<i32>} : memref<32x1024xf32, #tpu.memory_space<vmem>>, vector<1x16xf32>,
      %get3A_456 = vector.shape_cast %get3A_455 : vector<1x16xf32> to vector<16xf32>
      %add3A_457 = arith.addf %get3A_456, %get3A_440 : vector<16xf32>
      %swap3A_458 = arith.constant 1 : i32
      %swap3A_459 = arith.index_cast %swap3A_458 : i32 to index
      %swap3A_460 = arith.index_cast %mul3A_438 : i32 to index
      %swap3A_461 = tpu.vector_load %arg9[%swap3A_459, %swap3A_460] {strides = array<i32>} : memref<32x1024xf32, #tpu.memory_space<vmem>>, vector<1x16xf32>,
      %swap3A_462 = vector.shape_cast %swap3A_461 : vector<1x16xf32> to vector<16xf32>
      %swap3A_463 = vector.shape_cast %add3A_457 : vector<16xf32> to vector<1x16xf32>
      tpu.vector_store %arg9[%swap3A_459, %swap3A_460], %swap3A_463 {strides = array<i32>} : memref<32x1024xf32, #tpu.memory_space<vmem>>, vector<1x16xf32>,
      %get3A_464 = arith.constant 2 : i32
      %get3A_465 = arith.index_cast %get3A_464 : i32 to index
      %get3A_466 = arith.index_cast %mul3A_438 : i32 to index
      %get3A_467 = tpu.vector_load %arg9[%get3A_465, %get3A_466] {strides = array<i32>} : memref<32x1024xf32, #tpu.memory_space<vmem>>, vector<1x16xf32>,
      %get3A_468 = vector.shape_cast %get3A_467 : vector<1x16xf32> to vector<16xf32>
      %add3A_469 = arith.addf %get3A_468, %get3A_440 : vector<16xf32>
      %swap3A_470 = arith.constant 2 : i32
      %swap3A_471 = arith.index_cast %swap3A_470 : i32 to index
      %swap3A_472 = arith.index_cast %mul3A_438 : i32 to index
      %swap3A_473 = tpu.vector_load %arg9[%swap3A_471, %swap3A_472] {strides = array<i32>} : memref<32x1024xf32, #tpu.memory_space<vmem>>, vector<1x16xf32>,
      %swap3A_474 = vector.shape_cast %swap3A_473 : vector<1x16xf32> to vector<16xf32>
      %swap3A_475 = vector.shape_cast %add3A_469 : vector<16xf32> to vector<1x16xf32>
      tpu.vector_store %arg9[%swap3A_471, %swap3A_472], %swap3A_475 {strides = array<i32>} : memref<32x1024xf32, #tpu.memory_space<vmem>>, vector<1x16xf32>,
      %get3A_476 = arith.constant 3 : i32
      %get3A_477 = arith.index_cast %get3A_476 : i32 to index
      %get3A_478 = arith.index_cast %mul3A_438 : i32 to index
      %get3A_479 = tpu.vector_load %arg9[%get3A_477, %get3A_478] {strides = array<i32>} : memref<32x1024xf32, #tpu.memory_space<vmem>>, vector<1x16xf32>,
      %get3A_480 = vector.shape_cast %get3A_479 : vector<1x16xf32> to vector<16xf32>
      %add3A_481 = arith.addf %get3A_480, %get3A_440 : vector<16xf32>
      %swap3A_482 = arith.constant 3 : i32
      %swap3A_483 = arith.index_cast %swap3A_482 : i32 to index
      %swap3A_484 = arith.index_cast %mul3A_438 : i32 to index
      %swap3A_485 = tpu.vector_load %arg9[%swap3A_483, %swap3A_484] {strides = array<i32>} : memref<32x1024xf32, #tpu.memory_space<vmem>>, vector<1x16xf32>,
      %swap3A_486 = vector.shape_cast %swap3A_485 : vector<1x16xf32> to vector<16xf32>
      %swap3A_487 = vector.shape_cast %add3A_481 : vector<16xf32> to vector<1x16xf32>
      tpu.vector_store %arg9[%swap3A_483, %swap3A_484], %swap3A_487 {strides = array<i32>} : memref<32x1024xf32, #tpu.memory_space<vmem>>, vector<1x16xf32>,
      %get3A_488 = arith.constant 4 : i32
      %get3A_489 = arith.index_cast %get3A_488 : i32 to index
      %get3A_490 = arith.index_cast %mul3A_438 : i32 to index
      %get3A_491 = tpu.vector_load %arg9[%get3A_489, %get3A_490] {strides = array<i32>} : memref<32x1024xf32, #tpu.memory_space<vmem>>, vector<1x16xf32>,
      %get3A_492 = vector.shape_cast %get3A_491 : vector<1x16xf32> to vector<16xf32>
      %add3A_493 = arith.addf %get3A_492, %get3A_440 : vector<16xf32>
      %swap3A_494 = arith.constant 4 : i32
      %swap3A_495 = arith.index_cast %swap3A_494 : i32 to index
      %swap3A_496 = arith.index_cast %mul3A_438 : i32 to index
      %swap3A_497 = tpu.vector_load %arg9[%swap3A_495, %swap3A_496] {strides = array<i32>} : memref<32x1024xf32, #tpu.memory_space<vmem>>, vector<1x16xf32>,
      %swap3A_498 = vector.shape_cast %swap3A_497 : vector<1x16xf32> to vector<16xf32>
      %swap3A_499 = vector.shape_cast %add3A_493 : vector<16xf32> to vector<1x16xf32>
      tpu.vector_store %arg9[%swap3A_495, %swap3A_496], %swap3A_499 {strides = array<i32>} : memref<32x1024xf32, #tpu.memory_space<vmem>>, vector<1x16xf32>,
      %get3A_500 = arith.constant 5 : i32
      %get3A_501 = arith.index_cast %get3A_500 : i32 to index
      %get3A_502 = arith.index_cast %mul3A_438 : i32 to index
      %get3A_503 = tpu.vector_load %arg9[%get3A_501, %get3A_502] {strides = array<i32>} : memref<32x1024xf32, #tpu.memory_space<vmem>>, vector<1x16xf32>,
      %get3A_504 = vector.shape_cast %get3A_503 : vector<1x16xf32> to vector<16xf32>
      %add3A_505 = arith.addf %get3A_504, %get3A_440 : vector<16xf32>
      %swap3A_506 = arith.constant 5 : i32
      %swap3A_507 = arith.index_cast %swap3A_506 : i32 to index
      %swap3A_508 = arith.index_cast %mul3A_438 : i32 to index
      %swap3A_509 = tpu.vector_load %arg9[%swap3A_507, %swap3A_508] {strides = array<i32>} : memref<32x1024xf32, #tpu.memory_space<vmem>>, vector<1x16xf32>,
      %swap3A_510 = vector.shape_cast %swap3A_509 : vector<1x16xf32> to vector<16xf32>
      %swap3A_511 = vector.shape_cast %add3A_505 : vector<16xf32> to vector<1x16xf32>
      tpu.vector_store %arg9[%swap3A_507, %swap3A_508], %swap3A_511 {strides = array<i32>} : memref<32x1024xf32, #tpu.memory_space<vmem>>, vector<1x16xf32>,
      %get3A_512 = arith.constant 6 : i32
      %get3A_513 = arith.index_cast %get3A_512 : i32 to index
      %get3A_514 = arith.index_cast %mul3A_438 : i32 to index
      %get3A_515 = tpu.vector_load %arg9[%get3A_513, %get3A_514] {strides = array<i32>} : memref<32x1024xf32, #tpu.memory_space<vmem>>, vector<1x16xf32>,
      %get3A_516 = vector.shape_cast %get3A_515 : vector<1x16xf32> to vector<16xf32>
      %add3A_517 = arith.addf %get3A_516, %get3A_440 : vector<16xf32>
      %swap3A_518 = arith.constant 6 : i32
      %swap3A_519 = arith.index_cast %swap3A_518 : i32 to index
      %swap3A_520 = arith.index_cast %mul3A_438 : i32 to index
      %swap3A_521 = tpu.vector_load %arg9[%swap3A_519, %swap3A_520] {strides = array<i32>} : memref<32x1024xf32, #tpu.memory_space<vmem>>, vector<1x16xf32>,
      %swap3A_522 = vector.shape_cast %swap3A_521 : vector<1x16xf32> to vector<16xf32>
      %swap3A_523 = vector.shape_cast %add3A_517 : vector<16xf32> to vector<1x16xf32>
      tpu.vector_store %arg9[%swap3A_519, %swap3A_520], %swap3A_523 {strides = array<i32>} : memref<32x1024xf32, #tpu.memory_space<vmem>>, vector<1x16xf32>,
      %get3A_524 = arith.constant 7 : i32
      %get3A_525 = arith.index_cast %get3A_524 : i32 to index
      %get3A_526 = arith.index_cast %mul3A_438 : i32 to index
      %get3A_527 = tpu.vector_load %arg9[%get3A_525, %get3A_526] {strides = array<i32>} : memref<32x1024xf32, #tpu.memory_space<vmem>>, vector<1x16xf32>,
      %get3A_528 = vector.shape_cast %get3A_527 : vector<1x16xf32> to vector<16xf32>
      %add3A_529 = arith.addf %get3A_528, %get3A_440 : vector<16xf32>
      %swap3A_530 = arith.constant 7 : i32
      %swap3A_531 = arith.index_cast %swap3A_530 : i32 to index
      %swap3A_532 = arith.index_cast %mul3A_438 : i32 to index
      %swap3A_533 = tpu.vector_load %arg9[%swap3A_531, %swap3A_532] {strides = array<i32>} : memref<32x1024xf32, #tpu.memory_space<vmem>>, vector<1x16xf32>,
      %swap3A_534 = vector.shape_cast %swap3A_533 : vector<1x16xf32> to vector<16xf32>
      %swap3A_535 = vector.shape_cast %add3A_529 : vector<16xf32> to vector<1x16xf32>
      tpu.vector_store %arg9[%swap3A_531, %swap3A_532], %swap3A_535 {strides = array<i32>} : memref<32x1024xf32, #tpu.memory_space<vmem>>, vector<1x16xf32>,
      %get3A_536 = arith.constant 8 : i32
      %get3A_537 = arith.index_cast %get3A_536 : i32 to index
      %get3A_538 = arith.index_cast %mul3A_438 : i32 to index
      %get3A_539 = tpu.vector_load %arg9[%get3A_537, %get3A_538] {strides = array<i32>} : memref<32x1024xf32, #tpu.memory_space<vmem>>, vector<1x16xf32>,
      %get3A_540 = vector.shape_cast %get3A_539 : vector<1x16xf32> to vector<16xf32>
      %add3A_541 = arith.addf %get3A_540, %get3A_440 : vector<16xf32>
      %swap3A_542 = arith.constant 8 : i32
      %swap3A_543 = arith.index_cast %swap3A_542 : i32 to index
      %swap3A_544 = arith.index_cast %mul3A_438 : i32 to index
      %swap3A_545 = tpu.vector_load %arg9[%swap3A_543, %swap3A_544] {strides = array<i32>} : memref<32x1024xf32, #tpu.memory_space<vmem>>, vector<1x16xf32>,
      %swap3A_546 = vector.shape_cast %swap3A_545 : vector<1x16xf32> to vector<16xf32>
      %swap3A_547 = vector.shape_cast %add3A_541 : vector<16xf32> to vector<1x16xf32>
      tpu.vector_store %arg9[%swap3A_543, %swap3A_544], %swap3A_547 {strides = array<i32>} : memref<32x1024xf32, #tpu.memory_space<vmem>>, vector<1x16xf32>,
      %get3A_548 = arith.constant 9 : i32
      %get3A_549 = arith.index_cast %get3A_548 : i32 to index
      %get3A_550 = arith.index_cast %mul3A_438 : i32 to index
      %get3A_551 = tpu.vector_load %arg9[%get3A_549, %get3A_550] {strides = array<i32>} : memref<32x1024xf32, #tpu.memory_space<vmem>>, vector<1x16xf32>,
      %get3A_552 = vector.shape_cast %get3A_551 : vector<1x16xf32> to vector<16xf32>
      %add3A_553 = arith.addf %get3A_552, %get3A_440 : vector<16xf32>
      %swap3A_554 = arith.constant 9 : i32
      %swap3A_555 = arith.index_cast %swap3A_554 : i32 to index
      %swap3A_556 = arith.index_cast %mul3A_438 : i32 to index
      %swap3A_557 = tpu.vector_load %arg9[%swap3A_555, %swap3A_556] {strides = array<i32>} : memref<32x1024xf32, #tpu.memory_space<vmem>>, vector<1x16xf32>,
      %swap3A_558 = vector.shape_cast %swap3A_557 : vector<1x16xf32> to vector<16xf32>
      %swap3A_559 = vector.shape_cast %add3A_553 : vector<16xf32> to vector<1x16xf32>
      tpu.vector_store %arg9[%swap3A_555, %swap3A_556], %swap3A_559 {strides = array<i32>} : memref<32x1024xf32, #tpu.memory_space<vmem>>, vector<1x16xf32>,
      %get3A_560 = arith.constant 10 : i32
      %get3A_561 = arith.index_cast %get3A_560 : i32 to index
      %get3A_562 = arith.index_cast %mul3A_438 : i32 to index
      %get3A_563 = tpu.vector_load %arg9[%get3A_561, %get3A_562] {strides = array<i32>} : memref<32x1024xf32, #tpu.memory_space<vmem>>, vector<1x16xf32>,
      %get3A_564 = vector.shape_cast %get3A_563 : vector<1x16xf32> to vector<16xf32>
      %add3A_565 = arith.addf %get3A_564, %get3A_440 : vector<16xf32>
      %swap3A_566 = arith.constant 10 : i32
      %swap3A_567 = arith.index_cast %swap3A_566 : i32 to index
      %swap3A_568 = arith.index_cast %mul3A_438 : i32 to index
      %swap3A_569 = tpu.vector_load %arg9[%swap3A_567, %swap3A_568] {strides = array<i32>} : memref<32x1024xf32, #tpu.memory_space<vmem>>, vector<1x16xf32>,
      %swap3A_570 = vector.shape_cast %swap3A_569 : vector<1x16xf32> to vector<16xf32>
      %swap3A_571 = vector.shape_cast %add3A_565 : vector<16xf32> to vector<1x16xf32>
      tpu.vector_store %arg9[%swap3A_567, %swap3A_568], %swap3A_571 {strides = array<i32>} : memref<32x1024xf32, #tpu.memory_space<vmem>>, vector<1x16xf32>,
      %get3A_572 = arith.constant 11 : i32
      %get3A_573 = arith.index_cast %get3A_572 : i32 to index
      %get3A_574 = arith.index_cast %mul3A_438 : i32 to index
      %get3A_575 = tpu.vector_load %arg9[%get3A_573, %get3A_574] {strides = array<i32>} : memref<32x1024xf32, #tpu.memory_space<vmem>>, vector<1x16xf32>,
      %get3A_576 = vector.shape_cast %get3A_575 : vector<1x16xf32> to vector<16xf32>
      %add3A_577 = arith.addf %get3A_576, %get3A_440 : vector<16xf32>
      %swap3A_578 = arith.constant 11 : i32
      %swap3A_579 = arith.index_cast %swap3A_578 : i32 to index
      %swap3A_580 = arith.index_cast %mul3A_438 : i32 to index
      %swap3A_581 = tpu.vector_load %arg9[%swap3A_579, %swap3A_580] {strides = array<i32>} : memref<32x1024xf32, #tpu.memory_space<vmem>>, vector<1x16xf32>,
      %swap3A_582 = vector.shape_cast %swap3A_581 : vector<1x16xf32> to vector<16xf32>
      %swap3A_583 = vector.shape_cast %add3A_577 : vector<16xf32> to vector<1x16xf32>
      tpu.vector_store %arg9[%swap3A_579, %swap3A_580], %swap3A_583 {strides = array<i32>} : memref<32x1024xf32, #tpu.memory_space<vmem>>, vector<1x16xf32>,
      %get3A_584 = arith.constant 12 : i32
      %get3A_585 = arith.index_cast %get3A_584 : i32 to index
      %get3A_586 = arith.index_cast %mul3A_438 : i32 to index
      %get3A_587 = tpu.vector_load %arg9[%get3A_585, %get3A_586] {strides = array<i32>} : memref<32x1024xf32, #tpu.memory_space<vmem>>, vector<1x16xf32>,
      %get3A_588 = vector.shape_cast %get3A_587 : vector<1x16xf32> to vector<16xf32>
      %add3A_589 = arith.addf %get3A_588, %get3A_440 : vector<16xf32>
      %swap3A_590 = arith.constant 12 : i32
      %swap3A_591 = arith.index_cast %swap3A_590 : i32 to index
      %swap3A_592 = arith.index_cast %mul3A_438 : i32 to index
      %swap3A_593 = tpu.vector_load %arg9[%swap3A_591, %swap3A_592] {strides = array<i32>} : memref<32x1024xf32, #tpu.memory_space<vmem>>, vector<1x16xf32>,
      %swap3A_594 = vector.shape_cast %swap3A_593 : vector<1x16xf32> to vector<16xf32>
      %swap3A_595 = vector.shape_cast %add3A_589 : vector<16xf32> to vector<1x16xf32>
      tpu.vector_store %arg9[%swap3A_591, %swap3A_592], %swap3A_595 {strides = array<i32>} : memref<32x1024xf32, #tpu.memory_space<vmem>>, vector<1x16xf32>,
      %get3A_596 = arith.constant 13 : i32
      %get3A_597 = arith.index_cast %get3A_596 : i32 to index
      %get3A_598 = arith.index_cast %mul3A_438 : i32 to index
      %get3A_599 = tpu.vector_load %arg9[%get3A_597, %get3A_598] {strides = array<i32>} : memref<32x1024xf32, #tpu.memory_space<vmem>>, vector<1x16xf32>,
      %get3A_600 = vector.shape_cast %get3A_599 : vector<1x16xf32> to vector<16xf32>
      %add3A_601 = arith.addf %get3A_600, %get3A_440 : vector<16xf32>
      %swap3A_602 = arith.constant 13 : i32
      %swap3A_603 = arith.index_cast %swap3A_602 : i32 to index
      %swap3A_604 = arith.index_cast %mul3A_438 : i32 to index
      %swap3A_605 = tpu.vector_load %arg9[%swap3A_603, %swap3A_604] {strides = array<i32>} : memref<32x1024xf32, #tpu.memory_space<vmem>>, vector<1x16xf32>,
      %swap3A_606 = vector.shape_cast %swap3A_605 : vector<1x16xf32> to vector<16xf32>
      %swap3A_607 = vector.shape_cast %add3A_601 : vector<16xf32> to vector<1x16xf32>
      tpu.vector_store %arg9[%swap3A_603, %swap3A_604], %swap3A_607 {strides = array<i32>} : memref<32x1024xf32, #tpu.memory_space<vmem>>, vector<1x16xf32>,
      %get3A_608 = arith.constant 14 : i32
      %get3A_609 = arith.index_cast %get3A_608 : i32 to index
      %get3A_610 = arith.index_cast %mul3A_438 : i32 to index
      %get3A_611 = tpu.vector_load %arg9[%get3A_609, %get3A_610] {strides = array<i32>} : memref<32x1024xf32, #tpu.memory_space<vmem>>, vector<1x16xf32>,
      %get3A_612 = vector.shape_cast %get3A_611 : vector<1x16xf32> to vector<16xf32>
      %add3A_613 = arith.addf %get3A_612, %get3A_440 : vector<16xf32>
      %swap3A_614 = arith.constant 14 : i32
      %swap3A_615 = arith.index_cast %swap3A_614 : i32 to index
      %swap3A_616 = arith.index_cast %mul3A_438 : i32 to index
      %swap3A_617 = tpu.vector_load %arg9[%swap3A_615, %swap3A_616] {strides = array<i32>} : memref<32x1024xf32, #tpu.memory_space<vmem>>, vector<1x16xf32>,
      %swap3A_618 = vector.shape_cast %swap3A_617 : vector<1x16xf32> to vector<16xf32>
      %swap3A_619 = vector.shape_cast %add3A_613 : vector<16xf32> to vector<1x16xf32>
      tpu.vector_store %arg9[%swap3A_615, %swap3A_616], %swap3A_619 {strides = array<i32>} : memref<32x1024xf32, #tpu.memory_space<vmem>>, vector<1x16xf32>,
      %get3A_620 = arith.constant 15 : i32
      %get3A_621 = arith.index_cast %get3A_620 : i32 to index
      %get3A_622 = arith.index_cast %mul3A_438 : i32 to index
      %get3A_623 = tpu.vector_load %arg9[%get3A_621, %get3A_622] {strides = array<i32>} : memref<32x1024xf32, #tpu.memory_space<vmem>>, vector<1x16xf32>,
      %get3A_624 = vector.shape_cast %get3A_623 : vector<1x16xf32> to vector<16xf32>
      %add3A_625 = arith.addf %get3A_624, %get3A_440 : vector<16xf32>
      %swap3A_626 = arith.constant 15 : i32
      %swap3A_627 = arith.index_cast %swap3A_626 : i32 to index
      %swap3A_628 = arith.index_cast %mul3A_438 : i32 to index
      %swap3A_629 = tpu.vector_load %arg9[%swap3A_627, %swap3A_628] {strides = array<i32>} : memref<32x1024xf32, #tpu.memory_space<vmem>>, vector<1x16xf32>,
      %swap3A_630 = vector.shape_cast %swap3A_629 : vector<1x16xf32> to vector<16xf32>
      %swap3A_631 = vector.shape_cast %add3A_625 : vector<16xf32> to vector<1x16xf32>
      tpu.vector_store %arg9[%swap3A_627, %swap3A_628], %swap3A_631 {strides = array<i32>} : memref<32x1024xf32, #tpu.memory_space<vmem>>, vector<1x16xf32>,
      %get3A_632 = arith.constant 16 : i32
      %get3A_633 = arith.index_cast %get3A_632 : i32 to index
      %get3A_634 = arith.index_cast %mul3A_438 : i32 to index
      %get3A_635 = tpu.vector_load %arg9[%get3A_633, %get3A_634] {strides = array<i32>} : memref<32x1024xf32, #tpu.memory_space<vmem>>, vector<1x16xf32>,
      %get3A_636 = vector.shape_cast %get3A_635 : vector<1x16xf32> to vector<16xf32>
      %add3A_637 = arith.addf %get3A_636, %get3A_440 : vector<16xf32>
      %swap3A_638 = arith.constant 16 : i32
      %swap3A_639 = arith.index_cast %swap3A_638 : i32 to index
      %swap3A_640 = arith.index_cast %mul3A_438 : i32 to index
      %swap3A_641 = tpu.vector_load %arg9[%swap3A_639, %swap3A_640] {strides = array<i32>} : memref<32x1024xf32, #tpu.memory_space<vmem>>, vector<1x16xf32>,
      %swap3A_642 = vector.shape_cast %swap3A_641 : vector<1x16xf32> to vector<16xf32>
      %swap3A_643 = vector.shape_cast %add3A_637 : vector<16xf32> to vector<1x16xf32>
      tpu.vector_store %arg9[%swap3A_639, %swap3A_640], %swap3A_643 {strides = array<i32>} : memref<32x1024xf32, #tpu.memory_space<vmem>>, vector<1x16xf32>,
      %get3A_644 = arith.constant 17 : i32
      %get3A_645 = arith.index_cast %get3A_644 : i32 to index
      %get3A_646 = arith.index_cast %mul3A_438 : i32 to index
      %get3A_647 = tpu.vector_load %arg9[%get3A_645, %get3A_646] {strides = array<i32>} : memref<32x1024xf32, #tpu.memory_space<vmem>>, vector<1x16xf32>,
      %get3A_648 = vector.shape_cast %get3A_647 : vector<1x16xf32> to vector<16xf32>
      %add3A_649 = arith.addf %get3A_648, %get3A_440 : vector<16xf32>
      %swap3A_650 = arith.constant 17 : i32
      %swap3A_651 = arith.index_cast %swap3A_650 : i32 to index
      %swap3A_652 = arith.index_cast %mul3A_438 : i32 to index
      %swap3A_653 = tpu.vector_load %arg9[%swap3A_651, %swap3A_652] {strides = array<i32>} : memref<32x1024xf32, #tpu.memory_space<vmem>>, vector<1x16xf32>,
      %swap3A_654 = vector.shape_cast %swap3A_653 : vector<1x16xf32> to vector<16xf32>
      %swap3A_655 = vector.shape_cast %add3A_649 : vector<16xf32> to vector<1x16xf32>
      tpu.vector_store %arg9[%swap3A_651, %swap3A_652], %swap3A_655 {strides = array<i32>} : memref<32x1024xf32, #tpu.memory_space<vmem>>, vector<1x16xf32>,
      %get3A_656 = arith.constant 18 : i32
      %get3A_657 = arith.index_cast %get3A_656 : i32 to index
      %get3A_658 = arith.index_cast %mul3A_438 : i32 to index
      %get3A_659 = tpu.vector_load %arg9[%get3A_657, %get3A_658] {strides = array<i32>} : memref<32x1024xf32, #tpu.memory_space<vmem>>, vector<1x16xf32>,
      %get3A_660 = vector.shape_cast %get3A_659 : vector<1x16xf32> to vector<16xf32>
      %add3A_661 = arith.addf %get3A_660, %get3A_440 : vector<16xf32>
      %swap3A_662 = arith.constant 18 : i32
      %swap3A_663 = arith.index_cast %swap3A_662 : i32 to index
      %swap3A_664 = arith.index_cast %mul3A_438 : i32 to index
      %swap3A_665 = tpu.vector_load %arg9[%swap3A_663, %swap3A_664] {strides = array<i32>} : memref<32x1024xf32, #tpu.memory_space<vmem>>, vector<1x16xf32>,
      %swap3A_666 = vector.shape_cast %swap3A_665 : vector<1x16xf32> to vector<16xf32>
      %swap3A_667 = vector.shape_cast %add3A_661 : vector<16xf32> to vector<1x16xf32>
      tpu.vector_store %arg9[%swap3A_663, %swap3A_664], %swap3A_667 {strides = array<i32>} : memref<32x1024xf32, #tpu.memory_space<vmem>>, vector<1x16xf32>,
      %get3A_668 = arith.constant 19 : i32
      %get3A_669 = arith.index_cast %get3A_668 : i32 to index
      %get3A_670 = arith.index_cast %mul3A_438 : i32 to index
      %get3A_671 = tpu.vector_load %arg9[%get3A_669, %get3A_670] {strides = array<i32>} : memref<32x1024xf32, #tpu.memory_space<vmem>>, vector<1x16xf32>,
      %get3A_672 = vector.shape_cast %get3A_671 : vector<1x16xf32> to vector<16xf32>
      %add3A_673 = arith.addf %get3A_672, %get3A_440 : vector<16xf32>
      %swap3A_674 = arith.constant 19 : i32
      %swap3A_675 = arith.index_cast %swap3A_674 : i32 to index
      %swap3A_676 = arith.index_cast %mul3A_438 : i32 to index
      %swap3A_677 = tpu.vector_load %arg9[%swap3A_675, %swap3A_676] {strides = array<i32>} : memref<32x1024xf32, #tpu.memory_space<vmem>>, vector<1x16xf32>,
      %swap3A_678 = vector.shape_cast %swap3A_677 : vector<1x16xf32> to vector<16xf32>
      %swap3A_679 = vector.shape_cast %add3A_673 : vector<16xf32> to vector<1x16xf32>
      tpu.vector_store %arg9[%swap3A_675, %swap3A_676], %swap3A_679 {strides = array<i32>} : memref<32x1024xf32, #tpu.memory_space<vmem>>, vector<1x16xf32>,
      %get3A_680 = arith.constant 20 : i32
      %get3A_681 = arith.index_cast %get3A_680 : i32 to index
      %get3A_682 = arith.index_cast %mul3A_438 : i32 to index
      %get3A_683 = tpu.vector_load %arg9[%get3A_681, %get3A_682] {strides = array<i32>} : memref<32x1024xf32, #tpu.memory_space<vmem>>, vector<1x16xf32>,
      %get3A_684 = vector.shape_cast %get3A_683 : vector<1x16xf32> to vector<16xf32>
      %add3A_685 = arith.addf %get3A_684, %get3A_440 : vector<16xf32>
      %swap3A_686 = arith.constant 20 : i32
      %swap3A_687 = arith.index_cast %swap3A_686 : i32 to index
      %swap3A_688 = arith.index_cast %mul3A_438 : i32 to index
      %swap3A_689 = tpu.vector_load %arg9[%swap3A_687, %swap3A_688] {strides = array<i32>} : memref<32x1024xf32, #tpu.memory_space<vmem>>, vector<1x16xf32>,
      %swap3A_690 = vector.shape_cast %swap3A_689 : vector<1x16xf32> to vector<16xf32>
      %swap3A_691 = vector.shape_cast %add3A_685 : vector<16xf32> to vector<1x16xf32>
      tpu.vector_store %arg9[%swap3A_687, %swap3A_688], %swap3A_691 {strides = array<i32>} : memref<32x1024xf32, #tpu.memory_space<vmem>>, vector<1x16xf32>,
      %get3A_692 = arith.constant 21 : i32
      %get3A_693 = arith.index_cast %get3A_692 : i32 to index
      %get3A_694 = arith.index_cast %mul3A_438 : i32 to index
      %get3A_695 = tpu.vector_load %arg9[%get3A_693, %get3A_694] {strides = array<i32>} : memref<32x1024xf32, #tpu.memory_space<vmem>>, vector<1x16xf32>,
      %get3A_696 = vector.shape_cast %get3A_695 : vector<1x16xf32> to vector<16xf32>
      %add3A_697 = arith.addf %get3A_696, %get3A_440 : vector<16xf32>
      %swap3A_698 = arith.constant 21 : i32
      %swap3A_699 = arith.index_cast %swap3A_698 : i32 to index
      %swap3A_700 = arith.index_cast %mul3A_438 : i32 to index
      %swap3A_701 = tpu.vector_load %arg9[%swap3A_699, %swap3A_700] {strides = array<i32>} : memref<32x1024xf32, #tpu.memory_space<vmem>>, vector<1x16xf32>,
      %swap3A_702 = vector.shape_cast %swap3A_701 : vector<1x16xf32> to vector<16xf32>
      %swap3A_703 = vector.shape_cast %add3A_697 : vector<16xf32> to vector<1x16xf32>
      tpu.vector_store %arg9[%swap3A_699, %swap3A_700], %swap3A_703 {strides = array<i32>} : memref<32x1024xf32, #tpu.memory_space<vmem>>, vector<1x16xf32>,
      %get3A_704 = arith.constant 22 : i32
      %get3A_705 = arith.index_cast %get3A_704 : i32 to index
      %get3A_706 = arith.index_cast %mul3A_438 : i32 to index
      %get3A_707 = tpu.vector_load %arg9[%get3A_705, %get3A_706] {strides = array<i32>} : memref<32x1024xf32, #tpu.memory_space<vmem>>, vector<1x16xf32>,
      %get3A_708 = vector.shape_cast %get3A_707 : vector<1x16xf32> to vector<16xf32>
      %add3A_709 = arith.addf %get3A_708, %get3A_440 : vector<16xf32>
      %swap3A_710 = arith.constant 22 : i32
      %swap3A_711 = arith.index_cast %swap3A_710 : i32 to index
      %swap3A_712 = arith.index_cast %mul3A_438 : i32 to index
      %swap3A_713 = tpu.vector_load %arg9[%swap3A_711, %swap3A_712] {strides = array<i32>} : memref<32x1024xf32, #tpu.memory_space<vmem>>, vector<1x16xf32>,
      %swap3A_714 = vector.shape_cast %swap3A_713 : vector<1x16xf32> to vector<16xf32>
      %swap3A_715 = vector.shape_cast %add3A_709 : vector<16xf32> to vector<1x16xf32>
      tpu.vector_store %arg9[%swap3A_711, %swap3A_712], %swap3A_715 {strides = array<i32>} : memref<32x1024xf32, #tpu.memory_space<vmem>>, vector<1x16xf32>,
      %get3A_716 = arith.constant 23 : i32
      %get3A_717 = arith.index_cast %get3A_716 : i32 to index
      %get3A_718 = arith.index_cast %mul3A_438 : i32 to index
      %get3A_719 = tpu.vector_load %arg9[%get3A_717, %get3A_718] {strides = array<i32>} : memref<32x1024xf32, #tpu.memory_space<vmem>>, vector<1x16xf32>,
      %get3A_720 = vector.shape_cast %get3A_719 : vector<1x16xf32> to vector<16xf32>
      %add3A_721 = arith.addf %get3A_720, %get3A_440 : vector<16xf32>
      %swap3A_722 = arith.constant 23 : i32
      %swap3A_723 = arith.index_cast %swap3A_722 : i32 to index
      %swap3A_724 = arith.index_cast %mul3A_438 : i32 to index
      %swap3A_725 = tpu.vector_load %arg9[%swap3A_723, %swap3A_724] {strides = array<i32>} : memref<32x1024xf32, #tpu.memory_space<vmem>>, vector<1x16xf32>,
      %swap3A_726 = vector.shape_cast %swap3A_725 : vector<1x16xf32> to vector<16xf32>
      %swap3A_727 = vector.shape_cast %add3A_721 : vector<16xf32> to vector<1x16xf32>
      tpu.vector_store %arg9[%swap3A_723, %swap3A_724], %swap3A_727 {strides = array<i32>} : memref<32x1024xf32, #tpu.memory_space<vmem>>, vector<1x16xf32>,
      %get3A_728 = arith.constant 24 : i32
      %get3A_729 = arith.index_cast %get3A_728 : i32 to index
      %get3A_730 = arith.index_cast %mul3A_438 : i32 to index
      %get3A_731 = tpu.vector_load %arg9[%get3A_729, %get3A_730] {strides = array<i32>} : memref<32x1024xf32, #tpu.memory_space<vmem>>, vector<1x16xf32>,
      %get3A_732 = vector.shape_cast %get3A_731 : vector<1x16xf32> to vector<16xf32>
      %add3A_733 = arith.addf %get3A_732, %get3A_440 : vector<16xf32>
      %swap3A_734 = arith.constant 24 : i32
      %swap3A_735 = arith.index_cast %swap3A_734 : i32 to index
      %swap3A_736 = arith.index_cast %mul3A_438 : i32 to index
      %swap3A_737 = tpu.vector_load %arg9[%swap3A_735, %swap3A_736] {strides = array<i32>} : memref<32x1024xf32, #tpu.memory_space<vmem>>, vector<1x16xf32>,
      %swap3A_738 = vector.shape_cast %swap3A_737 : vector<1x16xf32> to vector<16xf32>
      %swap3A_739 = vector.shape_cast %add3A_733 : vector<16xf32> to vector<1x16xf32>
      tpu.vector_store %arg9[%swap3A_735, %swap3A_736], %swap3A_739 {strides = array<i32>} : memref<32x1024xf32, #tpu.memory_space<vmem>>, vector<1x16xf32>,
      %get3A_740 = arith.constant 25 : i32
      %get3A_741 = arith.index_cast %get3A_740 : i32 to index
      %get3A_742 = arith.index_cast %mul3A_438 : i32 to index
      %get3A_743 = tpu.vector_load %arg9[%get3A_741, %get3A_742] {strides = array<i32>} : memref<32x1024xf32, #tpu.memory_space<vmem>>, vector<1x16xf32>,
      %get3A_744 = vector.shape_cast %get3A_743 : vector<1x16xf32> to vector<16xf32>
      %add3A_745 = arith.addf %get3A_744, %get3A_440 : vector<16xf32>
      %swap3A_746 = arith.constant 25 : i32
      %swap3A_747 = arith.index_cast %swap3A_746 : i32 to index
      %swap3A_748 = arith.index_cast %mul3A_438 : i32 to index
      %swap3A_749 = tpu.vector_load %arg9[%swap3A_747, %swap3A_748] {strides = array<i32>} : memref<32x1024xf32, #tpu.memory_space<vmem>>, vector<1x16xf32>,
      %swap3A_750 = vector.shape_cast %swap3A_749 : vector<1x16xf32> to vector<16xf32>
      %swap3A_751 = vector.shape_cast %add3A_745 : vector<16xf32> to vector<1x16xf32>
      tpu.vector_store %arg9[%swap3A_747, %swap3A_748], %swap3A_751 {strides = array<i32>} : memref<32x1024xf32, #tpu.memory_space<vmem>>, vector<1x16xf32>,
      %get3A_752 = arith.constant 26 : i32
      %get3A_753 = arith.index_cast %get3A_752 : i32 to index
      %get3A_754 = arith.index_cast %mul3A_438 : i32 to index
      %get3A_755 = tpu.vector_load %arg9[%get3A_753, %get3A_754] {strides = array<i32>} : memref<32x1024xf32, #tpu.memory_space<vmem>>, vector<1x16xf32>,
      %get3A_756 = vector.shape_cast %get3A_755 : vector<1x16xf32> to vector<16xf32>
      %add3A_757 = arith.addf %get3A_756, %get3A_440 : vector<16xf32>
      %swap3A_758 = arith.constant 26 : i32
      %swap3A_759 = arith.index_cast %swap3A_758 : i32 to index
      %swap3A_760 = arith.index_cast %mul3A_438 : i32 to index
      %swap3A_761 = tpu.vector_load %arg9[%swap3A_759, %swap3A_760] {strides = array<i32>} : memref<32x1024xf32, #tpu.memory_space<vmem>>, vector<1x16xf32>,
      %swap3A_762 = vector.shape_cast %swap3A_761 : vector<1x16xf32> to vector<16xf32>
      %swap3A_763 = vector.shape_cast %add3A_757 : vector<16xf32> to vector<1x16xf32>
      tpu.vector_store %arg9[%swap3A_759, %swap3A_760], %swap3A_763 {strides = array<i32>} : memref<32x1024xf32, #tpu.memory_space<vmem>>, vector<1x16xf32>,
      %get3A_764 = arith.constant 27 : i32
      %get3A_765 = arith.index_cast %get3A_764 : i32 to index
      %get3A_766 = arith.index_cast %mul3A_438 : i32 to index
      %get3A_767 = tpu.vector_load %arg9[%get3A_765, %get3A_766] {strides = array<i32>} : memref<32x1024xf32, #tpu.memory_space<vmem>>, vector<1x16xf32>,
      %get3A_768 = vector.shape_cast %get3A_767 : vector<1x16xf32> to vector<16xf32>
      %add3A_769 = arith.addf %get3A_768, %get3A_440 : vector<16xf32>
      %swap3A_770 = arith.constant 27 : i32
      %swap3A_771 = arith.index_cast %swap3A_770 : i32 to index
      %swap3A_772 = arith.index_cast %mul3A_438 : i32 to index
      %swap3A_773 = tpu.vector_load %arg9[%swap3A_771, %swap3A_772] {strides = array<i32>} : memref<32x1024xf32, #tpu.memory_space<vmem>>, vector<1x16xf32>,
      %swap3A_774 = vector.shape_cast %swap3A_773 : vector<1x16xf32> to vector<16xf32>
      %swap3A_775 = vector.shape_cast %add3A_769 : vector<16xf32> to vector<1x16xf32>
      tpu.vector_store %arg9[%swap3A_771, %swap3A_772], %swap3A_775 {strides = array<i32>} : memref<32x1024xf32, #tpu.memory_space<vmem>>, vector<1x16xf32>,
      %get3A_776 = arith.constant 28 : i32
      %get3A_777 = arith.index_cast %get3A_776 : i32 to index
      %get3A_778 = arith.index_cast %mul3A_438 : i32 to index
      %get3A_779 = tpu.vector_load %arg9[%get3A_777, %get3A_778] {strides = array<i32>} : memref<32x1024xf32, #tpu.memory_space<vmem>>, vector<1x16xf32>,
      %get3A_780 = vector.shape_cast %get3A_779 : vector<1x16xf32> to vector<16xf32>
      %add3A_781 = arith.addf %get3A_780, %get3A_440 : vector<16xf32>
      %swap3A_782 = arith.constant 28 : i32
      %swap3A_783 = arith.index_cast %swap3A_782 : i32 to index
      %swap3A_784 = arith.index_cast %mul3A_438 : i32 to index
      %swap3A_785 = tpu.vector_load %arg9[%swap3A_783, %swap3A_784] {strides = array<i32>} : memref<32x1024xf32, #tpu.memory_space<vmem>>, vector<1x16xf32>,
      %swap3A_786 = vector.shape_cast %swap3A_785 : vector<1x16xf32> to vector<16xf32>
      %swap3A_787 = vector.shape_cast %add3A_781 : vector<16xf32> to vector<1x16xf32>
      tpu.vector_store %arg9[%swap3A_783, %swap3A_784], %swap3A_787 {strides = array<i32>} : memref<32x1024xf32, #tpu.memory_space<vmem>>, vector<1x16xf32>,
      %get3A_788 = arith.constant 29 : i32
      %get3A_789 = arith.index_cast %get3A_788 : i32 to index
      %get3A_790 = arith.index_cast %mul3A_438 : i32 to index
      %get3A_791 = tpu.vector_load %arg9[%get3A_789, %get3A_790] {strides = array<i32>} : memref<32x1024xf32, #tpu.memory_space<vmem>>, vector<1x16xf32>,
      %get3A_792 = vector.shape_cast %get3A_791 : vector<1x16xf32> to vector<16xf32>
      %add3A_793 = arith.addf %get3A_792, %get3A_440 : vector<16xf32>
      %swap3A_794 = arith.constant 29 : i32
      %swap3A_795 = arith.index_cast %swap3A_794 : i32 to index
      %swap3A_796 = arith.index_cast %mul3A_438 : i32 to index
      %swap3A_797 = tpu.vector_load %arg9[%swap3A_795, %swap3A_796] {strides = array<i32>} : memref<32x1024xf32, #tpu.memory_space<vmem>>, vector<1x16xf32>,
      %swap3A_798 = vector.shape_cast %swap3A_797 : vector<1x16xf32> to vector<16xf32>
      %swap3A_799 = vector.shape_cast %add3A_793 : vector<16xf32> to vector<1x16xf32>
      tpu.vector_store %arg9[%swap3A_795, %swap3A_796], %swap3A_799 {strides = array<i32>} : memref<32x1024xf32, #tpu.memory_space<vmem>>, vector<1x16xf32>,
      %get3A_800 = arith.constant 30 : i32
      %get3A_801 = arith.index_cast %get3A_800 : i32 to index
      %get3A_802 = arith.index_cast %mul3A_438 : i32 to index
      %get3A_803 = tpu.vector_load %arg9[%get3A_801, %get3A_802] {strides = array<i32>} : memref<32x1024xf32, #tpu.memory_space<vmem>>, vector<1x16xf32>,
      %get3A_804 = vector.shape_cast %get3A_803 : vector<1x16xf32> to vector<16xf32>
      %add3A_805 = arith.addf %get3A_804, %get3A_440 : vector<16xf32>
      %swap3A_806 = arith.constant 30 : i32
      %swap3A_807 = arith.index_cast %swap3A_806 : i32 to index
      %swap3A_808 = arith.index_cast %mul3A_438 : i32 to index
      %swap3A_809 = tpu.vector_load %arg9[%swap3A_807, %swap3A_808] {strides = array<i32>} : memref<32x1024xf32, #tpu.memory_space<vmem>>, vector<1x16xf32>,
      %swap3A_810 = vector.shape_cast %swap3A_809 : vector<1x16xf32> to vector<16xf32>
      %swap3A_811 = vector.shape_cast %add3A_805 : vector<16xf32> to vector<1x16xf32>
      tpu.vector_store %arg9[%swap3A_807, %swap3A_808], %swap3A_811 {strides = array<i32>} : memref<32x1024xf32, #tpu.memory_space<vmem>>, vector<1x16xf32>,
      %get3A_812 = arith.constant 31 : i32
      %get3A_813 = arith.index_cast %get3A_812 : i32 to index
      %get3A_814 = arith.index_cast %mul3A_438 : i32 to index
      %get3A_815 = tpu.vector_load %arg9[%get3A_813, %get3A_814] {strides = array<i32>} : memref<32x1024xf32, #tpu.memory_space<vmem>>, vector<1x16xf32>,
      %get3A_816 = vector.shape_cast %get3A_815 : vector<1x16xf32> to vector<16xf32>
      %add3A_817 = arith.addf %get3A_816, %get3A_440 : vector<16xf32>
      %swap3A_818 = arith.constant 31 : i32
      %swap3A_819 = arith.index_cast %swap3A_818 : i32 to index
      %swap3A_820 = arith.index_cast %mul3A_438 : i32 to index
      %swap3A_821 = tpu.vector_load %arg9[%swap3A_819, %swap3A_820] {strides = array<i32>} : memref<32x1024xf32, #tpu.memory_space<vmem>>, vector<1x16xf32>,
      %swap3A_822 = vector.shape_cast %swap3A_821 : vector<1x16xf32> to vector<16xf32>
      %swap3A_823 = vector.shape_cast %add3A_817 : vector<16xf32> to vector<1x16xf32>
      tpu.vector_store %arg9[%swap3A_819, %swap3A_820], %swap3A_823 {strides = array<i32>} : memref<32x1024xf32, #tpu.memory_space<vmem>>, vector<1x16xf32>,
    }
    %scan3A_202 = arith.constant 64 : i32
    %iota3A_203 = tpu.iota {dimensions = array<i32: 0>} : vector<16xi32>
    %jit3A_204 = arith.constant 307 : i32
    %jit3A_205 = arith.constant 4 : i32
    %eq3A_206 = arith.constant 0 : i32
    %eq3A_207 = arith.cmpi eq, %jit3A_205, %eq3A_206 : i32
    %jit3A_208 = arith.constant 1 : i32
    %select_n3A_209 = arith.select %eq3A_207, %jit3A_208, %jit3A_205 : i32
    %rem3A_210 = arith.remsi %jit3A_204, %select_n3A_209 : i32
    %ne3A_211 = arith.constant 0 : i32
    %ne3A_212 = arith.cmpi ne, %rem3A_210, %ne3A_211 : i32
    %lt3A_213 = arith.constant 0 : i32
    %lt3A_214 = arith.cmpi slt, %rem3A_210, %lt3A_213 : i32
    %lt3A_215 = arith.constant 0 : i32
    %lt3A_216 = arith.cmpi slt, %select_n3A_209, %lt3A_215 : i32
    %ne3A_217 = arith.xori %lt3A_214, %lt3A_216 : i1
    %and3A_218 = arith.andi %ne3A_217, %ne3A_212 : i1
    %add3A_219 = arith.addi %rem3A_210, %select_n3A_209 : i32
    %select_n3A_220 = arith.select %and3A_218, %add3A_219, %rem3A_210 : i32
    %mul3A_221 = arith.constant 32 : i32
    %mul3A_222 = arith.muli %select_n3A_220, %mul3A_221 : i32
    %add3A_223 = arith.constant 0 : i32
    %add3A_224 = arith.addi %mul3A_222, %add3A_223 : i32
    %add3A_225 = vector.broadcast %add3A_224 : i32 to vector<16xi32>
    %add3A_226 = arith.addi %iota3A_203, %add3A_225 : vector<16xi32>
    %mul3A_227 = arith.constant 77 : i32
    %mul3A_228 = vector.broadcast %mul3A_227 : i32 to vector<16xi32>
    %mul3A_229 = arith.muli %add3A_226, %mul3A_228 : vector<16xi32>
    %jit3A_230 = arith.constant 307 : i32
    %jit3A_231 = arith.constant 4 : i32
    %div3A_232 = arith.divsi %jit3A_230, %jit3A_231 : i32
    %sign3A_233 = arith.constant 0 : i32
    %sign3A_234 = arith.cmpi sgt, %jit3A_230, %sign3A_233 : i32
    %sign3A_235 = arith.extui %sign3A_234 : i1 to i32
    %sign3A_236 = arith.constant 0 : i32
    %sign3A_237 = arith.cmpi slt, %jit3A_230, %sign3A_236 : i32
    %sign3A_238 = arith.extui %sign3A_237 : i1 to i32
    %sign3A_239 = arith.subi %sign3A_235, %sign3A_238 : i32
    %sign3A_240 = arith.constant 0 : i32
    %sign3A_241 = arith.cmpi sgt, %jit3A_231, %sign3A_240 : i32
    %sign3A_242 = arith.extui %sign3A_241 : i1 to i32
    %sign3A_243 = arith.constant 0 : i32
    %sign3A_244 = arith.cmpi slt, %jit3A_231, %sign3A_243 : i32
    %sign3A_245 = arith.extui %sign3A_244 : i1 to i32
    %sign3A_246 = arith.subi %sign3A_242, %sign3A_245 : i32
    %ne3A_247 = arith.cmpi ne, %sign3A_239, %sign3A_246 : i32
    %rem3A_248 = arith.remsi %jit3A_230, %jit3A_231 : i32
    %ne3A_249 = arith.constant 0 : i32
    %ne3A_250 = arith.cmpi ne, %rem3A_248, %ne3A_249 : i32
    %and3A_251 = arith.andi %ne3A_247, %ne3A_250 : i1
    %sub3A_252 = arith.constant 1 : i32
    %sub3A_253 = arith.subi %div3A_232, %sub3A_252 : i32
    %select_n3A_254 = arith.select %and3A_251, %sub3A_253, %div3A_232 : i32
    %add3A_255 = arith.addi %mul3A_2, %select_n3A_254 : i32
    %add3A_256 = vector.broadcast %add3A_255 : i32 to vector<16xi32>
    %add3A_257 = arith.addi %mul3A_229, %add3A_256 : vector<16xi32>
    %dma_start3A_258 = arith.constant 0 : i32
    %dma_start3A_259 = arith.constant 0 : i32
    %dma_start3A_260 = tpu.memref_slice %arg9[%dma_start3A_258, %dma_start3A_259] : memref<32x1024xf32, #tpu.memory_space<vmem>> -> memref<16x1024xf32, #tpu.memory_space<vmem>>
    %dma_start3A_261 = arith.constant 0 : i32
    %dma_start3A_262 = arith.constant 0 : i32
    %dma_start3A_263 = tpu.memref_slice %arg5[%dma_start3A_261, %dma_start3A_262] : memref<315392x1024xf32, #tpu.memory_space<hbm>> -> memref<315392x1024xf32, #tpu.memory_space<hbm>>
    tpu.enqueue_indirect_dma source(%dma_start3A_260 : memref<16x1024xf32, #tpu.memory_space<vmem>>) target(%dma_start3A_263 : memref<315392x1024xf32, #tpu.memory_space<hbm>>) offsets(%add3A_257 : vector<16xi32>) semaphore(%arg15 : memref<!tpu.dma_semaphore, #tpu.memory_space<semaphore_mem>>)
    %iota3A_264 = tpu.iota {dimensions = array<i32: 0>} : vector<16xi32>
    %jit3A_265 = arith.constant 307 : i32
    %jit3A_266 = arith.constant 4 : i32
    %eq3A_267 = arith.constant 0 : i32
    %eq3A_268 = arith.cmpi eq, %jit3A_266, %eq3A_267 : i32
    %jit3A_269 = arith.constant 1 : i32
    %select_n3A_270 = arith.select %eq3A_268, %jit3A_269, %jit3A_266 : i32
    %rem3A_271 = arith.remsi %jit3A_265, %select_n3A_270 : i32
    %ne3A_272 = arith.constant 0 : i32
    %ne3A_273 = arith.cmpi ne, %rem3A_271, %ne3A_272 : i32
    %lt3A_274 = arith.constant 0 : i32
    %lt3A_275 = arith.cmpi slt, %rem3A_271, %lt3A_274 : i32
    %lt3A_276 = arith.constant 0 : i32
    %lt3A_277 = arith.cmpi slt, %select_n3A_270, %lt3A_276 : i32
    %ne3A_278 = arith.xori %lt3A_275, %lt3A_277 : i1
    %and3A_279 = arith.andi %ne3A_278, %ne3A_273 : i1
    %add3A_280 = arith.addi %rem3A_271, %select_n3A_270 : i32
    %select_n3A_281 = arith.select %and3A_279, %add3A_280, %rem3A_271 : i32
    %mul3A_282 = arith.constant 32 : i32
    %mul3A_283 = arith.muli %select_n3A_281, %mul3A_282 : i32
    %add3A_284 = arith.constant 16 : i32
    %add3A_285 = arith.addi %mul3A_283, %add3A_284 : i32
    %add3A_286 = vector.broadcast %add3A_285 : i32 to vector<16xi32>
    %add3A_287 = arith.addi %iota3A_264, %add3A_286 : vector<16xi32>
    %mul3A_288 = arith.constant 77 : i32
    %mul3A_289 = vector.broadcast %mul3A_288 : i32 to vector<16xi32>
    %mul3A_290 = arith.muli %add3A_287, %mul3A_289 : vector<16xi32>
    %jit3A_291 = arith.constant 307 : i32
    %jit3A_292 = arith.constant 4 : i32
    %div3A_293 = arith.divsi %jit3A_291, %jit3A_292 : i32
    %sign3A_294 = arith.constant 0 : i32
    %sign3A_295 = arith.cmpi sgt, %jit3A_291, %sign3A_294 : i32
    %sign3A_296 = arith.extui %sign3A_295 : i1 to i32
    %sign3A_297 = arith.constant 0 : i32
    %sign3A_298 = arith.cmpi slt, %jit3A_291, %sign3A_297 : i32
    %sign3A_299 = arith.extui %sign3A_298 : i1 to i32
    %sign3A_300 = arith.subi %sign3A_296, %sign3A_299 : i32
    %sign3A_301 = arith.constant 0 : i32
    %sign3A_302 = arith.cmpi sgt, %jit3A_292, %sign3A_301 : i32
    %sign3A_303 = arith.extui %sign3A_302 : i1 to i32
    %sign3A_304 = arith.constant 0 : i32
    %sign3A_305 = arith.cmpi slt, %jit3A_292, %sign3A_304 : i32
    %sign3A_306 = arith.extui %sign3A_305 : i1 to i32
    %sign3A_307 = arith.subi %sign3A_303, %sign3A_306 : i32
    %ne3A_308 = arith.cmpi ne, %sign3A_300, %sign3A_307 : i32
    %rem3A_309 = arith.remsi %jit3A_291, %jit3A_292 : i32
    %ne3A_310 = arith.constant 0 : i32
    %ne3A_311 = arith.cmpi ne, %rem3A_309, %ne3A_310 : i32
    %and3A_312 = arith.andi %ne3A_308, %ne3A_311 : i1
    %sub3A_313 = arith.constant 1 : i32
    %sub3A_314 = arith.subi %div3A_293, %sub3A_313 : i32
    %select_n3A_315 = arith.select %and3A_312, %sub3A_314, %div3A_293 : i32
    %add3A_316 = arith.addi %mul3A_2, %select_n3A_315 : i32
    %add3A_317 = vector.broadcast %add3A_316 : i32 to vector<16xi32>
    %add3A_318 = arith.addi %mul3A_290, %add3A_317 : vector<16xi32>
    %dma_start3A_319 = arith.constant 16 : i32
    %dma_start3A_320 = arith.constant 0 : i32
    %dma_start3A_321 = tpu.memref_slice %arg9[%dma_start3A_319, %dma_start3A_320] : memref<32x1024xf32, #tpu.memory_space<vmem>> -> memref<16x1024xf32, #tpu.memory_space<vmem>>
    %dma_start3A_322 = arith.constant 0 : i32
    %dma_start3A_323 = arith.constant 0 : i32
    %dma_start3A_324 = tpu.memref_slice %arg5[%dma_start3A_322, %dma_start3A_323] : memref<315392x1024xf32, #tpu.memory_space<hbm>> -> memref<315392x1024xf32, #tpu.memory_space<hbm>>
    tpu.enqueue_indirect_dma source(%dma_start3A_321 : memref<16x1024xf32, #tpu.memory_space<vmem>>) target(%dma_start3A_324 : memref<315392x1024xf32, #tpu.memory_space<hbm>>) offsets(%add3A_318 : vector<16xi32>) semaphore(%arg15 : memref<!tpu.dma_semaphore, #tpu.memory_space<semaphore_mem>>)
    %add3A_325 = arith.constant 307 : i32
    %add3A_326 = arith.constant 2 : i32
    %add3A_327 = arith.addi %add3A_325, %add3A_326 : i32
    %lt3A_328 = arith.constant 308 : i32
    %lt3A_329 = arith.cmpi slt, %add3A_327, %lt3A_328 : i32
    %convert_element_type3A_330 = arith.extui %lt3A_329 : i1 to i32
    %cond3A_331 = arith.constant 307 : i32
    %cond3A_332 = arith.constant 0 : i32
    %cond3A_333 = arith.cmpi ne, %convert_element_type3A_330, %cond3A_332 : i32
    scf.if %cond3A_333 {
      %ge3A = arith.constant 1 : i32
      %ge3A_436 = arith.cmpi sge, %cond3A_331, %ge3A : i32
      %convert_element_type3A_437 = arith.extui %ge3A_436 : i1 to i32
      %cond3A_438 = arith.constant 0 : i32
      %cond3A_439 = arith.cmpi ne, %convert_element_type3A_437, %cond3A_438 : i32
      scf.if %cond3A_439 {
        %add3A_448 = arith.constant 2 : i32
        %add3A_449 = arith.addi %cond3A_331, %add3A_448 : i32
        %sub3A_450 = arith.constant 3 : i32
        %sub3A_451 = arith.subi %add3A_449, %sub3A_450 : i32
        %iota3A_452 = tpu.iota {dimensions = array<i32: 0>} : vector<16xi32>
        %jit3A_453 = arith.constant 4 : i32
        %eq3A_454 = arith.constant 0 : i32
        %eq3A_455 = arith.cmpi eq, %jit3A_453, %eq3A_454 : i32
        %jit3A_456 = arith.constant 1 : i32
        %select_n3A_457 = arith.select %eq3A_455, %jit3A_456, %jit3A_453 : i32
        %rem3A_458 = arith.remsi %sub3A_451, %select_n3A_457 : i32
        %ne3A_459 = arith.constant 0 : i32
        %ne3A_460 = arith.cmpi ne, %rem3A_458, %ne3A_459 : i32
        %lt3A_461 = arith.constant 0 : i32
        %lt3A_462 = arith.cmpi slt, %rem3A_458, %lt3A_461 : i32
        %lt3A_463 = arith.constant 0 : i32
        %lt3A_464 = arith.cmpi slt, %select_n3A_457, %lt3A_463 : i32
        %ne3A_465 = arith.xori %lt3A_462, %lt3A_464 : i1
        %and3A_466 = arith.andi %ne3A_465, %ne3A_460 : i1
        %add3A_467 = arith.addi %rem3A_458, %select_n3A_457 : i32
        %select_n3A_468 = arith.select %and3A_466, %add3A_467, %rem3A_458 : i32
        %mul3A_469 = arith.constant 32 : i32
        %mul3A_470 = arith.muli %select_n3A_468, %mul3A_469 : i32
        %add3A_471 = arith.constant 0 : i32
        %add3A_472 = arith.addi %mul3A_470, %add3A_471 : i32
        %add3A_473 = vector.broadcast %add3A_472 : i32 to vector<16xi32>
        %add3A_474 = arith.addi %iota3A_452, %add3A_473 : vector<16xi32>
        %mul3A_475 = arith.constant 77 : i32
        %mul3A_476 = vector.broadcast %mul3A_475 : i32 to vector<16xi32>
        %mul3A_477 = arith.muli %add3A_474, %mul3A_476 : vector<16xi32>
        %jit3A_478 = arith.constant 4 : i32
        %div3A_479 = arith.divsi %sub3A_451, %jit3A_478 : i32
        %sign3A_480 = arith.constant 0 : i32
        %sign3A_481 = arith.cmpi sgt, %sub3A_451, %sign3A_480 : i32
        %sign3A_482 = arith.extui %sign3A_481 : i1 to i32
        %sign3A_483 = arith.constant 0 : i32
        %sign3A_484 = arith.cmpi slt, %sub3A_451, %sign3A_483 : i32
        %sign3A_485 = arith.extui %sign3A_484 : i1 to i32
        %sign3A_486 = arith.subi %sign3A_482, %sign3A_485 : i32
        %sign3A_487 = arith.constant 0 : i32
        %sign3A_488 = arith.cmpi sgt, %jit3A_478, %sign3A_487 : i32
        %sign3A_489 = arith.extui %sign3A_488 : i1 to i32
        %sign3A_490 = arith.constant 0 : i32
        %sign3A_491 = arith.cmpi slt, %jit3A_478, %sign3A_490 : i32
        %sign3A_492 = arith.extui %sign3A_491 : i1 to i32
        %sign3A_493 = arith.subi %sign3A_489, %sign3A_492 : i32
        %ne3A_494 = arith.cmpi ne, %sign3A_486, %sign3A_493 : i32
        %rem3A_495 = arith.remsi %sub3A_451, %jit3A_478 : i32
        %ne3A_496 = arith.constant 0 : i32
        %ne3A_497 = arith.cmpi ne, %rem3A_495, %ne3A_496 : i32
        %and3A_498 = arith.andi %ne3A_494, %ne3A_497 : i1
        %sub3A_499 = arith.constant 1 : i32
        %sub3A_500 = arith.subi %div3A_479, %sub3A_499 : i32
        %select_n3A_501 = arith.select %and3A_498, %sub3A_500, %div3A_479 : i32
        %add3A_502 = arith.addi %mul3A_2, %select_n3A_501 : i32
        %add3A_503 = vector.broadcast %add3A_502 : i32 to vector<16xi32>
        %add3A_504 = arith.addi %mul3A_477, %add3A_503 : vector<16xi32>
        %dma_wait3A_505 = arith.constant 0 : i32
        %dma_wait3A_506 = arith.constant 0 : i32
        %dma_wait3A_507 = tpu.memref_slice %arg8[%dma_wait3A_505, %dma_wait3A_506] : memref<32x1024xf32, #tpu.memory_space<vmem>> -> memref<16x1024xf32, #tpu.memory_space<vmem>>
        %dma_wait3A_508 = arith.constant 0 : i32
        %dma_wait3A_509 = arith.constant 0 : i32
        %dma_wait3A_510 = tpu.memref_slice %arg5[%dma_wait3A_508, %dma_wait3A_509] : memref<315392x1024xf32, #tpu.memory_space<hbm>> -> memref<315392x1024xf32, #tpu.memory_space<hbm>>
        tpu.wait_indirect_dma semaphore(%arg14 : memref<!tpu.dma_semaphore, #tpu.memory_space<semaphore_mem>>) src(%dma_wait3A_507 : memref<16x1024xf32, #tpu.memory_space<vmem>>) dst(%dma_wait3A_510 : memref<315392x1024xf32, #tpu.memory_space<hbm>>)
        %iota3A_511 = tpu.iota {dimensions = array<i32: 0>} : vector<16xi32>
        %jit3A_512 = arith.constant 4 : i32
        %eq3A_513 = arith.constant 0 : i32
        %eq3A_514 = arith.cmpi eq, %jit3A_512, %eq3A_513 : i32
        %jit3A_515 = arith.constant 1 : i32
        %select_n3A_516 = arith.select %eq3A_514, %jit3A_515, %jit3A_512 : i32
        %rem3A_517 = arith.remsi %sub3A_451, %select_n3A_516 : i32
        %ne3A_518 = arith.constant 0 : i32
        %ne3A_519 = arith.cmpi ne, %rem3A_517, %ne3A_518 : i32
        %lt3A_520 = arith.constant 0 : i32
        %lt3A_521 = arith.cmpi slt, %rem3A_517, %lt3A_520 : i32
        %lt3A_522 = arith.constant 0 : i32
        %lt3A_523 = arith.cmpi slt, %select_n3A_516, %lt3A_522 : i32
        %ne3A_524 = arith.xori %lt3A_521, %lt3A_523 : i1
        %and3A_525 = arith.andi %ne3A_524, %ne3A_519 : i1
        %add3A_526 = arith.addi %rem3A_517, %select_n3A_516 : i32
        %select_n3A_527 = arith.select %and3A_525, %add3A_526, %rem3A_517 : i32
        %mul3A_528 = arith.constant 32 : i32
        %mul3A_529 = arith.muli %select_n3A_527, %mul3A_528 : i32
        %add3A_530 = arith.constant 16 : i32
        %add3A_531 = arith.addi %mul3A_529, %add3A_530 : i32
        %add3A_532 = vector.broadcast %add3A_531 : i32 to vector<16xi32>
        %add3A_533 = arith.addi %iota3A_511, %add3A_532 : vector<16xi32>
        %mul3A_534 = arith.constant 77 : i32
        %mul3A_535 = vector.broadcast %mul3A_534 : i32 to vector<16xi32>
        %mul3A_536 = arith.muli %add3A_533, %mul3A_535 : vector<16xi32>
        %jit3A_537 = arith.constant 4 : i32
        %div3A_538 = arith.divsi %sub3A_451, %jit3A_537 : i32
        %sign3A_539 = arith.constant 0 : i32
        %sign3A_540 = arith.cmpi sgt, %sub3A_451, %sign3A_539 : i32
        %sign3A_541 = arith.extui %sign3A_540 : i1 to i32
        %sign3A_542 = arith.constant 0 : i32
        %sign3A_543 = arith.cmpi slt, %sub3A_451, %sign3A_542 : i32
        %sign3A_544 = arith.extui %sign3A_543 : i1 to i32
        %sign3A_545 = arith.subi %sign3A_541, %sign3A_544 : i32
        %sign3A_546 = arith.constant 0 : i32
        %sign3A_547 = arith.cmpi sgt, %jit3A_537, %sign3A_546 : i32
        %sign3A_548 = arith.extui %sign3A_547 : i1 to i32
        %sign3A_549 = arith.constant 0 : i32
        %sign3A_550 = arith.cmpi slt, %jit3A_537, %sign3A_549 : i32
        %sign3A_551 = arith.extui %sign3A_550 : i1 to i32
        %sign3A_552 = arith.subi %sign3A_548, %sign3A_551 : i32
        %ne3A_553 = arith.cmpi ne, %sign3A_545, %sign3A_552 : i32
        %rem3A_554 = arith.remsi %sub3A_451, %jit3A_537 : i32
        %ne3A_555 = arith.constant 0 : i32
        %ne3A_556 = arith.cmpi ne, %rem3A_554, %ne3A_555 : i32
        %and3A_557 = arith.andi %ne3A_553, %ne3A_556 : i1
        %sub3A_558 = arith.constant 1 : i32
        %sub3A_559 = arith.subi %div3A_538, %sub3A_558 : i32
        %select_n3A_560 = arith.select %and3A_557, %sub3A_559, %div3A_538 : i32
        %add3A_561 = arith.addi %mul3A_2, %select_n3A_560 : i32
        %add3A_562 = vector.broadcast %add3A_561 : i32 to vector<16xi32>
        %add3A_563 = arith.addi %mul3A_536, %add3A_562 : vector<16xi32>
        %dma_wait3A_564 = arith.constant 16 : i32
        %dma_wait3A_565 = arith.constant 0 : i32
        %dma_wait3A_566 = tpu.memref_slice %arg8[%dma_wait3A_564, %dma_wait3A_565] : memref<32x1024xf32, #tpu.memory_space<vmem>> -> memref<16x1024xf32, #tpu.memory_space<vmem>>
        %dma_wait3A_567 = arith.constant 0 : i32
        %dma_wait3A_568 = arith.constant 0 : i32
        %dma_wait3A_569 = tpu.memref_slice %arg5[%dma_wait3A_567, %dma_wait3A_568] : memref<315392x1024xf32, #tpu.memory_space<hbm>> -> memref<315392x1024xf32, #tpu.memory_space<hbm>>
        tpu.wait_indirect_dma semaphore(%arg14 : memref<!tpu.dma_semaphore, #tpu.memory_space<semaphore_mem>>) src(%dma_wait3A_566 : memref<16x1024xf32, #tpu.memory_space<vmem>>) dst(%dma_wait3A_569 : memref<315392x1024xf32, #tpu.memory_space<hbm>>)
      } else {
      }
      %add3A_440 = arith.constant 2 : i32
      %add3A_441 = arith.addi %cond3A_331, %add3A_440 : i32
      %mul3A_442 = arith.constant 32 : i32
      %mul3A_443 = arith.muli %add3A_441, %mul3A_442 : i32
      %dma_start3A_444 = tpu.memref_slice %arg6[%mul3A_443] : memref<9856xi32, #tpu.memory_space<vmem>> -> memref<32xi32, #tpu.memory_space<vmem>>
      %dma_start3A_445 = arith.constant 0 : i32
      %dma_start3A_446 = arith.constant 0 : i32
      %dma_start3A_447 = tpu.memref_slice %arg3[%dma_start3A_445, %dma_start3A_446] : memref<49408x1024xf32, #tpu.memory_space<hbm>> -> memref<49408x1024xf32, #tpu.memory_space<hbm>>
      tpu.enqueue_indirect_dma source(%dma_start3A_447 : memref<49408x1024xf32, #tpu.memory_space<hbm>>) target(%arg8 : memref<32x1024xf32, #tpu.memory_space<vmem>>) offsets(%dma_start3A_444 : memref<32xi32, #tpu.memory_space<vmem>>) semaphore(%arg11 : memref<!tpu.dma_semaphore, #tpu.memory_space<semaphore_mem>>)
    } else {
    }
    %iota3A_334 = tpu.iota {dimensions = array<i32: 0>} : vector<16xi32>
    %add3A_335 = arith.constant 32 : i32
    %add3A_336 = vector.broadcast %add3A_335 : i32 to vector<16xi32>
    %add3A_337 = arith.addi %iota3A_334, %add3A_336 : vector<16xi32>
    %mul3A_338 = arith.constant 77 : i32
    %mul3A_339 = vector.broadcast %mul3A_338 : i32 to vector<16xi32>
    %mul3A_340 = arith.muli %add3A_337, %mul3A_339 : vector<16xi32>
    %add3A_341 = arith.constant 76 : i32
    %add3A_342 = arith.addi %mul3A_2, %add3A_341 : i32
    %add3A_343 = vector.broadcast %add3A_342 : i32 to vector<16xi32>
    %add3A_344 = arith.addi %mul3A_340, %add3A_343 : vector<16xi32>
    %dma_wait3A_345 = arith.constant 0 : i32
    %dma_wait3A_346 = arith.constant 0 : i32
    %dma_wait3A_347 = tpu.memref_slice %arg10[%dma_wait3A_345, %dma_wait3A_346] : memref<32x1024xf32, #tpu.memory_space<vmem>> -> memref<16x1024xf32, #tpu.memory_space<vmem>>
    %dma_wait3A_348 = arith.constant 0 : i32
    %dma_wait3A_349 = arith.constant 0 : i32
    %dma_wait3A_350 = tpu.memref_slice %arg5[%dma_wait3A_348, %dma_wait3A_349] : memref<315392x1024xf32, #tpu.memory_space<hbm>> -> memref<315392x1024xf32, #tpu.memory_space<hbm>>
    tpu.wait_indirect_dma semaphore(%arg16 : memref<!tpu.dma_semaphore, #tpu.memory_space<semaphore_mem>>) src(%dma_wait3A_347 : memref<16x1024xf32, #tpu.memory_space<vmem>>) dst(%dma_wait3A_350 : memref<315392x1024xf32, #tpu.memory_space<hbm>>)
    %iota3A_351 = tpu.iota {dimensions = array<i32: 0>} : vector<16xi32>
    %add3A_352 = arith.constant 48 : i32
    %add3A_353 = vector.broadcast %add3A_352 : i32 to vector<16xi32>
    %add3A_354 = arith.addi %iota3A_351, %add3A_353 : vector<16xi32>
    %mul3A_355 = arith.constant 77 : i32
    %mul3A_356 = vector.broadcast %mul3A_355 : i32 to vector<16xi32>
    %mul3A_357 = arith.muli %add3A_354, %mul3A_356 : vector<16xi32>
    %add3A_358 = arith.constant 76 : i32
    %add3A_359 = arith.addi %mul3A_2, %add3A_358 : i32
    %add3A_360 = vector.broadcast %add3A_359 : i32 to vector<16xi32>
    %add3A_361 = arith.addi %mul3A_357, %add3A_360 : vector<16xi32>
    %dma_wait3A_362 = arith.constant 16 : i32
    %dma_wait3A_363 = arith.constant 0 : i32
    %dma_wait3A_364 = tpu.memref_slice %arg10[%dma_wait3A_362, %dma_wait3A_363] : memref<32x1024xf32, #tpu.memory_space<vmem>> -> memref<16x1024xf32, #tpu.memory_space<vmem>>
    %dma_wait3A_365 = arith.constant 0 : i32
    %dma_wait3A_366 = arith.constant 0 : i32
    %dma_wait3A_367 = tpu.memref_slice %arg5[%dma_wait3A_365, %dma_wait3A_366] : memref<315392x1024xf32, #tpu.memory_space<hbm>> -> memref<315392x1024xf32, #tpu.memory_space<hbm>>
    tpu.wait_indirect_dma semaphore(%arg16 : memref<!tpu.dma_semaphore, #tpu.memory_space<semaphore_mem>>) src(%dma_wait3A_364 : memref<16x1024xf32, #tpu.memory_space<vmem>>) dst(%dma_wait3A_367 : memref<315392x1024xf32, #tpu.memory_space<hbm>>)
    %iota3A_368 = tpu.iota {dimensions = array<i32: 0>} : vector<16xi32>
    %add3A_369 = arith.constant 64 : i32
    %add3A_370 = vector.broadcast %add3A_369 : i32 to vector<16xi32>
    %add3A_371 = arith.addi %iota3A_368, %add3A_370 : vector<16xi32>
    %mul3A_372 = arith.constant 77 : i32
    %mul3A_373 = vector.broadcast %mul3A_372 : i32 to vector<16xi32>
    %mul3A_374 = arith.muli %add3A_371, %mul3A_373 : vector<16xi32>
    %add3A_375 = arith.constant 76 : i32
    %add3A_376 = arith.addi %mul3A_2, %add3A_375 : i32
    %add3A_377 = vector.broadcast %add3A_376 : i32 to vector<16xi32>
    %add3A_378 = arith.addi %mul3A_374, %add3A_377 : vector<16xi32>
    %dma_wait3A_379 = arith.constant 0 : i32
    %dma_wait3A_380 = arith.constant 0 : i32
    %dma_wait3A_381 = tpu.memref_slice %arg8[%dma_wait3A_379, %dma_wait3A_380] : memref<32x1024xf32, #tpu.memory_space<vmem>> -> memref<16x1024xf32, #tpu.memory_space<vmem>>
    %dma_wait3A_382 = arith.constant 0 : i32
    %dma_wait3A_383 = arith.constant 0 : i32
    %dma_wait3A_384 = tpu.memref_slice %arg5[%dma_wait3A_382, %dma_wait3A_383] : memref<315392x1024xf32, #tpu.memory_space<hbm>> -> memref<315392x1024xf32, #tpu.memory_space<hbm>>
    tpu.wait_indirect_dma semaphore(%arg14 : memref<!tpu.dma_semaphore, #tpu.memory_space<semaphore_mem>>) src(%dma_wait3A_381 : memref<16x1024xf32, #tpu.memory_space<vmem>>) dst(%dma_wait3A_384 : memref<315392x1024xf32, #tpu.memory_space<hbm>>)
    %iota3A_385 = tpu.iota {dimensions = array<i32: 0>} : vector<16xi32>
    %add3A_386 = arith.constant 80 : i32
    %add3A_387 = vector.broadcast %add3A_386 : i32 to vector<16xi32>
    %add3A_388 = arith.addi %iota3A_385, %add3A_387 : vector<16xi32>
    %mul3A_389 = arith.constant 77 : i32
    %mul3A_390 = vector.broadcast %mul3A_389 : i32 to vector<16xi32>
    %mul3A_391 = arith.muli %add3A_388, %mul3A_390 : vector<16xi32>
    %add3A_392 = arith.constant 76 : i32
    %add3A_393 = arith.addi %mul3A_2, %add3A_392 : i32
    %add3A_394 = vector.broadcast %add3A_393 : i32 to vector<16xi32>
    %add3A_395 = arith.addi %mul3A_391, %add3A_394 : vector<16xi32>
    %dma_wait3A_396 = arith.constant 16 : i32
    %dma_wait3A_397 = arith.constant 0 : i32
    %dma_wait3A_398 = tpu.memref_slice %arg8[%dma_wait3A_396, %dma_wait3A_397] : memref<32x1024xf32, #tpu.memory_space<vmem>> -> memref<16x1024xf32, #tpu.memory_space<vmem>>
    %dma_wait3A_399 = arith.constant 0 : i32
    %dma_wait3A_400 = arith.constant 0 : i32
    %dma_wait3A_401 = tpu.memref_slice %arg5[%dma_wait3A_399, %dma_wait3A_400] : memref<315392x1024xf32, #tpu.memory_space<hbm>> -> memref<315392x1024xf32, #tpu.memory_space<hbm>>
    tpu.wait_indirect_dma semaphore(%arg14 : memref<!tpu.dma_semaphore, #tpu.memory_space<semaphore_mem>>) src(%dma_wait3A_398 : memref<16x1024xf32, #tpu.memory_space<vmem>>) dst(%dma_wait3A_401 : memref<315392x1024xf32, #tpu.memory_space<hbm>>)
    %iota3A_402 = tpu.iota {dimensions = array<i32: 0>} : vector<16xi32>
    %add3A_403 = arith.constant 96 : i32
    %add3A_404 = vector.broadcast %add3A_403 : i32 to vector<16xi32>
    %add3A_405 = arith.addi %iota3A_402, %add3A_404 : vector<16xi32>
    %mul3A_406 = arith.constant 77 : i32
    %mul3A_407 = vector.broadcast %mul3A_406 : i32 to vector<16xi32>
    %mul3A_408 = arith.muli %add3A_405, %mul3A_407 : vector<16xi32>
    %add3A_409 = arith.constant 76 : i32
    %add3A_410 = arith.addi %mul3A_2, %add3A_409 : i32
    %add3A_411 = vector.broadcast %add3A_410 : i32 to vector<16xi32>
    %add3A_412 = arith.addi %mul3A_408, %add3A_411 : vector<16xi32>
    %dma_wait3A_413 = arith.constant 0 : i32
    %dma_wait3A_414 = arith.constant 0 : i32
    %dma_wait3A_415 = tpu.memref_slice %arg9[%dma_wait3A_413, %dma_wait3A_414] : memref<32x1024xf32, #tpu.memory_space<vmem>> -> memref<16x1024xf32, #tpu.memory_space<vmem>>
    %dma_wait3A_416 = arith.constant 0 : i32
    %dma_wait3A_417 = arith.constant 0 : i32
    %dma_wait3A_418 = tpu.memref_slice %arg5[%dma_wait3A_416, %dma_wait3A_417] : memref<315392x1024xf32, #tpu.memory_space<hbm>> -> memref<315392x1024xf32, #tpu.memory_space<hbm>>
    tpu.wait_indirect_dma semaphore(%arg15 : memref<!tpu.dma_semaphore, #tpu.memory_space<semaphore_mem>>) src(%dma_wait3A_415 : memref<16x1024xf32, #tpu.memory_space<vmem>>) dst(%dma_wait3A_418 : memref<315392x1024xf32, #tpu.memory_space<hbm>>)
    %iota3A_419 = tpu.iota {dimensions = array<i32: 0>} : vector<16xi32>
    %add3A_420 = arith.constant 112 : i32
    %add3A_421 = vector.broadcast %add3A_420 : i32 to vector<16xi32>
    %add3A_422 = arith.addi %iota3A_419, %add3A_421 : vector<16xi32>
    %mul3A_423 = arith.constant 77 : i32
    %mul3A_424 = vector.broadcast %mul3A_423 : i32 to vector<16xi32>
    %mul3A_425 = arith.muli %add3A_422, %mul3A_424 : vector<16xi32>
    %add3A_426 = arith.constant 76 : i32
    %add3A_427 = arith.addi %mul3A_2, %add3A_426 : i32
    %add3A_428 = vector.broadcast %add3A_427 : i32 to vector<16xi32>
    %add3A_429 = arith.addi %mul3A_425, %add3A_428 : vector<16xi32>
    %dma_wait3A_430 = arith.constant 16 : i32
    %dma_wait3A_431 = arith.constant 0 : i32
    %dma_wait3A_432 = tpu.memref_slice %arg9[%dma_wait3A_430, %dma_wait3A_431] : memref<32x1024xf32, #tpu.memory_space<vmem>> -> memref<16x1024xf32, #tpu.memory_space<vmem>>
    %dma_wait3A_433 = arith.constant 0 : i32
    %dma_wait3A_434 = arith.constant 0 : i32
    %dma_wait3A_435 = tpu.memref_slice %arg5[%dma_wait3A_433, %dma_wait3A_434] : memref<315392x1024xf32, #tpu.memory_space<hbm>> -> memref<315392x1024xf32, #tpu.memory_space<hbm>>
    tpu.wait_indirect_dma semaphore(%arg15 : memref<!tpu.dma_semaphore, #tpu.memory_space<semaphore_mem>>) src(%dma_wait3A_432 : memref<16x1024xf32, #tpu.memory_space<vmem>>) dst(%dma_wait3A_435 : memref<315392x1024xf32, #tpu.memory_space<hbm>>)
    return
  }
}

</mosaic_0001>

<sc_bundles>
// kernel: kernel.3.cloned.1.call-start
scs
__scs_entry_jumppad:
0x0: {  	(pc) =	sbr.rel $0x88, $3  }
0x1: {  	(tag) =	ssettag $0x0;
	lr =	simm.s32 $0x1  }
0x2: {  	[smem:$0x3F9E] =	sst lr;
	_ =	strace $0xD0000000  }
0x3: {  	_ = 	snop  }
0x4: {  	_ = 	snop  }
0x5: {  	_ = 	snop  }
0x6: {  	_ = 	snop  }
0x7: {  	_ = 	snop  }
__scs_overlays_trampoline_lowered:
0x8: {  	[smem:$0x3FAD] =	sst s0  }
0x9: {  	[smem:$0x3FAE] =	sst s1  }
0xa: {  	[smem:$0x3FAF] =	sst s2  }
0xb: {  	[smem:$0x3FB0] =	sst s3  }
0xc: {  	[smem:$0x3FB1] =	sst s4  }
0xd: {  	[smem:$0x3FB2] =	sst s5  }
0xe: {  	[smem:$0x3FB3] =	sst s6  }
0xf: {  	[smem:$0x3FB4] =	sst s7  }
0x10: {  	[smem:$0x3FB5] =	sst s8  }
0x11: {  	[smem:$0x3FB6] =	sst s9;
	s0 =	simm.s32 @!p0 $0x0  }
0x12: {  	s1 =	sld [smem:$0x3F9C];
	s0 =	simm.s32 @p0 $0x1  }
0x13: {  	[smem:$0x3FB7] =	sst s0;
	s0 =	simm.s32 @!p1 $0x0  }
0x14: {  	s2 =	sld [smem:$0x3F9B];
	s0 =	simm.s32 @p1 $0x1  }
0x15: {  	[smem:$0x3FB8] =	sst s0;
	s0 =	simm.s32 @!p2 $0x0  }
0x16: {  	s3 =	sld [smem:$0x3FDB];
	s0 =	simm.s32 @p2 $0x1  }
0x17: {  	s4 =	simm.s32 $0x1BF5;
	[smem:$0x3FBA] =	sst s0  }
0x18: {  	s0 =	sld [smem:$0x3F9D];
	_ =	swait.ge [sflag:s4], $0x0  }
0x19: {  	s7 =	sld [smem:$0x3F9E]  }
0x1a: {  	s8 =	sadd.s32 $0xFFFFE003, lr  }
0x1b: {  	s9 =	sadd.s32 $0xFFFFFEF7, lr;
	s5 =	simm.s32 $0xFFFFFFFF;
	p2 =	slt.u32 s8, $0xFFFFF086  }
0x1c: {  	p1 =	slt.u32 s9, $0xF7A;
	s5 =	simm.s32 @!p2 $0x0  }
0x1d: {  	s5 =	simm.s32 @p1 $0x1;
	p0 =	seq.s32 s7, s2  }
0x1e: {  	s7 =	smul.u32 @!p0 $0xF7A, s2;
	p2 =	seq.s32 @!p0 s5, $0x0  }
0x1f: {  	s9 =	smul.u32 $0xF7A, s1;
	s8 =	simm.s32 @!p0 $0x1BF5;
	p2 =	por !p2, p0  }
0x20: {  	[sflag:s8] =	ssyncset.s32 @!p0 $0xFFFFF086;
	s6 =	sadd.s32 @!p0 s3, s7;
	s7 =	simm.s32 @!p0 $0x108  }
0x21: {  	s3 =	sadd.s32 s3, s9;
	s6 =	sadd.s32 @!p0 $0x88, s6;
	s7 =	simm.s32 @p2 $0x1082  }
0x22: {  	[simem:s7], [sflag:s8] =	dma.local @!p0 [hbm:s6], $0xF7A  }
0x23: {  	s9 =	sor.u32 $0xD0000000, s2;
	s6 =	simm.s32 $0x108;
	_ =	swait.ge @!p0 [sflag:s8], $0x0  }
0x24: {  	s3 =	sadd.s32 $0x88, s3;
	s6 =	simm.s32 @!p1 $0x1082;
	[sflag:s4] =	ssyncset.s32 $0xFFFFF086  }
0x25: {  	[simem:s6], [sflag:s4] =	dma.local [hbm:s3], $0xF7A  }
0x26: {  	[smem:$0x3F9E] =	sst s1;
	(tag) =	ssettag s2;
	_ =	strace s9  }
0x27: {  	s1 =	sld [smem:$0x3FAE]  }
0x28: {  	s2 =	sld [smem:$0x3FAF]  }
0x29: {  	s4 =	sld [smem:$0x3FB1]  }
0x2a: {  	p0 =	seq.s32 s5, $0x0;
	s5 =	sld [smem:$0x3FB2]  }
0x2b: {  	s6 =	sld [smem:$0x3FB3]  }
0x2c: {  	s7 =	sld [smem:$0x3FB4]  }
0x2d: {  	s3 =	simm.s32 $0x108;
	s8 =	sld [smem:$0x3FB5]  }
0x2e: {  	s3 =	simm.s32 @!p0 $0x1082;
	s9 =	sld [smem:$0x3FB6]  }
0x2f: {  	lr =	sadd.s32 s0, s3;
	s0 =	sld [smem:$0x3FAD]  }
0x30: {  	s3 =	sld [smem:$0x3FB0]  }
0x31: {  	[smem:$0x3FB9] =	sst s10  }
0x32: {  	s10 =	sld [smem:$0x3FB7];
	_ =	sdelay $0x3  }
0x33: {  	p0 =	seq.s32 s10, $0x1;
	s10 =	sld [smem:$0x3FB9];
	_ =	sdelay $0x3  }
0x34: {  	[smem:$0x3FB9] =	sst s10  }
0x35: {  	s10 =	sld [smem:$0x3FB8];
	_ =	sdelay $0x3  }
0x36: {  	p1 =	seq.s32 s10, $0x1;
	s10 =	sld [smem:$0x3FB9];
	_ =	sdelay $0x3  }
0x37: {  	[smem:$0x3FB9] =	sst s10  }
0x38: {  	s10 =	sld [smem:$0x3FBA]  }
0x39: {  	_ = 	snop;
	(pc) =	sbr.ind lr, $3  }
0x3a: {  	_ = 	snop  }
0x3b: {  	_ = 	snop  }
0x3c: {  	p2 =	seq.s32 s10, $0x1;
	s10 =	sld [smem:$0x3FB9]  }
0x3d: {  	_ =	shalt  }
0x3e: {  	_ =	shalt  }
0x3f: {  	_ =	shalt  }
0x40: {  	_ =	shalt  }
0x41: {  	_ =	shalt  }
0x42: {  	_ =	shalt  }
0x43: {  	_ =	shalt  }
0x44: {  	_ =	shalt  }
0x45: {  	_ =	shalt  }
0x46: {  	_ =	shalt  }
0x47: {  	_ =	shalt  }
0x48: {  	_ =	shalt  }
0x49: {  	_ =	shalt  }
0x4a: {  	_ =	shalt  }
0x4b: {  	_ =	shalt  }
0x4c: {  	_ =	shalt  }
0x4d: {  	_ =	shalt  }
0x4e: {  	_ =	shalt  }
0x4f: {  	_ =	shalt  }
0x50: {  	_ =	shalt  }
0x51: {  	_ =	shalt  }
0x52: {  	_ =	shalt  }
0x53: {  	_ =	shalt  }
0x54: {  	_ =	shalt  }
0x55: {  	_ =	shalt  }
0x56: {  	_ =	shalt  }
0x57: {  	_ =	shalt  }
0x58: {  	_ =	shalt  }
0x59: {  	_ =	shalt  }
0x5a: {  	_ =	shalt  }
0x5b: {  	_ =	shalt  }
0x5c: {  	_ =	shalt  }
0x5d: {  	_ =	shalt  }
0x5e: {  	_ =	shalt  }
0x5f: {  	_ =	shalt  }
0x60: {  	_ =	shalt  }
0x61: {  	_ =	shalt  }
0x62: {  	_ =	shalt  }
0x63: {  	_ =	shalt  }
0x64: {  	_ =	shalt  }
0x65: {  	_ =	shalt  }
0x66: {  	_ =	shalt  }
0x67: {  	_ =	shalt  }
0x68: {  	_ =	shalt  }
0x69: {  	_ =	shalt  }
0x6a: {  	_ =	shalt  }
0x6b: {  	_ =	shalt  }
0x6c: {  	_ =	shalt  }
0x6d: {  	_ =	shalt  }
0x6e: {  	_ =	shalt  }
0x6f: {  	_ =	shalt  }
0x70: {  	_ =	shalt  }
0x71: {  	_ =	shalt  }
0x72: {  	_ =	shalt  }
0x73: {  	_ =	shalt  }
0x74: {  	_ =	shalt  }
0x75: {  	_ =	shalt  }
0x76: {  	_ =	shalt  }
0x77: {  	_ =	shalt  }
0x78: {  	_ =	shalt  }
0x79: {  	_ =	shalt  }
0x7a: {  	_ =	shalt  }
0x7b: {  	_ =	shalt  }
0x7c: {  	_ =	shalt  }
0x7d: {  	_ =	shalt  }
0x7e: {  	_ =	shalt  }
0x7f: {  	_ =	shalt  }
0x80: {  	_ =	shalt  }
0x81: {  	_ =	shalt  }
0x82: {  	_ =	shalt  }
0x83: {  	_ =	shalt  }
0x84: {  	_ =	shalt  }
0x85: {  	_ =	shalt  }
0x86: {  	_ =	shalt  }
0x87: {  	_ =	shalt  }
.Lfunc_end0:
.L_simem_size_0:
called_computation.1_lowered:
.L_overlay_start_0:
0x88: {  	s2 =	sld [smem:$0x3FD9]  }
0x89: {  	s3 =	sld [smem:$0x3FFE];
	_ =	sdelay $0x1  }
0x8a: {  	s1 =	srdreg.scid  }
0x8b: {  	s0 =	sand.u32 $0x1, s1  }
0x8c: {  	s17 =	sshll.u32 s0, $0xA;
	s2 =	sadd.s32 s3, s2  }
0x8d: {  	s2 =	sadd.s32 s2, s17  }
0x8e: {  	[smem:$0x3FC5] =	sst s2  }
0x8f: {  	_ = 	snop  }
0x90: {  	s2 =	sld [smem:$0x3FC8]  }
0x91: {  	s18 =	sld [smem:$0x3FC7]  }
0x92: {  	s4 =	sld [smem:$0x3FD0];
	(tm) =	ssettm $0x1  }
0x93: {  	s5 =	sld [smem:$0x3FFB];
	_ =	sdelay $0x3  }
0x94: {  	_ =	strace s5  }
0x95: {  	s5 =	sld [smem:$0x3FFC];
	_ =	sdelay $0x3  }
0x96: {  	_ =	strace s5  }
0x97: {  	s5 =	sld [smem:$0x3FFD];
	_ =	sdelay $0x3  }
0x98: {  	_ =	strace s5  }
0x99: {  	_ =	strace $0x8FFFFFFF  }
0x9a: {  	s19 =	sld [smem:$0x3FDB];
	_ =	sdelay $0x1  }
0x9b: {  	s6 =	simm.s32 $_scs_section_size  }
0x9c: {  	s7 =	simm.s32 $_size__tile_overlayer_lowered;
	s8 =	simm.s32 $_tile_overlayer_lowered  }
0x9d: {  	s22 =	simm.s32 $0x1BFF;
	s21 =	sshll.u32 s8, $0x1;
	s5 =	sadd.s32 s6, s19  }
0x9e: {  	s9 =	simm.s32 $0x0;
	s20 =	sshll.u32 s7, $0x1;
	s7 =	sadd.s32 s21, s5  }
0x9f: {  	[timem:s9], [sflag:s22] =	dma.local [hbm:s7], s20  }
0xa0: {  	_ =	swait.ge [sflag:s22], s20  }
0xa1: {  	s6 =	ssub.s32 $0x0, s20;
	[sflag:s22] =	ssyncset.done $0x0  }
0xa2: {  	[sflag:s22] =	ssyncadd.s32 s6;
	_ =	sdelay $0x1  }
0xa3: {  	s23 =	simm.s32 $0x1B8B  }
0xa4: {  	_ =	swait.ge [sflag:s23], $0x1  }
0xa5: {  	[sflag:s23] =	ssyncset.done $0x0  }
0xa6: {  	s25 =	simm.s32 $0x1B8E;
	s24 =	sld [smem:$0x3FFE];
	[sflag:s23] =	ssyncadd.s32 $0xFFFFFFFF  }
0xa7: {  	s26 =	simm.s32 $execute0_lowered;
	[smem:$0x3FD2] =	sst s25  }
0xa8: {  	s7 =	sshll.u32 s26, $0x1;
	_ =	strace $0x80000046;
	[dreg:$0x1] =	wrdreg $0xFFFFFFFF  }
0xa9: {  	s28 =	simm.s32 $_size_execute0_lowered;
	s5 =	sadd.s32 s5, s7;
	[dreg:$0x0] =	wrdreg $0x0  }
0xaa: {  	s7 =	sshll.u32 s28, $0x1;
	[dreg:$0x2] =	wrdreg s5  }
0xab: {  	[dreg:$0x3] =	wrdreg s7  }
0xac: {  	[dreg:$0x4] =	wrdreg $0xC0  }
0xad: {  	_ =	task [dreg:s9], $0x5FFFF  }
0xae: {  	[dreg:$0x1] =	wrdreg $0xFFFFFFFF  }
0xaf: {  	[dreg:$0x0] =	wrdreg $0x60  }
0xb0: {  	[dreg:$0x2] =	wrdreg s24  }
0xb1: {  	[dreg:$0x3] =	wrdreg s2  }
0xb2: {  	[dreg:$0x4] =	wrdreg s18  }
0xb3: {  	[dreg:$0x5] =	wrdreg s4  }
0xb4: {  	[dreg:$0x6] =	wrdreg $0x9  }
0xb5: {  	_ =	task.clear_ibuf [dreg:s9], $0x7FFFF;
	_ =	strace $0x90000046  }
0xb6: {  	s29 =	simm.s32 $0x9;
	_ =	strace $0x80000048  }
0xb7: {  	_ =	swait.ge [sflag:s29], $0x1  }
0xb8: {  	[sflag:s29] =	ssyncadd.s32 $0xFFFFFFFF  }
0xb9: {  	_ =	strace $0x90000048  }
0xba: {  	_ =	sfence  }
0xbb: {  	s30 =	sld [smem:$0x0];
	_ =	sdelay $0x2  }
0xbc: {  	s31 =	sshll.u32 s1, $0xD;
	s1 =	sshrl.u32 s1, $0x2  }
0xbd: {  	s3 =	sand.u32 $0x4000, s31;
	s1 =	sadd.s32 s1, s30  }
0xbe: {  	s0 =	sor.u32 s3, s0;
	s1 =	sshll.u32 s1, $0x11  }
0xbf: {  	s0 =	sor.u32 s1, s0  }
0xc0: {  	s0 =	sadd.s32 $0x8F2B, s0  }
0xc1: {  	[sflag:s0] =	ssyncadd.remote.s32 $0x1  }
0xc2: {  	_ =	sfence.sel $0xFFFF  }
0xc3: {  	[dreg:$0x0] =	wrdreg $0xFFFFFFFF;
	(pc) =	sbr.abs _section_cstart, $3  }
0xc4: {  	[dreg:$0x1] =	wrdreg $0xFFFFFFFF  }
0xc5: {  	_ =	task.clear_ibuf [dreg:s9], $0x2FFFF;
	_ =	strace $0x9FFFFFFF  }
0xc6: {  	(tm) =	ssettm $0x7FFFFFFF  }
0xc7: {  	_ =	shalt  }
tec
execute0_lowered:
.L_overlay_start_1:
0x0: {  	(tag) =	ssettag $0x1  }
0x1: {  	s0 =	rddreg [dreg:$0x0];
	s2 =	srdreg.scid  }
0x2: {  	s5 =	stileid.u32;
	s1 =	rddreg [dreg:$0x1];
	s23 =	simm.s32 $0xAA80  }
0x3: {  	s28 =	simm.s32 $0xB280;
	s24 =	simm.s32 $0xBA80;
	s29 =	simm.s32 $0xC280  }
0x4: {  	s25 =	simm.s32 $0xCA80;
	s2 =	sand.u32 $0x1, s2;
	s4 =	sshll.u32 s5, $0x1  }
0x5: {  	v7 =	vlaneseq.u32;
	s30 =	simm.s32 $0xD280;
	s26 =	simm.s32 $0xDA80;
	s6 =	sor.u32 s2, s4  }
0x6: {  	s31 =	simm.s32 $0xE280;
	v0 =	vmul.u32 $0x4D, v7;
	s17 =	sshll.u32 s6, $0x7;
	s6 =	smul.u32 $0x2680, s6  }
0x7: {  	s20 =	simm.s32 $0xEA80;
	s15 =	simm.s32 $0xF280;
	s21 =	simm.s32 $0xFA80  }
0x8: {  	s22 =	simm.s32 $0x10A80;
	s16 =	simm.s32 $0x5;
	v1 =	vadd.s32 $0x1340, v0;
	v2 =	vadd.s32 $0x1810, v0;
	s19 =	sor.u32 $0x4C, s6  }
0x9: {  	s3 =	simm.s32 $0x0;
	s5 =	sshrl.u32 s5, $0x2;
	s9 =	sadd.s32 $0x200, s1;
	v3 =	vadd.s32 $0x1CE0, v0;
	v4 =	vadd.s32 $0x21B0, v0;
	v1 =	vadd.s32 s19, v1  }
0xa: {  	s4 =	rddreg [dreg:$0x3];
	s7 =	smul.u32 $0x13400, s5;
	s5 =	simm.s32 $0x0;
	v2 =	vadd.s32 s19, v2;
	v3 =	vadd.s32 s19, v3;
	v4 =	vadd.s32 s19, v4  }
0xb: {  	s10 =	sadd.s32 $0x300, s1;
	s2 =	ssub.s32 $0x2, s2;
	[smem:$0x7FF] =	sst s5;
	v5 =	vand.u32 $0x7, v1;
	v1 =	vshll.u32 v1, $0x3;
	v6 =	vshll.u32 v2, $0x3  }
0xc: {  	s18 =	sshrl.u32 s2, $0x1;
	s11 =	sadd.s32 $0x100, s4;
	s8 =	sand.u32 $0x380, s17;
	v2 =	vand.u32 $0x7, v2;
	v1 =	vand.u32 $0xFFFFFFC0, v1;
	v6 =	vand.u32 $0xFFFFFFC0, v6  }
0xd: {  	s12 =	sadd.s32 $0x200, s4;
	s13 =	sadd.s32 $0x300, s4;
	s7 =	sor.u32 s7, s8;
	v1 =	vor.u32 v5, v1;
	v2 =	vor.u32 v2, v6;
	v5 =	vshll.u32 v3, $0x3  }
0xe: {  	_ =	strace $0x80000047;
	s2 =	ssub.s32 s2, s18;
	s7 =	sshrl.u32 s7, $0x3;
	v3 =	vand.u32 $0x7, v3;
	v6 =	vshll.u32 v4, $0x3;
	v5 =	vand.u32 $0xFFFFFFC0, v5  }
0xf: {  	s18 =	simm.s32 $0x4;
	s2 =	smax.u32 s2, $0x1;
	s0 =	sadd.s32 s7, s0;
	v4 =	vand.u32 $0x7, v4;
	v3 =	vor.u32 v3, v5;
	v5 =	vand.u32 $0xFFFFFFC0, v6  }
0x10: {  	vm0 =	vmmov $0xffff;
	s8 =	sadd.s32 $0x100, s1;
	[dreg:$0x6] =	wrdreg s2;
	s0 =	sadd.s32 $0x800, s0;
	v6 =	vshrl.u32 v7, $0x3;
	v4 =	vor.u32 v4, v5  }
0x11: {  	s2 =	simm.s32 $0x10280;
	[dreg:$0x5] =	wrdreg s0;
	s0 =	simm.s32 $0x11280;
	v5 =	vand.u32 $0x7, v7;
	v6 =	vmul.u32 $0x8, v6;
	v7 =	vor.u32 $0x8, v7  }
.LBB2_1:
0x12: {  	s7 =	rddreg [dreg:$0x5];
	s14 =	simm.s32 $0x80;
	s17 =	simm.s32 $0x400  }
0x13: {  	[tilespmem:s5], [sflag:$0x7] =	stream.strided.gather [hbm4b:s7+s14], $0x2680, s17, s14, $0x38;
	[tilespmem:$0x1AA80] =	vst v63  }
0x14: {  	[dreg:$0x7] =	wrdreg s3;
	s7 =	simm.s32 $0x7  }
0x15: {  	_ =	swait.ge [sflag:s7], $0x2680  }
0x16: {  	[sflag:s7] =	ssyncset.done $0x0  }
0x17: {  	[sflag:s7] =	ssyncadd.s32 $0xFFFFD980  }
0x18: {  	s19 =	simm.s32 $0x2680;
	s3 =	rddreg [dreg:$0x2]  }
0x19: {  	[tilespmem:s19], [sflag:$0x7] =	stream.strided.gather [hbm4b:s3+s14], $0x400, s17, s14, $0x38;
	[tilespmem:$0x1AA80] =	vst v63  }
0x1a: {  	_ =	swait.ge [sflag:s7], $0x400  }
0x1b: {  	[sflag:s7] =	ssyncset.done $0x0  }
0x1c: {  	[sflag:s7] =	ssyncadd.s32 $0xFFFFFC00  }
0x1d: {  	v8 =	vld [tilespmem:$0x0];
	_ =	sdelay $0x4  }
0x1e: {  	v9 =	vshll.u32 v8, $0x3  }
0x1f: {  	v8 =	vand.u32 $0x7, v8;
	v9 =	vand.u32 $0xFFFFFFC0, v9  }
0x20: {  	v8 =	vor.u32 v8, v9  }
0x21: {  	v9 =	vperm.xlane v8, v5;
	_ =	sdelay $0x1  }
0x22: {  	v9 =	vadd.s32 v6, v9;
	_ =	sdelay $0x3  }
0x23: {  	s19 =	simm.s32 $0x2A80  }
0x24: {  	[tilespmem:s19], [sflag:$0x1] =	stream.indirect_vreg.gather [hbm4b:s1+s5], $0x80, v9, vm0, $0xb8;
	[tilespmem:$0x1AA80] =	vst v63  }
0x25: {  	s14 =	simm.s32 $0x3280;
	v8 =	vperm.xlane v8, v7  }
0x26: {  	[tilespmem:s14], [sflag:$0x1] =	stream.indirect_vreg.gather [hbm4b:s8+s5], $0x80, v9, vm0, $0xb8;
	[tilespmem:$0x1AA80] =	vst v63  }
0x27: {  	s17 =	simm.s32 $0x3A80;
	v8 =	vadd.s32 v6, v8  }
0x28: {  	[tilespmem:s17], [sflag:$0x1] =	stream.indirect_vreg.gather [hbm4b:s9+s5], $0x80, v9, vm0, $0xb8;
	[tilespmem:$0x1AA80] =	vst v63  }
0x29: {  	s19 =	simm.s32 $0x4280  }
0x2a: {  	[tilespmem:s19], [sflag:$0x1] =	stream.indirect_vreg.gather [hbm4b:s10+s5], $0x80, v9, vm0, $0xb8;
	[tilespmem:$0x1AA80] =	vst v63  }
0x2b: {  	s14 =	simm.s32 $0x4A80  }
0x2c: {  	[tilespmem:s14], [sflag:$0x1] =	stream.indirect_vreg.gather [hbm4b:s1+s5], $0x80, v8, vm0, $0xb8;
	[tilespmem:$0x1AA80] =	vst v63  }
0x2d: {  	s17 =	simm.s32 $0x5280  }
0x2e: {  	[tilespmem:s17], [sflag:$0x1] =	stream.indirect_vreg.gather [hbm4b:s8+s5], $0x80, v8, vm0, $0xb8;
	[tilespmem:$0x1AA80] =	vst v63  }
0x2f: {  	s19 =	simm.s32 $0x5A80  }
0x30: {  	[tilespmem:s19], [sflag:$0x1] =	stream.indirect_vreg.gather [hbm4b:s9+s5], $0x80, v8, vm0, $0xb8;
	[tilespmem:$0x1AA80] =	vst v63  }
0x31: {  	s14 =	simm.s32 $0x6280  }
0x32: {  	[tilespmem:s14], [sflag:$0x1] =	stream.indirect_vreg.gather [hbm4b:s10+s5], $0x80, v8, vm0, $0xb8;
	[tilespmem:$0x1AA80] =	vst v63  }
0x33: {  	v8 =	vld [tilespmem:$0x10];
	_ =	sdelay $0x4  }
0x34: {  	v61 =	vshll.u32 v8, $0x3  }
0x35: {  	v8 =	vand.u32 $0x7, v8;
	v9 =	vand.u32 $0xFFFFFFC0, v61  }
0x36: {  	v8 =	vor.u32 v8, v9  }
0x37: {  	v9 =	vperm.xlane v8, v5;
	_ =	sdelay $0x1  }
0x38: {  	v9 =	vadd.s32 v6, v9;
	_ =	sdelay $0x3  }
0x39: {  	s17 =	simm.s32 $0x6A80  }
0x3a: {  	[tilespmem:s17], [sflag:$0x1] =	stream.indirect_vreg.gather [hbm4b:s1+s5], $0x80, v9, vm0, $0xb8;
	[tilespmem:$0x1AA80] =	vst v63  }
0x3b: {  	s19 =	simm.s32 $0x7280;
	v8 =	vperm.xlane v8, v7  }
0x3c: {  	[tilespmem:s19], [sflag:$0x1] =	stream.indirect_vreg.gather [hbm4b:s8+s5], $0x80, v9, vm0, $0xb8;
	[tilespmem:$0x1AA80] =	vst v63  }
0x3d: {  	s14 =	simm.s32 $0x7A80;
	v8 =	vadd.s32 v6, v8  }
0x3e: {  	[tilespmem:s14], [sflag:$0x1] =	stream.indirect_vreg.gather [hbm4b:s9+s5], $0x80, v9, vm0, $0xb8;
	[tilespmem:$0x1AA80] =	vst v63  }
0x3f: {  	s17 =	simm.s32 $0x8280  }
0x40: {  	[tilespmem:s17], [sflag:$0x1] =	stream.indirect_vreg.gather [hbm4b:s10+s5], $0x80, v9, vm0, $0xb8;
	[tilespmem:$0x1AA80] =	vst v63  }
0x41: {  	s19 =	simm.s32 $0x8A80  }
0x42: {  	[tilespmem:s19], [sflag:$0x1] =	stream.indirect_vreg.gather [hbm4b:s1+s5], $0x80, v8, vm0, $0xb8;
	[tilespmem:$0x1AA80] =	vst v63  }
0x43: {  	s14 =	simm.s32 $0x9280  }
0x44: {  	[tilespmem:s14], [sflag:$0x1] =	stream.indirect_vreg.gather [hbm4b:s8+s5], $0x80, v8, vm0, $0xb8;
	[tilespmem:$0x1AA80] =	vst v63  }
0x45: {  	s17 =	simm.s32 $0x9A80  }
0x46: {  	[tilespmem:s17], [sflag:$0x1] =	stream.indirect_vreg.gather [hbm4b:s9+s5], $0x80, v8, vm0, $0xb8;
	[tilespmem:$0x1AA80] =	vst v63  }
0x47: {  	s19 =	simm.s32 $0xA280  }
0x48: {  	[tilespmem:s19], [sflag:$0x1] =	stream.indirect_vreg.gather [hbm4b:s10+s5], $0x80, v8, vm0, $0xb8;
	[tilespmem:$0x1AA80] =	vst v63  }
0x49: {  	v8 =	vld [tilespmem:$0x20];
	_ =	sdelay $0x4  }
0x4a: {  	v62 =	vshll.u32 v8, $0x3  }
0x4b: {  	v8 =	vand.u32 $0x7, v8;
	v9 =	vand.u32 $0xFFFFFFC0, v62  }
0x4c: {  	v8 =	vor.u32 v8, v9  }
0x4d: {  	v9 =	vperm.xlane v8, v5;
	_ =	sdelay $0x1  }
0x4e: {  	v9 =	vadd.s32 v6, v9;
	_ =	sdelay $0x4  }
0x4f: {  	[tilespmem:s23], [sflag:$0x2] =	stream.indirect_vreg.gather [hbm4b:s1+s5], $0x80, v9, vm0, $0xb8;
	[tilespmem:$0x1AA80] =	vst v63  }
0x50: {  	v8 =	vperm.xlane v8, v7  }
0x51: {  	[tilespmem:s28], [sflag:$0x2] =	stream.indirect_vreg.gather [hbm4b:s8+s5], $0x80, v9, vm0, $0xb8;
	[tilespmem:$0x1AA80] =	vst v63  }
0x52: {  	v8 =	vadd.s32 v6, v8  }
0x53: {  	[tilespmem:s24], [sflag:$0x2] =	stream.indirect_vreg.gather [hbm4b:s9+s5], $0x80, v9, vm0, $0xb8;
	[tilespmem:$0x1AA80] =	vst v63  }
0x54: {  	_ = 	snop  }
0x55: {  	[tilespmem:s29], [sflag:$0x2] =	stream.indirect_vreg.gather [hbm4b:s10+s5], $0x80, v9, vm0, $0xb8;
	[tilespmem:$0x1AA80] =	vst v63  }
0x56: {  	_ = 	snop  }
0x57: {  	[tilespmem:s25], [sflag:$0x2] =	stream.indirect_vreg.gather [hbm4b:s1+s5], $0x80, v8, vm0, $0xb8;
	[tilespmem:$0x1AA80] =	vst v63  }
0x58: {  	_ = 	snop  }
0x59: {  	[tilespmem:s30], [sflag:$0x2] =	stream.indirect_vreg.gather [hbm4b:s8+s5], $0x80, v8, vm0, $0xb8;
	[tilespmem:$0x1AA80] =	vst v63  }
0x5a: {  	_ = 	snop  }
0x5b: {  	[tilespmem:s26], [sflag:$0x2] =	stream.indirect_vreg.gather [hbm4b:s9+s5], $0x80, v8, vm0, $0xb8;
	[tilespmem:$0x1AA80] =	vst v63  }
0x5c: {  	_ = 	snop  }
0x5d: {  	[tilespmem:s31], [sflag:$0x2] =	stream.indirect_vreg.gather [hbm4b:s10+s5], $0x80, v8, vm0, $0xb8;
	[tilespmem:$0x1AA80] =	vst v63  }
0x5e: {  	v8 =	vld [tilespmem:$0x30];
	_ =	sdelay $0x4  }
0x5f: {  	v63 =	vshll.u32 v8, $0x3  }
0x60: {  	v8 =	vand.u32 $0x7, v8;
	v9 =	vand.u32 $0xFFFFFFC0, v63  }
0x61: {  	v8 =	vor.u32 v8, v9  }
0x62: {  	v9 =	vperm.xlane v8, v5;
	_ =	sdelay $0x1  }
0x63: {  	v9 =	vadd.s32 v6, v9;
	_ =	sdelay $0x4  }
0x64: {  	[tilespmem:s20], [sflag:$0x2] =	stream.indirect_vreg.gather [hbm4b:s1+s5], $0x80, v9, vm0, $0xb8;
	[tilespmem:$0x1AA80] =	vst v63  }
0x65: {  	v8 =	vperm.xlane v8, v7  }
0x66: {  	[tilespmem:s15], [sflag:$0x2] =	stream.indirect_vreg.gather [hbm4b:s8+s5], $0x80, v9, vm0, $0xb8;
	[tilespmem:$0x1AA80] =	vst v63  }
0x67: {  	v8 =	vadd.s32 v6, v8  }
0x68: {  	[tilespmem:s21], [sflag:$0x2] =	stream.indirect_vreg.gather [hbm4b:s9+s5], $0x80, v9, vm0, $0xb8;
	[tilespmem:$0x1AA80] =	vst v63  }
0x69: {  	_ = 	snop  }
0x6a: {  	[tilespmem:s2], [sflag:$0x2] =	stream.indirect_vreg.gather [hbm4b:s10+s5], $0x80, v9, vm0, $0xb8;
	[tilespmem:$0x1AA80] =	vst v63  }
0x6b: {  	_ = 	snop  }
0x6c: {  	[tilespmem:s22], [sflag:$0x2] =	stream.indirect_vreg.gather [hbm4b:s1+s5], $0x80, v8, vm0, $0xb8;
	[tilespmem:$0x1AA80] =	vst v63  }
0x6d: {  	_ = 	snop  }
0x6e: {  	[tilespmem:s0], [sflag:$0x2] =	stream.indirect_vreg.gather [hbm4b:s8+s5], $0x80, v8, vm0, $0xb8;
	[tilespmem:$0x1AA80] =	vst v63  }
0x6f: {  	s3 =	simm.s32 $0x11A80  }
0x70: {  	[tilespmem:s3], [sflag:$0x2] =	stream.indirect_vreg.gather [hbm4b:s9+s5], $0x80, v8, vm0, $0xb8;
	[tilespmem:$0x1AA80] =	vst v63  }
0x71: {  	s7 =	simm.s32 $0x0;
	s31 =	simm.s32 $0x12280  }
0x72: {  	[tilespmem:s31], [sflag:$0x2] =	stream.indirect_vreg.gather [hbm4b:s10+s5], $0x80, v8, vm0, $0xb8;
	[tilespmem:$0x1AA80] =	vst v63  }
.LBB2_2:
0x73: {  	s17 =	smul.u32 $0x3, s7;
	_ =	sdelay $0x1  }
0x74: {  	s19 =	sand.u32 $0x3, s17  }
0x75: {  	p0 =	sne.s32 s19, $0x0  }
0x76: {  	s14 =	smul.u32 @!p0 $0x300, s7  }
0x77: {  	s20 =	smul.u32 @!p0 $0x60, s7;
	_ =	sdelay $0x1  }
0x78: {  	s14 =	sand.u32 @!p0 $0x1E000, s14;
	s20 =	sand.u32 @!p0 $0x380, s20  }
0x79: {  	s14 =	sor.u32 @!p0 s20, s14  }
0x7a: {  	s21 =	simm.s32 @!p0 $0x400;
	s20 =	rddreg [dreg:$0x2];
	s14 =	sshrl.u32 @!p0 s14, $0x3  }
0x7b: {  	s22 =	simm.s32 @!p0 $0x2680;
	s14 =	sadd.s32 @!p0 s20, s14;
	s20 =	simm.s32 @!p0 $0x80  }
0x7c: {  	[tilespmem:s22], [sflag:$0x7] =	stream.strided.gather @!p0 [hbm4b:s14+s20], $0x400, s21, s20, $0x38;
	[tilespmem:$0x1AA80] =	vst v63  }
0x7d: {  	s14 =	simm.s32 @!p0 $0x7  }
0x7e: {  	_ =	swait.ge @!p0 [sflag:s14], $0x400  }
0x7f: {  	[sflag:s14] =	ssyncset.done @!p0 $0x0  }
0x80: {  	s23 =	simm.s32 $0x1;
	[sflag:s14] =	ssyncadd.s32 @!p0 $0xFFFFFC00  }
0x81: {  	s20 =	simm.s32 $0x0;
	_ =	swait.ge [sflag:s23], $0x8000  }
0x82: {  	s24 =	sand.u32 $0x70, s20;
	s25 =	sand.u32 $0x1C00, s20;
	[sflag:s23] =	ssyncset.done $0x0  }
0x83: {  	s14 =	sor.u32 s24, s25;
	[sflag:s23] =	ssyncadd.s32 $0xFFFF8000  }
0x84: {  	s21 =	simm.s32 $0x2680;
	v9 =	vld [tilespmem:s14+$0x2B80]  }
0x85: {  	v8 =	vld [tilespmem:s21+$0x0]  }
0x86: {  	v10 =	vld [tilespmem:s14+$0x2C00]  }
0x87: {  	v11 =	vld [tilespmem:s14+$0x2D00]  }
0x88: {  	v12 =	vld [tilespmem:s14+$0x2B00]  }
0x89: {  	v13 =	vld [tilespmem:s14+$0x2C80]  }
0x8a: {  	v14 =	vld [tilespmem:s14+$0x2A80];
	v9 =	vadd.f32 v9, v8  }
0x8b: {  	v15 =	vld [tilespmem:s14+$0x2D80];
	v10 =	vadd.f32 v10, v8  }
0x8c: {  	[tilespmem:s14+$0x2B80] =	vst v9;
	v9 =	vadd.f32 v11, v8  }
0x8d: {  	v11 =	vadd.f32 v12, v8;
	[tilespmem:s14+$0x2C00] =	vst v10  }
0x8e: {  	v10 =	vadd.f32 v13, v8;
	[tilespmem:s14+$0x2D00] =	vst v9  }
0x8f: {  	v9 =	vadd.f32 v14, v8;
	[tilespmem:s14+$0x2B00] =	vst v11  }
0x90: {  	v11 =	vadd.f32 v15, v8;
	[tilespmem:s14+$0x2C80] =	vst v10  }
0x91: {  	s26 =	sor.u32 s20, s20;
	[tilespmem:s14+$0x2A80] =	vst v9  }
0x92: {  	s23 =	sor.u32 $0x380, s26;
	[tilespmem:s14+$0x2D80] =	vst v11  }
0x93: {  	v9 =	vld [tilespmem:s23+$0x2A80];
	_ =	sdelay $0x2  }
0x94: {  	s3 =	simm.s32 $0x11280;
	s0 =	simm.s32 $0x10A80;
	s2 =	simm.s32 $0x10280  }
0x95: {  	s15 =	simm.s32 $0xF280;
	s31 =	simm.s32 $0xDA80;
	s30 =	simm.s32 $0xCA80  }
0x96: {  	s29 =	simm.s32 $0xBA80;
	s28 =	simm.s32 $0xAA80;
	s22 =	simm.s32 $0x10;
	v9 =	vadd.f32 v9, v8  }
.LBB2_3:
0x97: {  	_ = 	snop  }
0x98: {  	p0 =	sne.s32 s22, $0x3F0;
	s20 =	sadd.s32 $0x80, s20;
	s21 =	sadd.s32 $0x10, s21;
	[tilespmem:s23+$0x2A80] =	vst v9  }
0x99: {  	s23 =	smov.u32 s22;
	s22 =	sadd.s32 $0x10, s22;
	v9 =	vld [tilespmem:s14+$0x8C80]  }
0x9a: {  	v10 =	vld [tilespmem:s14+$0x8E00]  }
0x9b: {  	v11 =	vld [tilespmem:s14+$0x4A80]  }
0x9c: {  	v12 =	vld [tilespmem:s14+$0x4B00]  }
0x9d: {  	v13 =	vld [tilespmem:s14+$0x4B80]  }
0x9e: {  	v14 =	vld [tilespmem:s14+$0x4C00];
	v9 =	vadd.f32 v9, v8  }
0x9f: {  	v15 =	vld [tilespmem:s14+$0x4C80];
	v10 =	vadd.f32 v10, v8  }
0xa0: {  	v11 =	vadd.f32 v11, v8;
	v16 =	vld [tilespmem:s14+$0x4D00];
	[tilespmem:s14+$0x8C80] =	vst v9  }
0xa1: {  	v9 =	vadd.f32 v12, v8;
	v12 =	vld [tilespmem:s14+$0x4D80];
	[tilespmem:s14+$0x8E00] =	vst v10  }
0xa2: {  	[tilespmem:s14+$0x4A80] =	vst v11;
	v10 =	vadd.f32 v13, v8;
	v11 =	vld [tilespmem:s14+$0x4E00]  }
0xa3: {  	[tilespmem:s14+$0x4B00] =	vst v9;
	v9 =	vadd.f32 v14, v8;
	v13 =	vld [tilespmem:s14+$0x6A80]  }
0xa4: {  	[tilespmem:s14+$0x4B80] =	vst v10;
	v10 =	vadd.f32 v15, v8;
	v14 =	vld [tilespmem:s14+$0x6B00]  }
0xa5: {  	[tilespmem:s14+$0x4C00] =	vst v9;
	v9 =	vadd.f32 v16, v8;
	v15 =	vld [tilespmem:s14+$0x6B80]  }
0xa6: {  	[tilespmem:s14+$0x4C80] =	vst v10;
	v10 =	vadd.f32 v12, v8;
	v12 =	vld [tilespmem:s14+$0x6C00]  }
0xa7: {  	[tilespmem:s14+$0x4D00] =	vst v9;
	v9 =	vadd.f32 v11, v8;
	v11 =	vld [tilespmem:s14+$0x6C80]  }
0xa8: {  	[tilespmem:s14+$0x4D80] =	vst v10;
	v10 =	vadd.f32 v13, v8;
	v13 =	vld [tilespmem:s14+$0x6D00]  }
0xa9: {  	[tilespmem:s14+$0x4E00] =	vst v9;
	v9 =	vadd.f32 v14, v8;
	v14 =	vld [tilespmem:s14+$0x6D80]  }
0xaa: {  	[tilespmem:s14+$0x6A80] =	vst v10;
	v10 =	vadd.f32 v15, v8;
	v15 =	vld [tilespmem:s14+$0x6E00]  }
0xab: {  	[tilespmem:s14+$0x6B00] =	vst v9;
	v9 =	vadd.f32 v12, v8;
	v12 =	vld [tilespmem:s14+$0x8A80]  }
0xac: {  	[tilespmem:s14+$0x6B80] =	vst v10;
	v10 =	vadd.f32 v11, v8;
	v11 =	vld [tilespmem:s14+$0x8B00]  }
0xad: {  	[tilespmem:s14+$0x6C00] =	vst v9;
	v9 =	vadd.f32 v13, v8;
	v13 =	vld [tilespmem:s14+$0x8B80]  }
0xae: {  	[tilespmem:s14+$0x6C80] =	vst v10;
	v10 =	vadd.f32 v14, v8;
	v14 =	vld [tilespmem:s14+$0x8C00]  }
0xaf: {  	[tilespmem:s14+$0x6D00] =	vst v9;
	v9 =	vadd.f32 v15, v8;
	v15 =	vld [tilespmem:s14+$0x8D00]  }
0xb0: {  	[tilespmem:s14+$0x6D80] =	vst v10;
	v10 =	vadd.f32 v12, v8;
	v12 =	vld [tilespmem:s14+$0x8D80]  }
0xb1: {  	[tilespmem:s14+$0x6E00] =	vst v9;
	v9 =	vadd.f32 v11, v8  }
0xb2: {  	[tilespmem:s14+$0x8A80] =	vst v10;
	v10 =	vadd.f32 v13, v8  }
0xb3: {  	[tilespmem:s14+$0x8B00] =	vst v9;
	v9 =	vadd.f32 v14, v8  }
0xb4: {  	s25 =	sand.u32 $0x1C00, s20;
	s24 =	sand.u32 $0x70, s23;
	[tilespmem:s14+$0x8B80] =	vst v10;
	v10 =	vadd.f32 v15, v8  }
0xb5: {  	s24 =	sor.u32 s24, s25;
	[tilespmem:s14+$0x8C00] =	vst v9;
	v8 =	vadd.f32 v12, v8  }
0xb6: {  	v9 =	vld [tilespmem:s24+$0x2D80];
	[tilespmem:s14+$0x8D00] =	vst v10  }
0xb7: {  	v10 =	vld [tilespmem:s24+$0x2B80];
	[tilespmem:s14+$0x8D80] =	vst v8;
	s14 =	smov.u32 s24  }
0xb8: {  	v8 =	vld [tilespmem:s21+$0x0]  }
0xb9: {  	v11 =	vld [tilespmem:s14+$0x2C00]  }
0xba: {  	v12 =	vld [tilespmem:s14+$0x2D00]  }
0xbb: {  	v13 =	vld [tilespmem:s14+$0x2B00]  }
0xbc: {  	v14 =	vld [tilespmem:s14+$0x2C80]  }
0xbd: {  	v15 =	vld [tilespmem:s14+$0x2A80];
	v10 =	vadd.f32 v10, v8;
	v9 =	vadd.f32 v9, v8  }
0xbe: {  	v11 =	vadd.f32 v11, v8  }
0xbf: {  	[tilespmem:s14+$0x2B80] =	vst v10;
	v10 =	vadd.f32 v12, v8  }
0xc0: {  	v12 =	vadd.f32 v13, v8;
	[tilespmem:s14+$0x2C00] =	vst v11  }
0xc1: {  	v11 =	vadd.f32 v14, v8;
	[tilespmem:s14+$0x2D00] =	vst v10  }
0xc2: {  	v10 =	vadd.f32 v15, v8;
	[tilespmem:s14+$0x2B00] =	vst v12  }
0xc3: {  	[tilespmem:s14+$0x2C80] =	vst v11  }
0xc4: {  	s23 =	sor.u32 s20, s23;
	[tilespmem:s14+$0x2A80] =	vst v10  }
0xc5: {  	s23 =	sor.u32 $0x380, s23;
	[tilespmem:s14+$0x2D80] =	vst v9  }
0xc6: {  	v9 =	vld [tilespmem:s23+$0x2A80]  }
.Ltmp0:
0xc7: {  	(pc) =	sbr.rel @p0 .LBB2_3-.Ltmp0, $2  }
0xc8: {  	_ =	sdelay $0x2  }
0xc9: {  	v9 =	vadd.f32 v9, v8  }
0xca: {  	_ = 	snop  }
0xcb: {  	[tilespmem:s23+$0x2A80] =	vst v9  }
0xcc: {  	v9 =	vld [tilespmem:s14+$0x8C80]  }
0xcd: {  	v10 =	vld [tilespmem:s14+$0x8E00]  }
0xce: {  	v11 =	vld [tilespmem:s14+$0x4A80]  }
0xcf: {  	v12 =	vld [tilespmem:s14+$0x4B00]  }
0xd0: {  	v13 =	vld [tilespmem:s14+$0x4B80]  }
0xd1: {  	v14 =	vld [tilespmem:s14+$0x4C00];
	v9 =	vadd.f32 v9, v8  }
0xd2: {  	v15 =	vld [tilespmem:s14+$0x4C80];
	v10 =	vadd.f32 v10, v8  }
0xd3: {  	[tilespmem:s14+$0x8C80] =	vst v9;
	v9 =	vadd.f32 v11, v8;
	v11 =	vld [tilespmem:s14+$0x4D80]  }
0xd4: {  	v46 =	vld [tilespmem:s14+$0x6B80];
	[tilespmem:s14+$0x8E00] =	vst v10  }
0xd5: {  	v10 =	vadd.f32 v12, v8;
	[tilespmem:s14+$0x4A80] =	vst v9;
	v9 =	vld [tilespmem:s14+$0x4E00]  }
0xd6: {  	v16 =	vld [tilespmem:s14+$0x4D00];
	v42 =	vadd.f32 v13, v8  }
0xd7: {  	v43 =	vadd.f32 v14, v8;
	[tilespmem:s14+$0x4B00] =	vst v10;
	v10 =	vld [tilespmem:s14+$0x6A80]  }
0xd8: {  	v48 =	vld [tilespmem:s14+$0x6C00];
	[tilespmem:s14+$0x4B80] =	vst v42;
	v11 =	vadd.f32 v11, v8  }
0xd9: {  	v49 =	vld [tilespmem:s14+$0x6C80];
	v13 =	vadd.f32 v46, v8;
	[tilespmem:s14+$0x4C00] =	vst v43  }
0xda: {  	s19 =	sshll.u32 s19, $0x5;
	v9 =	vadd.f32 v9, v8;
	[tilespmem:s14+$0x4D80] =	vst v11;
	v11 =	vld [tilespmem:s14+$0x6D00]  }
0xdb: {  	v51 =	vmov s19;
	v53 =	vld [tilespmem:s14+$0x8B80];
	v45 =	vadd.f32 v15, v8;
	[tilespmem:s14+$0x6B80] =	vst v13  }
0xdc: {  	s20 =	sshrl.u32 s17, $0x2;
	v13 =	vmul.u32 $0x4D, v51;
	v10 =	vadd.f32 v10, v8;
	[tilespmem:s14+$0x4E00] =	vst v9;
	v9 =	vld [tilespmem:s14+$0x6D80]  }
0xdd: {  	s20 =	sor.u32 s6, s20;
	v55 =	vld [tilespmem:s14+$0x8D00];
	v47 =	vadd.f32 v16, v8;
	[tilespmem:s14+$0x4C80] =	vst v45  }
0xde: {  	v14 =	vadd.f32 v48, v8;
	v13 =	vadd.s32 s20, v13;
	[tilespmem:s14+$0x6A80] =	vst v10;
	v10 =	vld [tilespmem:s14+$0x6E00]  }
0xdf: {  	[tilespmem:s14+$0x4D00] =	vst v47;
	v13 =	vbroadcast v13, $0x0;
	v11 =	vadd.f32 v11, v8  }
0xe0: {  	v44 =	vld [tilespmem:s14+$0x6B00];
	v15 =	vadd.f32 v49, v8;
	[tilespmem:s14+$0x6C00] =	vst v14  }
0xe1: {  	v52 =	vld [tilespmem:s14+$0x8B00];
	v9 =	vadd.f32 v9, v8;
	[tilespmem:s14+$0x6D00] =	vst v11;
	v11 =	vadd.s32 v0, v13  }
0xe2: {  	v50 =	vld [tilespmem:s14+$0x8A80];
	v57 =	vadd.f32 v53, v8;
	v59 =	vadd.f32 v55, v8;
	[tilespmem:s14+$0x6C80] =	vst v15;
	v17 =	vshll.u32 v11, $0x3  }
0xe3: {  	v54 =	vld [tilespmem:s14+$0x8C00];
	[tilespmem:s14+$0x6D80] =	vst v9;
	v9 =	vadd.f32 v10, v8;
	v10 =	vand.u32 $0x7, v11;
	v11 =	vand.u32 $0xFFFFFFC0, v17  }
0xe4: {  	[tilespmem:s14+$0x8B80] =	vst v57;
	v10 =	vor.u32 v10, v11;
	v11 =	vld [tilespmem:s14+$0x8D80]  }
0xe5: {  	v12 =	vadd.f32 v44, v8;
	[tilespmem:s14+$0x8D00] =	vst v59;
	v56 =	vperm.xlane v10, v5  }
0xe6: {  	[tilespmem:s14+$0x6E00] =	vst v9;
	v9 =	vadd.f32 v52, v8  }
0xe7: {  	[tilespmem:s14+$0x6B00] =	vst v12;
	v12 =	vadd.f32 v50, v8;
	v58 =	vadd.s32 v6, v56  }
0xe8: {  	[tilespmem:s14+$0x8B00] =	vst v9;
	v9 =	vadd.f32 v54, v8  }
0xe9: {  	[tilespmem:s14+$0x8A80] =	vst v12;
	v8 =	vadd.f32 v11, v8  }
0xea: {  	s19 =	sor.u32 $0x10, s19;
	[tilespmem:s14+$0x8C00] =	vst v9  }
0xeb: {  	s24 =	simm.s32 $0x2A80;
	[tilespmem:s14+$0x8D80] =	vst v8;
	v8 =	vmov s19  }
0xec: {  	[hbm4b:s4+s5] =	stream.indirect_vreg.scatter [tilespmem:s24], [sflag:$0x4], $0x80, v58, vm0, $0xb8;
	v8 =	vmul.u32 $0x4D, v8;
	[tilespmem:$0x1AA80] =	vst v63  }
0xed: {  	s25 =	simm.s32 $0x3280;
	v9 =	vperm.xlane v10, v7  }
0xee: {  	[hbm4b:s11+s5] =	stream.indirect_vreg.scatter [tilespmem:s25], [sflag:$0x4], $0x80, v58, vm0, $0xb8;
	v8 =	vadd.s32 s20, v8;
	[tilespmem:$0x1AA80] =	vst v63  }
0xef: {  	s26 =	simm.s32 $0x3A80;
	v9 =	vadd.s32 v6, v9;
	v8 =	vbroadcast v8, $0x0  }
0xf0: {  	[hbm4b:s12+s5] =	stream.indirect_vreg.scatter [tilespmem:s26], [sflag:$0x4], $0x80, v58, vm0, $0xb8;
	[tilespmem:$0x1AA80] =	vst v63  }
0xf1: {  	s19 =	simm.s32 $0x4280;
	v8 =	vadd.s32 v0, v8  }
0xf2: {  	[hbm4b:s13+s5] =	stream.indirect_vreg.scatter [tilespmem:s19], [sflag:$0x4], $0x80, v58, vm0, $0xb8;
	v10 =	vshll.u32 v8, $0x3;
	[tilespmem:$0x1AA80] =	vst v63  }
0xf3: {  	s20 =	simm.s32 $0x4A80;
	v8 =	vand.u32 $0x7, v8;
	v10 =	vand.u32 $0xFFFFFFC0, v10  }
0xf4: {  	[hbm4b:s4+s5] =	stream.indirect_vreg.scatter [tilespmem:s20], [sflag:$0x4], $0x80, v9, vm0, $0xb8;
	v8 =	vor.u32 v8, v10;
	[tilespmem:$0x1AA80] =	vst v63  }
0xf5: {  	s21 =	simm.s32 $0x5280;
	v10 =	vperm.xlane v8, v5  }
0xf6: {  	[hbm4b:s11+s5] =	stream.indirect_vreg.scatter [tilespmem:s21], [sflag:$0x4], $0x80, v9, vm0, $0xb8;
	[tilespmem:$0x1AA80] =	vst v63  }
0xf7: {  	s22 =	simm.s32 $0x5A80;
	v10 =	vadd.s32 v6, v10  }
0xf8: {  	[hbm4b:s12+s5] =	stream.indirect_vreg.scatter [tilespmem:s22], [sflag:$0x4], $0x80, v9, vm0, $0xb8;
	[tilespmem:$0x1AA80] =	vst v63  }
0xf9: {  	s23 =	simm.s32 $0x6280  }
0xfa: {  	[hbm4b:s13+s5] =	stream.indirect_vreg.scatter [tilespmem:s23], [sflag:$0x4], $0x80, v9, vm0, $0xb8;
	[tilespmem:$0x1AA80] =	vst v63  }
0xfb: {  	s24 =	simm.s32 $0x6A80  }
0xfc: {  	[hbm4b:s4+s5] =	stream.indirect_vreg.scatter [tilespmem:s24], [sflag:$0x4], $0x80, v10, vm0, $0xb8;
	[tilespmem:$0x1AA80] =	vst v63  }
0xfd: {  	s25 =	simm.s32 $0x7280;
	v8 =	vperm.xlane v8, v7  }
0xfe: {  	[hbm4b:s11+s5] =	stream.indirect_vreg.scatter [tilespmem:s25], [sflag:$0x4], $0x80, v10, vm0, $0xb8;
	[tilespmem:$0x1AA80] =	vst v63  }
0xff: {  	s26 =	simm.s32 $0x7A80;
	v8 =	vadd.s32 v6, v8  }
0x100: {  	[hbm4b:s12+s5] =	stream.indirect_vreg.scatter [tilespmem:s26], [sflag:$0x4], $0x80, v10, vm0, $0xb8;
	[tilespmem:$0x1AA80] =	vst v63  }
0x101: {  	s19 =	simm.s32 $0x8280  }
0x102: {  	[hbm4b:s13+s5] =	stream.indirect_vreg.scatter [tilespmem:s19], [sflag:$0x4], $0x80, v10, vm0, $0xb8;
	[tilespmem:$0x1AA80] =	vst v63  }
0x103: {  	s20 =	simm.s32 $0x8A80  }
0x104: {  	[hbm4b:s4+s5] =	stream.indirect_vreg.scatter [tilespmem:s20], [sflag:$0x4], $0x80, v8, vm0, $0xb8;
	[tilespmem:$0x1AA80] =	vst v63  }
0x105: {  	s21 =	simm.s32 $0x9280  }
0x106: {  	[hbm4b:s11+s5] =	stream.indirect_vreg.scatter [tilespmem:s21], [sflag:$0x4], $0x80, v8, vm0, $0xb8;
	[tilespmem:$0x1AA80] =	vst v63  }
0x107: {  	p0 =	seq.s32 s7, $0x0;
	s22 =	simm.s32 $0x9A80  }
0x108: {  	[hbm4b:s12+s5] =	stream.indirect_vreg.scatter [tilespmem:s22], [sflag:$0x4], $0x80, v8, vm0, $0xb8;
	[tilespmem:$0x1AA80] =	vst v63  }
0x109: {  	s23 =	simm.s32 $0xA280;
	s19 =	simm.s32 @!p0 $0x6  }
0x10a: {  	[hbm4b:s13+s5] =	stream.indirect_vreg.scatter [tilespmem:s23], [sflag:$0x4], $0x80, v8, vm0, $0xb8;
	[tilespmem:$0x1AA80] =	vst v63  }
0x10b: {  	_ =	swait.ge @!p0 [sflag:s19], $0x4000  }
0x10c: {  	[sflag:s19] =	ssyncset.done @!p0 $0x0  }
0x10d: {  	[sflag:s19] =	ssyncadd.s32 @!p0 $0xFFFFC000  }
0x10e: {  	s14 =	sadd.s32 $0x2, s17;
	_ =	swait.ge @!p0 [sflag:s19], $0x4000  }
0x10f: {  	s24 =	sshll.u32 s14, $0x5;
	[sflag:s19] =	ssyncset.done @!p0 $0x0  }
0x110: {  	[sflag:s19] =	ssyncadd.s32 @!p0 $0xFFFFC000;
	s19 =	sand.u32 $0x3FFFFFE0, s24  }
0x111: {  	v8 =	vld [tilespmem:s19+$0x0];
	_ =	sdelay $0x4  }
0x112: {  	v9 =	vshll.u32 v8, $0x3  }
0x113: {  	v8 =	vand.u32 $0x7, v8;
	v9 =	vand.u32 $0xFFFFFFC0, v9  }
0x114: {  	v8 =	vor.u32 v8, v9  }
0x115: {  	v9 =	vperm.xlane v8, v5;
	_ =	sdelay $0x1  }
0x116: {  	v9 =	vadd.s32 v6, v9;
	_ =	sdelay $0x3  }
0x117: {  	s25 =	simm.s32 $0x12A80  }
0x118: {  	[tilespmem:s25], [sflag:$0x3] =	stream.indirect_vreg.gather [hbm4b:s1+s5], $0x80, v9, vm0, $0xb8;
	[tilespmem:$0x1AA80] =	vst v63  }
0x119: {  	s26 =	simm.s32 $0x13280;
	v8 =	vperm.xlane v8, v7  }
0x11a: {  	[tilespmem:s26], [sflag:$0x3] =	stream.indirect_vreg.gather [hbm4b:s8+s5], $0x80, v9, vm0, $0xb8;
	[tilespmem:$0x1AA80] =	vst v63  }
0x11b: {  	s21 =	simm.s32 $0x13A80;
	v8 =	vadd.s32 v6, v8  }
0x11c: {  	[tilespmem:s21], [sflag:$0x3] =	stream.indirect_vreg.gather [hbm4b:s9+s5], $0x80, v9, vm0, $0xb8;
	[tilespmem:$0x1AA80] =	vst v63  }
0x11d: {  	s22 =	simm.s32 $0x14280  }
0x11e: {  	[tilespmem:s22], [sflag:$0x3] =	stream.indirect_vreg.gather [hbm4b:s10+s5], $0x80, v9, vm0, $0xb8;
	[tilespmem:$0x1AA80] =	vst v63  }
0x11f: {  	s23 =	simm.s32 $0x14A80  }
0x120: {  	[tilespmem:s23], [sflag:$0x3] =	stream.indirect_vreg.gather [hbm4b:s1+s5], $0x80, v8, vm0, $0xb8;
	[tilespmem:$0x1AA80] =	vst v63  }
0x121: {  	s24 =	simm.s32 $0x15280  }
0x122: {  	[tilespmem:s24], [sflag:$0x3] =	stream.indirect_vreg.gather [hbm4b:s8+s5], $0x80, v8, vm0, $0xb8;
	[tilespmem:$0x1AA80] =	vst v63  }
0x123: {  	s25 =	simm.s32 $0x15A80  }
0x124: {  	[tilespmem:s25], [sflag:$0x3] =	stream.indirect_vreg.gather [hbm4b:s9+s5], $0x80, v8, vm0, $0xb8;
	[tilespmem:$0x1AA80] =	vst v63  }
0x125: {  	s26 =	simm.s32 $0x16280  }
0x126: {  	[tilespmem:s26], [sflag:$0x3] =	stream.indirect_vreg.gather [hbm4b:s10+s5], $0x80, v8, vm0, $0xb8;
	[tilespmem:$0x1AA80] =	vst v63  }
0x127: {  	v8 =	vld [tilespmem:s19+$0x10];
	_ =	sdelay $0x4  }
0x128: {  	v9 =	vshll.u32 v8, $0x3  }
0x129: {  	v8 =	vand.u32 $0x7, v8;
	v9 =	vand.u32 $0xFFFFFFC0, v9  }
0x12a: {  	v8 =	vor.u32 v8, v9  }
0x12b: {  	v9 =	vperm.xlane v8, v5;
	_ =	sdelay $0x1  }
0x12c: {  	v9 =	vadd.s32 v6, v9;
	_ =	sdelay $0x3  }
0x12d: {  	s21 =	simm.s32 $0x16A80  }
0x12e: {  	[tilespmem:s21], [sflag:$0x3] =	stream.indirect_vreg.gather [hbm4b:s1+s5], $0x80, v9, vm0, $0xb8;
	[tilespmem:$0x1AA80] =	vst v63  }
0x12f: {  	s22 =	simm.s32 $0x17280;
	v8 =	vperm.xlane v8, v7  }
0x130: {  	[tilespmem:s22], [sflag:$0x3] =	stream.indirect_vreg.gather [hbm4b:s8+s5], $0x80, v9, vm0, $0xb8;
	[tilespmem:$0x1AA80] =	vst v63  }
0x131: {  	s23 =	simm.s32 $0x17A80;
	v8 =	vadd.s32 v6, v8  }
0x132: {  	[tilespmem:s23], [sflag:$0x3] =	stream.indirect_vreg.gather [hbm4b:s9+s5], $0x80, v9, vm0, $0xb8;
	[tilespmem:$0x1AA80] =	vst v63  }
0x133: {  	s24 =	simm.s32 $0x18280  }
0x134: {  	[tilespmem:s24], [sflag:$0x3] =	stream.indirect_vreg.gather [hbm4b:s10+s5], $0x80, v9, vm0, $0xb8;
	[tilespmem:$0x1AA80] =	vst v63  }
0x135: {  	s25 =	simm.s32 $0x18A80  }
0x136: {  	[tilespmem:s25], [sflag:$0x3] =	stream.indirect_vreg.gather [hbm4b:s1+s5], $0x80, v8, vm0, $0xb8;
	[tilespmem:$0x1AA80] =	vst v63  }
0x137: {  	s26 =	simm.s32 $0x19280  }
0x138: {  	[tilespmem:s26], [sflag:$0x3] =	stream.indirect_vreg.gather [hbm4b:s8+s5], $0x80, v8, vm0, $0xb8;
	[tilespmem:$0x1AA80] =	vst v63  }
0x139: {  	s20 =	simm.s32 $0x19A80;
	s19 =	sadd.s32 $0x1, s17  }
0x13a: {  	[tilespmem:s20], [sflag:$0x3] =	stream.indirect_vreg.gather [hbm4b:s9+s5], $0x80, v8, vm0, $0xb8;
	[tilespmem:$0x1AA80] =	vst v63  }
0x13b: {  	s20 =	sand.u32 $0x3, s19  }
0x13c: {  	s21 =	simm.s32 $0x1A280;
	p0 =	sne.s32 s20, $0x0  }
0x13d: {  	[tilespmem:s21], [sflag:$0x3] =	stream.indirect_vreg.gather [hbm4b:s10+s5], $0x80, v8, vm0, $0xb8;
	[tilespmem:$0x1AA80] =	vst v63  }
0x13e: {  	s17 =	sshll.u32 @!p0 s19, $0x2  }
0x13f: {  	s22 =	rddreg [dreg:$0x2];
	s21 =	sshll.u32 @!p0 s19, $0x5;
	s17 =	sand.u32 @!p0 $0x70, s17  }
0x140: {  	s23 =	simm.s32 @!p0 $0x2680;
	s21 =	sand.u32 @!p0 $0x7C00, s21;
	s17 =	sadd.s32 @!p0 s22, s17  }
0x141: {  	s22 =	simm.s32 @!p0 $0x400;
	s17 =	sadd.s32 @!p0 s21, s17;
	s21 =	simm.s32 @!p0 $0x80  }
0x142: {  	[tilespmem:s23], [sflag:$0x7] =	stream.strided.gather @!p0 [hbm4b:s17+s21], $0x400, s22, s21, $0x38;
	[tilespmem:$0x1AA80] =	vst v63  }
0x143: {  	s17 =	simm.s32 @!p0 $0x7  }
0x144: {  	_ =	swait.ge @!p0 [sflag:s17], $0x400  }
0x145: {  	[sflag:s17] =	ssyncset.done @!p0 $0x0  }
0x146: {  	s22 =	simm.s32 $0x2;
	[sflag:s17] =	ssyncadd.s32 @!p0 $0xFFFFFC00  }
0x147: {  	s21 =	simm.s32 $0x0;
	_ =	swait.ge [sflag:s22], $0x8000  }
0x148: {  	s24 =	sand.u32 $0x70, s21;
	s25 =	sand.u32 $0x1C00, s21;
	[sflag:s22] =	ssyncset.done $0x0  }
0x149: {  	s17 =	sor.u32 s24, s25;
	[sflag:s22] =	ssyncadd.s32 $0xFFFF8000  }
0x14a: {  	s22 =	simm.s32 $0x2680;
	v9 =	vld [tilespmem:s17+$0xAB80]  }
0x14b: {  	v8 =	vld [tilespmem:s22+$0x0]  }
0x14c: {  	v10 =	vld [tilespmem:s17+$0xAC00]  }
0x14d: {  	v11 =	vld [tilespmem:s17+$0xAD00]  }
0x14e: {  	v60 =	vld [tilespmem:s17+$0xAB00]  }
0x14f: {  	v61 =	vld [tilespmem:s17+$0xAC80]  }
0x150: {  	v62 =	vld [tilespmem:s17+$0xAA80];
	v9 =	vadd.f32 v9, v8  }
0x151: {  	v63 =	vld [tilespmem:s17+$0xAD80];
	v10 =	vadd.f32 v10, v8  }
0x152: {  	[tilespmem:s17+$0xAB80] =	vst v9;
	v9 =	vadd.f32 v11, v8  }
0x153: {  	v11 =	vadd.f32 v60, v8;
	[tilespmem:s17+$0xAC00] =	vst v10  }
0x154: {  	v10 =	vadd.f32 v61, v8;
	[tilespmem:s17+$0xAD00] =	vst v9  }
0x155: {  	v9 =	vadd.f32 v62, v8;
	[tilespmem:s17+$0xAB00] =	vst v11  }
0x156: {  	v11 =	vadd.f32 v63, v8;
	[tilespmem:s17+$0xAC80] =	vst v10  }
0x157: {  	s26 =	sor.u32 s21, s21;
	[tilespmem:s17+$0xAA80] =	vst v9  }
0x158: {  	s24 =	sor.u32 $0x380, s26;
	[tilespmem:s17+$0xAD80] =	vst v11  }
0x159: {  	v9 =	vld [tilespmem:s24+$0xAA80];
	_ =	sdelay $0x4  }
0x15a: {  	s23 =	simm.s32 $0x10;
	v9 =	vadd.f32 v9, v8  }
.LBB2_5:
0x15b: {  	_ = 	snop  }
0x15c: {  	p0 =	sne.s32 s23, $0x3F0;
	s21 =	sadd.s32 $0x80, s21;
	s22 =	sadd.s32 $0x10, s22;
	[tilespmem:s24+$0xAA80] =	vst v9  }
0x15d: {  	s24 =	smov.u32 s23;
	s23 =	sadd.s32 $0x10, s23;
	v9 =	vld [tilespmem:s17+$0x10C80]  }
0x15e: {  	v10 =	vld [tilespmem:s17+$0x10E00]  }
0x15f: {  	v11 =	vld [tilespmem:s17+$0xCA80]  }
0x160: {  	v12 =	vld [tilespmem:s17+$0xCB00]  }
0x161: {  	v13 =	vld [tilespmem:s17+$0xCB80]  }
0x162: {  	v14 =	vld [tilespmem:s17+$0xCC00];
	v9 =	vadd.f32 v9, v8  }
0x163: {  	v15 =	vld [tilespmem:s17+$0xCC80];
	v10 =	vadd.f32 v10, v8  }
0x164: {  	v11 =	vadd.f32 v11, v8;
	v16 =	vld [tilespmem:s17+$0xCD00];
	[tilespmem:s17+$0x10C80] =	vst v9  }
0x165: {  	v9 =	vadd.f32 v12, v8;
	v12 =	vld [tilespmem:s17+$0xCD80];
	[tilespmem:s17+$0x10E00] =	vst v10  }
0x166: {  	[tilespmem:s17+$0xCA80] =	vst v11;
	v10 =	vadd.f32 v13, v8;
	v11 =	vld [tilespmem:s17+$0xCE00]  }
0x167: {  	[tilespmem:s17+$0xCB00] =	vst v9;
	v9 =	vadd.f32 v14, v8;
	v13 =	vld [tilespmem:s17+$0xEA80]  }
0x168: {  	[tilespmem:s17+$0xCB80] =	vst v10;
	v10 =	vadd.f32 v15, v8;
	v14 =	vld [tilespmem:s17+$0xEB00]  }
0x169: {  	[tilespmem:s17+$0xCC00] =	vst v9;
	v9 =	vadd.f32 v16, v8;
	v15 =	vld [tilespmem:s17+$0xEB80]  }
0x16a: {  	[tilespmem:s17+$0xCC80] =	vst v10;
	v10 =	vadd.f32 v12, v8;
	v12 =	vld [tilespmem:s17+$0xEC00]  }
0x16b: {  	[tilespmem:s17+$0xCD00] =	vst v9;
	v9 =	vadd.f32 v11, v8;
	v11 =	vld [tilespmem:s17+$0xEC80]  }
0x16c: {  	[tilespmem:s17+$0xCD80] =	vst v10;
	v10 =	vadd.f32 v13, v8;
	v13 =	vld [tilespmem:s17+$0xED00]  }
0x16d: {  	[tilespmem:s17+$0xCE00] =	vst v9;
	v9 =	vadd.f32 v14, v8;
	v14 =	vld [tilespmem:s17+$0xED80]  }
0x16e: {  	[tilespmem:s17+$0xEA80] =	vst v10;
	v10 =	vadd.f32 v15, v8;
	v15 =	vld [tilespmem:s17+$0xEE00]  }
0x16f: {  	[tilespmem:s17+$0xEB00] =	vst v9;
	v9 =	vadd.f32 v12, v8;
	v12 =	vld [tilespmem:s17+$0x10A80]  }
0x170: {  	[tilespmem:s17+$0xEB80] =	vst v10;
	v10 =	vadd.f32 v11, v8;
	v11 =	vld [tilespmem:s17+$0x10B00]  }
0x171: {  	[tilespmem:s17+$0xEC00] =	vst v9;
	v9 =	vadd.f32 v13, v8;
	v13 =	vld [tilespmem:s17+$0x10B80]  }
0x172: {  	[tilespmem:s17+$0xEC80] =	vst v10;
	v10 =	vadd.f32 v14, v8;
	v14 =	vld [tilespmem:s17+$0x10C00]  }
0x173: {  	[tilespmem:s17+$0xED00] =	vst v9;
	v9 =	vadd.f32 v15, v8;
	v15 =	vld [tilespmem:s17+$0x10D00]  }
0x174: {  	[tilespmem:s17+$0xED80] =	vst v10;
	v10 =	vadd.f32 v12, v8;
	v12 =	vld [tilespmem:s17+$0x10D80]  }
0x175: {  	[tilespmem:s17+$0xEE00] =	vst v9;
	v9 =	vadd.f32 v11, v8  }
0x176: {  	[tilespmem:s17+$0x10A80] =	vst v10;
	v10 =	vadd.f32 v13, v8  }
0x177: {  	[tilespmem:s17+$0x10B00] =	vst v9;
	v9 =	vadd.f32 v14, v8  }
0x178: {  	s26 =	sand.u32 $0x1C00, s21;
	s25 =	sand.u32 $0x70, s24;
	[tilespmem:s17+$0x10B80] =	vst v10;
	v10 =	vadd.f32 v15, v8  }
0x179: {  	s25 =	sor.u32 s25, s26;
	[tilespmem:s17+$0x10C00] =	vst v9;
	v8 =	vadd.f32 v12, v8  }
0x17a: {  	v9 =	vld [tilespmem:s25+$0xAD80];
	[tilespmem:s17+$0x10D00] =	vst v10  }
0x17b: {  	v10 =	vld [tilespmem:s25+$0xAB80];
	[tilespmem:s17+$0x10D80] =	vst v8;
	s17 =	smov.u32 s25  }
0x17c: {  	v8 =	vld [tilespmem:s22+$0x0]  }
0x17d: {  	v11 =	vld [tilespmem:s17+$0xAC00]  }
0x17e: {  	v12 =	vld [tilespmem:s17+$0xAD00]  }
0x17f: {  	v13 =	vld [tilespmem:s17+$0xAB00]  }
0x180: {  	v14 =	vld [tilespmem:s17+$0xAC80]  }
0x181: {  	v15 =	vld [tilespmem:s17+$0xAA80];
	v10 =	vadd.f32 v10, v8;
	v9 =	vadd.f32 v9, v8  }
0x182: {  	v11 =	vadd.f32 v11, v8  }
0x183: {  	[tilespmem:s17+$0xAB80] =	vst v10;
	v10 =	vadd.f32 v12, v8  }
0x184: {  	v12 =	vadd.f32 v13, v8;
	[tilespmem:s17+$0xAC00] =	vst v11  }
0x185: {  	v11 =	vadd.f32 v14, v8;
	[tilespmem:s17+$0xAD00] =	vst v10  }
0x186: {  	v10 =	vadd.f32 v15, v8;
	[tilespmem:s17+$0xAB00] =	vst v12  }
0x187: {  	[tilespmem:s17+$0xAC80] =	vst v11  }
0x188: {  	s24 =	sor.u32 s21, s24;
	[tilespmem:s17+$0xAA80] =	vst v10  }
0x189: {  	s24 =	sor.u32 $0x380, s24;
	[tilespmem:s17+$0xAD80] =	vst v9  }
0x18a: {  	v9 =	vld [tilespmem:s24+$0xAA80]  }
.Ltmp1:
0x18b: {  	(pc) =	sbr.rel @p0 .LBB2_5-.Ltmp1, $2  }
0x18c: {  	_ =	sdelay $0x2  }
0x18d: {  	v9 =	vadd.f32 v9, v8  }
0x18e: {  	_ = 	snop  }
0x18f: {  	[tilespmem:s24+$0xAA80] =	vst v9  }
0x190: {  	v9 =	vld [tilespmem:s17+$0x10C80]  }
0x191: {  	v10 =	vld [tilespmem:s17+$0x10E00]  }
0x192: {  	v11 =	vld [tilespmem:s17+$0xCA80]  }
0x193: {  	v12 =	vld [tilespmem:s17+$0xCB00]  }
0x194: {  	v13 =	vld [tilespmem:s17+$0xCB80]  }
0x195: {  	v14 =	vld [tilespmem:s17+$0xCC00];
	v9 =	vadd.f32 v9, v8  }
0x196: {  	v15 =	vld [tilespmem:s17+$0xCC80];
	v10 =	vadd.f32 v10, v8  }
0x197: {  	[tilespmem:s17+$0x10C80] =	vst v9;
	v9 =	vadd.f32 v11, v8;
	v11 =	vld [tilespmem:s17+$0xCD80]  }
0x198: {  	v46 =	vld [tilespmem:s17+$0xEB80];
	[tilespmem:s17+$0x10E00] =	vst v10  }
0x199: {  	v10 =	vadd.f32 v12, v8;
	[tilespmem:s17+$0xCA80] =	vst v9;
	v9 =	vld [tilespmem:s17+$0xCE00]  }
0x19a: {  	v16 =	vld [tilespmem:s17+$0xCD00];
	v42 =	vadd.f32 v13, v8  }
0x19b: {  	v43 =	vadd.f32 v14, v8;
	[tilespmem:s17+$0xCB00] =	vst v10;
	v10 =	vld [tilespmem:s17+$0xEA80]  }
0x19c: {  	v48 =	vld [tilespmem:s17+$0xEC00];
	[tilespmem:s17+$0xCB80] =	vst v42;
	v11 =	vadd.f32 v11, v8  }
0x19d: {  	v49 =	vld [tilespmem:s17+$0xEC80];
	v13 =	vadd.f32 v46, v8;
	[tilespmem:s17+$0xCC00] =	vst v43  }
0x19e: {  	s20 =	sshll.u32 s20, $0x5;
	v9 =	vadd.f32 v9, v8;
	[tilespmem:s17+$0xCD80] =	vst v11;
	v11 =	vld [tilespmem:s17+$0xED00]  }
0x19f: {  	v51 =	vmov s20;
	v53 =	vld [tilespmem:s17+$0x10B80];
	v45 =	vadd.f32 v15, v8;
	[tilespmem:s17+$0xEB80] =	vst v13  }
0x1a0: {  	s19 =	sshrl.u32 s19, $0x2;
	v13 =	vmul.u32 $0x4D, v51;
	v10 =	vadd.f32 v10, v8;
	[tilespmem:s17+$0xCE00] =	vst v9;
	v9 =	vld [tilespmem:s17+$0xED80]  }
0x1a1: {  	s19 =	sadd.s32 s6, s19;
	v55 =	vld [tilespmem:s17+$0x10D00];
	v47 =	vadd.f32 v16, v8;
	[tilespmem:s17+$0xCC80] =	vst v45  }
0x1a2: {  	v14 =	vadd.f32 v48, v8;
	v13 =	vadd.s32 s19, v13;
	[tilespmem:s17+$0xEA80] =	vst v10;
	v10 =	vld [tilespmem:s17+$0xEE00]  }
0x1a3: {  	[tilespmem:s17+$0xCD00] =	vst v47;
	v13 =	vbroadcast v13, $0x0;
	v11 =	vadd.f32 v11, v8  }
0x1a4: {  	v44 =	vld [tilespmem:s17+$0xEB00];
	v15 =	vadd.f32 v49, v8;
	[tilespmem:s17+$0xEC00] =	vst v14  }
0x1a5: {  	v52 =	vld [tilespmem:s17+$0x10B00];
	v9 =	vadd.f32 v9, v8;
	[tilespmem:s17+$0xED00] =	vst v11;
	v11 =	vadd.s32 v0, v13  }
0x1a6: {  	v50 =	vld [tilespmem:s17+$0x10A80];
	v57 =	vadd.f32 v53, v8;
	v59 =	vadd.f32 v55, v8;
	[tilespmem:s17+$0xEC80] =	vst v15;
	v17 =	vshll.u32 v11, $0x3  }
0x1a7: {  	v54 =	vld [tilespmem:s17+$0x10C00];
	[tilespmem:s17+$0xED80] =	vst v9;
	v9 =	vadd.f32 v10, v8;
	v10 =	vand.u32 $0x7, v11;
	v11 =	vand.u32 $0xFFFFFFC0, v17  }
0x1a8: {  	[tilespmem:s17+$0x10B80] =	vst v57;
	v10 =	vor.u32 v10, v11;
	v11 =	vld [tilespmem:s17+$0x10D80]  }
0x1a9: {  	v12 =	vadd.f32 v44, v8;
	[tilespmem:s17+$0x10D00] =	vst v59;
	v56 =	vperm.xlane v10, v5  }
0x1aa: {  	[tilespmem:s17+$0xEE00] =	vst v9;
	v9 =	vadd.f32 v52, v8  }
0x1ab: {  	[tilespmem:s17+$0xEB00] =	vst v12;
	v12 =	vadd.f32 v50, v8;
	v58 =	vadd.s32 v6, v56  }
0x1ac: {  	[tilespmem:s17+$0x10B00] =	vst v9;
	v9 =	vadd.f32 v54, v8  }
0x1ad: {  	[tilespmem:s17+$0x10A80] =	vst v12;
	v8 =	vadd.f32 v11, v8  }
0x1ae: {  	s20 =	sor.u32 $0x10, s20;
	[tilespmem:s17+$0x10C00] =	vst v9  }
0x1af: {  	[tilespmem:s17+$0x10D80] =	vst v8;
	v8 =	vmov s20  }
0x1b0: {  	[hbm4b:s4+s5] =	stream.indirect_vreg.scatter [tilespmem:s28], [sflag:$0x5], $0x80, v58, vm0, $0xb8;
	v8 =	vmul.u32 $0x4D, v8;
	[tilespmem:$0x1AA80] =	vst v63  }
0x1b1: {  	v9 =	vperm.xlane v10, v7;
	s28 =	simm.s32 $0xB280  }
0x1b2: {  	[hbm4b:s11+s5] =	stream.indirect_vreg.scatter [tilespmem:s28], [sflag:$0x5], $0x80, v58, vm0, $0xb8;
	v8 =	vadd.s32 s19, v8;
	[tilespmem:$0x1AA80] =	vst v63  }
0x1b3: {  	v9 =	vadd.s32 v6, v9;
	v8 =	vbroadcast v8, $0x0  }
0x1b4: {  	[hbm4b:s12+s5] =	stream.indirect_vreg.scatter [tilespmem:s29], [sflag:$0x5], $0x80, v58, vm0, $0xb8;
	[tilespmem:$0x1AA80] =	vst v63  }
0x1b5: {  	s29 =	simm.s32 $0xC280;
	v8 =	vadd.s32 v0, v8  }
0x1b6: {  	[hbm4b:s13+s5] =	stream.indirect_vreg.scatter [tilespmem:s29], [sflag:$0x5], $0x80, v58, vm0, $0xb8;
	v10 =	vshll.u32 v8, $0x3;
	[tilespmem:$0x1AA80] =	vst v63  }
0x1b7: {  	v8 =	vand.u32 $0x7, v8;
	v10 =	vand.u32 $0xFFFFFFC0, v10  }
0x1b8: {  	[hbm4b:s4+s5] =	stream.indirect_vreg.scatter [tilespmem:s30], [sflag:$0x5], $0x80, v9, vm0, $0xb8;
	v8 =	vor.u32 v8, v10;
	[tilespmem:$0x1AA80] =	vst v63  }
0x1b9: {  	s30 =	simm.s32 $0xD280;
	v10 =	vperm.xlane v8, v5  }
0x1ba: {  	[hbm4b:s11+s5] =	stream.indirect_vreg.scatter [tilespmem:s30], [sflag:$0x5], $0x80, v9, vm0, $0xb8;
	[tilespmem:$0x1AA80] =	vst v63  }
0x1bb: {  	v10 =	vadd.s32 v6, v10  }
0x1bc: {  	[hbm4b:s12+s5] =	stream.indirect_vreg.scatter [tilespmem:s31], [sflag:$0x5], $0x80, v9, vm0, $0xb8;
	[tilespmem:$0x1AA80] =	vst v63  }
0x1bd: {  	s31 =	simm.s32 $0xE280  }
0x1be: {  	[hbm4b:s13+s5] =	stream.indirect_vreg.scatter [tilespmem:s31], [sflag:$0x5], $0x80, v9, vm0, $0xb8;
	[tilespmem:$0x1AA80] =	vst v63  }
0x1bf: {  	s22 =	simm.s32 $0xEA80  }
0x1c0: {  	[hbm4b:s4+s5] =	stream.indirect_vreg.scatter [tilespmem:s22], [sflag:$0x5], $0x80, v10, vm0, $0xb8;
	[tilespmem:$0x1AA80] =	vst v63  }
0x1c1: {  	v8 =	vperm.xlane v8, v7  }
0x1c2: {  	[hbm4b:s11+s5] =	stream.indirect_vreg.scatter [tilespmem:s15], [sflag:$0x5], $0x80, v10, vm0, $0xb8;
	[tilespmem:$0x1AA80] =	vst v63  }
0x1c3: {  	v8 =	vadd.s32 v6, v8;
	s15 =	simm.s32 $0xFA80  }
0x1c4: {  	[hbm4b:s12+s5] =	stream.indirect_vreg.scatter [tilespmem:s15], [sflag:$0x5], $0x80, v10, vm0, $0xb8;
	[tilespmem:$0x1AA80] =	vst v63  }
0x1c5: {  	_ = 	snop  }
0x1c6: {  	[hbm4b:s13+s5] =	stream.indirect_vreg.scatter [tilespmem:s2], [sflag:$0x5], $0x80, v10, vm0, $0xb8;
	[tilespmem:$0x1AA80] =	vst v63  }
0x1c7: {  	_ = 	snop  }
0x1c8: {  	[hbm4b:s4+s5] =	stream.indirect_vreg.scatter [tilespmem:s0], [sflag:$0x5], $0x80, v8, vm0, $0xb8;
	[tilespmem:$0x1AA80] =	vst v63  }
0x1c9: {  	_ = 	snop  }
0x1ca: {  	[hbm4b:s11+s5] =	stream.indirect_vreg.scatter [tilespmem:s3], [sflag:$0x5], $0x80, v8, vm0, $0xb8;
	[tilespmem:$0x1AA80] =	vst v63  }
0x1cb: {  	s3 =	simm.s32 $0x11A80  }
0x1cc: {  	[hbm4b:s12+s5] =	stream.indirect_vreg.scatter [tilespmem:s3], [sflag:$0x5], $0x80, v8, vm0, $0xb8;
	[tilespmem:$0x1AA80] =	vst v63  }
0x1cd: {  	s23 =	simm.s32 $0x12280  }
0x1ce: {  	[hbm4b:s13+s5] =	stream.indirect_vreg.scatter [tilespmem:s23], [sflag:$0x5], $0x80, v8, vm0, $0xb8;
	[tilespmem:$0x1AA80] =	vst v63  }
0x1cf: {  	_ =	swait.ge [sflag:s18], $0x4000  }
0x1d0: {  	[sflag:s18] =	ssyncset.done $0x0  }
0x1d1: {  	[sflag:s18] =	ssyncadd.s32 $0xFFFFC000  }
0x1d2: {  	s24 =	smul.u32 $0x180, s7;
	_ =	swait.ge [sflag:s18], $0x4000  }
0x1d3: {  	[sflag:s18] =	ssyncset.done $0x0  }
0x1d4: {  	s17 =	sshra.s32 s24, $0x2;
	[sflag:s18] =	ssyncadd.s32 $0xFFFFC000  }
0x1d5: {  	v8 =	vld [tilespmem:s17+$0x60];
	_ =	sdelay $0x4  }
0x1d6: {  	v9 =	vshll.u32 v8, $0x3  }
0x1d7: {  	v8 =	vand.u32 $0x7, v8;
	v9 =	vand.u32 $0xFFFFFFC0, v9  }
0x1d8: {  	v8 =	vor.u32 v8, v9  }
0x1d9: {  	v9 =	vperm.xlane v8, v5;
	_ =	sdelay $0x1  }
0x1da: {  	v9 =	vadd.s32 v6, v9;
	_ =	sdelay $0x3  }
0x1db: {  	s25 =	simm.s32 $0x2A80  }
0x1dc: {  	[tilespmem:s25], [sflag:$0x1] =	stream.indirect_vreg.gather [hbm4b:s1+s5], $0x80, v9, vm0, $0xb8;
	[tilespmem:$0x1AA80] =	vst v63  }
0x1dd: {  	s26 =	simm.s32 $0x3280;
	v8 =	vperm.xlane v8, v7  }
0x1de: {  	[tilespmem:s26], [sflag:$0x1] =	stream.indirect_vreg.gather [hbm4b:s8+s5], $0x80, v9, vm0, $0xb8;
	[tilespmem:$0x1AA80] =	vst v63  }
0x1df: {  	s0 =	simm.s32 $0x3A80;
	v8 =	vadd.s32 v6, v8  }
0x1e0: {  	[tilespmem:s0], [sflag:$0x1] =	stream.indirect_vreg.gather [hbm4b:s9+s5], $0x80, v9, vm0, $0xb8;
	[tilespmem:$0x1AA80] =	vst v63  }
0x1e1: {  	s2 =	simm.s32 $0x4280  }
0x1e2: {  	[tilespmem:s2], [sflag:$0x1] =	stream.indirect_vreg.gather [hbm4b:s10+s5], $0x80, v9, vm0, $0xb8;
	[tilespmem:$0x1AA80] =	vst v63  }
0x1e3: {  	s20 =	simm.s32 $0x4A80  }
0x1e4: {  	[tilespmem:s20], [sflag:$0x1] =	stream.indirect_vreg.gather [hbm4b:s1+s5], $0x80, v8, vm0, $0xb8;
	[tilespmem:$0x1AA80] =	vst v63  }
0x1e5: {  	s21 =	simm.s32 $0x5280  }
0x1e6: {  	[tilespmem:s21], [sflag:$0x1] =	stream.indirect_vreg.gather [hbm4b:s8+s5], $0x80, v8, vm0, $0xb8;
	[tilespmem:$0x1AA80] =	vst v63  }
0x1e7: {  	s22 =	simm.s32 $0x5A80  }
0x1e8: {  	[tilespmem:s22], [sflag:$0x1] =	stream.indirect_vreg.gather [hbm4b:s9+s5], $0x80, v8, vm0, $0xb8;
	[tilespmem:$0x1AA80] =	vst v63  }
0x1e9: {  	s23 =	simm.s32 $0x6280  }
0x1ea: {  	[tilespmem:s23], [sflag:$0x1] =	stream.indirect_vreg.gather [hbm4b:s10+s5], $0x80, v8, vm0, $0xb8;
	[tilespmem:$0x1AA80] =	vst v63  }
0x1eb: {  	v8 =	vld [tilespmem:s17+$0x70];
	_ =	sdelay $0x4  }
0x1ec: {  	v9 =	vshll.u32 v8, $0x3  }
0x1ed: {  	v8 =	vand.u32 $0x7, v8;
	v9 =	vand.u32 $0xFFFFFFC0, v9  }
0x1ee: {  	v8 =	vor.u32 v8, v9  }
0x1ef: {  	v9 =	vperm.xlane v8, v5;
	_ =	sdelay $0x1  }
0x1f0: {  	v9 =	vadd.s32 v6, v9;
	_ =	sdelay $0x3  }
0x1f1: {  	s24 =	simm.s32 $0x6A80  }
0x1f2: {  	[tilespmem:s24], [sflag:$0x1] =	stream.indirect_vreg.gather [hbm4b:s1+s5], $0x80, v9, vm0, $0xb8;
	[tilespmem:$0x1AA80] =	vst v63  }
0x1f3: {  	s25 =	simm.s32 $0x7280;
	v8 =	vperm.xlane v8, v7  }
0x1f4: {  	[tilespmem:s25], [sflag:$0x1] =	stream.indirect_vreg.gather [hbm4b:s8+s5], $0x80, v9, vm0, $0xb8;
	[tilespmem:$0x1AA80] =	vst v63  }
0x1f5: {  	s26 =	simm.s32 $0x7A80;
	v8 =	vadd.s32 v6, v8  }
0x1f6: {  	[tilespmem:s26], [sflag:$0x1] =	stream.indirect_vreg.gather [hbm4b:s9+s5], $0x80, v9, vm0, $0xb8;
	[tilespmem:$0x1AA80] =	vst v63  }
0x1f7: {  	s0 =	simm.s32 $0x8280  }
0x1f8: {  	[tilespmem:s0], [sflag:$0x1] =	stream.indirect_vreg.gather [hbm4b:s10+s5], $0x80, v9, vm0, $0xb8;
	[tilespmem:$0x1AA80] =	vst v63  }
0x1f9: {  	s2 =	simm.s32 $0x8A80  }
0x1fa: {  	[tilespmem:s2], [sflag:$0x1] =	stream.indirect_vreg.gather [hbm4b:s1+s5], $0x80, v8, vm0, $0xb8;
	[tilespmem:$0x1AA80] =	vst v63  }
0x1fb: {  	s20 =	simm.s32 $0x9280  }
0x1fc: {  	[tilespmem:s20], [sflag:$0x1] =	stream.indirect_vreg.gather [hbm4b:s8+s5], $0x80, v8, vm0, $0xb8;
	[tilespmem:$0x1AA80] =	vst v63  }
0x1fd: {  	s20 =	sand.u32 $0x3, s14  }
0x1fe: {  	s21 =	simm.s32 $0x9A80;
	p0 =	sne.s32 s20, $0x0  }
0x1ff: {  	[tilespmem:s21], [sflag:$0x1] =	stream.indirect_vreg.gather [hbm4b:s9+s5], $0x80, v8, vm0, $0xb8;
	[tilespmem:$0x1AA80] =	vst v63  }
0x200: {  	s22 =	simm.s32 $0xA280;
	s19 =	sshll.u32 @!p0 s14, $0x2  }
0x201: {  	[tilespmem:s22], [sflag:$0x1] =	stream.indirect_vreg.gather [hbm4b:s10+s5], $0x80, v8, vm0, $0xb8;
	[tilespmem:$0x1AA80] =	vst v63  }
0x202: {  	s21 =	sshll.u32 @!p0 s14, $0x5;
	s19 =	sand.u32 @!p0 $0x70, s19;
	s22 =	rddreg [dreg:$0x2]  }
0x203: {  	s23 =	simm.s32 @!p0 $0x2680;
	s21 =	sand.u32 @!p0 $0x7C00, s21;
	s19 =	sadd.s32 @!p0 s22, s19  }
0x204: {  	s22 =	simm.s32 @!p0 $0x400;
	s19 =	sadd.s32 @!p0 s21, s19;
	s21 =	simm.s32 @!p0 $0x80  }
0x205: {  	[tilespmem:s23], [sflag:$0x7] =	stream.strided.gather @!p0 [hbm4b:s19+s21], $0x400, s22, s21, $0x38;
	[tilespmem:$0x1AA80] =	vst v63  }
0x206: {  	s19 =	simm.s32 @!p0 $0x7  }
0x207: {  	_ =	swait.ge @!p0 [sflag:s19], $0x400  }
0x208: {  	[sflag:s19] =	ssyncset.done @!p0 $0x0  }
0x209: {  	s23 =	simm.s32 $0x3;
	[sflag:s19] =	ssyncadd.s32 @!p0 $0xFFFFFC00  }
0x20a: {  	s21 =	simm.s32 $0x0;
	_ =	swait.ge [sflag:s23], $0x8000  }
0x20b: {  	s24 =	sand.u32 $0x70, s21;
	s25 =	sand.u32 $0x1C00, s21;
	[sflag:s23] =	ssyncset.done $0x0  }
0x20c: {  	s22 =	simm.s32 $0x2680;
	s19 =	sor.u32 s24, s25;
	[sflag:s23] =	ssyncadd.s32 $0xFFFF8000  }
0x20d: {  	s23 =	sadd.s32 $0x12A80, s19;
	v8 =	vld [tilespmem:s22+$0x0]  }
0x20e: {  	v9 =	vld [tilespmem:s23+$0x300]  }
0x20f: {  	v10 =	vld [tilespmem:s23+$0x180]  }
0x210: {  	v11 =	vld [tilespmem:s23+$0x200]  }
0x211: {  	v60 =	vld [tilespmem:s23+$0x280]  }
0x212: {  	v61 =	vld [tilespmem:s23+$0x100]  }
0x213: {  	v62 =	vld [tilespmem:s23+$0x80];
	v9 =	vadd.f32 v9, v8  }
0x214: {  	v63 =	vld [tilespmem:s19+$0x12A80];
	v10 =	vadd.f32 v10, v8  }
0x215: {  	v11 =	vadd.f32 v11, v8;
	[tilespmem:s23+$0x300] =	vst v9  }
0x216: {  	[tilespmem:s23+$0x180] =	vst v10;
	v9 =	vadd.f32 v60, v8  }
0x217: {  	v10 =	vadd.f32 v61, v8;
	[tilespmem:s23+$0x200] =	vst v11  }
0x218: {  	v11 =	vadd.f32 v62, v8;
	[tilespmem:s23+$0x280] =	vst v9  }
0x219: {  	v9 =	vadd.f32 v63, v8;
	[tilespmem:s23+$0x100] =	vst v10  }
0x21a: {  	s26 =	sor.u32 s21, s21;
	[tilespmem:s23+$0x80] =	vst v11  }
0x21b: {  	s23 =	sor.u32 $0x380, s26;
	[tilespmem:s19+$0x12A80] =	vst v9  }
0x21c: {  	v9 =	vld [tilespmem:s23+$0x12A80];
	_ =	sdelay $0x4  }
0x21d: {  	v9 =	vadd.f32 v9, v8;
	_ =	sdelay $0x1  }
0x21e: {  	[tilespmem:s23+$0x12A80] =	vst v9  }
0x21f: {  	s23 =	simm.s32 $0x10;
	v9 =	vld [tilespmem:s19+$0x14A80]  }
.LBB2_7:
0x220: {  	p0 =	sne.s32 s23, $0x3F0;
	v10 =	vld [tilespmem:s19+$0x14B00];
	s21 =	sadd.s32 $0x80, s21;
	s22 =	sadd.s32 $0x10, s22  }
0x221: {  	s24 =	smov.u32 s23;
	s23 =	sadd.s32 $0x10, s23;
	v11 =	vld [tilespmem:s19+$0x14B80]  }
0x222: {  	v12 =	vld [tilespmem:s19+$0x14C00]  }
0x223: {  	v13 =	vld [tilespmem:s19+$0x14C80]  }
0x224: {  	v9 =	vadd.f32 v9, v8;
	v14 =	vld [tilespmem:s19+$0x14D00]  }
0x225: {  	v10 =	vadd.f32 v10, v8;
	v15 =	vld [tilespmem:s19+$0x14D80]  }
0x226: {  	[tilespmem:s19+$0x14A80] =	vst v9;
	v9 =	vadd.f32 v11, v8;
	v11 =	vld [tilespmem:s19+$0x14E00]  }
0x227: {  	[tilespmem:s19+$0x14B00] =	vst v10;
	v10 =	vadd.f32 v12, v8;
	v12 =	vld [tilespmem:s19+$0x16A80]  }
0x228: {  	[tilespmem:s19+$0x14B80] =	vst v9;
	v9 =	vadd.f32 v13, v8;
	v13 =	vld [tilespmem:s19+$0x16B00]  }
0x229: {  	[tilespmem:s19+$0x14C00] =	vst v10;
	v10 =	vadd.f32 v14, v8;
	v14 =	vld [tilespmem:s19+$0x16B80]  }
0x22a: {  	[tilespmem:s19+$0x14C80] =	vst v9;
	v9 =	vadd.f32 v15, v8;
	v15 =	vld [tilespmem:s19+$0x16C00]  }
0x22b: {  	[tilespmem:s19+$0x14D00] =	vst v10;
	v10 =	vadd.f32 v11, v8;
	v11 =	vld [tilespmem:s19+$0x16C80]  }
0x22c: {  	[tilespmem:s19+$0x14D80] =	vst v9;
	v9 =	vadd.f32 v12, v8;
	v12 =	vld [tilespmem:s19+$0x16D00]  }
0x22d: {  	[tilespmem:s19+$0x14E00] =	vst v10;
	v10 =	vadd.f32 v13, v8;
	v13 =	vld [tilespmem:s19+$0x16D80]  }
0x22e: {  	[tilespmem:s19+$0x16A80] =	vst v9;
	v9 =	vadd.f32 v14, v8;
	v14 =	vld [tilespmem:s19+$0x16E00]  }
0x22f: {  	[tilespmem:s19+$0x16B00] =	vst v10;
	v10 =	vadd.f32 v15, v8;
	v15 =	vld [tilespmem:s19+$0x18A80]  }
0x230: {  	[tilespmem:s19+$0x16B80] =	vst v9;
	v9 =	vadd.f32 v11, v8;
	v11 =	vld [tilespmem:s19+$0x18B00]  }
0x231: {  	[tilespmem:s19+$0x16C00] =	vst v10;
	v10 =	vadd.f32 v12, v8;
	v12 =	vld [tilespmem:s19+$0x18B80]  }
0x232: {  	[tilespmem:s19+$0x16C80] =	vst v9;
	v9 =	vadd.f32 v13, v8;
	v13 =	vld [tilespmem:s19+$0x18C00]  }
0x233: {  	[tilespmem:s19+$0x16D00] =	vst v10;
	v10 =	vadd.f32 v14, v8;
	v14 =	vld [tilespmem:s19+$0x18C80]  }
0x234: {  	[tilespmem:s19+$0x16D80] =	vst v9;
	v9 =	vadd.f32 v15, v8;
	v15 =	vld [tilespmem:s19+$0x18D00]  }
0x235: {  	[tilespmem:s19+$0x16E00] =	vst v10;
	v10 =	vadd.f32 v11, v8;
	v11 =	vld [tilespmem:s19+$0x18D80]  }
0x236: {  	[tilespmem:s19+$0x18A80] =	vst v9;
	v9 =	vadd.f32 v12, v8;
	v12 =	vld [tilespmem:s19+$0x18E00]  }
0x237: {  	[tilespmem:s19+$0x18B00] =	vst v10;
	v10 =	vadd.f32 v13, v8  }
0x238: {  	[tilespmem:s19+$0x18B80] =	vst v9;
	v9 =	vadd.f32 v14, v8  }
0x239: {  	[tilespmem:s19+$0x18C00] =	vst v10;
	v10 =	vadd.f32 v15, v8  }
0x23a: {  	[tilespmem:s19+$0x18C80] =	vst v9;
	v9 =	vadd.f32 v11, v8  }
0x23b: {  	[tilespmem:s19+$0x18D00] =	vst v10;
	v8 =	vadd.f32 v12, v8  }
0x23c: {  	s25 =	sand.u32 $0x70, s24;
	s26 =	sand.u32 $0x1C00, s21;
	[tilespmem:s19+$0x18D80] =	vst v9  }
0x23d: {  	[tilespmem:s19+$0x18E00] =	vst v8;
	s19 =	sor.u32 s25, s26  }
0x23e: {  	s25 =	sadd.s32 $0x12A80, s19;
	v9 =	vld [tilespmem:s19+$0x12A80]  }
0x23f: {  	v8 =	vld [tilespmem:s22+$0x0]  }
0x240: {  	v10 =	vld [tilespmem:s25+$0x300]  }
0x241: {  	v11 =	vld [tilespmem:s25+$0x180]  }
0x242: {  	v12 =	vld [tilespmem:s25+$0x200]  }
0x243: {  	v13 =	vld [tilespmem:s25+$0x280]  }
0x244: {  	v9 =	vadd.f32 v9, v8;
	v14 =	vld [tilespmem:s25+$0x100]  }
0x245: {  	v15 =	vld [tilespmem:s25+$0x80];
	v10 =	vadd.f32 v10, v8  }
0x246: {  	[tilespmem:s19+$0x12A80] =	vst v9;
	v9 =	vadd.f32 v11, v8  }
0x247: {  	v11 =	vadd.f32 v12, v8;
	[tilespmem:s25+$0x300] =	vst v10  }
0x248: {  	[tilespmem:s25+$0x180] =	vst v9;
	v9 =	vadd.f32 v13, v8  }
0x249: {  	v10 =	vadd.f32 v14, v8;
	[tilespmem:s25+$0x200] =	vst v11  }
0x24a: {  	v11 =	vadd.f32 v15, v8;
	[tilespmem:s25+$0x280] =	vst v9  }
0x24b: {  	s24 =	sor.u32 s21, s24;
	[tilespmem:s25+$0x100] =	vst v10  }
0x24c: {  	s24 =	sor.u32 $0x380, s24;
	[tilespmem:s25+$0x80] =	vst v11  }
0x24d: {  	v9 =	vld [tilespmem:s24+$0x12A80];
	_ =	sdelay $0x3  }
.Ltmp2:
0x24e: {  	(pc) =	sbr.rel @p0 .LBB2_7-.Ltmp2, $3  }
0x24f: {  	v9 =	vadd.f32 v9, v8;
	_ =	sdelay $0x1  }
0x250: {  	[tilespmem:s24+$0x12A80] =	vst v9  }
0x251: {  	v9 =	vld [tilespmem:s19+$0x14A80]  }
0x252: {  	v10 =	vld [tilespmem:s19+$0x14B00]  }
0x253: {  	v11 =	vld [tilespmem:s19+$0x14B80]  }
0x254: {  	v12 =	vld [tilespmem:s19+$0x14C00]  }
0x255: {  	v13 =	vld [tilespmem:s19+$0x14C80]  }
0x256: {  	v14 =	vld [tilespmem:s19+$0x14D00];
	v9 =	vadd.f32 v9, v8  }
0x257: {  	v15 =	vld [tilespmem:s19+$0x14D80];
	v10 =	vadd.f32 v10, v8  }
0x258: {  	v46 =	vld [tilespmem:s19+$0x18B00];
	v11 =	vadd.f32 v11, v8;
	[tilespmem:s19+$0x14A80] =	vst v9  }
0x259: {  	v41 =	vld [tilespmem:s19+$0x16C80];
	v12 =	vadd.f32 v12, v8;
	[tilespmem:s19+$0x14B00] =	vst v10  }
0x25a: {  	v16 =	vld [tilespmem:s19+$0x18C00];
	v13 =	vadd.f32 v13, v8;
	[tilespmem:s19+$0x14B80] =	vst v11  }
0x25b: {  	v49 =	vld [tilespmem:s19+$0x18C80];
	v14 =	vadd.f32 v14, v8;
	[tilespmem:s19+$0x14C00] =	vst v12  }
0x25c: {  	v36 =	vld [tilespmem:s19+$0x14E00];
	v15 =	vadd.f32 v15, v8;
	[tilespmem:s19+$0x14C80] =	vst v13  }
0x25d: {  	v51 =	vld [tilespmem:s19+$0x18D00];
	v53 =	vadd.f32 v46, v8;
	[tilespmem:s19+$0x14D00] =	vst v14  }
0x25e: {  	v43 =	vld [tilespmem:s19+$0x16D80];
	s20 =	sshll.u32 s20, $0x5;
	[tilespmem:s19+$0x14D80] =	vst v15;
	v14 =	vadd.f32 v41, v8  }
0x25f: {  	v37 =	vld [tilespmem:s19+$0x16A80];
	v48 =	vmov s20;
	v56 =	vadd.f32 v16, v8;
	[tilespmem:s19+$0x18B00] =	vst v53  }
0x260: {  	v38 =	vld [tilespmem:s19+$0x16B00];
	s14 =	sshrl.u32 s14, $0x2;
	v58 =	vadd.f32 v49, v8;
	[tilespmem:s19+$0x16C80] =	vst v14;
	v14 =	vmul.u32 $0x4D, v48  }
0x261: {  	v39 =	vld [tilespmem:s19+$0x16B80];
	s14 =	sadd.s32 s6, s14;
	v9 =	vadd.f32 v36, v8;
	[tilespmem:s19+$0x18C00] =	vst v56  }
0x262: {  	v40 =	vld [tilespmem:s19+$0x16C00];
	v59 =	vadd.f32 v51, v8;
	[tilespmem:s19+$0x18C80] =	vst v58;
	v14 =	vadd.s32 s14, v14  }
0x263: {  	v42 =	vld [tilespmem:s19+$0x16D00];
	[tilespmem:s19+$0x14E00] =	vst v9;
	v9 =	vadd.f32 v43, v8;
	v50 =	vbroadcast v14, $0x0  }
0x264: {  	v44 =	vld [tilespmem:s19+$0x16E00];
	v10 =	vadd.f32 v37, v8;
	[tilespmem:s19+$0x18D00] =	vst v59  }
0x265: {  	v45 =	vld [tilespmem:s19+$0x18A80];
	v11 =	vadd.f32 v38, v8;
	[tilespmem:s19+$0x16D80] =	vst v9;
	v9 =	vadd.s32 v0, v50  }
0x266: {  	v47 =	vld [tilespmem:s19+$0x18B80];
	v12 =	vadd.f32 v39, v8;
	[tilespmem:s19+$0x16A80] =	vst v10;
	v17 =	vshll.u32 v9, $0x3  }
0x267: {  	v52 =	vld [tilespmem:s19+$0x18D80];
	v13 =	vadd.f32 v40, v8;
	[tilespmem:s19+$0x16B00] =	vst v11;
	v9 =	vand.u32 $0x7, v9;
	v54 =	vand.u32 $0xFFFFFFC0, v17  }
0x268: {  	v55 =	vld [tilespmem:s19+$0x18E00];
	v15 =	vadd.f32 v42, v8;
	[tilespmem:s19+$0x16B80] =	vst v12;
	v9 =	vor.u32 v9, v54  }
0x269: {  	[tilespmem:s19+$0x16C00] =	vst v13;
	v10 =	vadd.f32 v44, v8;
	v57 =	vperm.xlane v9, v5  }
0x26a: {  	[tilespmem:s19+$0x16D00] =	vst v15;
	v11 =	vadd.f32 v45, v8  }
0x26b: {  	v13 =	vadd.f32 v47, v8;
	[tilespmem:s19+$0x16E00] =	vst v10;
	v60 =	vadd.s32 v6, v57  }
0x26c: {  	[tilespmem:s19+$0x18A80] =	vst v11;
	v10 =	vadd.f32 v52, v8  }
0x26d: {  	[tilespmem:s19+$0x18B80] =	vst v13;
	v8 =	vadd.f32 v55, v8  }
0x26e: {  	s20 =	sor.u32 $0x10, s20;
	[tilespmem:s19+$0x18D80] =	vst v10  }
0x26f: {  	s0 =	simm.s32 $0x12A80;
	[tilespmem:s19+$0x18E00] =	vst v8;
	v8 =	vmov s20  }
0x270: {  	v8 =	vmul.u32 $0x4D, v8;
	[hbm4b:s4+s5] =	stream.indirect_vreg.scatter [tilespmem:s0], [sflag:$0x6], $0x80, v60, vm0, $0xb8;
	[tilespmem:$0x1AA80] =	vst v63  }
0x271: {  	s24 =	simm.s32 $0x13280;
	v9 =	vperm.xlane v9, v7  }
0x272: {  	v8 =	vadd.s32 s14, v8;
	[hbm4b:s11+s5] =	stream.indirect_vreg.scatter [tilespmem:s24], [sflag:$0x6], $0x80, v60, vm0, $0xb8;
	[tilespmem:$0x1AA80] =	vst v63  }
0x273: {  	s25 =	simm.s32 $0x13A80;
	v8 =	vbroadcast v8, $0x0;
	v9 =	vadd.s32 v6, v9  }
0x274: {  	[hbm4b:s12+s5] =	stream.indirect_vreg.scatter [tilespmem:s25], [sflag:$0x6], $0x80, v60, vm0, $0xb8;
	[tilespmem:$0x1AA80] =	vst v63  }
0x275: {  	s26 =	simm.s32 $0x14280;
	v8 =	vadd.s32 v0, v8  }
0x276: {  	v61 =	vshll.u32 v8, $0x3;
	[hbm4b:s13+s5] =	stream.indirect_vreg.scatter [tilespmem:s26], [sflag:$0x6], $0x80, v60, vm0, $0xb8;
	[tilespmem:$0x1AA80] =	vst v63  }
0x277: {  	s2 =	simm.s32 $0x14A80;
	v8 =	vand.u32 $0x7, v8;
	v10 =	vand.u32 $0xFFFFFFC0, v61  }
0x278: {  	v8 =	vor.u32 v8, v10;
	[hbm4b:s4+s5] =	stream.indirect_vreg.scatter [tilespmem:s2], [sflag:$0x6], $0x80, v9, vm0, $0xb8;
	[tilespmem:$0x1AA80] =	vst v63  }
0x279: {  	s14 =	simm.s32 $0x15280;
	v10 =	vperm.xlane v8, v5  }
0x27a: {  	[hbm4b:s11+s5] =	stream.indirect_vreg.scatter [tilespmem:s14], [sflag:$0x6], $0x80, v9, vm0, $0xb8;
	[tilespmem:$0x1AA80] =	vst v63  }
0x27b: {  	s19 =	simm.s32 $0x15A80;
	v10 =	vadd.s32 v6, v10  }
0x27c: {  	[hbm4b:s12+s5] =	stream.indirect_vreg.scatter [tilespmem:s19], [sflag:$0x6], $0x80, v9, vm0, $0xb8;
	[tilespmem:$0x1AA80] =	vst v63  }
0x27d: {  	s20 =	simm.s32 $0x16280  }
0x27e: {  	[hbm4b:s13+s5] =	stream.indirect_vreg.scatter [tilespmem:s20], [sflag:$0x6], $0x80, v9, vm0, $0xb8;
	[tilespmem:$0x1AA80] =	vst v63  }
0x27f: {  	s21 =	simm.s32 $0x16A80  }
0x280: {  	[hbm4b:s4+s5] =	stream.indirect_vreg.scatter [tilespmem:s21], [sflag:$0x6], $0x80, v10, vm0, $0xb8;
	[tilespmem:$0x1AA80] =	vst v63  }
0x281: {  	s22 =	simm.s32 $0x17280;
	v8 =	vperm.xlane v8, v7  }
0x282: {  	[hbm4b:s11+s5] =	stream.indirect_vreg.scatter [tilespmem:s22], [sflag:$0x6], $0x80, v10, vm0, $0xb8;
	[tilespmem:$0x1AA80] =	vst v63  }
0x283: {  	s23 =	simm.s32 $0x17A80;
	v8 =	vadd.s32 v6, v8  }
0x284: {  	[hbm4b:s12+s5] =	stream.indirect_vreg.scatter [tilespmem:s23], [sflag:$0x6], $0x80, v10, vm0, $0xb8;
	[tilespmem:$0x1AA80] =	vst v63  }
0x285: {  	s24 =	simm.s32 $0x18280  }
0x286: {  	[hbm4b:s13+s5] =	stream.indirect_vreg.scatter [tilespmem:s24], [sflag:$0x6], $0x80, v10, vm0, $0xb8;
	[tilespmem:$0x1AA80] =	vst v63  }
0x287: {  	s25 =	simm.s32 $0x18A80  }
0x288: {  	[hbm4b:s4+s5] =	stream.indirect_vreg.scatter [tilespmem:s25], [sflag:$0x6], $0x80, v8, vm0, $0xb8;
	[tilespmem:$0x1AA80] =	vst v63  }
0x289: {  	s26 =	simm.s32 $0x19280  }
0x28a: {  	[hbm4b:s11+s5] =	stream.indirect_vreg.scatter [tilespmem:s26], [sflag:$0x6], $0x80, v8, vm0, $0xb8;
	[tilespmem:$0x1AA80] =	vst v63  }
0x28b: {  	s2 =	simm.s32 $0x19A80  }
0x28c: {  	[hbm4b:s12+s5] =	stream.indirect_vreg.scatter [tilespmem:s2], [sflag:$0x6], $0x80, v8, vm0, $0xb8;
	[tilespmem:$0x1AA80] =	vst v63  }
0x28d: {  	s14 =	simm.s32 $0x1A280  }
0x28e: {  	[hbm4b:s13+s5] =	stream.indirect_vreg.scatter [tilespmem:s14], [sflag:$0x6], $0x80, v8, vm0, $0xb8;
	[tilespmem:$0x1AA80] =	vst v63  }
0x28f: {  	_ =	swait.ge [sflag:s16], $0x4000  }
0x290: {  	[sflag:s16] =	ssyncset.done $0x0  }
0x291: {  	[sflag:s16] =	ssyncadd.s32 $0xFFFFC000  }
0x292: {  	_ =	swait.ge [sflag:s16], $0x4000  }
0x293: {  	[sflag:s16] =	ssyncset.done $0x0  }
0x294: {  	[sflag:s16] =	ssyncadd.s32 $0xFFFFC000  }
0x295: {  	v8 =	vld [tilespmem:s17+$0x80];
	_ =	sdelay $0x4  }
0x296: {  	v62 =	vshll.u32 v8, $0x3  }
0x297: {  	v8 =	vand.u32 $0x7, v8;
	v9 =	vand.u32 $0xFFFFFFC0, v62  }
0x298: {  	v8 =	vor.u32 v8, v9  }
0x299: {  	v9 =	vperm.xlane v8, v5;
	_ =	sdelay $0x1  }
0x29a: {  	v9 =	vadd.s32 v6, v9;
	_ =	sdelay $0x3  }
0x29b: {  	s23 =	simm.s32 $0xAA80  }
0x29c: {  	[tilespmem:s23], [sflag:$0x2] =	stream.indirect_vreg.gather [hbm4b:s1+s5], $0x80, v9, vm0, $0xb8;
	[tilespmem:$0x1AA80] =	vst v63  }
0x29d: {  	v8 =	vperm.xlane v8, v7  }
0x29e: {  	[tilespmem:s28], [sflag:$0x2] =	stream.indirect_vreg.gather [hbm4b:s8+s5], $0x80, v9, vm0, $0xb8;
	[tilespmem:$0x1AA80] =	vst v63  }
0x29f: {  	s24 =	simm.s32 $0xBA80;
	v8 =	vadd.s32 v6, v8  }
0x2a0: {  	[tilespmem:s24], [sflag:$0x2] =	stream.indirect_vreg.gather [hbm4b:s9+s5], $0x80, v9, vm0, $0xb8;
	[tilespmem:$0x1AA80] =	vst v63  }
0x2a1: {  	_ = 	snop  }
0x2a2: {  	[tilespmem:s29], [sflag:$0x2] =	stream.indirect_vreg.gather [hbm4b:s10+s5], $0x80, v9, vm0, $0xb8;
	[tilespmem:$0x1AA80] =	vst v63  }
0x2a3: {  	s25 =	simm.s32 $0xCA80  }
0x2a4: {  	[tilespmem:s25], [sflag:$0x2] =	stream.indirect_vreg.gather [hbm4b:s1+s5], $0x80, v8, vm0, $0xb8;
	[tilespmem:$0x1AA80] =	vst v63  }
0x2a5: {  	_ = 	snop  }
0x2a6: {  	[tilespmem:s30], [sflag:$0x2] =	stream.indirect_vreg.gather [hbm4b:s8+s5], $0x80, v8, vm0, $0xb8;
	[tilespmem:$0x1AA80] =	vst v63  }
0x2a7: {  	s26 =	simm.s32 $0xDA80  }
0x2a8: {  	[tilespmem:s26], [sflag:$0x2] =	stream.indirect_vreg.gather [hbm4b:s9+s5], $0x80, v8, vm0, $0xb8;
	[tilespmem:$0x1AA80] =	vst v63  }
0x2a9: {  	_ = 	snop  }
0x2aa: {  	[tilespmem:s31], [sflag:$0x2] =	stream.indirect_vreg.gather [hbm4b:s10+s5], $0x80, v8, vm0, $0xb8;
	[tilespmem:$0x1AA80] =	vst v63  }
0x2ab: {  	v8 =	vld [tilespmem:s17+$0x90];
	_ =	sdelay $0x4  }
0x2ac: {  	v63 =	vshll.u32 v8, $0x3  }
0x2ad: {  	v8 =	vand.u32 $0x7, v8;
	v9 =	vand.u32 $0xFFFFFFC0, v63  }
0x2ae: {  	v8 =	vor.u32 v8, v9  }
0x2af: {  	v9 =	vperm.xlane v8, v5;
	_ =	sdelay $0x1  }
0x2b0: {  	v9 =	vadd.s32 v6, v9;
	_ =	sdelay $0x3  }
0x2b1: {  	s19 =	simm.s32 $0xEA80  }
0x2b2: {  	[tilespmem:s19], [sflag:$0x2] =	stream.indirect_vreg.gather [hbm4b:s1+s5], $0x80, v9, vm0, $0xb8;
	[tilespmem:$0x1AA80] =	vst v63  }
0x2b3: {  	s20 =	simm.s32 $0xF280;
	v8 =	vperm.xlane v8, v7  }
0x2b4: {  	[tilespmem:s20], [sflag:$0x2] =	stream.indirect_vreg.gather [hbm4b:s8+s5], $0x80, v9, vm0, $0xb8;
	[tilespmem:$0x1AA80] =	vst v63  }
0x2b5: {  	v8 =	vadd.s32 v6, v8  }
0x2b6: {  	[tilespmem:s15], [sflag:$0x2] =	stream.indirect_vreg.gather [hbm4b:s9+s5], $0x80, v9, vm0, $0xb8;
	[tilespmem:$0x1AA80] =	vst v63  }
0x2b7: {  	s2 =	simm.s32 $0x10280  }
0x2b8: {  	[tilespmem:s2], [sflag:$0x2] =	stream.indirect_vreg.gather [hbm4b:s10+s5], $0x80, v9, vm0, $0xb8;
	[tilespmem:$0x1AA80] =	vst v63  }
0x2b9: {  	s7 =	sadd.s32 $0x1, s7;
	s21 =	simm.s32 $0x10A80  }
0x2ba: {  	[tilespmem:s21], [sflag:$0x2] =	stream.indirect_vreg.gather [hbm4b:s1+s5], $0x80, v8, vm0, $0xb8;
	[tilespmem:$0x1AA80] =	vst v63  }
0x2bb: {  	p0 =	sne.s32 s7, $0x66;
	s0 =	simm.s32 $0x11280  }
0x2bc: {  	[tilespmem:s0], [sflag:$0x2] =	stream.indirect_vreg.gather [hbm4b:s8+s5], $0x80, v8, vm0, $0xb8;
	[tilespmem:$0x1AA80] =	vst v63  }
.Ltmp3:
0x2bd: {  	_ = 	snop;
	(pc) =	sbr.rel @p0 .LBB2_2-.Ltmp3, $4  }
0x2be: {  	_ = 	snop  }
0x2bf: {  	[tilespmem:s3], [sflag:$0x2] =	stream.indirect_vreg.gather [hbm4b:s9+s5], $0x80, v8, vm0, $0xb8;
	[tilespmem:$0x1AA80] =	vst v63  }
0x2c0: {  	s22 =	simm.s32 $0x12280  }
0x2c1: {  	[tilespmem:s22], [sflag:$0x2] =	stream.indirect_vreg.gather [hbm4b:s10+s5], $0x80, v8, vm0, $0xb8;
	[tilespmem:$0x1AA80] =	vst v63  }
0x2c2: {  	s2 =	simm.s32 $0x1  }
0x2c3: {  	s14 =	simm.s32 $0x0;
	_ =	swait.ge [sflag:s2], $0x8000  }
0x2c4: {  	s7 =	sand.u32 $0x70, s14;
	s17 =	sand.u32 $0x1C00, s14;
	[sflag:s2] =	ssyncset.done $0x0  }
0x2c5: {  	s7 =	sor.u32 s7, s17;
	[sflag:s2] =	ssyncadd.s32 $0xFFFF8000  }
0x2c6: {  	s17 =	simm.s32 $0x2680;
	v9 =	vld [tilespmem:s7+$0x2B80]  }
0x2c7: {  	v8 =	vld [tilespmem:s17+$0x0]  }
0x2c8: {  	v10 =	vld [tilespmem:s7+$0x2C00]  }
0x2c9: {  	v11 =	vld [tilespmem:s7+$0x2D00]  }
0x2ca: {  	v12 =	vld [tilespmem:s7+$0x2B00]  }
0x2cb: {  	v13 =	vld [tilespmem:s7+$0x2C80]  }
0x2cc: {  	v14 =	vld [tilespmem:s7+$0x2A80];
	v9 =	vadd.f32 v9, v8  }
0x2cd: {  	v15 =	vld [tilespmem:s7+$0x2D80];
	v10 =	vadd.f32 v10, v8  }
0x2ce: {  	[tilespmem:s7+$0x2B80] =	vst v9;
	v9 =	vadd.f32 v11, v8  }
0x2cf: {  	v11 =	vadd.f32 v12, v8;
	[tilespmem:s7+$0x2C00] =	vst v10  }
0x2d0: {  	v10 =	vadd.f32 v13, v8;
	[tilespmem:s7+$0x2D00] =	vst v9  }
0x2d1: {  	v9 =	vadd.f32 v14, v8;
	[tilespmem:s7+$0x2B00] =	vst v11  }
0x2d2: {  	v11 =	vadd.f32 v15, v8;
	[tilespmem:s7+$0x2C80] =	vst v10  }
0x2d3: {  	s19 =	sor.u32 s14, s14;
	[tilespmem:s7+$0x2A80] =	vst v9  }
0x2d4: {  	s20 =	sor.u32 $0x380, s19;
	[tilespmem:s7+$0x2D80] =	vst v11  }
0x2d5: {  	v9 =	vld [tilespmem:s20+$0x2A80];
	_ =	sdelay $0x4  }
0x2d6: {  	s19 =	simm.s32 $0x10;
	v9 =	vadd.f32 v9, v8  }
.LBB2_10:
0x2d7: {  	_ = 	snop  }
0x2d8: {  	p0 =	sne.s32 s19, $0x3F0;
	s14 =	sadd.s32 $0x80, s14;
	s17 =	sadd.s32 $0x10, s17;
	[tilespmem:s20+$0x2A80] =	vst v9  }
0x2d9: {  	s20 =	smov.u32 s19;
	s19 =	sadd.s32 $0x10, s19;
	v9 =	vld [tilespmem:s7+$0x8C80]  }
0x2da: {  	v10 =	vld [tilespmem:s7+$0x8E00]  }
0x2db: {  	v11 =	vld [tilespmem:s7+$0x4A80]  }
0x2dc: {  	v12 =	vld [tilespmem:s7+$0x4B00]  }
0x2dd: {  	v13 =	vld [tilespmem:s7+$0x4B80]  }
0x2de: {  	v14 =	vld [tilespmem:s7+$0x4C00];
	v9 =	vadd.f32 v9, v8  }
0x2df: {  	v15 =	vld [tilespmem:s7+$0x4C80];
	v10 =	vadd.f32 v10, v8  }
0x2e0: {  	v11 =	vadd.f32 v11, v8;
	v16 =	vld [tilespmem:s7+$0x4D00];
	[tilespmem:s7+$0x8C80] =	vst v9  }
0x2e1: {  	v9 =	vadd.f32 v12, v8;
	v12 =	vld [tilespmem:s7+$0x4D80];
	[tilespmem:s7+$0x8E00] =	vst v10  }
0x2e2: {  	[tilespmem:s7+$0x4A80] =	vst v11;
	v10 =	vadd.f32 v13, v8;
	v11 =	vld [tilespmem:s7+$0x4E00]  }
0x2e3: {  	[tilespmem:s7+$0x4B00] =	vst v9;
	v9 =	vadd.f32 v14, v8;
	v13 =	vld [tilespmem:s7+$0x6A80]  }
0x2e4: {  	[tilespmem:s7+$0x4B80] =	vst v10;
	v10 =	vadd.f32 v15, v8;
	v14 =	vld [tilespmem:s7+$0x6B00]  }
0x2e5: {  	[tilespmem:s7+$0x4C00] =	vst v9;
	v9 =	vadd.f32 v16, v8;
	v15 =	vld [tilespmem:s7+$0x6B80]  }
0x2e6: {  	[tilespmem:s7+$0x4C80] =	vst v10;
	v10 =	vadd.f32 v12, v8;
	v12 =	vld [tilespmem:s7+$0x6C00]  }
0x2e7: {  	[tilespmem:s7+$0x4D00] =	vst v9;
	v9 =	vadd.f32 v11, v8;
	v11 =	vld [tilespmem:s7+$0x6C80]  }
0x2e8: {  	[tilespmem:s7+$0x4D80] =	vst v10;
	v10 =	vadd.f32 v13, v8;
	v13 =	vld [tilespmem:s7+$0x6D00]  }
0x2e9: {  	[tilespmem:s7+$0x4E00] =	vst v9;
	v9 =	vadd.f32 v14, v8;
	v14 =	vld [tilespmem:s7+$0x6D80]  }
0x2ea: {  	[tilespmem:s7+$0x6A80] =	vst v10;
	v10 =	vadd.f32 v15, v8;
	v15 =	vld [tilespmem:s7+$0x6E00]  }
0x2eb: {  	[tilespmem:s7+$0x6B00] =	vst v9;
	v9 =	vadd.f32 v12, v8;
	v12 =	vld [tilespmem:s7+$0x8A80]  }
0x2ec: {  	[tilespmem:s7+$0x6B80] =	vst v10;
	v10 =	vadd.f32 v11, v8;
	v11 =	vld [tilespmem:s7+$0x8B00]  }
0x2ed: {  	[tilespmem:s7+$0x6C00] =	vst v9;
	v9 =	vadd.f32 v13, v8;
	v13 =	vld [tilespmem:s7+$0x8B80]  }
0x2ee: {  	[tilespmem:s7+$0x6C80] =	vst v10;
	v10 =	vadd.f32 v14, v8;
	v14 =	vld [tilespmem:s7+$0x8C00]  }
0x2ef: {  	[tilespmem:s7+$0x6D00] =	vst v9;
	v9 =	vadd.f32 v15, v8;
	v15 =	vld [tilespmem:s7+$0x8D00]  }
0x2f0: {  	[tilespmem:s7+$0x6D80] =	vst v10;
	v10 =	vadd.f32 v12, v8;
	v12 =	vld [tilespmem:s7+$0x8D80]  }
0x2f1: {  	[tilespmem:s7+$0x6E00] =	vst v9;
	v9 =	vadd.f32 v11, v8  }
0x2f2: {  	[tilespmem:s7+$0x8A80] =	vst v10;
	v10 =	vadd.f32 v13, v8  }
0x2f3: {  	[tilespmem:s7+$0x8B00] =	vst v9;
	v9 =	vadd.f32 v14, v8  }
0x2f4: {  	s22 =	sand.u32 $0x1C00, s14;
	s21 =	sand.u32 $0x70, s20;
	[tilespmem:s7+$0x8B80] =	vst v10;
	v10 =	vadd.f32 v15, v8  }
0x2f5: {  	s21 =	sor.u32 s21, s22;
	[tilespmem:s7+$0x8C00] =	vst v9;
	v8 =	vadd.f32 v12, v8  }
0x2f6: {  	v9 =	vld [tilespmem:s21+$0x2D80];
	[tilespmem:s7+$0x8D00] =	vst v10  }
0x2f7: {  	v10 =	vld [tilespmem:s21+$0x2B80];
	[tilespmem:s7+$0x8D80] =	vst v8;
	s7 =	smov.u32 s21  }
0x2f8: {  	v8 =	vld [tilespmem:s17+$0x0]  }
0x2f9: {  	v11 =	vld [tilespmem:s7+$0x2C00]  }
0x2fa: {  	v12 =	vld [tilespmem:s7+$0x2D00]  }
0x2fb: {  	v13 =	vld [tilespmem:s7+$0x2B00]  }
0x2fc: {  	v14 =	vld [tilespmem:s7+$0x2C80]  }
0x2fd: {  	v15 =	vld [tilespmem:s7+$0x2A80];
	v10 =	vadd.f32 v10, v8;
	v9 =	vadd.f32 v9, v8  }
0x2fe: {  	v11 =	vadd.f32 v11, v8  }
0x2ff: {  	[tilespmem:s7+$0x2B80] =	vst v10;
	v10 =	vadd.f32 v12, v8  }
0x300: {  	v12 =	vadd.f32 v13, v8;
	[tilespmem:s7+$0x2C00] =	vst v11  }
0x301: {  	v11 =	vadd.f32 v14, v8;
	[tilespmem:s7+$0x2D00] =	vst v10  }
0x302: {  	v10 =	vadd.f32 v15, v8;
	[tilespmem:s7+$0x2B00] =	vst v12  }
0x303: {  	[tilespmem:s7+$0x2C80] =	vst v11  }
0x304: {  	s20 =	sor.u32 s14, s20;
	[tilespmem:s7+$0x2A80] =	vst v10  }
0x305: {  	s20 =	sor.u32 $0x380, s20;
	[tilespmem:s7+$0x2D80] =	vst v9  }
0x306: {  	v9 =	vld [tilespmem:s20+$0x2A80]  }
.Ltmp4:
0x307: {  	(pc) =	sbr.rel @p0 .LBB2_10-.Ltmp4, $2  }
0x308: {  	_ =	sdelay $0x2  }
0x309: {  	v9 =	vadd.f32 v9, v8  }
0x30a: {  	_ = 	snop  }
0x30b: {  	[tilespmem:s20+$0x2A80] =	vst v9  }
0x30c: {  	v9 =	vld [tilespmem:s7+$0x8C80]  }
0x30d: {  	v10 =	vld [tilespmem:s7+$0x8E00]  }
0x30e: {  	v11 =	vld [tilespmem:s7+$0x4A80]  }
0x30f: {  	v12 =	vld [tilespmem:s7+$0x4B00]  }
0x310: {  	v13 =	vld [tilespmem:s7+$0x4B80]  }
0x311: {  	v14 =	vld [tilespmem:s7+$0x4C00];
	v9 =	vadd.f32 v9, v8  }
0x312: {  	v15 =	vld [tilespmem:s7+$0x4C80];
	v10 =	vadd.f32 v10, v8  }
0x313: {  	v16 =	vld [tilespmem:s7+$0x4D00];
	[tilespmem:s7+$0x8C80] =	vst v9;
	v9 =	vadd.f32 v11, v8  }
0x314: {  	v11 =	vld [tilespmem:s7+$0x4D80];
	[tilespmem:s7+$0x8E00] =	vst v10;
	v10 =	vadd.f32 v12, v8  }
0x315: {  	v46 =	vadd.f32 v13, v8;
	[tilespmem:s7+$0x4A80] =	vst v9;
	v9 =	vld [tilespmem:s7+$0x4E00]  }
0x316: {  	v47 =	vadd.f32 v14, v8;
	[tilespmem:s7+$0x4B00] =	vst v10;
	v10 =	vld [tilespmem:s7+$0x6A80]  }
0x317: {  	v50 =	vld [tilespmem:s7+$0x6B80];
	v49 =	vadd.f32 v15, v8;
	[tilespmem:s7+$0x4B80] =	vst v46  }
0x318: {  	v52 =	vld [tilespmem:s7+$0x6C00];
	v51 =	vadd.f32 v16, v8;
	[tilespmem:s7+$0x4C00] =	vst v47  }
0x319: {  	v53 =	vld [tilespmem:s7+$0x6C80];
	[tilespmem:s7+$0x4C80] =	vst v49;
	v11 =	vadd.f32 v11, v8  }
0x31a: {  	v48 =	vld [tilespmem:s7+$0x6B00];
	[tilespmem:s7+$0x4D00] =	vst v51;
	v9 =	vadd.f32 v9, v8  }
0x31b: {  	[tilespmem:s7+$0x4D80] =	vst v11;
	v11 =	vld [tilespmem:s7+$0x6D00];
	v10 =	vadd.f32 v10, v8  }
0x31c: {  	v13 =	vadd.f32 v50, v8;
	[tilespmem:s7+$0x4E00] =	vst v9;
	v9 =	vld [tilespmem:s7+$0x6D80]  }
0x31d: {  	v14 =	vadd.f32 v52, v8;
	[tilespmem:s7+$0x6A80] =	vst v10;
	v10 =	vld [tilespmem:s7+$0x6E00]  }
0x31e: {  	v54 =	vld [tilespmem:s7+$0x8A80];
	v15 =	vadd.f32 v53, v8;
	[tilespmem:s7+$0x6B80] =	vst v13  }
0x31f: {  	v55 =	vld [tilespmem:s7+$0x8B00];
	v12 =	vadd.f32 v48, v8;
	[tilespmem:s7+$0x6C00] =	vst v14  }
0x320: {  	v56 =	vld [tilespmem:s7+$0x8B80];
	[tilespmem:s7+$0x6C80] =	vst v15;
	v11 =	vadd.f32 v11, v8  }
0x321: {  	v57 =	vld [tilespmem:s7+$0x8C00];
	[tilespmem:s7+$0x6B00] =	vst v12;
	v9 =	vadd.f32 v9, v8  }
0x322: {  	[tilespmem:s7+$0x6D00] =	vst v11;
	v11 =	vld [tilespmem:s7+$0x8D00];
	v10 =	vadd.f32 v10, v8  }
0x323: {  	v58 =	vld [tilespmem:s7+$0x8D80];
	[tilespmem:s7+$0x6D80] =	vst v9;
	v9 =	vadd.f32 v54, v8  }
0x324: {  	v59 =	vperm.xlane v1, v5;
	[tilespmem:s7+$0x6E00] =	vst v10;
	v10 =	vadd.f32 v55, v8  }
0x325: {  	[tilespmem:s7+$0x8A80] =	vst v9;
	v9 =	vadd.f32 v56, v8  }
0x326: {  	v13 =	vadd.s32 v6, v59;
	[tilespmem:s7+$0x8B00] =	vst v10;
	v10 =	vadd.f32 v57, v8  }
0x327: {  	[tilespmem:s7+$0x8B80] =	vst v9;
	v9 =	vadd.f32 v11, v8  }
0x328: {  	[tilespmem:s7+$0x8C00] =	vst v10;
	v8 =	vadd.f32 v58, v8  }
0x329: {  	[tilespmem:s7+$0x8D00] =	vst v9  }
0x32a: {  	s14 =	simm.s32 $0x0;
	s20 =	simm.s32 $0x2A80;
	[tilespmem:s7+$0x8D80] =	vst v8  }
0x32b: {  	[hbm4b:s4+s14] =	stream.indirect_vreg.scatter [tilespmem:s20], [sflag:$0x4], $0x80, v13, vm0, $0xb8;
	[tilespmem:$0x1AA80] =	vst v63  }
0x32c: {  	s21 =	simm.s32 $0x3280;
	v8 =	vperm.xlane v1, v7  }
0x32d: {  	[hbm4b:s11+s14] =	stream.indirect_vreg.scatter [tilespmem:s21], [sflag:$0x4], $0x80, v13, vm0, $0xb8;
	[tilespmem:$0x1AA80] =	vst v63  }
0x32e: {  	s22 =	simm.s32 $0x3A80;
	v8 =	vadd.s32 v6, v8  }
0x32f: {  	[hbm4b:s12+s14] =	stream.indirect_vreg.scatter [tilespmem:s22], [sflag:$0x4], $0x80, v13, vm0, $0xb8;
	[tilespmem:$0x1AA80] =	vst v63  }
0x330: {  	s2 =	simm.s32 $0x4280  }
0x331: {  	[hbm4b:s13+s14] =	stream.indirect_vreg.scatter [tilespmem:s2], [sflag:$0x4], $0x80, v13, vm0, $0xb8;
	[tilespmem:$0x1AA80] =	vst v63  }
0x332: {  	s15 =	simm.s32 $0x4A80  }
0x333: {  	[hbm4b:s4+s14] =	stream.indirect_vreg.scatter [tilespmem:s15], [sflag:$0x4], $0x80, v8, vm0, $0xb8;
	[tilespmem:$0x1AA80] =	vst v63  }
0x334: {  	s17 =	simm.s32 $0x5280;
	v9 =	vperm.xlane v2, v5  }
0x335: {  	[hbm4b:s11+s14] =	stream.indirect_vreg.scatter [tilespmem:s17], [sflag:$0x4], $0x80, v8, vm0, $0xb8;
	[tilespmem:$0x1AA80] =	vst v63  }
0x336: {  	s19 =	simm.s32 $0x5A80;
	v9 =	vadd.s32 v6, v9  }
0x337: {  	[hbm4b:s12+s14] =	stream.indirect_vreg.scatter [tilespmem:s19], [sflag:$0x4], $0x80, v8, vm0, $0xb8;
	[tilespmem:$0x1AA80] =	vst v63  }
0x338: {  	s20 =	simm.s32 $0x6280  }
0x339: {  	[hbm4b:s13+s14] =	stream.indirect_vreg.scatter [tilespmem:s20], [sflag:$0x4], $0x80, v8, vm0, $0xb8;
	[tilespmem:$0x1AA80] =	vst v63  }
0x33a: {  	s21 =	simm.s32 $0x6A80  }
0x33b: {  	[hbm4b:s4+s14] =	stream.indirect_vreg.scatter [tilespmem:s21], [sflag:$0x4], $0x80, v9, vm0, $0xb8;
	[tilespmem:$0x1AA80] =	vst v63  }
0x33c: {  	s22 =	simm.s32 $0x7280;
	v8 =	vperm.xlane v2, v7  }
0x33d: {  	[hbm4b:s11+s14] =	stream.indirect_vreg.scatter [tilespmem:s22], [sflag:$0x4], $0x80, v9, vm0, $0xb8;
	[tilespmem:$0x1AA80] =	vst v63  }
0x33e: {  	s2 =	simm.s32 $0x7A80;
	v8 =	vadd.s32 v6, v8  }
0x33f: {  	[hbm4b:s12+s14] =	stream.indirect_vreg.scatter [tilespmem:s2], [sflag:$0x4], $0x80, v9, vm0, $0xb8;
	[tilespmem:$0x1AA80] =	vst v63  }
0x340: {  	s15 =	simm.s32 $0x8280  }
0x341: {  	[hbm4b:s13+s14] =	stream.indirect_vreg.scatter [tilespmem:s15], [sflag:$0x4], $0x80, v9, vm0, $0xb8;
	[tilespmem:$0x1AA80] =	vst v63  }
0x342: {  	s17 =	simm.s32 $0x8A80  }
0x343: {  	[hbm4b:s4+s14] =	stream.indirect_vreg.scatter [tilespmem:s17], [sflag:$0x4], $0x80, v8, vm0, $0xb8;
	[tilespmem:$0x1AA80] =	vst v63  }
0x344: {  	s19 =	simm.s32 $0x9280  }
0x345: {  	[hbm4b:s11+s14] =	stream.indirect_vreg.scatter [tilespmem:s19], [sflag:$0x4], $0x80, v8, vm0, $0xb8;
	[tilespmem:$0x1AA80] =	vst v63  }
0x346: {  	s20 =	simm.s32 $0x9A80  }
0x347: {  	[hbm4b:s12+s14] =	stream.indirect_vreg.scatter [tilespmem:s20], [sflag:$0x4], $0x80, v8, vm0, $0xb8;
	[tilespmem:$0x1AA80] =	vst v63  }
0x348: {  	s21 =	simm.s32 $0xA280;
	s2 =	simm.s32 $0x2  }
0x349: {  	[hbm4b:s13+s14] =	stream.indirect_vreg.scatter [tilespmem:s21], [sflag:$0x4], $0x80, v8, vm0, $0xb8;
	[tilespmem:$0x1AA80] =	vst v63  }
0x34a: {  	_ =	swait.ge [sflag:s2], $0x8000  }
0x34b: {  	s22 =	sand.u32 $0x70, s14;
	s17 =	sand.u32 $0x1C00, s14;
	[sflag:s2] =	ssyncset.done $0x0  }
0x34c: {  	s7 =	sor.u32 s22, s17;
	[sflag:s2] =	ssyncadd.s32 $0xFFFF8000  }
0x34d: {  	s17 =	simm.s32 $0x2680;
	v9 =	vld [tilespmem:s7+$0xAB80]  }
0x34e: {  	v8 =	vld [tilespmem:s17+$0x0]  }
0x34f: {  	v10 =	vld [tilespmem:s7+$0xAC00]  }
0x350: {  	v11 =	vld [tilespmem:s7+$0xAD00]  }
0x351: {  	v60 =	vld [tilespmem:s7+$0xAB00]  }
0x352: {  	v61 =	vld [tilespmem:s7+$0xAC80]  }
0x353: {  	v62 =	vld [tilespmem:s7+$0xAA80];
	v9 =	vadd.f32 v9, v8  }
0x354: {  	v63 =	vld [tilespmem:s7+$0xAD80];
	v10 =	vadd.f32 v10, v8  }
0x355: {  	[tilespmem:s7+$0xAB80] =	vst v9;
	v9 =	vadd.f32 v11, v8  }
0x356: {  	v11 =	vadd.f32 v60, v8;
	[tilespmem:s7+$0xAC00] =	vst v10  }
0x357: {  	v10 =	vadd.f32 v61, v8;
	[tilespmem:s7+$0xAD00] =	vst v9  }
0x358: {  	v9 =	vadd.f32 v62, v8;
	[tilespmem:s7+$0xAB00] =	vst v11  }
0x359: {  	v11 =	vadd.f32 v63, v8;
	[tilespmem:s7+$0xAC80] =	vst v10  }
0x35a: {  	s19 =	sor.u32 s14, s14;
	[tilespmem:s7+$0xAA80] =	vst v9  }
0x35b: {  	s20 =	sor.u32 $0x380, s19;
	[tilespmem:s7+$0xAD80] =	vst v11  }
0x35c: {  	v9 =	vld [tilespmem:s20+$0xAA80];
	_ =	sdelay $0x4  }
0x35d: {  	s19 =	simm.s32 $0x10;
	v9 =	vadd.f32 v9, v8  }
.LBB2_12:
0x35e: {  	_ = 	snop  }
0x35f: {  	p0 =	sne.s32 s19, $0x3F0;
	s14 =	sadd.s32 $0x80, s14;
	s17 =	sadd.s32 $0x10, s17;
	[tilespmem:s20+$0xAA80] =	vst v9  }
0x360: {  	s20 =	smov.u32 s19;
	s19 =	sadd.s32 $0x10, s19;
	v9 =	vld [tilespmem:s7+$0x10C80]  }
0x361: {  	v10 =	vld [tilespmem:s7+$0x10E00]  }
0x362: {  	v11 =	vld [tilespmem:s7+$0xCA80]  }
0x363: {  	v12 =	vld [tilespmem:s7+$0xCB00]  }
0x364: {  	v13 =	vld [tilespmem:s7+$0xCB80]  }
0x365: {  	v14 =	vld [tilespmem:s7+$0xCC00];
	v9 =	vadd.f32 v9, v8  }
0x366: {  	v15 =	vld [tilespmem:s7+$0xCC80];
	v10 =	vadd.f32 v10, v8  }
0x367: {  	v11 =	vadd.f32 v11, v8;
	v16 =	vld [tilespmem:s7+$0xCD00];
	[tilespmem:s7+$0x10C80] =	vst v9  }
0x368: {  	v9 =	vadd.f32 v12, v8;
	v12 =	vld [tilespmem:s7+$0xCD80];
	[tilespmem:s7+$0x10E00] =	vst v10  }
0x369: {  	[tilespmem:s7+$0xCA80] =	vst v11;
	v10 =	vadd.f32 v13, v8;
	v11 =	vld [tilespmem:s7+$0xCE00]  }
0x36a: {  	[tilespmem:s7+$0xCB00] =	vst v9;
	v9 =	vadd.f32 v14, v8;
	v13 =	vld [tilespmem:s7+$0xEA80]  }
0x36b: {  	[tilespmem:s7+$0xCB80] =	vst v10;
	v10 =	vadd.f32 v15, v8;
	v14 =	vld [tilespmem:s7+$0xEB00]  }
0x36c: {  	[tilespmem:s7+$0xCC00] =	vst v9;
	v9 =	vadd.f32 v16, v8;
	v15 =	vld [tilespmem:s7+$0xEB80]  }
0x36d: {  	[tilespmem:s7+$0xCC80] =	vst v10;
	v10 =	vadd.f32 v12, v8;
	v12 =	vld [tilespmem:s7+$0xEC00]  }
0x36e: {  	[tilespmem:s7+$0xCD00] =	vst v9;
	v9 =	vadd.f32 v11, v8;
	v11 =	vld [tilespmem:s7+$0xEC80]  }
0x36f: {  	[tilespmem:s7+$0xCD80] =	vst v10;
	v10 =	vadd.f32 v13, v8;
	v13 =	vld [tilespmem:s7+$0xED00]  }
0x370: {  	[tilespmem:s7+$0xCE00] =	vst v9;
	v9 =	vadd.f32 v14, v8;
	v14 =	vld [tilespmem:s7+$0xED80]  }
0x371: {  	[tilespmem:s7+$0xEA80] =	vst v10;
	v10 =	vadd.f32 v15, v8;
	v15 =	vld [tilespmem:s7+$0xEE00]  }
0x372: {  	[tilespmem:s7+$0xEB00] =	vst v9;
	v9 =	vadd.f32 v12, v8;
	v12 =	vld [tilespmem:s7+$0x10A80]  }
0x373: {  	[tilespmem:s7+$0xEB80] =	vst v10;
	v10 =	vadd.f32 v11, v8;
	v11 =	vld [tilespmem:s7+$0x10B00]  }
0x374: {  	[tilespmem:s7+$0xEC00] =	vst v9;
	v9 =	vadd.f32 v13, v8;
	v13 =	vld [tilespmem:s7+$0x10B80]  }
0x375: {  	[tilespmem:s7+$0xEC80] =	vst v10;
	v10 =	vadd.f32 v14, v8;
	v14 =	vld [tilespmem:s7+$0x10C00]  }
0x376: {  	[tilespmem:s7+$0xED00] =	vst v9;
	v9 =	vadd.f32 v15, v8;
	v15 =	vld [tilespmem:s7+$0x10D00]  }
0x377: {  	[tilespmem:s7+$0xED80] =	vst v10;
	v10 =	vadd.f32 v12, v8;
	v12 =	vld [tilespmem:s7+$0x10D80]  }
0x378: {  	[tilespmem:s7+$0xEE00] =	vst v9;
	v9 =	vadd.f32 v11, v8  }
0x379: {  	[tilespmem:s7+$0x10A80] =	vst v10;
	v10 =	vadd.f32 v13, v8  }
0x37a: {  	[tilespmem:s7+$0x10B00] =	vst v9;
	v9 =	vadd.f32 v14, v8  }
0x37b: {  	s22 =	sand.u32 $0x1C00, s14;
	s21 =	sand.u32 $0x70, s20;
	[tilespmem:s7+$0x10B80] =	vst v10;
	v10 =	vadd.f32 v15, v8  }
0x37c: {  	s21 =	sor.u32 s21, s22;
	[tilespmem:s7+$0x10C00] =	vst v9;
	v8 =	vadd.f32 v12, v8  }
0x37d: {  	v9 =	vld [tilespmem:s21+$0xAD80];
	[tilespmem:s7+$0x10D00] =	vst v10  }
0x37e: {  	v10 =	vld [tilespmem:s21+$0xAB80];
	[tilespmem:s7+$0x10D80] =	vst v8;
	s7 =	smov.u32 s21  }
0x37f: {  	v8 =	vld [tilespmem:s17+$0x0]  }
0x380: {  	v11 =	vld [tilespmem:s7+$0xAC00]  }
0x381: {  	v12 =	vld [tilespmem:s7+$0xAD00]  }
0x382: {  	v13 =	vld [tilespmem:s7+$0xAB00]  }
0x383: {  	v14 =	vld [tilespmem:s7+$0xAC80]  }
0x384: {  	v15 =	vld [tilespmem:s7+$0xAA80];
	v10 =	vadd.f32 v10, v8;
	v9 =	vadd.f32 v9, v8  }
0x385: {  	v11 =	vadd.f32 v11, v8  }
0x386: {  	[tilespmem:s7+$0xAB80] =	vst v10;
	v10 =	vadd.f32 v12, v8  }
0x387: {  	v12 =	vadd.f32 v13, v8;
	[tilespmem:s7+$0xAC00] =	vst v11  }
0x388: {  	v11 =	vadd.f32 v14, v8;
	[tilespmem:s7+$0xAD00] =	vst v10  }
0x389: {  	v10 =	vadd.f32 v15, v8;
	[tilespmem:s7+$0xAB00] =	vst v12  }
0x38a: {  	[tilespmem:s7+$0xAC80] =	vst v11  }
0x38b: {  	s20 =	sor.u32 s14, s20;
	[tilespmem:s7+$0xAA80] =	vst v10  }
0x38c: {  	s20 =	sor.u32 $0x380, s20;
	[tilespmem:s7+$0xAD80] =	vst v9  }
0x38d: {  	v9 =	vld [tilespmem:s20+$0xAA80]  }
.Ltmp5:
0x38e: {  	(pc) =	sbr.rel @p0 .LBB2_12-.Ltmp5, $2  }
0x38f: {  	_ =	sdelay $0x2  }
0x390: {  	v9 =	vadd.f32 v9, v8  }
0x391: {  	_ = 	snop  }
0x392: {  	[tilespmem:s20+$0xAA80] =	vst v9  }
0x393: {  	v9 =	vld [tilespmem:s7+$0x10C80]  }
0x394: {  	v10 =	vld [tilespmem:s7+$0x10E00]  }
0x395: {  	v11 =	vld [tilespmem:s7+$0xCA80]  }
0x396: {  	v12 =	vld [tilespmem:s7+$0xCB00]  }
0x397: {  	v13 =	vld [tilespmem:s7+$0xCB80]  }
0x398: {  	v14 =	vld [tilespmem:s7+$0xCC00];
	v9 =	vadd.f32 v9, v8  }
0x399: {  	v15 =	vld [tilespmem:s7+$0xCC80];
	v10 =	vadd.f32 v10, v8  }
0x39a: {  	v16 =	vld [tilespmem:s7+$0xCD00];
	v35 =	vadd.f32 v11, v8;
	[tilespmem:s7+$0x10C80] =	vst v9  }
0x39b: {  	v36 =	vld [tilespmem:s7+$0xCD80];
	v37 =	vadd.f32 v12, v8;
	[tilespmem:s7+$0x10E00] =	vst v10  }
0x39c: {  	v42 =	vld [tilespmem:s7+$0xEB00];
	v39 =	vadd.f32 v13, v8;
	[tilespmem:s7+$0xCA80] =	vst v35  }
0x39d: {  	v44 =	vld [tilespmem:s7+$0xEB80];
	v41 =	vadd.f32 v14, v8;
	[tilespmem:s7+$0xCB00] =	vst v37  }
0x39e: {  	v46 =	vld [tilespmem:s7+$0xEC00];
	v43 =	vadd.f32 v15, v8;
	[tilespmem:s7+$0xCB80] =	vst v39  }
0x39f: {  	v47 =	vld [tilespmem:s7+$0xEC80];
	v45 =	vadd.f32 v16, v8;
	[tilespmem:s7+$0xCC00] =	vst v41  }
0x3a0: {  	v51 =	vld [tilespmem:s7+$0x10A80];
	v11 =	vadd.f32 v36, v8;
	[tilespmem:s7+$0xCC80] =	vst v43  }
0x3a1: {  	v52 =	vld [tilespmem:s7+$0x10B00];
	v12 =	vadd.f32 v42, v8;
	[tilespmem:s7+$0xCD00] =	vst v45  }
0x3a2: {  	v53 =	vld [tilespmem:s7+$0x10B80];
	v13 =	vadd.f32 v44, v8;
	[tilespmem:s7+$0xCD80] =	vst v11  }
0x3a3: {  	v54 =	vld [tilespmem:s7+$0x10C00];
	v14 =	vadd.f32 v46, v8;
	[tilespmem:s7+$0xEB00] =	vst v12  }
0x3a4: {  	v55 =	vld [tilespmem:s7+$0x10D00];
	v15 =	vadd.f32 v47, v8;
	[tilespmem:s7+$0xEB80] =	vst v13  }
0x3a5: {  	v38 =	vld [tilespmem:s7+$0xCE00];
	v56 =	vadd.f32 v51, v8;
	[tilespmem:s7+$0xEC00] =	vst v14  }
0x3a6: {  	v40 =	vld [tilespmem:s7+$0xEA80];
	v58 =	vadd.f32 v52, v8;
	[tilespmem:s7+$0xEC80] =	vst v15  }
0x3a7: {  	v48 =	vld [tilespmem:s7+$0xED00];
	v60 =	vadd.f32 v53, v8;
	[tilespmem:s7+$0x10A80] =	vst v56  }
0x3a8: {  	v49 =	vld [tilespmem:s7+$0xED80];
	v61 =	vadd.f32 v54, v8;
	[tilespmem:s7+$0x10B00] =	vst v58  }
0x3a9: {  	v50 =	vld [tilespmem:s7+$0xEE00];
	v62 =	vadd.f32 v55, v8;
	[tilespmem:s7+$0x10B80] =	vst v60  }
0x3aa: {  	v57 =	vld [tilespmem:s7+$0x10D80];
	v9 =	vadd.f32 v38, v8;
	[tilespmem:s7+$0x10C00] =	vst v61  }
0x3ab: {  	v59 =	vperm.xlane v3, v5;
	v10 =	vadd.f32 v40, v8;
	[tilespmem:s7+$0x10D00] =	vst v62  }
0x3ac: {  	v11 =	vadd.f32 v48, v8;
	[tilespmem:s7+$0xCE00] =	vst v9  }
0x3ad: {  	v13 =	vadd.s32 v6, v59;
	[tilespmem:s7+$0xEA80] =	vst v10;
	v9 =	vadd.f32 v49, v8  }
0x3ae: {  	[tilespmem:s7+$0xED00] =	vst v11;
	v10 =	vadd.f32 v50, v8  }
0x3af: {  	v8 =	vadd.f32 v57, v8;
	[tilespmem:s7+$0xED80] =	vst v9  }
0x3b0: {  	[tilespmem:s7+$0xEE00] =	vst v10  }
0x3b1: {  	[tilespmem:s7+$0x10D80] =	vst v8  }
0x3b2: {  	[hbm4b:s4+s5] =	stream.indirect_vreg.scatter [tilespmem:s23], [sflag:$0x5], $0x80, v13, vm0, $0xb8;
	[tilespmem:$0x1AA80] =	vst v63  }
0x3b3: {  	v8 =	vperm.xlane v3, v7  }
0x3b4: {  	[hbm4b:s11+s5] =	stream.indirect_vreg.scatter [tilespmem:s28], [sflag:$0x5], $0x80, v13, vm0, $0xb8;
	[tilespmem:$0x1AA80] =	vst v63  }
0x3b5: {  	v8 =	vadd.s32 v6, v8  }
0x3b6: {  	[hbm4b:s12+s5] =	stream.indirect_vreg.scatter [tilespmem:s24], [sflag:$0x5], $0x80, v13, vm0, $0xb8;
	[tilespmem:$0x1AA80] =	vst v63  }
0x3b7: {  	_ = 	snop  }
0x3b8: {  	[hbm4b:s13+s5] =	stream.indirect_vreg.scatter [tilespmem:s29], [sflag:$0x5], $0x80, v13, vm0, $0xb8;
	[tilespmem:$0x1AA80] =	vst v63  }
0x3b9: {  	_ = 	snop  }
0x3ba: {  	[hbm4b:s4+s5] =	stream.indirect_vreg.scatter [tilespmem:s25], [sflag:$0x5], $0x80, v8, vm0, $0xb8;
	[tilespmem:$0x1AA80] =	vst v63  }
0x3bb: {  	v63 =	vperm.xlane v4, v5  }
0x3bc: {  	[hbm4b:s11+s5] =	stream.indirect_vreg.scatter [tilespmem:s30], [sflag:$0x5], $0x80, v8, vm0, $0xb8;
	[tilespmem:$0x1AA80] =	vst v63  }
0x3bd: {  	v9 =	vadd.s32 v6, v63  }
0x3be: {  	[hbm4b:s12+s5] =	stream.indirect_vreg.scatter [tilespmem:s26], [sflag:$0x5], $0x80, v8, vm0, $0xb8;
	[tilespmem:$0x1AA80] =	vst v63  }
0x3bf: {  	_ = 	snop  }
0x3c0: {  	[hbm4b:s13+s5] =	stream.indirect_vreg.scatter [tilespmem:s31], [sflag:$0x5], $0x80, v8, vm0, $0xb8;
	[tilespmem:$0x1AA80] =	vst v63  }
0x3c1: {  	s20 =	simm.s32 $0xEA80  }
0x3c2: {  	[hbm4b:s4+s5] =	stream.indirect_vreg.scatter [tilespmem:s20], [sflag:$0x5], $0x80, v9, vm0, $0xb8;
	[tilespmem:$0x1AA80] =	vst v63  }
0x3c3: {  	s15 =	simm.s32 $0xF280;
	v8 =	vperm.xlane v4, v7  }
0x3c4: {  	[hbm4b:s11+s5] =	stream.indirect_vreg.scatter [tilespmem:s15], [sflag:$0x5], $0x80, v9, vm0, $0xb8;
	[tilespmem:$0x1AA80] =	vst v63  }
0x3c5: {  	s21 =	simm.s32 $0xFA80;
	v8 =	vadd.s32 v6, v8  }
0x3c6: {  	[hbm4b:s12+s5] =	stream.indirect_vreg.scatter [tilespmem:s21], [sflag:$0x5], $0x80, v9, vm0, $0xb8;
	[tilespmem:$0x1AA80] =	vst v63  }
0x3c7: {  	s2 =	simm.s32 $0x10280  }
0x3c8: {  	[hbm4b:s13+s5] =	stream.indirect_vreg.scatter [tilespmem:s2], [sflag:$0x5], $0x80, v9, vm0, $0xb8;
	[tilespmem:$0x1AA80] =	vst v63  }
0x3c9: {  	s22 =	simm.s32 $0x10A80  }
0x3ca: {  	[hbm4b:s4+s5] =	stream.indirect_vreg.scatter [tilespmem:s22], [sflag:$0x5], $0x80, v8, vm0, $0xb8;
	[tilespmem:$0x1AA80] =	vst v63  }
0x3cb: {  	_ = 	snop  }
0x3cc: {  	[hbm4b:s11+s5] =	stream.indirect_vreg.scatter [tilespmem:s0], [sflag:$0x5], $0x80, v8, vm0, $0xb8;
	[tilespmem:$0x1AA80] =	vst v63  }
0x3cd: {  	_ = 	snop  }
0x3ce: {  	[hbm4b:s12+s5] =	stream.indirect_vreg.scatter [tilespmem:s3], [sflag:$0x5], $0x80, v8, vm0, $0xb8;
	[tilespmem:$0x1AA80] =	vst v63  }
0x3cf: {  	s14 =	simm.s32 $0x6;
	s7 =	simm.s32 $0x12280  }
0x3d0: {  	[hbm4b:s13+s5] =	stream.indirect_vreg.scatter [tilespmem:s7], [sflag:$0x5], $0x80, v8, vm0, $0xb8;
	[tilespmem:$0x1AA80] =	vst v63  }
0x3d1: {  	_ =	swait.ge [sflag:s14], $0x4000  }
0x3d2: {  	[sflag:s14] =	ssyncset.done $0x0  }
0x3d3: {  	[sflag:s14] =	ssyncadd.s32 $0xFFFFC000  }
0x3d4: {  	_ =	swait.ge [sflag:s14], $0x4000  }
0x3d5: {  	[sflag:s14] =	ssyncset.done $0x0  }
0x3d6: {  	[sflag:s14] =	ssyncadd.s32 $0xFFFFC000  }
0x3d7: {  	_ =	swait.ge [sflag:s18], $0x4000  }
0x3d8: {  	[sflag:s18] =	ssyncset.done $0x0  }
0x3d9: {  	[sflag:s18] =	ssyncadd.s32 $0xFFFFC000  }
0x3da: {  	_ =	swait.ge [sflag:s18], $0x4000  }
0x3db: {  	[sflag:s18] =	ssyncset.done $0x0  }
0x3dc: {  	[sflag:s18] =	ssyncadd.s32 $0xFFFFC000  }
0x3dd: {  	_ =	swait.ge [sflag:s16], $0x4000  }
0x3de: {  	[sflag:s16] =	ssyncset.done $0x0  }
0x3df: {  	[sflag:s16] =	ssyncadd.s32 $0xFFFFC000  }
0x3e0: {  	_ =	swait.ge [sflag:s16], $0x4000  }
0x3e1: {  	s17 =	rddreg [dreg:$0x7]  }
0x3e2: {  	s19 =	rddreg [dreg:$0x6];
	s3 =	sadd.s32 $0x1, s17  }
0x3e3: {  	p0 =	sne.s32 s3, s19  }
.Ltmp6:
0x3e4: {  	_ = 	snop;
	(pc) =	sbr.rel @p0 .LBB2_1-.Ltmp6, $3  }
0x3e5: {  	_ =	sdelay $0x1  }
0x3e6: {  	[sflag:s16] =	ssyncset.done $0x0  }
0x3e7: {  	[sflag:s16] =	ssyncadd.s32 $0xFFFFC000  }
0x3e8: {  	_ =	sfence.sel $0x180000  }
0x3e9: {  	[bflag:$0x0] =	sbarrier.arrive $0xFFFF  }
0x3ea: {  	_ =	strace $0x90000047  }
0x3eb: {  	s0 =	stileid.u32;
	[bflag:$0x2] =	sbarrier.arrive $0xFFFF  }
0x3ec: {  	p0 =	sne.s32 s0, $0x0;
	s0 =	rddreg [dreg:$0x4]  }
0x3ed: {  	s0 =	sadd.s32 @!p0 $0x100000, s0  }
0x3ee: {  	[sflag:s0] =	ssyncadd.tile.s32 @!p0 $0x1;
	_ =	shalt  }
.Lfunc_end2:
_tile_overlayer_lowered:
.L_overlay_start_2:
0x3ef: {  	(tag) =	ssettag $0x2  }
0x3f0: {  	s0 =	rddreg [dreg:$0x0];
	s2 =	stileid.u32  }
0x3f1: {  	s1 =	rddreg [dreg:$0x1];
	p0 =	sne.s32 s2, $0x0  }
0x3f2: {  	s3 =	rddreg [dreg:$0x2];
	[bflag:$0x3] =	sbarrier.arrive $0xFFFF;
	s2 =	simm.s32 @!p0 $0x1C07  }
0x3f3: {  	[timem:s3], [sflag:s2] =	dma.local @!p0 [hbm:s0], s1  }
0x3f4: {  	s0 =	simm.s32 @!p0 $0x7  }
0x3f5: {  	_ =	swait.ge @!p0 [sflag:s0], s1  }
0x3f6: {  	s1 =	ssub.s32 @!p0 $0x0, s1;
	[sflag:s0] =	ssyncset.done @!p0 $0x0  }
0x3f7: {  	[sflag:s0] =	ssyncadd.s32 @!p0 s1  }
0x3f8: {  	[bflag:$0x3] =	sbarrier.arrive $0xFFFF  }
0x3f9: {  	_ =	shalt  }

// kernel: sparse-core-data-format-call.cloned.1.call-start
scs
called_computation_lowered:
.L_overlay_start_0:
0x0: {  	s2 =	sld [smem:$0x3FD9]  }
0x1: {  	s3 =	sld [smem:$0x3FFE];
	_ =	sdelay $0x1  }
0x2: {  	s1 =	srdreg.scid  }
0x3: {  	s0 =	sand.u32 $0x1, s1  }
0x4: {  	s18 =	sshll.u32 s0, $0xA;
	s2 =	sadd.s32 s3, s2  }
0x5: {  	s2 =	sadd.s32 s2, s18  }
0x6: {  	[smem:$0x3FC5] =	sst s2  }
0x7: {  	_ = 	snop  }
0x8: {  	s2 =	sld [smem:$0x3FD0];
	(tm) =	ssettm $0x1  }
0x9: {  	s19 =	sld [smem:$0x3FFB];
	_ =	sdelay $0x3  }
0xa: {  	_ =	strace s19  }
0xb: {  	s3 =	sld [smem:$0x3FFC];
	_ =	sdelay $0x3  }
0xc: {  	_ =	strace s3  }
0xd: {  	s3 =	sld [smem:$0x3FFD];
	_ =	sdelay $0x3  }
0xe: {  	_ =	strace s3  }
0xf: {  	_ =	strace $0x8FFFFFFF  }
0x10: {  	s20 =	sld [smem:$0x3FDB];
	_ =	sdelay $0x1  }
0x11: {  	s4 =	simm.s32 $_scs_section_size  }
0x12: {  	s5 =	simm.s32 $_size__tile_overlayer_lowered;
	s6 =	simm.s32 $_tile_overlayer_lowered  }
0x13: {  	s23 =	simm.s32 $0x1BFF;
	s22 =	sshll.u32 s6, $0x1;
	s3 =	sadd.s32 s4, s20  }
0x14: {  	s7 =	simm.s32 $0x0;
	s21 =	sshll.u32 s5, $0x1;
	s5 =	sadd.s32 s22, s3  }
0x15: {  	[timem:s7], [sflag:s23] =	dma.local [hbm:s5], s21  }
0x16: {  	_ =	swait.ge [sflag:s23], s21  }
0x17: {  	s4 =	ssub.s32 $0x0, s21;
	[sflag:s23] =	ssyncset.done $0x0  }
0x18: {  	[sflag:s23] =	ssyncadd.s32 s4;
	_ =	sdelay $0x1  }
0x19: {  	s24 =	simm.s32 $0x1B8B  }
0x1a: {  	_ =	swait.ge [sflag:s24], $0x1  }
0x1b: {  	[sflag:s24] =	ssyncset.done $0x0  }
0x1c: {  	s26 =	simm.s32 $0x1B8E;
	s25 =	sld [smem:$0x3FFE];
	[sflag:s24] =	ssyncadd.s32 $0xFFFFFFFF  }
0x1d: {  	s27 =	simm.s32 $execute0_lowered;
	[smem:$0x3FD2] =	sst s26  }
0x1e: {  	s5 =	sshll.u32 s27, $0x1;
	_ =	strace $0x80000049;
	[dreg:$0x1] =	wrdreg $0xFFFFFFFF  }
0x1f: {  	s28 =	simm.s32 $_size_execute0_lowered;
	s3 =	sadd.s32 s3, s5;
	[dreg:$0x0] =	wrdreg $0x0  }
0x20: {  	s5 =	sshll.u32 s28, $0x1;
	[dreg:$0x2] =	wrdreg s3  }
0x21: {  	[dreg:$0x3] =	wrdreg s5  }
0x22: {  	[dreg:$0x4] =	wrdreg $0xC0  }
0x23: {  	_ =	task [dreg:s7], $0x5FFFF  }
0x24: {  	[dreg:$0x1] =	wrdreg $0xFFFFFFFF  }
0x25: {  	[dreg:$0x0] =	wrdreg $0x60  }
0x26: {  	[dreg:$0x2] =	wrdreg s25  }
0x27: {  	[dreg:$0x3] =	wrdreg s2  }
0x28: {  	[dreg:$0x4] =	wrdreg $0x9  }
0x29: {  	_ =	task.clear_ibuf [dreg:s7], $0x5FFFF;
	_ =	strace $0x90000049  }
0x2a: {  	s29 =	simm.s32 $0x9;
	_ =	strace $0x8000004B  }
0x2b: {  	_ =	swait.ge [sflag:s29], $0x1  }
0x2c: {  	[sflag:s29] =	ssyncadd.s32 $0xFFFFFFFF  }
0x2d: {  	_ =	strace $0x9000004B  }
0x2e: {  	_ =	sfence  }
0x2f: {  	s30 =	sld [smem:$0x0];
	_ =	sdelay $0x2  }
0x30: {  	s31 =	sshll.u32 s1, $0xD;
	s1 =	sshrl.u32 s1, $0x2  }
0x31: {  	s3 =	sand.u32 $0x4000, s31;
	s1 =	sadd.s32 s1, s30  }
0x32: {  	s0 =	sor.u32 s3, s0;
	s1 =	sshll.u32 s1, $0x11  }
0x33: {  	s0 =	sor.u32 s1, s0  }
0x34: {  	s0 =	sadd.s32 $0x8F2B, s0  }
0x35: {  	[sflag:s0] =	ssyncadd.remote.s32 $0x1  }
0x36: {  	_ =	sfence.sel $0xFFFF  }
0x37: {  	[dreg:$0x0] =	wrdreg $0xFFFFFFFF;
	(pc) =	sbr.abs _section_cstart, $3  }
0x38: {  	[dreg:$0x1] =	wrdreg $0xFFFFFFFF  }
0x39: {  	_ =	task.clear_ibuf [dreg:s7], $0x2FFFF;
	_ =	strace $0x9FFFFFFF  }
0x3a: {  	(tm) =	ssettm $0x7FFFFFFF  }
0x3b: {  	_ =	shalt  }
tec
execute0_lowered:
.L_overlay_start_1:
0x0: {  	(tag) =	ssettag $0x1  }
0x1: {  	s0 =	srdreg.scid  }
0x2: {  	s1 =	sshll.u32 s0, $0x4  }
0x3: {  	s6 =	rddreg [dreg:$0x0];
	s0 =	stileid.u32;
	s1 =	sand.u32 $0x10, s1  }
0x4: {  	s3 =	rddreg [dreg:$0x1];
	s1 =	sor.u32 s0, s1  }
0x5: {  	s5 =	simm.s32 $0x1;
	s31 =	simm.s32 $0x2;
	s2 =	sshll.u32 s1, $0x7  }
0x6: {  	s14 =	simm.s32 $0x0;
	s8 =	simm.s32 $0x2000;
	s4 =	ssub.s32 $0x1000, s2  }
0x7: {  	s9 =	simm.s32 $0x0;
	s15 =	simm.s32 $0x0;
	s30 =	sand.u32 $0xF80, s4  }
0x8: {  	s16 =	simm.s32 $0x0;
	s10 =	simm.s32 $0x0;
	p0 =	sne.s32 s30, $0x0  }
.Ltmp0:
0x9: {  	s7 =	sshrl.u32 s4, $0xC;
	s5 =	simm.s32 @!p0 $0x0;
	(pc) =	sbr.rel .LBB1_1-.Ltmp0, $4  }
0xa: {  	s11 =	simm.s32 $0x0;
	s1 =	rddreg [dreg:$0x2];
	s5 =	sadd.s32 s5, s7  }
0xb: {  	_ =	strace $0x8000004A;
	s4 =	simm.s32 $0x1;
	s5 =	smul.u32 $0x268, s5  }
0xc: {  	s13 =	simm.s32 $0x0;
	s6 =	sadd.s32 $0x800, s6;
	[sflag:s4] =	ssyncpa.u1 $0x0  }
0xd: {  	s12 =	smov.u32 s2;
	[sflag:s31] =	ssyncpa.u1 $0x0;
	s7 =	sor.u32 $0x1, s5  }
.LBB1_4:
0xe: {  	_ =	sdelay $0x3  }
0xf: {  	[tilespmem:v0+s19+$0xFFFFFFD0 ss:$0x1] =	vst.idx.msk $0xffff, v6  }
0x10: {  	v56 =	vld.idx.msk [tilespmem:v1+s18+$0x0 ss:$0x1], $0xffff;
	[tilespmem:v0+s19+$0xFFFFFFE0 ss:$0x1] =	vst.idx.msk $0xffff, v4  }
0x11: {  	v57 =	vld.idx.msk [tilespmem:v1+s18+$0xFFFFFF90 ss:$0x1], $0xffff;
	[tilespmem:v0+s19+$0xFFFFFFF0 ss:$0x1] =	vst.idx.msk $0xffff, v2  }
0x12: {  	v58 =	vld.idx.msk [tilespmem:v1+s18+$0xFFFFFFA0 ss:$0x1], $0xffff;
	[tilespmem:v0+s19+$0x0 ss:$0x1] =	vst.idx.msk $0xffff, v3  }
0x13: {  	v59 =	vld.idx.msk [tilespmem:v1+s18+$0xFFFFFFB0 ss:$0x1], $0xffff;
	[tilespmem:v0+s19+$0x10 ss:$0x1] =	vst.idx.msk $0xffff, v5  }
0x14: {  	v60 =	vld.idx.msk [tilespmem:v1+s18+$0xFFFFFFC0 ss:$0x1], $0xffff;
	[tilespmem:v0+s19+$0x20 ss:$0x1] =	vst.idx.msk $0xffff, v7  }
0x15: {  	v61 =	vld.idx.msk [tilespmem:v1+s18+$0xFFFFFFD0 ss:$0x1], $0xffff;
	[tilespmem:v0+s18+$0x30 ss:$0x1] =	vst.idx.msk $0xffff, v56  }
0x16: {  	v62 =	vld.idx.msk [tilespmem:v1+s18+$0xFFFFFFE0 ss:$0x1], $0xffff;
	[tilespmem:v0+s18+$0xFFFFFFC0 ss:$0x1] =	vst.idx.msk $0xffff, v57  }
0x17: {  	v63 =	vld.idx.msk [tilespmem:v1+s18+$0xFFFFFFF0 ss:$0x1], $0xffff;
	s16 =	sshll.u32 s16, $0x7;
	[tilespmem:v0+s18+$0xFFFFFFD0 ss:$0x1] =	vst.idx.msk $0xffff, v58  }
0x18: {  	s30 =	sand.u32 $0x78, s14;
	s15 =	sshll.u32 s15, $0x13;
	s20 =	sand.u32 $0x380, s16;
	[tilespmem:v0+s18+$0xFFFFFFE0 ss:$0x1] =	vst.idx.msk $0xffff, v59  }
0x19: {  	s31 =	sand.u32 $0x7, s14;
	s16 =	sand.u32 $0x7FC00, s16;
	s19 =	sor.u32 s20, s30;
	[tilespmem:v0+s18+$0xFFFFFFF0 ss:$0x1] =	vst.idx.msk $0xffff, v60  }
0x1a: {  	s15 =	sadd.s32 s3, s15;
	s16 =	sadd.s32 s14, s16;
	s19 =	sshrl.u32 s19, $0x3;
	[tilespmem:v0+s18+$0x0 ss:$0x1] =	vst.idx.msk $0xffff, v61  }
0x1b: {  	s14 =	sshll.u32 s31, $0x12;
	s16 =	sand.u32 $0x7FF80, s16;
	s15 =	sadd.s32 s19, s15;
	[tilespmem:v0+s18+$0x10 ss:$0x1] =	vst.idx.msk $0xffff, v62  }
0x1c: {  	s14 =	sor.u32 $0x400, s14;
	[tilespmem:v0+s18+$0x20 ss:$0x1] =	vst.idx.msk $0xffff, v63;
	s15 =	sadd.s32 s16, s15  }
0x1d: {  	[hbm4b:s15+s14] =	stream.strided.scatter [tilespmem:s17], [sflag:$0x2], $0x4000, s8, s14, $0x38;
	[tilespmem:$0x10000] =	vst v63  }
.LBB1_5:
0x1e: {  	s17 =	sadd.s32 $0x80, s10  }
0x1f: {  	s14 =	simm.s32 $0x1;
	p1 =	sgt.s32 s17, $0x3FF  }
0x20: {  	s14 =	simm.s32 @!p1 $0x0  }
0x21: {  	s18 =	sadd.s32 s14, s11  }
0x22: {  	s20 =	smov.u32 s12;
	s14 =	sadd.s32 $0x1000, s12;
	p2 =	sgt.s32 s18, $0x4C  }
0x23: {  	s20 =	smov.u32 @p2 s14  }
0x24: {  	p0 =	slt.u32 s13, $0x2;
	s17 =	simm.s32 @p1 $0x0;
	p1 =	sgt.s32 s20, $0xFFF  }
0x25: {  	s19 =	simm.s32 @!p0 $0x2;
	s20 =	smov.u32 @p1 s2;
	p1 =	sne.s32 s13, s7  }
.Ltmp1:
0x26: {  	_ =	swait.ge @!p0 [sflag:s19], $0x4000;
	(pc) =	sbr.rel @!p1 .LBB1_6-.Ltmp1, $4  }
0x27: {  	s15 =	smov.u32 s11;
	[sflag:s19] =	ssyncset.done @!p0 $0x0  }
0x28: {  	s16 =	smov.u32 s12;
	s9 =	sadd.s32 $0x4000, s9;
	[sflag:s19] =	ssyncadd.s32 @!p0 $0xFFFFC000  }
0x29: {  	s18 =	simm.s32 @p2 $0x0;
	s14 =	smov.u32 s10;
	s10 =	smov.u32 s17  }
0x2a: {  	s11 =	smov.u32 s18;
	s13 =	sadd.s32 $0x1, s13;
	s12 =	smov.u32 s20  }
.LBB1_1:
0x2b: {  	p0 =	sge.u32 s13, s5  }
0x2c: {  	s17 =	sshll.u32 @!p0 s11, $0xA  }
0x2d: {  	s18 =	sshll.u32 @!p0 s10, $0x3;
	s17 =	sand.u32 @!p0 $0xFFFFE000, s17  }
0x2e: {  	s17 =	sadd.s32 @!p0 s17, s18  }
0x2f: {  	s17 =	sshrl.u32 @!p0 s17, $0xA  }
0x30: {  	s18 =	smulhi.u32 @!p0 $0x3333334, s17  }
0x31: {  	s19 =	sshll.u32 @!p0 s11, $0x7;
	s21 =	smul.u32 @!p0 $0x2800, s12  }
0x32: {  	s20 =	sand.u32 @!p0 $0x78, s10;
	s19 =	sand.u32 @!p0 $0x380, s19;
	s18 =	smul.u32 @!p0 $0x50, s18  }
0x33: {  	s31 =	sadd.s32 $0xFFFFFFFF, s13;
	s19 =	sor.u32 @!p0 s20, s19;
	s20 =	sadd.s32 @!p0 s6, s21  }
0x34: {  	s19 =	sshrl.u32 @!p0 s19, $0x3;
	s17 =	ssub.s32 @!p0 s17, s18;
	s18 =	sxor.u32 @!p0 $0xFFFFFFFF, s13  }
0x35: {  	s19 =	sadd.s32 @!p0 s19, s20;
	s20 =	sand.u32 @!p0 $0x7, s10;
	s18 =	sshll.u32 @!p0 s18, $0xE  }
0x36: {  	s20 =	sshll.u32 @!p0 s20, $0x12;
	s17 =	sshll.u32 @!p0 s17, $0x7;
	s18 =	sand.u32 @!p0 $0x4000, s18  }
0x37: {  	s17 =	sadd.s32 @!p0 s17, s19;
	s19 =	sor.u32 @!p0 $0x80, s20;
	s20 =	simm.s32 @!p0 $0x14000  }
0x38: {  	[tilespmem:s18], [sflag:$0x1] =	stream.strided.gather @!p0 [hbm4b:s17+s19], $0x4000, s20, s19, $0x38;
	[tilespmem:$0x10000] =	vst v63  }
0x39: {  	p0 =	sge.u32 s31, s5  }
.Ltmp2:
0x3a: {  	_ = 	snop;
	(pc) =	sbr.rel @p0 .LBB1_5-.Ltmp2, $1  }
0x3b: {  	_ =	sdelay $0x3  }
0x3c: {  	s17 =	sand.u32 $0x4000, s9  }
0x3d: {  	s18 =	sor.u32 $0x70, s17  }
0x3e: {  	v1 =	vmov s18;
	_ =	sdelay $0x1  }
0x3f: {  	_ =	swait.ge [sflag:s4], $0x4000  }
0x40: {  	[sflag:s4] =	ssyncset.done $0x0  }
0x41: {  	s19 =	simm.s32 $0x0;
	[sflag:s4] =	ssyncadd.s32 $0xFFFFC000  }
0x42: {  	s17 =	sor.u32 $0x8040, s17;
	v7 =	vld.idx.msk [tilespmem:v1+s19+$0x0 ss:$0x1], $0xffff  }
0x43: {  	v0 =	vmov s17;
	v8 =	vld.idx.msk [tilespmem:v1+s19+$0xFFFFFF90 ss:$0x1], $0xffff  }
0x44: {  	v6 =	vld.idx.msk [tilespmem:v1+s19+$0xFFFFFFA0 ss:$0x1], $0xffff  }
0x45: {  	v4 =	vld.idx.msk [tilespmem:v1+s19+$0xFFFFFFB0 ss:$0x1], $0xffff  }
0x46: {  	v2 =	vld.idx.msk [tilespmem:v1+s19+$0xFFFFFFC0 ss:$0x1], $0xffff  }
0x47: {  	s31 =	sshll.u32 s13, $0xE;
	v3 =	vld.idx.msk [tilespmem:v1+s19+$0xFFFFFFD0 ss:$0x1], $0xffff  }
0x48: {  	s17 =	sand.u32 $0x4000, s31;
	v5 =	vld.idx.msk [tilespmem:v1+s19+$0xFFFFFFE0 ss:$0x1], $0xffff;
	[tilespmem:v0+s19+$0x30 ss:$0x1] =	vst.idx.msk $0xffff, v7  }
0x49: {  	s20 =	simm.s32 $0x400;
	s18 =	simm.s32 $0x80;
	s17 =	sor.u32 $0x8000, s17;
	[tilespmem:v0+s19+$0xFFFFFFC0 ss:$0x1] =	vst.idx.msk $0xffff, v8;
	v7 =	vld.idx.msk [tilespmem:v1+s19+$0xFFFFFFF0 ss:$0x1], $0xffff  }
.LBB1_3:
0x4a: {  	p0 =	sne.s32 s20, $0xFE00;
	v8 =	vld.idx.msk [tilespmem:v1+s18+$0x0 ss:$0x1], $0xffff;
	[tilespmem:v0+s19+$0xFFFFFFD0 ss:$0x1] =	vst.idx.msk $0xffff, v6  }
0x4b: {  	v9 =	vld.idx.msk [tilespmem:v1+s18+$0xFFFFFF90 ss:$0x1], $0xffff;
	[tilespmem:v0+s19+$0xFFFFFFE0 ss:$0x1] =	vst.idx.msk $0xffff, v4  }
0x4c: {  	v6 =	vld.idx.msk [tilespmem:v1+s18+$0xFFFFFFA0 ss:$0x1], $0xffff;
	[tilespmem:v0+s19+$0xFFFFFFF0 ss:$0x1] =	vst.idx.msk $0xffff, v2  }
.Ltmp3:
0x4d: {  	v4 =	vld.idx.msk [tilespmem:v1+s18+$0xFFFFFFB0 ss:$0x1], $0xffff;
	[tilespmem:v0+s19+$0x0 ss:$0x1] =	vst.idx.msk $0xffff, v3;
	(pc) =	sbr.rel @p0 .LBB1_3-.Ltmp3, $4  }
0x4e: {  	v2 =	vld.idx.msk [tilespmem:v1+s18+$0xFFFFFFC0 ss:$0x1], $0xffff;
	[tilespmem:v0+s19+$0x10 ss:$0x1] =	vst.idx.msk $0xffff, v5  }
0x4f: {  	v3 =	vld.idx.msk [tilespmem:v1+s18+$0xFFFFFFD0 ss:$0x1], $0xffff;
	[tilespmem:v0+s19+$0x20 ss:$0x1] =	vst.idx.msk $0xffff, v7;
	s19 =	smov.u32 s18  }
0x50: {  	v5 =	vld.idx.msk [tilespmem:v1+s19+$0xFFFFFFE0 ss:$0x1], $0xffff;
	[tilespmem:v0+s19+$0x30 ss:$0x1] =	vst.idx.msk $0xffff, v8  }
0x51: {  	s18 =	sshra.s32 s20, $0x2;
	s20 =	sadd.s32 $0x200, s20;
	[tilespmem:v0+s19+$0xFFFFFFC0 ss:$0x1] =	vst.idx.msk $0xffff, v9;
	v7 =	vld.idx.msk [tilespmem:v1+s19+$0xFFFFFFF0 ss:$0x1], $0xffff  }
.Ltmp4:
0x52: {  	_ = 	snop;
	(pc) =	sbr.rel .LBB1_4-.Ltmp4, $1  }
0x53: {  	_ =	sdelay $0x3  }
.LBB1_6:
0x54: {  	_ =	sfence.sel $0x180000  }
0x55: {  	s2 =	simm.s32 $0x1;
	[bflag:$0x0] =	sbarrier.arrive $0xFFFF  }
0x56: {  	s31 =	simm.s32 $0x2;
	[sflag:s2] =	ssyncpa.u1 $0x1  }
0x57: {  	[sflag:s31] =	ssyncpa.u1 $0x1  }
0x58: {  	p0 =	sne.s32 s0, $0x0;
	_ =	strace $0x9000004A  }
0x59: {  	s0 =	sadd.s32 @!p0 $0x100000, s1;
	[bflag:$0x2] =	sbarrier.arrive $0xFFFF  }
0x5a: {  	[sflag:s0] =	ssyncadd.tile.s32 @!p0 $0x1;
	_ =	shalt  }
.Lfunc_end1:
_tile_overlayer_lowered:
.L_overlay_start_2:
0x5b: {  	(tag) =	ssettag $0x2  }
0x5c: {  	s0 =	rddreg [dreg:$0x0];
	s2 =	stileid.u32  }
0x5d: {  	s1 =	rddreg [dreg:$0x1];
	p0 =	sne.s32 s2, $0x0  }
0x5e: {  	s3 =	rddreg [dreg:$0x2];
	[bflag:$0x3] =	sbarrier.arrive $0xFFFF;
	s2 =	simm.s32 @!p0 $0x1C01  }
0x5f: {  	[timem:s3], [sflag:s2] =	dma.local @!p0 [hbm:s0], s1  }
0x60: {  	s0 =	simm.s32 @!p0 $0x1  }
0x61: {  	_ =	swait.ge @!p0 [sflag:s0], s1  }
0x62: {  	s1 =	ssub.s32 @!p0 $0x0, s1;
	[sflag:s0] =	ssyncset.done @!p0 $0x0  }
0x63: {  	[sflag:s0] =	ssyncadd.s32 @!p0 s1  }
0x64: {  	[bflag:$0x3] =	sbarrier.arrive $0xFFFF  }
0x65: {  	_ =	shalt  }

</sc_bundles>
